<compile_context>
chip_gen: v7x
topology: tpu7x:2x2x1
jax: 0.10.2.dev20260603
libtpu: 0.0.44.dev20260713+nightly
codegen_flags: <defaults>
</compile_context>

<pallas_src>
import jax
import jax.numpy as jnp
import numpy as np
from jax import lax
from jax.experimental import pallas as pl
from jax.experimental.pallas import tpu as pltpu
from jax.experimental.pallas import tpu_sc as plsc

N_NODES = 10000
N_PAD = 10112
ROWS_PER_TILE = N_PAD // 16
N_EDGES = 320000
CHUNK = 64
EDGE_ROWS = 5120
ROWS_PER_WORKER = EDGE_ROWS // 32

NC, NS = 2, 16
NW = NC * NS


def _zero_fill(buf, n_rows, cols):
    zeros16 = jnp.zeros((16,), jnp.float32)

    @pl.loop(0, n_rows * (cols // 16))
    def _(i):
        r = i // (cols // 16)
        c = (i % (cols // 16)) * 16
        buf[r, pl.ds(c, 16)] = zeros16


def _make_segsum(d_feat, with_cnt, tc_tiling=True, chunk=CHUNK, n_stage=4):
    mesh = plsc.VectorSubcoreMesh(core_axis_name="c", subcore_axis_name="s",
                                  num_cores=NC, num_subcores=NS)
    out_type = [jax.ShapeDtypeStruct((NC, N_PAD, d_feat), jnp.float32)]
    if with_cnt:
        out_type.append(jax.ShapeDtypeStruct((NW * N_PAD,), jnp.float32))
    n_chunks = (EDGE_ROWS * CHUNK) // chunk // 32
    stg = n_chunks // n_stage
    scratch = [
        pltpu.VMEM_SHARED((N_PAD, d_feat), jnp.float32),
        pltpu.VMEM((stg, chunk), jnp.int32),
        pltpu.VMEM((stg, chunk), jnp.int32),
        pltpu.VMEM((chunk, d_feat), jnp.float32),
        pltpu.VMEM((chunk, d_feat), jnp.float32),
        pltpu.VMEM((chunk, d_feat), jnp.float32),
        pltpu.SemaphoreType.DMA,
        pltpu.SemaphoreType.DMA,
        pltpu.SemaphoreType.DMA,
        pltpu.SemaphoreType.DMA,
        pltpu.SemaphoreType.DMA,
        pltpu.SemaphoreType.DMA,
    ]
    if with_cnt:
        scratch.append(pltpu.VMEM((N_PAD,), jnp.float32))

    def body(feat, src2d, dst2d, *rest):
        if with_cnt:
            (out, cout, acc, srcbuf, dstbuf, r0, r1, r2, gs0, gs1, gs2,
             ss0, ss1, ss2, cnt_local) = rest
        else:
            (out, acc, srcbuf, dstbuf, r0, r1, r2, gs0, gs1, gs2,
             ss0, ss1, ss2) = rest
            cout = cnt_local = None
        r = (r0, r1, r2)
        gs = (gs0, gs1, gs2)
        ss = (ss0, ss1, ss2)
        rows0 = r0
        c = lax.axis_index("c")
        s = lax.axis_index("s")
        wid = s * NC + c

        scope = jax.named_scope
        with scope("zeroing"):
            _zero_fill(rows0, min(chunk, 128), d_feat)
        if with_cnt:
            zeros16 = jnp.zeros((16,), jnp.float32)

            @pl.loop(0, N_PAD // 16)
            def _(i):
                cnt_local[pl.ds(i * 16, 16)] = zeros16

        with scope("acc_zero"):
            base = s * ROWS_PER_TILE
            zc = min(chunk, 128)
            full, rem = ROWS_PER_TILE // zc, ROWS_PER_TILE % zc
            for k in range(full):
                pltpu.sync_copy(rows0.at[pl.ds(0, zc)],
                                acc.at[pl.ds(base + k * zc, zc)])
            if rem:
                pltpu.sync_copy(rows0.at[pl.ds(0, rem)],
                                acc.at[pl.ds(base + full * zc, rem)])
            plsc.subcore_barrier()

        ebase = wid * n_chunks
        ones16 = jnp.ones((16,), jnp.float32)

        def g(t, b):
            pltpu.async_copy(feat.at[srcbuf.at[t]], r[b], gs[b])

        def wg(b):
            pltpu.make_async_copy(feat.at[srcbuf.at[0]], r[b], gs[b]).wait()

        def sc(t, b):
            pltpu.async_copy(r[b], acc.at[dstbuf.at[t]], ss[b], add=True)

        def ws(b):
            pltpu.make_async_copy(r[b], acc.at[dstbuf.at[0]], ss[b]).wait()

        def counts(t):
            if with_cnt:
                for k in range(chunk // 16):
                    idx = dstbuf[t, pl.ds(k * 16, 16)]
                    plsc.addupdate_scatter(cnt_local, [idx], ones16)

        for st in range(n_stage):
          with scope(f"edges{st}"):
            sb = ebase + st * stg
            pltpu.sync_copy(src2d.at[pl.ds(sb, stg)], srcbuf)
            pltpu.sync_copy(dst2d.at[pl.ds(sb, stg)], dstbuf)

            g(0, 0)
            g(1, 1)
            wg(0)
            sc(0, 0)
            counts(0)
            g(2, 2)

            @pl.loop(0, (stg - 4) // 3)
            def _(i):
                t = 3 * i + 1
                wg(1); sc(t, 1); counts(t); ws(0); g(t + 2, 0)
                wg(2); sc(t + 1, 2); counts(t + 1); ws(1); g(t + 3, 1)
                wg(0); sc(t + 2, 0); counts(t + 2); ws(2); g(t + 4, 2)

            tl = stg - 3
            wg(1); sc(tl, 1); counts(tl); ws(0); g(tl + 2, 0)
            wg(2); sc(tl + 1, 2); counts(tl + 1); ws(1)
            wg(0); sc(tl + 2, 0); counts(tl + 2); ws(2); ws(0)

        with scope("writeback"):
            if with_cnt:
                pltpu.sync_copy(cnt_local, cout.at[pl.ds(wid * N_PAD, N_PAD)])
            plsc.subcore_barrier()

            pltpu.sync_copy(acc.at[pl.ds(base, ROWS_PER_TILE)],
                            out.at[c, pl.ds(base, ROWS_PER_TILE)])

    return pl.kernel(body, out_type=out_type, mesh=mesh, scratch_types=scratch,
                     compiler_params=pltpu.CompilerParams(
                         needs_layout_passes=False,
                         use_tc_tiling_on_sc=tc_tiling))


_segsum_l1 = _make_segsum(128, with_cnt=True)
_segsum_l2 = _make_segsum(64, with_cnt=False, tc_tiling=False,
                          chunk=128, n_stage=2)

_ROW_BLK = 2000


def _tc0_body(x_ref, wr1_ref, b1_ref, xr_ref):
    xr_ref[...] = x_ref[...] @ wr1_ref[...] + b1_ref[...]


def _tc1_body(s1_ref, cnt_ref, xr_ref, wl1_ref, wl2_ref, wr2_ref, b2_ref,
              p_ref, q_ref):
    tot = jnp.maximum(jnp.sum(cnt_ref[...], axis=1), 1.0)
    agg = (s1_ref[0] + s1_ref[1]) / tot[:, None]
    h = jnp.maximum(agg @ wl1_ref[...] + xr_ref[...], 0.0)
    p_ref[...] = h @ wl2_ref[...]
    q_ref[...] = h @ wr2_ref[...] + b2_ref[...]


def _tc2_body(s2_ref, cnt_ref, q_ref, o_ref):
    tot = jnp.maximum(jnp.sum(cnt_ref[...], axis=1), 1.0)
    z = (s2_ref[0] + s2_ref[1]) / tot[:, None] + q_ref[...]
    m = jnp.max(z, axis=1, keepdims=True)
    e = jnp.exp(z - m)
    o_ref[...] = (z - m) - jnp.log(jnp.sum(e, axis=1, keepdims=True))


def _tc0(x, Wr1, b1):
    n_blk = N_NODES // _ROW_BLK
    blk = lambda shape, imap: pl.BlockSpec(shape, imap)
    return pl.pallas_call(
        _tc0_body,
        grid=(n_blk,),
        in_specs=[
            blk((_ROW_BLK, 128), lambda i: (i, 0)),
            blk((128, 256), lambda i: (0, 0)),
            blk((1, 256), lambda i: (0, 0)),
        ],
        out_specs=blk((_ROW_BLK, 256), lambda i: (i, 0)),
        out_shape=jax.ShapeDtypeStruct((N_NODES, 256), jnp.float32),
    )(x, Wr1, b1.reshape(1, 256))


def _tc1(s1p, cnt_t, xr, Wl1, Wl2, Wr2, b2):
    n_blk = N_NODES // _ROW_BLK
    blk = lambda shape, imap: pl.BlockSpec(shape, imap)
    return pl.pallas_call(
        _tc1_body,
        grid=(n_blk,),
        in_specs=[
            blk((2, _ROW_BLK, 128), lambda i: (0, i, 0)),
            blk((_ROW_BLK, NW), lambda i: (i, 0)),
            blk((_ROW_BLK, 256), lambda i: (i, 0)),
            blk((128, 256), lambda i: (0, 0)),
            blk((256, 64), lambda i: (0, 0)),
            blk((256, 64), lambda i: (0, 0)),
            blk((1, 64), lambda i: (0, 0)),
        ],
        out_specs=[
            blk((_ROW_BLK, 64), lambda i: (i, 0)),
            blk((_ROW_BLK, 64), lambda i: (i, 0)),
        ],
        out_shape=[
            jax.ShapeDtypeStruct((N_NODES, 64), jnp.float32),
            jax.ShapeDtypeStruct((N_NODES, 64), jnp.float32),
        ],
    )(s1p, cnt_t, xr, Wl1, Wl2, Wr2, b2.reshape(1, 64))


def _tc2(s2p, cnt_t, q):
    n_blk = N_NODES // _ROW_BLK
    blk = lambda shape, imap: pl.BlockSpec(shape, imap)
    return pl.pallas_call(
        _tc2_body,
        grid=(n_blk,),
        in_specs=[
            blk((2, _ROW_BLK, 64), lambda i: (0, i, 0)),
            blk((_ROW_BLK, NW), lambda i: (i, 0)),
            blk((_ROW_BLK, 64), lambda i: (i, 0)),
        ],
        out_specs=blk((_ROW_BLK, 64), lambda i: (i, 0)),
        out_shape=jax.ShapeDtypeStruct((N_NODES, 64), jnp.float32),
    )(s2p, cnt_t, q)


def kernel(x, edge_index, Wl1, Wr1, b1, Wl2, Wr2, b2):
    src = edge_index[0].astype(jnp.int32)
    dst = edge_index[1].astype(jnp.int32)
    pad = EDGE_ROWS * CHUNK - N_EDGES
    pad_iota = np.arange(pad, dtype=np.int32)
    src2d = jnp.concatenate(
        [src, jnp.asarray(pad_iota % N_NODES)]).reshape(EDGE_ROWS, CHUNK)
    dst2d = jnp.concatenate(
        [dst, jnp.asarray(N_NODES + pad_iota % (N_PAD - N_NODES))]
    ).reshape(EDGE_ROWS, CHUNK)

    xr = _tc0(x, Wr1, b1)
    s1p, cntp = _segsum_l1(x, src2d, dst2d)
    cnt_t = jnp.transpose(cntp.reshape(NW, N_PAD)[:, :N_NODES])
    p, q = _tc1(s1p, cnt_t, xr, Wl1, Wl2, Wr2, b2)
    (s2p,) = _segsum_l2(p, src2d.reshape(EDGE_ROWS // 2, 128),
                        dst2d.reshape(EDGE_ROWS // 2, 128))
    return _tc2(s2p, cnt_t, q)

# --- scband reference (transcript-rebuilt; emitter-appended) ---
"""Pipeline reference for scband-graph-sage-net-51677046505722 (READ-ONLY COPY).

The authoritative reference and input builder live on the scoring server;
editing this copy changes nothing except your own understanding.
"""

import jax, jax.numpy as jnp
import numpy as np

N_NODES = 10000
N_EDGES = 320000
D_FEAT = 128
D_HID = 256
D_OUT = 64


def _sage_conv(x, edge_index, Wl, Wr, b):
    # PyG SAGEConv with mean aggregation:
    # out = lin_l(mean_{j in N(i)} x_j) + lin_r(x_i)
    src = edge_index[0]
    dst = edge_index[1]
    n = x.shape[0]
    msgs = jnp.take(x, src, axis=0)
    agg_sum = jax.ops.segment_sum(msgs, dst, num_segments=n)
    cnt = jax.ops.segment_sum(jnp.ones((msgs.shape[0],), dtype=x.dtype), dst, num_segments=n)
    agg_mean = agg_sum / jnp.clip(cnt, 1.0, None)[:, None]
    return agg_mean @ Wl + x @ Wr + b


def setup_inputs(seed: int = 0) -> dict:
    key = jax.random.key(seed)
    k_x, k_e, k1, k2, k3, k4 = jax.random.split(key, 6)
    x = jax.random.normal(k_x, (N_NODES, D_FEAT), dtype=jnp.float32)
    edge_index = jax.random.randint(k_e, (2, N_EDGES), 0, N_NODES, dtype=jnp.int64)
    s1 = 1.0 / np.sqrt(D_FEAT)
    s2 = 1.0 / np.sqrt(D_HID)
    Wl1 = jax.random.uniform(k1, (D_FEAT, D_HID), jnp.float32, -s1, s1)
    Wr1 = jax.random.uniform(k2, (D_FEAT, D_HID), jnp.float32, -s1, s1)
    b1 = jnp.zeros((D_HID,), dtype=jnp.float32)
    Wl2 = jax.random.uniform(k3, (D_HID, D_OUT), jnp.float32, -s2, s2)
    Wr2 = jax.random.uniform(k4, (D_HID, D_OUT), jnp.float32, -s2, s2)
    b2 = jnp.zeros((D_OUT,), dtype=jnp.float32)
    return {"x": x, "edge_index": edge_index, "Wl1": Wl1, "Wr1": Wr1, "b1": b1,
            "Wl2": Wl2, "Wr2": Wr2, "b2": b2}


def reference(x, edge_index, Wl1, Wr1, b1, Wl2, Wr2, b2):
    h = _sage_conv(x, edge_index, Wl1, Wr1, b1)
    h = jax.nn.relu(h)
    # F.dropout(training=self.training) is identity in eval mode
    h = _sage_conv(h, edge_index, Wl2, Wr2, b2)
    return jax.nn.log_softmax(h, axis=1)

if __name__ == "__main__":
    import jax
    _d = setup_inputs()
    print(jax.jit(kernel)(*tuple(_d.values())))

</pallas_src>

<mosaic_0001>
#map = affine_map<(d0, d1) -> (0, 0)>
#map1 = affine_map<(d0, d1) -> (0, 0, 0)>
#map2 = affine_map<(d0, d1) -> (0)>
module attributes {stable_mosaic.version = 14 : i64} {
  func.func @body(%arg0: i32, %arg1: i32, %arg2: memref<10000x128xf32, #tpu.memory_space<hbm>>, %arg3: memref<5120x64xi32, #tpu.memory_space<hbm>>, %arg4: memref<5120x64xi32, #tpu.memory_space<hbm>>, %arg5: memref<2x10112x128xf32, #tpu.memory_space<hbm>>, %arg6: memref<323584xf32, #tpu.memory_space<hbm>>, %arg7: memref<10112x128xf32, #tpu.memory_space<vmem_shared>>, %arg8: memref<40x64xi32, #tpu.memory_space<vmem>>, %arg9: memref<40x64xi32, #tpu.memory_space<vmem>>, %arg10: memref<64x128xf32, #tpu.memory_space<vmem>>, %arg11: memref<64x128xf32, #tpu.memory_space<vmem>>, %arg12: memref<64x128xf32, #tpu.memory_space<vmem>>, %arg13: memref<!tpu.dma_semaphore, #tpu.memory_space<semaphore_mem>>, %arg14: memref<!tpu.dma_semaphore, #tpu.memory_space<semaphore_mem>>, %arg15: memref<!tpu.dma_semaphore, #tpu.memory_space<semaphore_mem>>, %arg16: memref<!tpu.dma_semaphore, #tpu.memory_space<semaphore_mem>>, %arg17: memref<!tpu.dma_semaphore, #tpu.memory_space<semaphore_mem>>, %arg18: memref<!tpu.dma_semaphore, #tpu.memory_space<semaphore_mem>>, %arg19: memref<10112xf32, #tpu.memory_space<vmem>>) attributes {dimension_semantics = [#tpu.dimension_semantics<core_parallel>, #tpu.dimension_semantics<subcore_parallel>], iteration_bounds = array<i64: 2, 16>, scalar_prefetch = 0 : i64, scratch_operands = 13 : i64, tpu.core_type = #tpu.core_type<sc_vector_subcore>, window_params = [{transform_indices = #map}, {transform_indices = #map}, {transform_indices = #map}, {transform_indices = #map1}, {transform_indices = #map2}]} {
    %mul3A = arith.constant 2 : i32
    %mul3A_0 = arith.muli %arg1, %mul3A : i32
    %add3A = arith.addi %mul3A_0, %arg0 : i32
    %broadcast_in_dim3A = arith.constant 0.000000e+00 : f32
    "tpu.trace_start"() <{level = 10 : i32, message = "zeroing"}> : () -> ()
    %broadcast_in_dim3A_1 = vector.broadcast %broadcast_in_dim3A : f32 to vector<16xf32>
    %scan3A = arith.constant 0 : i32
    %scan3A_2 = arith.constant 512 : i32
    %scan3A_3 = arith.addi %scan3A, %scan3A_2 : i32
    %scan3A_4 = arith.constant 1 : i32
    scf.for %scan3A_771 = %scan3A to %scan3A_3 step %scan3A_4  : i32 {
      %mul3A_772 = arith.constant 1 : i32
      %mul3A_773 = arith.muli %scan3A_771, %mul3A_772 : i32
      %add3A_774 = arith.constant 0 : i32
      %add3A_775 = arith.addi %add3A_774, %mul3A_773 : i32
      %jit3A = arith.constant 8 : i32
      %div3A = arith.divsi %add3A_775, %jit3A : i32
      %sign3A = arith.constant 0 : i32
      %sign3A_776 = arith.cmpi sgt, %add3A_775, %sign3A : i32
      %sign3A_777 = arith.extui %sign3A_776 : i1 to i32
      %sign3A_778 = arith.constant 0 : i32
      %sign3A_779 = arith.cmpi slt, %add3A_775, %sign3A_778 : i32
      %sign3A_780 = arith.extui %sign3A_779 : i1 to i32
      %sign3A_781 = arith.subi %sign3A_777, %sign3A_780 : i32
      %sign3A_782 = arith.constant 0 : i32
      %sign3A_783 = arith.cmpi sgt, %jit3A, %sign3A_782 : i32
      %sign3A_784 = arith.extui %sign3A_783 : i1 to i32
      %sign3A_785 = arith.constant 0 : i32
      %sign3A_786 = arith.cmpi slt, %jit3A, %sign3A_785 : i32
      %sign3A_787 = arith.extui %sign3A_786 : i1 to i32
      %sign3A_788 = arith.subi %sign3A_784, %sign3A_787 : i32
      %ne3A = arith.cmpi ne, %sign3A_781, %sign3A_788 : i32
      %rem3A = arith.remsi %add3A_775, %jit3A : i32
      %ne3A_789 = arith.constant 0 : i32
      %ne3A_790 = arith.cmpi ne, %rem3A, %ne3A_789 : i32
      %and3A = arith.andi %ne3A, %ne3A_790 : i1
      %sub3A = arith.constant 1 : i32
      %sub3A_791 = arith.subi %div3A, %sub3A : i32
      %select_n3A = arith.select %and3A, %sub3A_791, %div3A : i32
      %jit3A_792 = arith.constant 8 : i32
      %eq3A = arith.constant 0 : i32
      %eq3A_793 = arith.cmpi eq, %jit3A_792, %eq3A : i32
      %jit3A_794 = arith.constant 1 : i32
      %select_n3A_795 = arith.select %eq3A_793, %jit3A_794, %jit3A_792 : i32
      %rem3A_796 = arith.remsi %add3A_775, %select_n3A_795 : i32
      %ne3A_797 = arith.constant 0 : i32
      %ne3A_798 = arith.cmpi ne, %rem3A_796, %ne3A_797 : i32
      %lt3A = arith.constant 0 : i32
      %lt3A_799 = arith.cmpi slt, %rem3A_796, %lt3A : i32
      %lt3A_800 = arith.constant 0 : i32
      %lt3A_801 = arith.cmpi slt, %select_n3A_795, %lt3A_800 : i32
      %ne3A_802 = arith.xori %lt3A_799, %lt3A_801 : i1
      %and3A_803 = arith.andi %ne3A_802, %ne3A_798 : i1
      %add3A_804 = arith.addi %rem3A_796, %select_n3A_795 : i32
      %select_n3A_805 = arith.select %and3A_803, %add3A_804, %rem3A_796 : i32
      %mul3A_806 = arith.constant 16 : i32
      %mul3A_807 = arith.muli %select_n3A_805, %mul3A_806 : i32
      %swap3A = arith.index_cast %select_n3A : i32 to index
      %swap3A_808 = arith.index_cast %mul3A_807 : i32 to index
      %swap3A_809 = tpu.vector_load %arg10[%swap3A, %swap3A_808] {strides = array<i32>} : memref<64x128xf32, #tpu.memory_space<vmem>>, vector<16xf32>,
      tpu.vector_store %arg10[%swap3A, %swap3A_808], %broadcast_in_dim3A_1 {strides = array<i32>} : memref<64x128xf32, #tpu.memory_space<vmem>>, vector<16xf32>,
    }
    %scan3A_5 = arith.constant 512 : i32
    %broadcast_in_dim3A_6 = arith.constant 0.000000e+00 : f32
    "tpu.trace_stop"() : () -> ()
    %broadcast_in_dim3A_7 = vector.broadcast %broadcast_in_dim3A_6 : f32 to vector<16xf32>
    %scan3A_8 = arith.constant 0 : i32
    %scan3A_9 = arith.constant 632 : i32
    %scan3A_10 = arith.addi %scan3A_8, %scan3A_9 : i32
    %scan3A_11 = arith.constant 1 : i32
    scf.for %scan3A_771 = %scan3A_8 to %scan3A_10 step %scan3A_11  : i32 {
      %mul3A_772 = arith.constant 1 : i32
      %mul3A_773 = arith.muli %scan3A_771, %mul3A_772 : i32
      %add3A_774 = arith.constant 0 : i32
      %add3A_775 = arith.addi %add3A_774, %mul3A_773 : i32
      %mul3A_776 = arith.constant 16 : i32
      %mul3A_777 = arith.muli %add3A_775, %mul3A_776 : i32
      %swap3A = arith.index_cast %mul3A_777 : i32 to index
      %swap3A_778 = tpu.vector_load %arg19[%swap3A] {strides = array<i32>} : memref<10112xf32, #tpu.memory_space<vmem>>, vector<16xf32>,
      tpu.vector_store %arg19[%swap3A], %broadcast_in_dim3A_7 {strides = array<i32>} : memref<10112xf32, #tpu.memory_space<vmem>>, vector<16xf32>,
    }
    %scan3A_12 = arith.constant 632 : i32
    "tpu.trace_start"() <{level = 10 : i32, message = "acc_zero"}> : () -> ()
    %mul3A_13 = arith.constant 632 : i32
    %mul3A_14 = arith.muli %arg1, %mul3A_13 : i32
    %add3A_15 = arith.constant 0 : i32
    %add3A_16 = arith.addi %mul3A_14, %add3A_15 : i32
    "tpu.region"() ({
      %run_scoped3A = tpu.sem_alloc : memref<!tpu.dma_semaphore, #tpu.memory_space<semaphore_mem>>
      %dma_start3A_771 = arith.constant 0 : i32
      %dma_start3A_772 = arith.constant 0 : i32
      %dma_start3A_773 = tpu.memref_slice %arg10[%dma_start3A_771, %dma_start3A_772] : memref<64x128xf32, #tpu.memory_space<vmem>> -> memref<64x128xf32, #tpu.memory_space<vmem>>
      %dma_start3A_774 = arith.constant 0 : i32
      %dma_start3A_775 = tpu.memref_slice %arg7[%add3A_16, %dma_start3A_774] : memref<10112x128xf32, #tpu.memory_space<vmem_shared>> -> memref<64x128xf32, #tpu.memory_space<vmem_shared>>
      %dma_start3A_776 = arith.constant 0 : i32
      %dma_start3A_777 = tpu.memref_slice %arg7[%add3A_16, %dma_start3A_776] : memref<10112x128xf32, #tpu.memory_space<vmem_shared>> -> memref<64x128xf32, #tpu.memory_space<vmem_shared>>
      %dma_start3A_778 = arith.constant 0 : i32
      %dma_start3A_779 = arith.constant 0 : i32
      %dma_start3A_780 = tpu.memref_slice %arg10[%dma_start3A_778, %dma_start3A_779] : memref<64x128xf32, #tpu.memory_space<vmem>> -> memref<64x128xf32, #tpu.memory_space<vmem>>
      tpu.enqueue_dma source(%dma_start3A_780 : memref<64x128xf32, #tpu.memory_space<vmem>>) target(%dma_start3A_777 : memref<64x128xf32, #tpu.memory_space<vmem_shared>>) target_semaphore(%run_scoped3A : memref<!tpu.dma_semaphore, #tpu.memory_space<semaphore_mem>>)
      %dma_wait3A_781 = arith.constant 0 : i32
      %dma_wait3A_782 = arith.constant 0 : i32
      %dma_wait3A_783 = tpu.memref_slice %arg10[%dma_wait3A_781, %dma_wait3A_782] : memref<64x128xf32, #tpu.memory_space<vmem>> -> memref<64x128xf32, #tpu.memory_space<vmem>>
      %dma_wait3A_784 = arith.constant 0 : i32
      %dma_wait3A_785 = tpu.memref_slice %arg7[%add3A_16, %dma_wait3A_784] : memref<10112x128xf32, #tpu.memory_space<vmem_shared>> -> memref<64x128xf32, #tpu.memory_space<vmem_shared>>
      %dma_wait3A_786 = arith.constant 0 : i32
      %dma_wait3A_787 = tpu.memref_slice %arg7[%add3A_16, %dma_wait3A_786] : memref<10112x128xf32, #tpu.memory_space<vmem_shared>> -> memref<64x128xf32, #tpu.memory_space<vmem_shared>>
      %dma_wait3A_788 = arith.constant 0 : i32
      %dma_wait3A_789 = arith.constant 0 : i32
      %dma_wait3A_790 = tpu.memref_slice %arg10[%dma_wait3A_788, %dma_wait3A_789] : memref<64x128xf32, #tpu.memory_space<vmem>> -> memref<64x128xf32, #tpu.memory_space<vmem>>
      tpu.wait_dma2 semaphore(%run_scoped3A : memref<!tpu.dma_semaphore, #tpu.memory_space<semaphore_mem>>) src(%dma_wait3A_790 : memref<64x128xf32, #tpu.memory_space<vmem>>) dst(%dma_wait3A_787 : memref<64x128xf32, #tpu.memory_space<vmem_shared>>)
      tpu.yield
    }) : () -> ()
    %add3A_17 = arith.constant 64 : i32
    %add3A_18 = arith.addi %mul3A_14, %add3A_17 : i32
    "tpu.region"() ({
      %run_scoped3A = tpu.sem_alloc : memref<!tpu.dma_semaphore, #tpu.memory_space<semaphore_mem>>
      %dma_start3A_771 = arith.constant 0 : i32
      %dma_start3A_772 = arith.constant 0 : i32
      %dma_start3A_773 = tpu.memref_slice %arg10[%dma_start3A_771, %dma_start3A_772] : memref<64x128xf32, #tpu.memory_space<vmem>> -> memref<64x128xf32, #tpu.memory_space<vmem>>
      %dma_start3A_774 = arith.constant 0 : i32
      %dma_start3A_775 = tpu.memref_slice %arg7[%add3A_18, %dma_start3A_774] : memref<10112x128xf32, #tpu.memory_space<vmem_shared>> -> memref<64x128xf32, #tpu.memory_space<vmem_shared>>
      %dma_start3A_776 = arith.constant 0 : i32
      %dma_start3A_777 = tpu.memref_slice %arg7[%add3A_18, %dma_start3A_776] : memref<10112x128xf32, #tpu.memory_space<vmem_shared>> -> memref<64x128xf32, #tpu.memory_space<vmem_shared>>
      %dma_start3A_778 = arith.constant 0 : i32
      %dma_start3A_779 = arith.constant 0 : i32
      %dma_start3A_780 = tpu.memref_slice %arg10[%dma_start3A_778, %dma_start3A_779] : memref<64x128xf32, #tpu.memory_space<vmem>> -> memref<64x128xf32, #tpu.memory_space<vmem>>
      tpu.enqueue_dma source(%dma_start3A_780 : memref<64x128xf32, #tpu.memory_space<vmem>>) target(%dma_start3A_777 : memref<64x128xf32, #tpu.memory_space<vmem_shared>>) target_semaphore(%run_scoped3A : memref<!tpu.dma_semaphore, #tpu.memory_space<semaphore_mem>>)
      %dma_wait3A_781 = arith.constant 0 : i32
      %dma_wait3A_782 = arith.constant 0 : i32
      %dma_wait3A_783 = tpu.memref_slice %arg10[%dma_wait3A_781, %dma_wait3A_782] : memref<64x128xf32, #tpu.memory_space<vmem>> -> memref<64x128xf32, #tpu.memory_space<vmem>>
      %dma_wait3A_784 = arith.constant 0 : i32
      %dma_wait3A_785 = tpu.memref_slice %arg7[%add3A_18, %dma_wait3A_784] : memref<10112x128xf32, #tpu.memory_space<vmem_shared>> -> memref<64x128xf32, #tpu.memory_space<vmem_shared>>
      %dma_wait3A_786 = arith.constant 0 : i32
      %dma_wait3A_787 = tpu.memref_slice %arg7[%add3A_18, %dma_wait3A_786] : memref<10112x128xf32, #tpu.memory_space<vmem_shared>> -> memref<64x128xf32, #tpu.memory_space<vmem_shared>>
      %dma_wait3A_788 = arith.constant 0 : i32
      %dma_wait3A_789 = arith.constant 0 : i32
      %dma_wait3A_790 = tpu.memref_slice %arg10[%dma_wait3A_788, %dma_wait3A_789] : memref<64x128xf32, #tpu.memory_space<vmem>> -> memref<64x128xf32, #tpu.memory_space<vmem>>
      tpu.wait_dma2 semaphore(%run_scoped3A : memref<!tpu.dma_semaphore, #tpu.memory_space<semaphore_mem>>) src(%dma_wait3A_790 : memref<64x128xf32, #tpu.memory_space<vmem>>) dst(%dma_wait3A_787 : memref<64x128xf32, #tpu.memory_space<vmem_shared>>)
      tpu.yield
    }) : () -> ()
    %add3A_19 = arith.constant 128 : i32
    %add3A_20 = arith.addi %mul3A_14, %add3A_19 : i32
    "tpu.region"() ({
      %run_scoped3A = tpu.sem_alloc : memref<!tpu.dma_semaphore, #tpu.memory_space<semaphore_mem>>
      %dma_start3A_771 = arith.constant 0 : i32
      %dma_start3A_772 = arith.constant 0 : i32
      %dma_start3A_773 = tpu.memref_slice %arg10[%dma_start3A_771, %dma_start3A_772] : memref<64x128xf32, #tpu.memory_space<vmem>> -> memref<64x128xf32, #tpu.memory_space<vmem>>
      %dma_start3A_774 = arith.constant 0 : i32
      %dma_start3A_775 = tpu.memref_slice %arg7[%add3A_20, %dma_start3A_774] : memref<10112x128xf32, #tpu.memory_space<vmem_shared>> -> memref<64x128xf32, #tpu.memory_space<vmem_shared>>
      %dma_start3A_776 = arith.constant 0 : i32
      %dma_start3A_777 = tpu.memref_slice %arg7[%add3A_20, %dma_start3A_776] : memref<10112x128xf32, #tpu.memory_space<vmem_shared>> -> memref<64x128xf32, #tpu.memory_space<vmem_shared>>
      %dma_start3A_778 = arith.constant 0 : i32
      %dma_start3A_779 = arith.constant 0 : i32
      %dma_start3A_780 = tpu.memref_slice %arg10[%dma_start3A_778, %dma_start3A_779] : memref<64x128xf32, #tpu.memory_space<vmem>> -> memref<64x128xf32, #tpu.memory_space<vmem>>
      tpu.enqueue_dma source(%dma_start3A_780 : memref<64x128xf32, #tpu.memory_space<vmem>>) target(%dma_start3A_777 : memref<64x128xf32, #tpu.memory_space<vmem_shared>>) target_semaphore(%run_scoped3A : memref<!tpu.dma_semaphore, #tpu.memory_space<semaphore_mem>>)
      %dma_wait3A_781 = arith.constant 0 : i32
      %dma_wait3A_782 = arith.constant 0 : i32
      %dma_wait3A_783 = tpu.memref_slice %arg10[%dma_wait3A_781, %dma_wait3A_782] : memref<64x128xf32, #tpu.memory_space<vmem>> -> memref<64x128xf32, #tpu.memory_space<vmem>>
      %dma_wait3A_784 = arith.constant 0 : i32
      %dma_wait3A_785 = tpu.memref_slice %arg7[%add3A_20, %dma_wait3A_784] : memref<10112x128xf32, #tpu.memory_space<vmem_shared>> -> memref<64x128xf32, #tpu.memory_space<vmem_shared>>
      %dma_wait3A_786 = arith.constant 0 : i32
      %dma_wait3A_787 = tpu.memref_slice %arg7[%add3A_20, %dma_wait3A_786] : memref<10112x128xf32, #tpu.memory_space<vmem_shared>> -> memref<64x128xf32, #tpu.memory_space<vmem_shared>>
      %dma_wait3A_788 = arith.constant 0 : i32
      %dma_wait3A_789 = arith.constant 0 : i32
      %dma_wait3A_790 = tpu.memref_slice %arg10[%dma_wait3A_788, %dma_wait3A_789] : memref<64x128xf32, #tpu.memory_space<vmem>> -> memref<64x128xf32, #tpu.memory_space<vmem>>
      tpu.wait_dma2 semaphore(%run_scoped3A : memref<!tpu.dma_semaphore, #tpu.memory_space<semaphore_mem>>) src(%dma_wait3A_790 : memref<64x128xf32, #tpu.memory_space<vmem>>) dst(%dma_wait3A_787 : memref<64x128xf32, #tpu.memory_space<vmem_shared>>)
      tpu.yield
    }) : () -> ()
    %add3A_21 = arith.constant 192 : i32
    %add3A_22 = arith.addi %mul3A_14, %add3A_21 : i32
    "tpu.region"() ({
      %run_scoped3A = tpu.sem_alloc : memref<!tpu.dma_semaphore, #tpu.memory_space<semaphore_mem>>
      %dma_start3A_771 = arith.constant 0 : i32
      %dma_start3A_772 = arith.constant 0 : i32
      %dma_start3A_773 = tpu.memref_slice %arg10[%dma_start3A_771, %dma_start3A_772] : memref<64x128xf32, #tpu.memory_space<vmem>> -> memref<64x128xf32, #tpu.memory_space<vmem>>
      %dma_start3A_774 = arith.constant 0 : i32
      %dma_start3A_775 = tpu.memref_slice %arg7[%add3A_22, %dma_start3A_774] : memref<10112x128xf32, #tpu.memory_space<vmem_shared>> -> memref<64x128xf32, #tpu.memory_space<vmem_shared>>
      %dma_start3A_776 = arith.constant 0 : i32
      %dma_start3A_777 = tpu.memref_slice %arg7[%add3A_22, %dma_start3A_776] : memref<10112x128xf32, #tpu.memory_space<vmem_shared>> -> memref<64x128xf32, #tpu.memory_space<vmem_shared>>
      %dma_start3A_778 = arith.constant 0 : i32
      %dma_start3A_779 = arith.constant 0 : i32
      %dma_start3A_780 = tpu.memref_slice %arg10[%dma_start3A_778, %dma_start3A_779] : memref<64x128xf32, #tpu.memory_space<vmem>> -> memref<64x128xf32, #tpu.memory_space<vmem>>
      tpu.enqueue_dma source(%dma_start3A_780 : memref<64x128xf32, #tpu.memory_space<vmem>>) target(%dma_start3A_777 : memref<64x128xf32, #tpu.memory_space<vmem_shared>>) target_semaphore(%run_scoped3A : memref<!tpu.dma_semaphore, #tpu.memory_space<semaphore_mem>>)
      %dma_wait3A_781 = arith.constant 0 : i32
      %dma_wait3A_782 = arith.constant 0 : i32
      %dma_wait3A_783 = tpu.memref_slice %arg10[%dma_wait3A_781, %dma_wait3A_782] : memref<64x128xf32, #tpu.memory_space<vmem>> -> memref<64x128xf32, #tpu.memory_space<vmem>>
      %dma_wait3A_784 = arith.constant 0 : i32
      %dma_wait3A_785 = tpu.memref_slice %arg7[%add3A_22, %dma_wait3A_784] : memref<10112x128xf32, #tpu.memory_space<vmem_shared>> -> memref<64x128xf32, #tpu.memory_space<vmem_shared>>
      %dma_wait3A_786 = arith.constant 0 : i32
      %dma_wait3A_787 = tpu.memref_slice %arg7[%add3A_22, %dma_wait3A_786] : memref<10112x128xf32, #tpu.memory_space<vmem_shared>> -> memref<64x128xf32, #tpu.memory_space<vmem_shared>>
      %dma_wait3A_788 = arith.constant 0 : i32
      %dma_wait3A_789 = arith.constant 0 : i32
      %dma_wait3A_790 = tpu.memref_slice %arg10[%dma_wait3A_788, %dma_wait3A_789] : memref<64x128xf32, #tpu.memory_space<vmem>> -> memref<64x128xf32, #tpu.memory_space<vmem>>
      tpu.wait_dma2 semaphore(%run_scoped3A : memref<!tpu.dma_semaphore, #tpu.memory_space<semaphore_mem>>) src(%dma_wait3A_790 : memref<64x128xf32, #tpu.memory_space<vmem>>) dst(%dma_wait3A_787 : memref<64x128xf32, #tpu.memory_space<vmem_shared>>)
      tpu.yield
    }) : () -> ()
    %add3A_23 = arith.constant 256 : i32
    %add3A_24 = arith.addi %mul3A_14, %add3A_23 : i32
    "tpu.region"() ({
      %run_scoped3A = tpu.sem_alloc : memref<!tpu.dma_semaphore, #tpu.memory_space<semaphore_mem>>
      %dma_start3A_771 = arith.constant 0 : i32
      %dma_start3A_772 = arith.constant 0 : i32
      %dma_start3A_773 = tpu.memref_slice %arg10[%dma_start3A_771, %dma_start3A_772] : memref<64x128xf32, #tpu.memory_space<vmem>> -> memref<64x128xf32, #tpu.memory_space<vmem>>
      %dma_start3A_774 = arith.constant 0 : i32
      %dma_start3A_775 = tpu.memref_slice %arg7[%add3A_24, %dma_start3A_774] : memref<10112x128xf32, #tpu.memory_space<vmem_shared>> -> memref<64x128xf32, #tpu.memory_space<vmem_shared>>
      %dma_start3A_776 = arith.constant 0 : i32
      %dma_start3A_777 = tpu.memref_slice %arg7[%add3A_24, %dma_start3A_776] : memref<10112x128xf32, #tpu.memory_space<vmem_shared>> -> memref<64x128xf32, #tpu.memory_space<vmem_shared>>
      %dma_start3A_778 = arith.constant 0 : i32
      %dma_start3A_779 = arith.constant 0 : i32
      %dma_start3A_780 = tpu.memref_slice %arg10[%dma_start3A_778, %dma_start3A_779] : memref<64x128xf32, #tpu.memory_space<vmem>> -> memref<64x128xf32, #tpu.memory_space<vmem>>
      tpu.enqueue_dma source(%dma_start3A_780 : memref<64x128xf32, #tpu.memory_space<vmem>>) target(%dma_start3A_777 : memref<64x128xf32, #tpu.memory_space<vmem_shared>>) target_semaphore(%run_scoped3A : memref<!tpu.dma_semaphore, #tpu.memory_space<semaphore_mem>>)
      %dma_wait3A_781 = arith.constant 0 : i32
      %dma_wait3A_782 = arith.constant 0 : i32
      %dma_wait3A_783 = tpu.memref_slice %arg10[%dma_wait3A_781, %dma_wait3A_782] : memref<64x128xf32, #tpu.memory_space<vmem>> -> memref<64x128xf32, #tpu.memory_space<vmem>>
      %dma_wait3A_784 = arith.constant 0 : i32
      %dma_wait3A_785 = tpu.memref_slice %arg7[%add3A_24, %dma_wait3A_784] : memref<10112x128xf32, #tpu.memory_space<vmem_shared>> -> memref<64x128xf32, #tpu.memory_space<vmem_shared>>
      %dma_wait3A_786 = arith.constant 0 : i32
      %dma_wait3A_787 = tpu.memref_slice %arg7[%add3A_24, %dma_wait3A_786] : memref<10112x128xf32, #tpu.memory_space<vmem_shared>> -> memref<64x128xf32, #tpu.memory_space<vmem_shared>>
      %dma_wait3A_788 = arith.constant 0 : i32
      %dma_wait3A_789 = arith.constant 0 : i32
      %dma_wait3A_790 = tpu.memref_slice %arg10[%dma_wait3A_788, %dma_wait3A_789] : memref<64x128xf32, #tpu.memory_space<vmem>> -> memref<64x128xf32, #tpu.memory_space<vmem>>
      tpu.wait_dma2 semaphore(%run_scoped3A : memref<!tpu.dma_semaphore, #tpu.memory_space<semaphore_mem>>) src(%dma_wait3A_790 : memref<64x128xf32, #tpu.memory_space<vmem>>) dst(%dma_wait3A_787 : memref<64x128xf32, #tpu.memory_space<vmem_shared>>)
      tpu.yield
    }) : () -> ()
    %add3A_25 = arith.constant 320 : i32
    %add3A_26 = arith.addi %mul3A_14, %add3A_25 : i32
    "tpu.region"() ({
      %run_scoped3A = tpu.sem_alloc : memref<!tpu.dma_semaphore, #tpu.memory_space<semaphore_mem>>
      %dma_start3A_771 = arith.constant 0 : i32
      %dma_start3A_772 = arith.constant 0 : i32
      %dma_start3A_773 = tpu.memref_slice %arg10[%dma_start3A_771, %dma_start3A_772] : memref<64x128xf32, #tpu.memory_space<vmem>> -> memref<64x128xf32, #tpu.memory_space<vmem>>
      %dma_start3A_774 = arith.constant 0 : i32
      %dma_start3A_775 = tpu.memref_slice %arg7[%add3A_26, %dma_start3A_774] : memref<10112x128xf32, #tpu.memory_space<vmem_shared>> -> memref<64x128xf32, #tpu.memory_space<vmem_shared>>
      %dma_start3A_776 = arith.constant 0 : i32
      %dma_start3A_777 = tpu.memref_slice %arg7[%add3A_26, %dma_start3A_776] : memref<10112x128xf32, #tpu.memory_space<vmem_shared>> -> memref<64x128xf32, #tpu.memory_space<vmem_shared>>
      %dma_start3A_778 = arith.constant 0 : i32
      %dma_start3A_779 = arith.constant 0 : i32
      %dma_start3A_780 = tpu.memref_slice %arg10[%dma_start3A_778, %dma_start3A_779] : memref<64x128xf32, #tpu.memory_space<vmem>> -> memref<64x128xf32, #tpu.memory_space<vmem>>
      tpu.enqueue_dma source(%dma_start3A_780 : memref<64x128xf32, #tpu.memory_space<vmem>>) target(%dma_start3A_777 : memref<64x128xf32, #tpu.memory_space<vmem_shared>>) target_semaphore(%run_scoped3A : memref<!tpu.dma_semaphore, #tpu.memory_space<semaphore_mem>>)
      %dma_wait3A_781 = arith.constant 0 : i32
      %dma_wait3A_782 = arith.constant 0 : i32
      %dma_wait3A_783 = tpu.memref_slice %arg10[%dma_wait3A_781, %dma_wait3A_782] : memref<64x128xf32, #tpu.memory_space<vmem>> -> memref<64x128xf32, #tpu.memory_space<vmem>>
      %dma_wait3A_784 = arith.constant 0 : i32
      %dma_wait3A_785 = tpu.memref_slice %arg7[%add3A_26, %dma_wait3A_784] : memref<10112x128xf32, #tpu.memory_space<vmem_shared>> -> memref<64x128xf32, #tpu.memory_space<vmem_shared>>
      %dma_wait3A_786 = arith.constant 0 : i32
      %dma_wait3A_787 = tpu.memref_slice %arg7[%add3A_26, %dma_wait3A_786] : memref<10112x128xf32, #tpu.memory_space<vmem_shared>> -> memref<64x128xf32, #tpu.memory_space<vmem_shared>>
      %dma_wait3A_788 = arith.constant 0 : i32
      %dma_wait3A_789 = arith.constant 0 : i32
      %dma_wait3A_790 = tpu.memref_slice %arg10[%dma_wait3A_788, %dma_wait3A_789] : memref<64x128xf32, #tpu.memory_space<vmem>> -> memref<64x128xf32, #tpu.memory_space<vmem>>
      tpu.wait_dma2 semaphore(%run_scoped3A : memref<!tpu.dma_semaphore, #tpu.memory_space<semaphore_mem>>) src(%dma_wait3A_790 : memref<64x128xf32, #tpu.memory_space<vmem>>) dst(%dma_wait3A_787 : memref<64x128xf32, #tpu.memory_space<vmem_shared>>)
      tpu.yield
    }) : () -> ()
    %add3A_27 = arith.constant 384 : i32
    %add3A_28 = arith.addi %mul3A_14, %add3A_27 : i32
    "tpu.region"() ({
      %run_scoped3A = tpu.sem_alloc : memref<!tpu.dma_semaphore, #tpu.memory_space<semaphore_mem>>
      %dma_start3A_771 = arith.constant 0 : i32
      %dma_start3A_772 = arith.constant 0 : i32
      %dma_start3A_773 = tpu.memref_slice %arg10[%dma_start3A_771, %dma_start3A_772] : memref<64x128xf32, #tpu.memory_space<vmem>> -> memref<64x128xf32, #tpu.memory_space<vmem>>
      %dma_start3A_774 = arith.constant 0 : i32
      %dma_start3A_775 = tpu.memref_slice %arg7[%add3A_28, %dma_start3A_774] : memref<10112x128xf32, #tpu.memory_space<vmem_shared>> -> memref<64x128xf32, #tpu.memory_space<vmem_shared>>
      %dma_start3A_776 = arith.constant 0 : i32
      %dma_start3A_777 = tpu.memref_slice %arg7[%add3A_28, %dma_start3A_776] : memref<10112x128xf32, #tpu.memory_space<vmem_shared>> -> memref<64x128xf32, #tpu.memory_space<vmem_shared>>
      %dma_start3A_778 = arith.constant 0 : i32
      %dma_start3A_779 = arith.constant 0 : i32
      %dma_start3A_780 = tpu.memref_slice %arg10[%dma_start3A_778, %dma_start3A_779] : memref<64x128xf32, #tpu.memory_space<vmem>> -> memref<64x128xf32, #tpu.memory_space<vmem>>
      tpu.enqueue_dma source(%dma_start3A_780 : memref<64x128xf32, #tpu.memory_space<vmem>>) target(%dma_start3A_777 : memref<64x128xf32, #tpu.memory_space<vmem_shared>>) target_semaphore(%run_scoped3A : memref<!tpu.dma_semaphore, #tpu.memory_space<semaphore_mem>>)
      %dma_wait3A_781 = arith.constant 0 : i32
      %dma_wait3A_782 = arith.constant 0 : i32
      %dma_wait3A_783 = tpu.memref_slice %arg10[%dma_wait3A_781, %dma_wait3A_782] : memref<64x128xf32, #tpu.memory_space<vmem>> -> memref<64x128xf32, #tpu.memory_space<vmem>>
      %dma_wait3A_784 = arith.constant 0 : i32
      %dma_wait3A_785 = tpu.memref_slice %arg7[%add3A_28, %dma_wait3A_784] : memref<10112x128xf32, #tpu.memory_space<vmem_shared>> -> memref<64x128xf32, #tpu.memory_space<vmem_shared>>
      %dma_wait3A_786 = arith.constant 0 : i32
      %dma_wait3A_787 = tpu.memref_slice %arg7[%add3A_28, %dma_wait3A_786] : memref<10112x128xf32, #tpu.memory_space<vmem_shared>> -> memref<64x128xf32, #tpu.memory_space<vmem_shared>>
      %dma_wait3A_788 = arith.constant 0 : i32
      %dma_wait3A_789 = arith.constant 0 : i32
      %dma_wait3A_790 = tpu.memref_slice %arg10[%dma_wait3A_788, %dma_wait3A_789] : memref<64x128xf32, #tpu.memory_space<vmem>> -> memref<64x128xf32, #tpu.memory_space<vmem>>
      tpu.wait_dma2 semaphore(%run_scoped3A : memref<!tpu.dma_semaphore, #tpu.memory_space<semaphore_mem>>) src(%dma_wait3A_790 : memref<64x128xf32, #tpu.memory_space<vmem>>) dst(%dma_wait3A_787 : memref<64x128xf32, #tpu.memory_space<vmem_shared>>)
      tpu.yield
    }) : () -> ()
    %add3A_29 = arith.constant 448 : i32
    %add3A_30 = arith.addi %mul3A_14, %add3A_29 : i32
    "tpu.region"() ({
      %run_scoped3A = tpu.sem_alloc : memref<!tpu.dma_semaphore, #tpu.memory_space<semaphore_mem>>
      %dma_start3A_771 = arith.constant 0 : i32
      %dma_start3A_772 = arith.constant 0 : i32
      %dma_start3A_773 = tpu.memref_slice %arg10[%dma_start3A_771, %dma_start3A_772] : memref<64x128xf32, #tpu.memory_space<vmem>> -> memref<64x128xf32, #tpu.memory_space<vmem>>
      %dma_start3A_774 = arith.constant 0 : i32
      %dma_start3A_775 = tpu.memref_slice %arg7[%add3A_30, %dma_start3A_774] : memref<10112x128xf32, #tpu.memory_space<vmem_shared>> -> memref<64x128xf32, #tpu.memory_space<vmem_shared>>
      %dma_start3A_776 = arith.constant 0 : i32
      %dma_start3A_777 = tpu.memref_slice %arg7[%add3A_30, %dma_start3A_776] : memref<10112x128xf32, #tpu.memory_space<vmem_shared>> -> memref<64x128xf32, #tpu.memory_space<vmem_shared>>
      %dma_start3A_778 = arith.constant 0 : i32
      %dma_start3A_779 = arith.constant 0 : i32
      %dma_start3A_780 = tpu.memref_slice %arg10[%dma_start3A_778, %dma_start3A_779] : memref<64x128xf32, #tpu.memory_space<vmem>> -> memref<64x128xf32, #tpu.memory_space<vmem>>
      tpu.enqueue_dma source(%dma_start3A_780 : memref<64x128xf32, #tpu.memory_space<vmem>>) target(%dma_start3A_777 : memref<64x128xf32, #tpu.memory_space<vmem_shared>>) target_semaphore(%run_scoped3A : memref<!tpu.dma_semaphore, #tpu.memory_space<semaphore_mem>>)
      %dma_wait3A_781 = arith.constant 0 : i32
      %dma_wait3A_782 = arith.constant 0 : i32
      %dma_wait3A_783 = tpu.memref_slice %arg10[%dma_wait3A_781, %dma_wait3A_782] : memref<64x128xf32, #tpu.memory_space<vmem>> -> memref<64x128xf32, #tpu.memory_space<vmem>>
      %dma_wait3A_784 = arith.constant 0 : i32
      %dma_wait3A_785 = tpu.memref_slice %arg7[%add3A_30, %dma_wait3A_784] : memref<10112x128xf32, #tpu.memory_space<vmem_shared>> -> memref<64x128xf32, #tpu.memory_space<vmem_shared>>
      %dma_wait3A_786 = arith.constant 0 : i32
      %dma_wait3A_787 = tpu.memref_slice %arg7[%add3A_30, %dma_wait3A_786] : memref<10112x128xf32, #tpu.memory_space<vmem_shared>> -> memref<64x128xf32, #tpu.memory_space<vmem_shared>>
      %dma_wait3A_788 = arith.constant 0 : i32
      %dma_wait3A_789 = arith.constant 0 : i32
      %dma_wait3A_790 = tpu.memref_slice %arg10[%dma_wait3A_788, %dma_wait3A_789] : memref<64x128xf32, #tpu.memory_space<vmem>> -> memref<64x128xf32, #tpu.memory_space<vmem>>
      tpu.wait_dma2 semaphore(%run_scoped3A : memref<!tpu.dma_semaphore, #tpu.memory_space<semaphore_mem>>) src(%dma_wait3A_790 : memref<64x128xf32, #tpu.memory_space<vmem>>) dst(%dma_wait3A_787 : memref<64x128xf32, #tpu.memory_space<vmem_shared>>)
      tpu.yield
    }) : () -> ()
    %add3A_31 = arith.constant 512 : i32
    %add3A_32 = arith.addi %mul3A_14, %add3A_31 : i32
    "tpu.region"() ({
      %run_scoped3A = tpu.sem_alloc : memref<!tpu.dma_semaphore, #tpu.memory_space<semaphore_mem>>
      %dma_start3A_771 = arith.constant 0 : i32
      %dma_start3A_772 = arith.constant 0 : i32
      %dma_start3A_773 = tpu.memref_slice %arg10[%dma_start3A_771, %dma_start3A_772] : memref<64x128xf32, #tpu.memory_space<vmem>> -> memref<64x128xf32, #tpu.memory_space<vmem>>
      %dma_start3A_774 = arith.constant 0 : i32
      %dma_start3A_775 = tpu.memref_slice %arg7[%add3A_32, %dma_start3A_774] : memref<10112x128xf32, #tpu.memory_space<vmem_shared>> -> memref<64x128xf32, #tpu.memory_space<vmem_shared>>
      %dma_start3A_776 = arith.constant 0 : i32
      %dma_start3A_777 = tpu.memref_slice %arg7[%add3A_32, %dma_start3A_776] : memref<10112x128xf32, #tpu.memory_space<vmem_shared>> -> memref<64x128xf32, #tpu.memory_space<vmem_shared>>
      %dma_start3A_778 = arith.constant 0 : i32
      %dma_start3A_779 = arith.constant 0 : i32
      %dma_start3A_780 = tpu.memref_slice %arg10[%dma_start3A_778, %dma_start3A_779] : memref<64x128xf32, #tpu.memory_space<vmem>> -> memref<64x128xf32, #tpu.memory_space<vmem>>
      tpu.enqueue_dma source(%dma_start3A_780 : memref<64x128xf32, #tpu.memory_space<vmem>>) target(%dma_start3A_777 : memref<64x128xf32, #tpu.memory_space<vmem_shared>>) target_semaphore(%run_scoped3A : memref<!tpu.dma_semaphore, #tpu.memory_space<semaphore_mem>>)
      %dma_wait3A_781 = arith.constant 0 : i32
      %dma_wait3A_782 = arith.constant 0 : i32
      %dma_wait3A_783 = tpu.memref_slice %arg10[%dma_wait3A_781, %dma_wait3A_782] : memref<64x128xf32, #tpu.memory_space<vmem>> -> memref<64x128xf32, #tpu.memory_space<vmem>>
      %dma_wait3A_784 = arith.constant 0 : i32
      %dma_wait3A_785 = tpu.memref_slice %arg7[%add3A_32, %dma_wait3A_784] : memref<10112x128xf32, #tpu.memory_space<vmem_shared>> -> memref<64x128xf32, #tpu.memory_space<vmem_shared>>
      %dma_wait3A_786 = arith.constant 0 : i32
      %dma_wait3A_787 = tpu.memref_slice %arg7[%add3A_32, %dma_wait3A_786] : memref<10112x128xf32, #tpu.memory_space<vmem_shared>> -> memref<64x128xf32, #tpu.memory_space<vmem_shared>>
      %dma_wait3A_788 = arith.constant 0 : i32
      %dma_wait3A_789 = arith.constant 0 : i32
      %dma_wait3A_790 = tpu.memref_slice %arg10[%dma_wait3A_788, %dma_wait3A_789] : memref<64x128xf32, #tpu.memory_space<vmem>> -> memref<64x128xf32, #tpu.memory_space<vmem>>
      tpu.wait_dma2 semaphore(%run_scoped3A : memref<!tpu.dma_semaphore, #tpu.memory_space<semaphore_mem>>) src(%dma_wait3A_790 : memref<64x128xf32, #tpu.memory_space<vmem>>) dst(%dma_wait3A_787 : memref<64x128xf32, #tpu.memory_space<vmem_shared>>)
      tpu.yield
    }) : () -> ()
    %add3A_33 = arith.constant 576 : i32
    %add3A_34 = arith.addi %mul3A_14, %add3A_33 : i32
    "tpu.region"() ({
      %run_scoped3A = tpu.sem_alloc : memref<!tpu.dma_semaphore, #tpu.memory_space<semaphore_mem>>
      %dma_start3A_771 = arith.constant 0 : i32
      %dma_start3A_772 = arith.constant 0 : i32
      %dma_start3A_773 = tpu.memref_slice %arg10[%dma_start3A_771, %dma_start3A_772] : memref<64x128xf32, #tpu.memory_space<vmem>> -> memref<56x128xf32, #tpu.memory_space<vmem>>
      %dma_start3A_774 = arith.constant 0 : i32
      %dma_start3A_775 = tpu.memref_slice %arg7[%add3A_34, %dma_start3A_774] : memref<10112x128xf32, #tpu.memory_space<vmem_shared>> -> memref<56x128xf32, #tpu.memory_space<vmem_shared>>
      %dma_start3A_776 = arith.constant 0 : i32
      %dma_start3A_777 = tpu.memref_slice %arg7[%add3A_34, %dma_start3A_776] : memref<10112x128xf32, #tpu.memory_space<vmem_shared>> -> memref<56x128xf32, #tpu.memory_space<vmem_shared>>
      %dma_start3A_778 = arith.constant 0 : i32
      %dma_start3A_779 = arith.constant 0 : i32
      %dma_start3A_780 = tpu.memref_slice %arg10[%dma_start3A_778, %dma_start3A_779] : memref<64x128xf32, #tpu.memory_space<vmem>> -> memref<56x128xf32, #tpu.memory_space<vmem>>
      tpu.enqueue_dma source(%dma_start3A_780 : memref<56x128xf32, #tpu.memory_space<vmem>>) target(%dma_start3A_777 : memref<56x128xf32, #tpu.memory_space<vmem_shared>>) target_semaphore(%run_scoped3A : memref<!tpu.dma_semaphore, #tpu.memory_space<semaphore_mem>>)
      %dma_wait3A_781 = arith.constant 0 : i32
      %dma_wait3A_782 = arith.constant 0 : i32
      %dma_wait3A_783 = tpu.memref_slice %arg10[%dma_wait3A_781, %dma_wait3A_782] : memref<64x128xf32, #tpu.memory_space<vmem>> -> memref<56x128xf32, #tpu.memory_space<vmem>>
      %dma_wait3A_784 = arith.constant 0 : i32
      %dma_wait3A_785 = tpu.memref_slice %arg7[%add3A_34, %dma_wait3A_784] : memref<10112x128xf32, #tpu.memory_space<vmem_shared>> -> memref<56x128xf32, #tpu.memory_space<vmem_shared>>
      %dma_wait3A_786 = arith.constant 0 : i32
      %dma_wait3A_787 = tpu.memref_slice %arg7[%add3A_34, %dma_wait3A_786] : memref<10112x128xf32, #tpu.memory_space<vmem_shared>> -> memref<56x128xf32, #tpu.memory_space<vmem_shared>>
      %dma_wait3A_788 = arith.constant 0 : i32
      %dma_wait3A_789 = arith.constant 0 : i32
      %dma_wait3A_790 = tpu.memref_slice %arg10[%dma_wait3A_788, %dma_wait3A_789] : memref<64x128xf32, #tpu.memory_space<vmem>> -> memref<56x128xf32, #tpu.memory_space<vmem>>
      tpu.wait_dma2 semaphore(%run_scoped3A : memref<!tpu.dma_semaphore, #tpu.memory_space<semaphore_mem>>) src(%dma_wait3A_790 : memref<56x128xf32, #tpu.memory_space<vmem>>) dst(%dma_wait3A_787 : memref<56x128xf32, #tpu.memory_space<vmem_shared>>)
      tpu.yield
    }) : () -> ()
    %barrier3A = arith.constant 0 : index
    tpu.barrier barrier_id(%barrier3A)
    "tpu.trace_stop"() : () -> ()
    %mul3A_35 = arith.constant 160 : i32
    %mul3A_36 = arith.muli %add3A, %mul3A_35 : i32
    %broadcast_in_dim3A_37 = arith.constant 1.000000e+00 : f32
    %broadcast_in_dim3A_38 = vector.broadcast %broadcast_in_dim3A_37 : f32 to vector<16xf32>
    "tpu.trace_start"() <{level = 10 : i32, message = "edges0"}> : () -> ()
    %add3A_39 = arith.constant 0 : i32
    %add3A_40 = arith.addi %mul3A_36, %add3A_39 : i32
    "tpu.region"() ({
      %run_scoped3A = tpu.sem_alloc : memref<!tpu.dma_semaphore, #tpu.memory_space<semaphore_mem>>
      %dma_start3A_771 = arith.constant 0 : i32
      %dma_start3A_772 = tpu.memref_slice %arg3[%add3A_40, %dma_start3A_771] : memref<5120x64xi32, #tpu.memory_space<hbm>> -> memref<40x64xi32, #tpu.memory_space<hbm>>
      %dma_start3A_773 = arith.constant 0 : i32
      %dma_start3A_774 = tpu.memref_slice %arg3[%add3A_40, %dma_start3A_773] : memref<5120x64xi32, #tpu.memory_space<hbm>> -> memref<40x64xi32, #tpu.memory_space<hbm>>
      tpu.enqueue_dma source(%dma_start3A_774 : memref<40x64xi32, #tpu.memory_space<hbm>>) target(%arg8 : memref<40x64xi32, #tpu.memory_space<vmem>>) target_semaphore(%run_scoped3A : memref<!tpu.dma_semaphore, #tpu.memory_space<semaphore_mem>>)
      %dma_wait3A_775 = arith.constant 0 : i32
      %dma_wait3A_776 = tpu.memref_slice %arg3[%add3A_40, %dma_wait3A_775] : memref<5120x64xi32, #tpu.memory_space<hbm>> -> memref<40x64xi32, #tpu.memory_space<hbm>>
      %dma_wait3A_777 = arith.constant 0 : i32
      %dma_wait3A_778 = tpu.memref_slice %arg3[%add3A_40, %dma_wait3A_777] : memref<5120x64xi32, #tpu.memory_space<hbm>> -> memref<40x64xi32, #tpu.memory_space<hbm>>
      tpu.wait_dma2 semaphore(%run_scoped3A : memref<!tpu.dma_semaphore, #tpu.memory_space<semaphore_mem>>) src(%dma_wait3A_778 : memref<40x64xi32, #tpu.memory_space<hbm>>) dst(%arg8 : memref<40x64xi32, #tpu.memory_space<vmem>>)
      tpu.yield
    }) : () -> ()
    "tpu.region"() ({
      %run_scoped3A = tpu.sem_alloc : memref<!tpu.dma_semaphore, #tpu.memory_space<semaphore_mem>>
      %dma_start3A_771 = arith.constant 0 : i32
      %dma_start3A_772 = tpu.memref_slice %arg4[%add3A_40, %dma_start3A_771] : memref<5120x64xi32, #tpu.memory_space<hbm>> -> memref<40x64xi32, #tpu.memory_space<hbm>>
      %dma_start3A_773 = arith.constant 0 : i32
      %dma_start3A_774 = tpu.memref_slice %arg4[%add3A_40, %dma_start3A_773] : memref<5120x64xi32, #tpu.memory_space<hbm>> -> memref<40x64xi32, #tpu.memory_space<hbm>>
      tpu.enqueue_dma source(%dma_start3A_774 : memref<40x64xi32, #tpu.memory_space<hbm>>) target(%arg9 : memref<40x64xi32, #tpu.memory_space<vmem>>) target_semaphore(%run_scoped3A : memref<!tpu.dma_semaphore, #tpu.memory_space<semaphore_mem>>)
      %dma_wait3A_775 = arith.constant 0 : i32
      %dma_wait3A_776 = tpu.memref_slice %arg4[%add3A_40, %dma_wait3A_775] : memref<5120x64xi32, #tpu.memory_space<hbm>> -> memref<40x64xi32, #tpu.memory_space<hbm>>
      %dma_wait3A_777 = arith.constant 0 : i32
      %dma_wait3A_778 = tpu.memref_slice %arg4[%add3A_40, %dma_wait3A_777] : memref<5120x64xi32, #tpu.memory_space<hbm>> -> memref<40x64xi32, #tpu.memory_space<hbm>>
      tpu.wait_dma2 semaphore(%run_scoped3A : memref<!tpu.dma_semaphore, #tpu.memory_space<semaphore_mem>>) src(%dma_wait3A_778 : memref<40x64xi32, #tpu.memory_space<hbm>>) dst(%arg9 : memref<40x64xi32, #tpu.memory_space<vmem>>)
      tpu.yield
    }) : () -> ()
    %dma_start3A = arith.constant 0 : i32
    %dma_start3A_41 = arith.constant 0 : i32
    %dma_start3A_42 = tpu.memref_slice %arg8[%dma_start3A, %dma_start3A_41] : memref<40x64xi32, #tpu.memory_space<vmem>> -> memref<1x64xi32, #tpu.memory_space<vmem>>
    %dma_start3A_43 = tpu.memref_squeeze %dma_start3A_42 : memref<1x64xi32, #tpu.memory_space<vmem>> -> memref<64xi32, #tpu.memory_space<vmem>>
    %dma_start3A_44 = arith.constant 0 : i32
    %dma_start3A_45 = arith.constant 0 : i32
    %dma_start3A_46 = tpu.memref_slice %arg2[%dma_start3A_44, %dma_start3A_45] : memref<10000x128xf32, #tpu.memory_space<hbm>> -> memref<10000x128xf32, #tpu.memory_space<hbm>>
    tpu.enqueue_indirect_dma source(%dma_start3A_46 : memref<10000x128xf32, #tpu.memory_space<hbm>>) target(%arg10 : memref<64x128xf32, #tpu.memory_space<vmem>>) offsets(%dma_start3A_43 : memref<64xi32, #tpu.memory_space<vmem>>) semaphore(%arg13 : memref<!tpu.dma_semaphore, #tpu.memory_space<semaphore_mem>>)
    %dma_start3A_47 = arith.constant 1 : i32
    %dma_start3A_48 = arith.constant 0 : i32
    %dma_start3A_49 = tpu.memref_slice %arg8[%dma_start3A_47, %dma_start3A_48] : memref<40x64xi32, #tpu.memory_space<vmem>> -> memref<1x64xi32, #tpu.memory_space<vmem>>
    %dma_start3A_50 = tpu.memref_squeeze %dma_start3A_49 : memref<1x64xi32, #tpu.memory_space<vmem>> -> memref<64xi32, #tpu.memory_space<vmem>>
    %dma_start3A_51 = arith.constant 0 : i32
    %dma_start3A_52 = arith.constant 0 : i32
    %dma_start3A_53 = tpu.memref_slice %arg2[%dma_start3A_51, %dma_start3A_52] : memref<10000x128xf32, #tpu.memory_space<hbm>> -> memref<10000x128xf32, #tpu.memory_space<hbm>>
    tpu.enqueue_indirect_dma source(%dma_start3A_53 : memref<10000x128xf32, #tpu.memory_space<hbm>>) target(%arg11 : memref<64x128xf32, #tpu.memory_space<vmem>>) offsets(%dma_start3A_50 : memref<64xi32, #tpu.memory_space<vmem>>) semaphore(%arg14 : memref<!tpu.dma_semaphore, #tpu.memory_space<semaphore_mem>>)
    %dma_wait3A = arith.constant 0 : i32
    %dma_wait3A_54 = arith.constant 0 : i32
    %dma_wait3A_55 = tpu.memref_slice %arg8[%dma_wait3A, %dma_wait3A_54] : memref<40x64xi32, #tpu.memory_space<vmem>> -> memref<1x64xi32, #tpu.memory_space<vmem>>
    %dma_wait3A_56 = tpu.memref_squeeze %dma_wait3A_55 : memref<1x64xi32, #tpu.memory_space<vmem>> -> memref<64xi32, #tpu.memory_space<vmem>>
    %dma_wait3A_57 = arith.constant 0 : i32
    %dma_wait3A_58 = arith.constant 0 : i32
    %dma_wait3A_59 = tpu.memref_slice %arg2[%dma_wait3A_57, %dma_wait3A_58] : memref<10000x128xf32, #tpu.memory_space<hbm>> -> memref<10000x128xf32, #tpu.memory_space<hbm>>
    tpu.wait_indirect_dma semaphore(%arg13 : memref<!tpu.dma_semaphore, #tpu.memory_space<semaphore_mem>>) src(%dma_wait3A_59 : memref<10000x128xf32, #tpu.memory_space<hbm>>) dst(%arg10 : memref<64x128xf32, #tpu.memory_space<vmem>>)
    %dma_start3A_60 = arith.constant 0 : i32
    %dma_start3A_61 = arith.constant 0 : i32
    %dma_start3A_62 = tpu.memref_slice %arg9[%dma_start3A_60, %dma_start3A_61] : memref<40x64xi32, #tpu.memory_space<vmem>> -> memref<1x64xi32, #tpu.memory_space<vmem>>
    %dma_start3A_63 = tpu.memref_squeeze %dma_start3A_62 : memref<1x64xi32, #tpu.memory_space<vmem>> -> memref<64xi32, #tpu.memory_space<vmem>>
    %dma_start3A_64 = arith.constant 0 : i32
    %dma_start3A_65 = arith.constant 0 : i32
    %dma_start3A_66 = tpu.memref_slice %arg7[%dma_start3A_64, %dma_start3A_65] : memref<10112x128xf32, #tpu.memory_space<vmem_shared>> -> memref<10112x128xf32, #tpu.memory_space<vmem_shared>>
    tpu.enqueue_indirect_dma source(%arg10 : memref<64x128xf32, #tpu.memory_space<vmem>>) target(%dma_start3A_66 : memref<10112x128xf32, #tpu.memory_space<vmem_shared>>) offsets(%dma_start3A_63 : memref<64xi32, #tpu.memory_space<vmem>>) semaphore(%arg16 : memref<!tpu.dma_semaphore, #tpu.memory_space<semaphore_mem>>) {add = true}
    %get3A = arith.constant 0 : i32
    %get3A_67 = arith.index_cast %get3A : i32 to index
    %get3A_68 = arith.constant 0 : index
    %get3A_69 = tpu.vector_load %arg9[%get3A_67, %get3A_68] {strides = array<i32>} : memref<40x64xi32, #tpu.memory_space<vmem>>, vector<16xi32>,
    tpu.vector_store_idx %arg19[%get3A_69], %broadcast_in_dim3A_38 {add = true} : memref<10112xf32, #tpu.memory_space<vmem>>[vector<16xi32>], vector<16xf32>,
    %get3A_70 = arith.constant 0 : i32
    %get3A_71 = arith.index_cast %get3A_70 : i32 to index
    %get3A_72 = arith.constant 16 : index
    %get3A_73 = tpu.vector_load %arg9[%get3A_71, %get3A_72] {strides = array<i32>} : memref<40x64xi32, #tpu.memory_space<vmem>>, vector<16xi32>,
    tpu.vector_store_idx %arg19[%get3A_73], %broadcast_in_dim3A_38 {add = true} : memref<10112xf32, #tpu.memory_space<vmem>>[vector<16xi32>], vector<16xf32>,
    %get3A_74 = arith.constant 0 : i32
    %get3A_75 = arith.index_cast %get3A_74 : i32 to index
    %get3A_76 = arith.constant 32 : index
    %get3A_77 = tpu.vector_load %arg9[%get3A_75, %get3A_76] {strides = array<i32>} : memref<40x64xi32, #tpu.memory_space<vmem>>, vector<16xi32>,
    tpu.vector_store_idx %arg19[%get3A_77], %broadcast_in_dim3A_38 {add = true} : memref<10112xf32, #tpu.memory_space<vmem>>[vector<16xi32>], vector<16xf32>,
    %get3A_78 = arith.constant 0 : i32
    %get3A_79 = arith.index_cast %get3A_78 : i32 to index
    %get3A_80 = arith.constant 48 : index
    %get3A_81 = tpu.vector_load %arg9[%get3A_79, %get3A_80] {strides = array<i32>} : memref<40x64xi32, #tpu.memory_space<vmem>>, vector<16xi32>,
    tpu.vector_store_idx %arg19[%get3A_81], %broadcast_in_dim3A_38 {add = true} : memref<10112xf32, #tpu.memory_space<vmem>>[vector<16xi32>], vector<16xf32>,
    %dma_start3A_82 = arith.constant 2 : i32
    %dma_start3A_83 = arith.constant 0 : i32
    %dma_start3A_84 = tpu.memref_slice %arg8[%dma_start3A_82, %dma_start3A_83] : memref<40x64xi32, #tpu.memory_space<vmem>> -> memref<1x64xi32, #tpu.memory_space<vmem>>
    %dma_start3A_85 = tpu.memref_squeeze %dma_start3A_84 : memref<1x64xi32, #tpu.memory_space<vmem>> -> memref<64xi32, #tpu.memory_space<vmem>>
    %dma_start3A_86 = arith.constant 0 : i32
    %dma_start3A_87 = arith.constant 0 : i32
    %dma_start3A_88 = tpu.memref_slice %arg2[%dma_start3A_86, %dma_start3A_87] : memref<10000x128xf32, #tpu.memory_space<hbm>> -> memref<10000x128xf32, #tpu.memory_space<hbm>>
    tpu.enqueue_indirect_dma source(%dma_start3A_88 : memref<10000x128xf32, #tpu.memory_space<hbm>>) target(%arg12 : memref<64x128xf32, #tpu.memory_space<vmem>>) offsets(%dma_start3A_85 : memref<64xi32, #tpu.memory_space<vmem>>) semaphore(%arg15 : memref<!tpu.dma_semaphore, #tpu.memory_space<semaphore_mem>>)
    %scan3A_89 = arith.constant 0 : i32
    %scan3A_90 = arith.constant 12 : i32
    %scan3A_91 = arith.addi %scan3A_89, %scan3A_90 : i32
    %scan3A_92 = arith.constant 1 : i32
    scf.for %scan3A_771 = %scan3A_89 to %scan3A_91 step %scan3A_92  : i32 {
      %mul3A_772 = arith.constant 1 : i32
      %mul3A_773 = arith.muli %scan3A_771, %mul3A_772 : i32
      %add3A_774 = arith.constant 0 : i32
      %add3A_775 = arith.addi %add3A_774, %mul3A_773 : i32
      %mul3A_776 = arith.constant 3 : i32
      %mul3A_777 = arith.muli %mul3A_776, %add3A_775 : i32
      %add3A_778 = arith.constant 1 : i32
      %add3A_779 = arith.addi %mul3A_777, %add3A_778 : i32
      %dma_wait3A_780 = arith.constant 0 : i32
      %dma_wait3A_781 = arith.constant 0 : i32
      %dma_wait3A_782 = tpu.memref_slice %arg8[%dma_wait3A_780, %dma_wait3A_781] : memref<40x64xi32, #tpu.memory_space<vmem>> -> memref<1x64xi32, #tpu.memory_space<vmem>>
      %dma_wait3A_783 = tpu.memref_squeeze %dma_wait3A_782 : memref<1x64xi32, #tpu.memory_space<vmem>> -> memref<64xi32, #tpu.memory_space<vmem>>
      %dma_wait3A_784 = arith.constant 0 : i32
      %dma_wait3A_785 = arith.constant 0 : i32
      %dma_wait3A_786 = tpu.memref_slice %arg2[%dma_wait3A_784, %dma_wait3A_785] : memref<10000x128xf32, #tpu.memory_space<hbm>> -> memref<10000x128xf32, #tpu.memory_space<hbm>>
      tpu.wait_indirect_dma semaphore(%arg14 : memref<!tpu.dma_semaphore, #tpu.memory_space<semaphore_mem>>) src(%dma_wait3A_786 : memref<10000x128xf32, #tpu.memory_space<hbm>>) dst(%arg11 : memref<64x128xf32, #tpu.memory_space<vmem>>)
      %dma_start3A_787 = arith.constant 0 : i32
      %dma_start3A_788 = tpu.memref_slice %arg9[%add3A_779, %dma_start3A_787] : memref<40x64xi32, #tpu.memory_space<vmem>> -> memref<1x64xi32, #tpu.memory_space<vmem>>
      %dma_start3A_789 = tpu.memref_squeeze %dma_start3A_788 : memref<1x64xi32, #tpu.memory_space<vmem>> -> memref<64xi32, #tpu.memory_space<vmem>>
      %dma_start3A_790 = arith.constant 0 : i32
      %dma_start3A_791 = arith.constant 0 : i32
      %dma_start3A_792 = tpu.memref_slice %arg7[%dma_start3A_790, %dma_start3A_791] : memref<10112x128xf32, #tpu.memory_space<vmem_shared>> -> memref<10112x128xf32, #tpu.memory_space<vmem_shared>>
      tpu.enqueue_indirect_dma source(%arg11 : memref<64x128xf32, #tpu.memory_space<vmem>>) target(%dma_start3A_792 : memref<10112x128xf32, #tpu.memory_space<vmem_shared>>) offsets(%dma_start3A_789 : memref<64xi32, #tpu.memory_space<vmem>>) semaphore(%arg17 : memref<!tpu.dma_semaphore, #tpu.memory_space<semaphore_mem>>) {add = true}
      %get3A_793 = arith.index_cast %add3A_779 : i32 to index
      %get3A_794 = arith.constant 0 : index
      %get3A_795 = tpu.vector_load %arg9[%get3A_793, %get3A_794] {strides = array<i32>} : memref<40x64xi32, #tpu.memory_space<vmem>>, vector<16xi32>,
      tpu.vector_store_idx %arg19[%get3A_795], %broadcast_in_dim3A_38 {add = true} : memref<10112xf32, #tpu.memory_space<vmem>>[vector<16xi32>], vector<16xf32>,
      %get3A_796 = arith.index_cast %add3A_779 : i32 to index
      %get3A_797 = arith.constant 16 : index
      %get3A_798 = tpu.vector_load %arg9[%get3A_796, %get3A_797] {strides = array<i32>} : memref<40x64xi32, #tpu.memory_space<vmem>>, vector<16xi32>,
      tpu.vector_store_idx %arg19[%get3A_798], %broadcast_in_dim3A_38 {add = true} : memref<10112xf32, #tpu.memory_space<vmem>>[vector<16xi32>], vector<16xf32>,
      %get3A_799 = arith.index_cast %add3A_779 : i32 to index
      %get3A_800 = arith.constant 32 : index
      %get3A_801 = tpu.vector_load %arg9[%get3A_799, %get3A_800] {strides = array<i32>} : memref<40x64xi32, #tpu.memory_space<vmem>>, vector<16xi32>,
      tpu.vector_store_idx %arg19[%get3A_801], %broadcast_in_dim3A_38 {add = true} : memref<10112xf32, #tpu.memory_space<vmem>>[vector<16xi32>], vector<16xf32>,
      %get3A_802 = arith.index_cast %add3A_779 : i32 to index
      %get3A_803 = arith.constant 48 : index
      %get3A_804 = tpu.vector_load %arg9[%get3A_802, %get3A_803] {strides = array<i32>} : memref<40x64xi32, #tpu.memory_space<vmem>>, vector<16xi32>,
      tpu.vector_store_idx %arg19[%get3A_804], %broadcast_in_dim3A_38 {add = true} : memref<10112xf32, #tpu.memory_space<vmem>>[vector<16xi32>], vector<16xf32>,
      %dma_wait3A_805 = arith.constant 0 : i32
      %dma_wait3A_806 = arith.constant 0 : i32
      %dma_wait3A_807 = tpu.memref_slice %arg9[%dma_wait3A_805, %dma_wait3A_806] : memref<40x64xi32, #tpu.memory_space<vmem>> -> memref<1x64xi32, #tpu.memory_space<vmem>>
      %dma_wait3A_808 = tpu.memref_squeeze %dma_wait3A_807 : memref<1x64xi32, #tpu.memory_space<vmem>> -> memref<64xi32, #tpu.memory_space<vmem>>
      %dma_wait3A_809 = arith.constant 0 : i32
      %dma_wait3A_810 = arith.constant 0 : i32
      %dma_wait3A_811 = tpu.memref_slice %arg7[%dma_wait3A_809, %dma_wait3A_810] : memref<10112x128xf32, #tpu.memory_space<vmem_shared>> -> memref<10112x128xf32, #tpu.memory_space<vmem_shared>>
      tpu.wait_indirect_dma semaphore(%arg16 : memref<!tpu.dma_semaphore, #tpu.memory_space<semaphore_mem>>) src(%arg10 : memref<64x128xf32, #tpu.memory_space<vmem>>) dst(%dma_wait3A_811 : memref<10112x128xf32, #tpu.memory_space<vmem_shared>>)
      %add3A_812 = arith.constant 2 : i32
      %add3A_813 = arith.addi %add3A_779, %add3A_812 : i32
      %dma_start3A_814 = arith.constant 0 : i32
      %dma_start3A_815 = tpu.memref_slice %arg8[%add3A_813, %dma_start3A_814] : memref<40x64xi32, #tpu.memory_space<vmem>> -> memref<1x64xi32, #tpu.memory_space<vmem>>
      %dma_start3A_816 = tpu.memref_squeeze %dma_start3A_815 : memref<1x64xi32, #tpu.memory_space<vmem>> -> memref<64xi32, #tpu.memory_space<vmem>>
      %dma_start3A_817 = arith.constant 0 : i32
      %dma_start3A_818 = arith.constant 0 : i32
      %dma_start3A_819 = tpu.memref_slice %arg2[%dma_start3A_817, %dma_start3A_818] : memref<10000x128xf32, #tpu.memory_space<hbm>> -> memref<10000x128xf32, #tpu.memory_space<hbm>>
      tpu.enqueue_indirect_dma source(%dma_start3A_819 : memref<10000x128xf32, #tpu.memory_space<hbm>>) target(%arg10 : memref<64x128xf32, #tpu.memory_space<vmem>>) offsets(%dma_start3A_816 : memref<64xi32, #tpu.memory_space<vmem>>) semaphore(%arg13 : memref<!tpu.dma_semaphore, #tpu.memory_space<semaphore_mem>>)
      %dma_wait3A_820 = arith.constant 0 : i32
      %dma_wait3A_821 = arith.constant 0 : i32
      %dma_wait3A_822 = tpu.memref_slice %arg8[%dma_wait3A_820, %dma_wait3A_821] : memref<40x64xi32, #tpu.memory_space<vmem>> -> memref<1x64xi32, #tpu.memory_space<vmem>>
      %dma_wait3A_823 = tpu.memref_squeeze %dma_wait3A_822 : memref<1x64xi32, #tpu.memory_space<vmem>> -> memref<64xi32, #tpu.memory_space<vmem>>
      %dma_wait3A_824 = arith.constant 0 : i32
      %dma_wait3A_825 = arith.constant 0 : i32
      %dma_wait3A_826 = tpu.memref_slice %arg2[%dma_wait3A_824, %dma_wait3A_825] : memref<10000x128xf32, #tpu.memory_space<hbm>> -> memref<10000x128xf32, #tpu.memory_space<hbm>>
      tpu.wait_indirect_dma semaphore(%arg15 : memref<!tpu.dma_semaphore, #tpu.memory_space<semaphore_mem>>) src(%dma_wait3A_826 : memref<10000x128xf32, #tpu.memory_space<hbm>>) dst(%arg12 : memref<64x128xf32, #tpu.memory_space<vmem>>)
      %add3A_827 = arith.constant 1 : i32
      %add3A_828 = arith.addi %add3A_779, %add3A_827 : i32
      %dma_start3A_829 = arith.constant 0 : i32
      %dma_start3A_830 = tpu.memref_slice %arg9[%add3A_828, %dma_start3A_829] : memref<40x64xi32, #tpu.memory_space<vmem>> -> memref<1x64xi32, #tpu.memory_space<vmem>>
      %dma_start3A_831 = tpu.memref_squeeze %dma_start3A_830 : memref<1x64xi32, #tpu.memory_space<vmem>> -> memref<64xi32, #tpu.memory_space<vmem>>
      %dma_start3A_832 = arith.constant 0 : i32
      %dma_start3A_833 = arith.constant 0 : i32
      %dma_start3A_834 = tpu.memref_slice %arg7[%dma_start3A_832, %dma_start3A_833] : memref<10112x128xf32, #tpu.memory_space<vmem_shared>> -> memref<10112x128xf32, #tpu.memory_space<vmem_shared>>
      tpu.enqueue_indirect_dma source(%arg12 : memref<64x128xf32, #tpu.memory_space<vmem>>) target(%dma_start3A_834 : memref<10112x128xf32, #tpu.memory_space<vmem_shared>>) offsets(%dma_start3A_831 : memref<64xi32, #tpu.memory_space<vmem>>) semaphore(%arg18 : memref<!tpu.dma_semaphore, #tpu.memory_space<semaphore_mem>>) {add = true}
      %add3A_835 = arith.constant 1 : i32
      %add3A_836 = arith.addi %add3A_779, %add3A_835 : i32
      %get3A_837 = arith.index_cast %add3A_836 : i32 to index
      %get3A_838 = arith.constant 0 : index
      %get3A_839 = tpu.vector_load %arg9[%get3A_837, %get3A_838] {strides = array<i32>} : memref<40x64xi32, #tpu.memory_space<vmem>>, vector<16xi32>,
      tpu.vector_store_idx %arg19[%get3A_839], %broadcast_in_dim3A_38 {add = true} : memref<10112xf32, #tpu.memory_space<vmem>>[vector<16xi32>], vector<16xf32>,
      %get3A_840 = arith.index_cast %add3A_836 : i32 to index
      %get3A_841 = arith.constant 16 : index
      %get3A_842 = tpu.vector_load %arg9[%get3A_840, %get3A_841] {strides = array<i32>} : memref<40x64xi32, #tpu.memory_space<vmem>>, vector<16xi32>,
      tpu.vector_store_idx %arg19[%get3A_842], %broadcast_in_dim3A_38 {add = true} : memref<10112xf32, #tpu.memory_space<vmem>>[vector<16xi32>], vector<16xf32>,
      %get3A_843 = arith.index_cast %add3A_836 : i32 to index
      %get3A_844 = arith.constant 32 : index
      %get3A_845 = tpu.vector_load %arg9[%get3A_843, %get3A_844] {strides = array<i32>} : memref<40x64xi32, #tpu.memory_space<vmem>>, vector<16xi32>,
      tpu.vector_store_idx %arg19[%get3A_845], %broadcast_in_dim3A_38 {add = true} : memref<10112xf32, #tpu.memory_space<vmem>>[vector<16xi32>], vector<16xf32>,
      %get3A_846 = arith.index_cast %add3A_836 : i32 to index
      %get3A_847 = arith.constant 48 : index
      %get3A_848 = tpu.vector_load %arg9[%get3A_846, %get3A_847] {strides = array<i32>} : memref<40x64xi32, #tpu.memory_space<vmem>>, vector<16xi32>,
      tpu.vector_store_idx %arg19[%get3A_848], %broadcast_in_dim3A_38 {add = true} : memref<10112xf32, #tpu.memory_space<vmem>>[vector<16xi32>], vector<16xf32>,
      %dma_wait3A_849 = arith.constant 0 : i32
      %dma_wait3A_850 = arith.constant 0 : i32
      %dma_wait3A_851 = tpu.memref_slice %arg9[%dma_wait3A_849, %dma_wait3A_850] : memref<40x64xi32, #tpu.memory_space<vmem>> -> memref<1x64xi32, #tpu.memory_space<vmem>>
      %dma_wait3A_852 = tpu.memref_squeeze %dma_wait3A_851 : memref<1x64xi32, #tpu.memory_space<vmem>> -> memref<64xi32, #tpu.memory_space<vmem>>
      %dma_wait3A_853 = arith.constant 0 : i32
      %dma_wait3A_854 = arith.constant 0 : i32
      %dma_wait3A_855 = tpu.memref_slice %arg7[%dma_wait3A_853, %dma_wait3A_854] : memref<10112x128xf32, #tpu.memory_space<vmem_shared>> -> memref<10112x128xf32, #tpu.memory_space<vmem_shared>>
      tpu.wait_indirect_dma semaphore(%arg17 : memref<!tpu.dma_semaphore, #tpu.memory_space<semaphore_mem>>) src(%arg11 : memref<64x128xf32, #tpu.memory_space<vmem>>) dst(%dma_wait3A_855 : memref<10112x128xf32, #tpu.memory_space<vmem_shared>>)
      %add3A_856 = arith.constant 3 : i32
      %add3A_857 = arith.addi %add3A_779, %add3A_856 : i32
      %dma_start3A_858 = arith.constant 0 : i32
      %dma_start3A_859 = tpu.memref_slice %arg8[%add3A_857, %dma_start3A_858] : memref<40x64xi32, #tpu.memory_space<vmem>> -> memref<1x64xi32, #tpu.memory_space<vmem>>
      %dma_start3A_860 = tpu.memref_squeeze %dma_start3A_859 : memref<1x64xi32, #tpu.memory_space<vmem>> -> memref<64xi32, #tpu.memory_space<vmem>>
      %dma_start3A_861 = arith.constant 0 : i32
      %dma_start3A_862 = arith.constant 0 : i32
      %dma_start3A_863 = tpu.memref_slice %arg2[%dma_start3A_861, %dma_start3A_862] : memref<10000x128xf32, #tpu.memory_space<hbm>> -> memref<10000x128xf32, #tpu.memory_space<hbm>>
      tpu.enqueue_indirect_dma source(%dma_start3A_863 : memref<10000x128xf32, #tpu.memory_space<hbm>>) target(%arg11 : memref<64x128xf32, #tpu.memory_space<vmem>>) offsets(%dma_start3A_860 : memref<64xi32, #tpu.memory_space<vmem>>) semaphore(%arg14 : memref<!tpu.dma_semaphore, #tpu.memory_space<semaphore_mem>>)
      %dma_wait3A_864 = arith.constant 0 : i32
      %dma_wait3A_865 = arith.constant 0 : i32
      %dma_wait3A_866 = tpu.memref_slice %arg8[%dma_wait3A_864, %dma_wait3A_865] : memref<40x64xi32, #tpu.memory_space<vmem>> -> memref<1x64xi32, #tpu.memory_space<vmem>>
      %dma_wait3A_867 = tpu.memref_squeeze %dma_wait3A_866 : memref<1x64xi32, #tpu.memory_space<vmem>> -> memref<64xi32, #tpu.memory_space<vmem>>
      %dma_wait3A_868 = arith.constant 0 : i32
      %dma_wait3A_869 = arith.constant 0 : i32
      %dma_wait3A_870 = tpu.memref_slice %arg2[%dma_wait3A_868, %dma_wait3A_869] : memref<10000x128xf32, #tpu.memory_space<hbm>> -> memref<10000x128xf32, #tpu.memory_space<hbm>>
      tpu.wait_indirect_dma semaphore(%arg13 : memref<!tpu.dma_semaphore, #tpu.memory_space<semaphore_mem>>) src(%dma_wait3A_870 : memref<10000x128xf32, #tpu.memory_space<hbm>>) dst(%arg10 : memref<64x128xf32, #tpu.memory_space<vmem>>)
      %add3A_871 = arith.constant 2 : i32
      %add3A_872 = arith.addi %add3A_779, %add3A_871 : i32
      %dma_start3A_873 = arith.constant 0 : i32
      %dma_start3A_874 = tpu.memref_slice %arg9[%add3A_872, %dma_start3A_873] : memref<40x64xi32, #tpu.memory_space<vmem>> -> memref<1x64xi32, #tpu.memory_space<vmem>>
      %dma_start3A_875 = tpu.memref_squeeze %dma_start3A_874 : memref<1x64xi32, #tpu.memory_space<vmem>> -> memref<64xi32, #tpu.memory_space<vmem>>
      %dma_start3A_876 = arith.constant 0 : i32
      %dma_start3A_877 = arith.constant 0 : i32
      %dma_start3A_878 = tpu.memref_slice %arg7[%dma_start3A_876, %dma_start3A_877] : memref<10112x128xf32, #tpu.memory_space<vmem_shared>> -> memref<10112x128xf32, #tpu.memory_space<vmem_shared>>
      tpu.enqueue_indirect_dma source(%arg10 : memref<64x128xf32, #tpu.memory_space<vmem>>) target(%dma_start3A_878 : memref<10112x128xf32, #tpu.memory_space<vmem_shared>>) offsets(%dma_start3A_875 : memref<64xi32, #tpu.memory_space<vmem>>) semaphore(%arg16 : memref<!tpu.dma_semaphore, #tpu.memory_space<semaphore_mem>>) {add = true}
      %add3A_879 = arith.constant 2 : i32
      %add3A_880 = arith.addi %add3A_779, %add3A_879 : i32
      %get3A_881 = arith.index_cast %add3A_880 : i32 to index
      %get3A_882 = arith.constant 0 : index
      %get3A_883 = tpu.vector_load %arg9[%get3A_881, %get3A_882] {strides = array<i32>} : memref<40x64xi32, #tpu.memory_space<vmem>>, vector<16xi32>,
      tpu.vector_store_idx %arg19[%get3A_883], %broadcast_in_dim3A_38 {add = true} : memref<10112xf32, #tpu.memory_space<vmem>>[vector<16xi32>], vector<16xf32>,
      %get3A_884 = arith.index_cast %add3A_880 : i32 to index
      %get3A_885 = arith.constant 16 : index
      %get3A_886 = tpu.vector_load %arg9[%get3A_884, %get3A_885] {strides = array<i32>} : memref<40x64xi32, #tpu.memory_space<vmem>>, vector<16xi32>,
      tpu.vector_store_idx %arg19[%get3A_886], %broadcast_in_dim3A_38 {add = true} : memref<10112xf32, #tpu.memory_space<vmem>>[vector<16xi32>], vector<16xf32>,
      %get3A_887 = arith.index_cast %add3A_880 : i32 to index
      %get3A_888 = arith.constant 32 : index
      %get3A_889 = tpu.vector_load %arg9[%get3A_887, %get3A_888] {strides = array<i32>} : memref<40x64xi32, #tpu.memory_space<vmem>>, vector<16xi32>,
      tpu.vector_store_idx %arg19[%get3A_889], %broadcast_in_dim3A_38 {add = true} : memref<10112xf32, #tpu.memory_space<vmem>>[vector<16xi32>], vector<16xf32>,
      %get3A_890 = arith.index_cast %add3A_880 : i32 to index
      %get3A_891 = arith.constant 48 : index
      %get3A_892 = tpu.vector_load %arg9[%get3A_890, %get3A_891] {strides = array<i32>} : memref<40x64xi32, #tpu.memory_space<vmem>>, vector<16xi32>,
      tpu.vector_store_idx %arg19[%get3A_892], %broadcast_in_dim3A_38 {add = true} : memref<10112xf32, #tpu.memory_space<vmem>>[vector<16xi32>], vector<16xf32>,
      %dma_wait3A_893 = arith.constant 0 : i32
      %dma_wait3A_894 = arith.constant 0 : i32
      %dma_wait3A_895 = tpu.memref_slice %arg9[%dma_wait3A_893, %dma_wait3A_894] : memref<40x64xi32, #tpu.memory_space<vmem>> -> memref<1x64xi32, #tpu.memory_space<vmem>>
      %dma_wait3A_896 = tpu.memref_squeeze %dma_wait3A_895 : memref<1x64xi32, #tpu.memory_space<vmem>> -> memref<64xi32, #tpu.memory_space<vmem>>
      %dma_wait3A_897 = arith.constant 0 : i32
      %dma_wait3A_898 = arith.constant 0 : i32
      %dma_wait3A_899 = tpu.memref_slice %arg7[%dma_wait3A_897, %dma_wait3A_898] : memref<10112x128xf32, #tpu.memory_space<vmem_shared>> -> memref<10112x128xf32, #tpu.memory_space<vmem_shared>>
      tpu.wait_indirect_dma semaphore(%arg18 : memref<!tpu.dma_semaphore, #tpu.memory_space<semaphore_mem>>) src(%arg12 : memref<64x128xf32, #tpu.memory_space<vmem>>) dst(%dma_wait3A_899 : memref<10112x128xf32, #tpu.memory_space<vmem_shared>>)
      %add3A_900 = arith.constant 4 : i32
      %add3A_901 = arith.addi %add3A_779, %add3A_900 : i32
      %dma_start3A_902 = arith.constant 0 : i32
      %dma_start3A_903 = tpu.memref_slice %arg8[%add3A_901, %dma_start3A_902] : memref<40x64xi32, #tpu.memory_space<vmem>> -> memref<1x64xi32, #tpu.memory_space<vmem>>
      %dma_start3A_904 = tpu.memref_squeeze %dma_start3A_903 : memref<1x64xi32, #tpu.memory_space<vmem>> -> memref<64xi32, #tpu.memory_space<vmem>>
      %dma_start3A_905 = arith.constant 0 : i32
      %dma_start3A_906 = arith.constant 0 : i32
      %dma_start3A_907 = tpu.memref_slice %arg2[%dma_start3A_905, %dma_start3A_906] : memref<10000x128xf32, #tpu.memory_space<hbm>> -> memref<10000x128xf32, #tpu.memory_space<hbm>>
      tpu.enqueue_indirect_dma source(%dma_start3A_907 : memref<10000x128xf32, #tpu.memory_space<hbm>>) target(%arg12 : memref<64x128xf32, #tpu.memory_space<vmem>>) offsets(%dma_start3A_904 : memref<64xi32, #tpu.memory_space<vmem>>) semaphore(%arg15 : memref<!tpu.dma_semaphore, #tpu.memory_space<semaphore_mem>>)
    }
    %scan3A_93 = arith.constant 12 : i32
    %dma_wait3A_94 = arith.constant 0 : i32
    %dma_wait3A_95 = arith.constant 0 : i32
    %dma_wait3A_96 = tpu.memref_slice %arg8[%dma_wait3A_94, %dma_wait3A_95] : memref<40x64xi32, #tpu.memory_space<vmem>> -> memref<1x64xi32, #tpu.memory_space<vmem>>
    %dma_wait3A_97 = tpu.memref_squeeze %dma_wait3A_96 : memref<1x64xi32, #tpu.memory_space<vmem>> -> memref<64xi32, #tpu.memory_space<vmem>>
    %dma_wait3A_98 = arith.constant 0 : i32
    %dma_wait3A_99 = arith.constant 0 : i32
    %dma_wait3A_100 = tpu.memref_slice %arg2[%dma_wait3A_98, %dma_wait3A_99] : memref<10000x128xf32, #tpu.memory_space<hbm>> -> memref<10000x128xf32, #tpu.memory_space<hbm>>
    tpu.wait_indirect_dma semaphore(%arg14 : memref<!tpu.dma_semaphore, #tpu.memory_space<semaphore_mem>>) src(%dma_wait3A_100 : memref<10000x128xf32, #tpu.memory_space<hbm>>) dst(%arg11 : memref<64x128xf32, #tpu.memory_space<vmem>>)
    %dma_start3A_101 = arith.constant 37 : i32
    %dma_start3A_102 = arith.constant 0 : i32
    %dma_start3A_103 = tpu.memref_slice %arg9[%dma_start3A_101, %dma_start3A_102] : memref<40x64xi32, #tpu.memory_space<vmem>> -> memref<1x64xi32, #tpu.memory_space<vmem>>
    %dma_start3A_104 = tpu.memref_squeeze %dma_start3A_103 : memref<1x64xi32, #tpu.memory_space<vmem>> -> memref<64xi32, #tpu.memory_space<vmem>>
    %dma_start3A_105 = arith.constant 0 : i32
    %dma_start3A_106 = arith.constant 0 : i32
    %dma_start3A_107 = tpu.memref_slice %arg7[%dma_start3A_105, %dma_start3A_106] : memref<10112x128xf32, #tpu.memory_space<vmem_shared>> -> memref<10112x128xf32, #tpu.memory_space<vmem_shared>>
    tpu.enqueue_indirect_dma source(%arg11 : memref<64x128xf32, #tpu.memory_space<vmem>>) target(%dma_start3A_107 : memref<10112x128xf32, #tpu.memory_space<vmem_shared>>) offsets(%dma_start3A_104 : memref<64xi32, #tpu.memory_space<vmem>>) semaphore(%arg17 : memref<!tpu.dma_semaphore, #tpu.memory_space<semaphore_mem>>) {add = true}
    %get3A_108 = arith.constant 37 : i32
    %get3A_109 = arith.index_cast %get3A_108 : i32 to index
    %get3A_110 = arith.constant 0 : index
    %get3A_111 = tpu.vector_load %arg9[%get3A_109, %get3A_110] {strides = array<i32>} : memref<40x64xi32, #tpu.memory_space<vmem>>, vector<16xi32>,
    tpu.vector_store_idx %arg19[%get3A_111], %broadcast_in_dim3A_38 {add = true} : memref<10112xf32, #tpu.memory_space<vmem>>[vector<16xi32>], vector<16xf32>,
    %get3A_112 = arith.constant 37 : i32
    %get3A_113 = arith.index_cast %get3A_112 : i32 to index
    %get3A_114 = arith.constant 16 : index
    %get3A_115 = tpu.vector_load %arg9[%get3A_113, %get3A_114] {strides = array<i32>} : memref<40x64xi32, #tpu.memory_space<vmem>>, vector<16xi32>,
    tpu.vector_store_idx %arg19[%get3A_115], %broadcast_in_dim3A_38 {add = true} : memref<10112xf32, #tpu.memory_space<vmem>>[vector<16xi32>], vector<16xf32>,
    %get3A_116 = arith.constant 37 : i32
    %get3A_117 = arith.index_cast %get3A_116 : i32 to index
    %get3A_118 = arith.constant 32 : index
    %get3A_119 = tpu.vector_load %arg9[%get3A_117, %get3A_118] {strides = array<i32>} : memref<40x64xi32, #tpu.memory_space<vmem>>, vector<16xi32>,
    tpu.vector_store_idx %arg19[%get3A_119], %broadcast_in_dim3A_38 {add = true} : memref<10112xf32, #tpu.memory_space<vmem>>[vector<16xi32>], vector<16xf32>,
    %get3A_120 = arith.constant 37 : i32
    %get3A_121 = arith.index_cast %get3A_120 : i32 to index
    %get3A_122 = arith.constant 48 : index
    %get3A_123 = tpu.vector_load %arg9[%get3A_121, %get3A_122] {strides = array<i32>} : memref<40x64xi32, #tpu.memory_space<vmem>>, vector<16xi32>,
    tpu.vector_store_idx %arg19[%get3A_123], %broadcast_in_dim3A_38 {add = true} : memref<10112xf32, #tpu.memory_space<vmem>>[vector<16xi32>], vector<16xf32>,
    %dma_wait3A_124 = arith.constant 0 : i32
    %dma_wait3A_125 = arith.constant 0 : i32
    %dma_wait3A_126 = tpu.memref_slice %arg9[%dma_wait3A_124, %dma_wait3A_125] : memref<40x64xi32, #tpu.memory_space<vmem>> -> memref<1x64xi32, #tpu.memory_space<vmem>>
    %dma_wait3A_127 = tpu.memref_squeeze %dma_wait3A_126 : memref<1x64xi32, #tpu.memory_space<vmem>> -> memref<64xi32, #tpu.memory_space<vmem>>
    %dma_wait3A_128 = arith.constant 0 : i32
    %dma_wait3A_129 = arith.constant 0 : i32
    %dma_wait3A_130 = tpu.memref_slice %arg7[%dma_wait3A_128, %dma_wait3A_129] : memref<10112x128xf32, #tpu.memory_space<vmem_shared>> -> memref<10112x128xf32, #tpu.memory_space<vmem_shared>>
    tpu.wait_indirect_dma semaphore(%arg16 : memref<!tpu.dma_semaphore, #tpu.memory_space<semaphore_mem>>) src(%arg10 : memref<64x128xf32, #tpu.memory_space<vmem>>) dst(%dma_wait3A_130 : memref<10112x128xf32, #tpu.memory_space<vmem_shared>>)
    %dma_start3A_131 = arith.constant 39 : i32
    %dma_start3A_132 = arith.constant 0 : i32
    %dma_start3A_133 = tpu.memref_slice %arg8[%dma_start3A_131, %dma_start3A_132] : memref<40x64xi32, #tpu.memory_space<vmem>> -> memref<1x64xi32, #tpu.memory_space<vmem>>
    %dma_start3A_134 = tpu.memref_squeeze %dma_start3A_133 : memref<1x64xi32, #tpu.memory_space<vmem>> -> memref<64xi32, #tpu.memory_space<vmem>>
    %dma_start3A_135 = arith.constant 0 : i32
    %dma_start3A_136 = arith.constant 0 : i32
    %dma_start3A_137 = tpu.memref_slice %arg2[%dma_start3A_135, %dma_start3A_136] : memref<10000x128xf32, #tpu.memory_space<hbm>> -> memref<10000x128xf32, #tpu.memory_space<hbm>>
    tpu.enqueue_indirect_dma source(%dma_start3A_137 : memref<10000x128xf32, #tpu.memory_space<hbm>>) target(%arg10 : memref<64x128xf32, #tpu.memory_space<vmem>>) offsets(%dma_start3A_134 : memref<64xi32, #tpu.memory_space<vmem>>) semaphore(%arg13 : memref<!tpu.dma_semaphore, #tpu.memory_space<semaphore_mem>>)
    %dma_wait3A_138 = arith.constant 0 : i32
    %dma_wait3A_139 = arith.constant 0 : i32
    %dma_wait3A_140 = tpu.memref_slice %arg8[%dma_wait3A_138, %dma_wait3A_139] : memref<40x64xi32, #tpu.memory_space<vmem>> -> memref<1x64xi32, #tpu.memory_space<vmem>>
    %dma_wait3A_141 = tpu.memref_squeeze %dma_wait3A_140 : memref<1x64xi32, #tpu.memory_space<vmem>> -> memref<64xi32, #tpu.memory_space<vmem>>
    %dma_wait3A_142 = arith.constant 0 : i32
    %dma_wait3A_143 = arith.constant 0 : i32
    %dma_wait3A_144 = tpu.memref_slice %arg2[%dma_wait3A_142, %dma_wait3A_143] : memref<10000x128xf32, #tpu.memory_space<hbm>> -> memref<10000x128xf32, #tpu.memory_space<hbm>>
    tpu.wait_indirect_dma semaphore(%arg15 : memref<!tpu.dma_semaphore, #tpu.memory_space<semaphore_mem>>) src(%dma_wait3A_144 : memref<10000x128xf32, #tpu.memory_space<hbm>>) dst(%arg12 : memref<64x128xf32, #tpu.memory_space<vmem>>)
    %dma_start3A_145 = arith.constant 38 : i32
    %dma_start3A_146 = arith.constant 0 : i32
    %dma_start3A_147 = tpu.memref_slice %arg9[%dma_start3A_145, %dma_start3A_146] : memref<40x64xi32, #tpu.memory_space<vmem>> -> memref<1x64xi32, #tpu.memory_space<vmem>>
    %dma_start3A_148 = tpu.memref_squeeze %dma_start3A_147 : memref<1x64xi32, #tpu.memory_space<vmem>> -> memref<64xi32, #tpu.memory_space<vmem>>
    %dma_start3A_149 = arith.constant 0 : i32
    %dma_start3A_150 = arith.constant 0 : i32
    %dma_start3A_151 = tpu.memref_slice %arg7[%dma_start3A_149, %dma_start3A_150] : memref<10112x128xf32, #tpu.memory_space<vmem_shared>> -> memref<10112x128xf32, #tpu.memory_space<vmem_shared>>
    tpu.enqueue_indirect_dma source(%arg12 : memref<64x128xf32, #tpu.memory_space<vmem>>) target(%dma_start3A_151 : memref<10112x128xf32, #tpu.memory_space<vmem_shared>>) offsets(%dma_start3A_148 : memref<64xi32, #tpu.memory_space<vmem>>) semaphore(%arg18 : memref<!tpu.dma_semaphore, #tpu.memory_space<semaphore_mem>>) {add = true}
    %get3A_152 = arith.constant 38 : i32
    %get3A_153 = arith.index_cast %get3A_152 : i32 to index
    %get3A_154 = arith.constant 0 : index
    %get3A_155 = tpu.vector_load %arg9[%get3A_153, %get3A_154] {strides = array<i32>} : memref<40x64xi32, #tpu.memory_space<vmem>>, vector<16xi32>,
    tpu.vector_store_idx %arg19[%get3A_155], %broadcast_in_dim3A_38 {add = true} : memref<10112xf32, #tpu.memory_space<vmem>>[vector<16xi32>], vector<16xf32>,
    %get3A_156 = arith.constant 38 : i32
    %get3A_157 = arith.index_cast %get3A_156 : i32 to index
    %get3A_158 = arith.constant 16 : index
    %get3A_159 = tpu.vector_load %arg9[%get3A_157, %get3A_158] {strides = array<i32>} : memref<40x64xi32, #tpu.memory_space<vmem>>, vector<16xi32>,
    tpu.vector_store_idx %arg19[%get3A_159], %broadcast_in_dim3A_38 {add = true} : memref<10112xf32, #tpu.memory_space<vmem>>[vector<16xi32>], vector<16xf32>,
    %get3A_160 = arith.constant 38 : i32
    %get3A_161 = arith.index_cast %get3A_160 : i32 to index
    %get3A_162 = arith.constant 32 : index
    %get3A_163 = tpu.vector_load %arg9[%get3A_161, %get3A_162] {strides = array<i32>} : memref<40x64xi32, #tpu.memory_space<vmem>>, vector<16xi32>,
    tpu.vector_store_idx %arg19[%get3A_163], %broadcast_in_dim3A_38 {add = true} : memref<10112xf32, #tpu.memory_space<vmem>>[vector<16xi32>], vector<16xf32>,
    %get3A_164 = arith.constant 38 : i32
    %get3A_165 = arith.index_cast %get3A_164 : i32 to index
    %get3A_166 = arith.constant 48 : index
    %get3A_167 = tpu.vector_load %arg9[%get3A_165, %get3A_166] {strides = array<i32>} : memref<40x64xi32, #tpu.memory_space<vmem>>, vector<16xi32>,
    tpu.vector_store_idx %arg19[%get3A_167], %broadcast_in_dim3A_38 {add = true} : memref<10112xf32, #tpu.memory_space<vmem>>[vector<16xi32>], vector<16xf32>,
    %dma_wait3A_168 = arith.constant 0 : i32
    %dma_wait3A_169 = arith.constant 0 : i32
    %dma_wait3A_170 = tpu.memref_slice %arg9[%dma_wait3A_168, %dma_wait3A_169] : memref<40x64xi32, #tpu.memory_space<vmem>> -> memref<1x64xi32, #tpu.memory_space<vmem>>
    %dma_wait3A_171 = tpu.memref_squeeze %dma_wait3A_170 : memref<1x64xi32, #tpu.memory_space<vmem>> -> memref<64xi32, #tpu.memory_space<vmem>>
    %dma_wait3A_172 = arith.constant 0 : i32
    %dma_wait3A_173 = arith.constant 0 : i32
    %dma_wait3A_174 = tpu.memref_slice %arg7[%dma_wait3A_172, %dma_wait3A_173] : memref<10112x128xf32, #tpu.memory_space<vmem_shared>> -> memref<10112x128xf32, #tpu.memory_space<vmem_shared>>
    tpu.wait_indirect_dma semaphore(%arg17 : memref<!tpu.dma_semaphore, #tpu.memory_space<semaphore_mem>>) src(%arg11 : memref<64x128xf32, #tpu.memory_space<vmem>>) dst(%dma_wait3A_174 : memref<10112x128xf32, #tpu.memory_space<vmem_shared>>)
    %dma_wait3A_175 = arith.constant 0 : i32
    %dma_wait3A_176 = arith.constant 0 : i32
    %dma_wait3A_177 = tpu.memref_slice %arg8[%dma_wait3A_175, %dma_wait3A_176] : memref<40x64xi32, #tpu.memory_space<vmem>> -> memref<1x64xi32, #tpu.memory_space<vmem>>
    %dma_wait3A_178 = tpu.memref_squeeze %dma_wait3A_177 : memref<1x64xi32, #tpu.memory_space<vmem>> -> memref<64xi32, #tpu.memory_space<vmem>>
    %dma_wait3A_179 = arith.constant 0 : i32
    %dma_wait3A_180 = arith.constant 0 : i32
    %dma_wait3A_181 = tpu.memref_slice %arg2[%dma_wait3A_179, %dma_wait3A_180] : memref<10000x128xf32, #tpu.memory_space<hbm>> -> memref<10000x128xf32, #tpu.memory_space<hbm>>
    tpu.wait_indirect_dma semaphore(%arg13 : memref<!tpu.dma_semaphore, #tpu.memory_space<semaphore_mem>>) src(%dma_wait3A_181 : memref<10000x128xf32, #tpu.memory_space<hbm>>) dst(%arg10 : memref<64x128xf32, #tpu.memory_space<vmem>>)
    %dma_start3A_182 = arith.constant 39 : i32
    %dma_start3A_183 = arith.constant 0 : i32
    %dma_start3A_184 = tpu.memref_slice %arg9[%dma_start3A_182, %dma_start3A_183] : memref<40x64xi32, #tpu.memory_space<vmem>> -> memref<1x64xi32, #tpu.memory_space<vmem>>
    %dma_start3A_185 = tpu.memref_squeeze %dma_start3A_184 : memref<1x64xi32, #tpu.memory_space<vmem>> -> memref<64xi32, #tpu.memory_space<vmem>>
    %dma_start3A_186 = arith.constant 0 : i32
    %dma_start3A_187 = arith.constant 0 : i32
    %dma_start3A_188 = tpu.memref_slice %arg7[%dma_start3A_186, %dma_start3A_187] : memref<10112x128xf32, #tpu.memory_space<vmem_shared>> -> memref<10112x128xf32, #tpu.memory_space<vmem_shared>>
    tpu.enqueue_indirect_dma source(%arg10 : memref<64x128xf32, #tpu.memory_space<vmem>>) target(%dma_start3A_188 : memref<10112x128xf32, #tpu.memory_space<vmem_shared>>) offsets(%dma_start3A_185 : memref<64xi32, #tpu.memory_space<vmem>>) semaphore(%arg16 : memref<!tpu.dma_semaphore, #tpu.memory_space<semaphore_mem>>) {add = true}
    %get3A_189 = arith.constant 39 : i32
    %get3A_190 = arith.index_cast %get3A_189 : i32 to index
    %get3A_191 = arith.constant 0 : index
    %get3A_192 = tpu.vector_load %arg9[%get3A_190, %get3A_191] {strides = array<i32>} : memref<40x64xi32, #tpu.memory_space<vmem>>, vector<16xi32>,
    tpu.vector_store_idx %arg19[%get3A_192], %broadcast_in_dim3A_38 {add = true} : memref<10112xf32, #tpu.memory_space<vmem>>[vector<16xi32>], vector<16xf32>,
    %get3A_193 = arith.constant 39 : i32
    %get3A_194 = arith.index_cast %get3A_193 : i32 to index
    %get3A_195 = arith.constant 16 : index
    %get3A_196 = tpu.vector_load %arg9[%get3A_194, %get3A_195] {strides = array<i32>} : memref<40x64xi32, #tpu.memory_space<vmem>>, vector<16xi32>,
    tpu.vector_store_idx %arg19[%get3A_196], %broadcast_in_dim3A_38 {add = true} : memref<10112xf32, #tpu.memory_space<vmem>>[vector<16xi32>], vector<16xf32>,
    %get3A_197 = arith.constant 39 : i32
    %get3A_198 = arith.index_cast %get3A_197 : i32 to index
    %get3A_199 = arith.constant 32 : index
    %get3A_200 = tpu.vector_load %arg9[%get3A_198, %get3A_199] {strides = array<i32>} : memref<40x64xi32, #tpu.memory_space<vmem>>, vector<16xi32>,
    tpu.vector_store_idx %arg19[%get3A_200], %broadcast_in_dim3A_38 {add = true} : memref<10112xf32, #tpu.memory_space<vmem>>[vector<16xi32>], vector<16xf32>,
    %get3A_201 = arith.constant 39 : i32
    %get3A_202 = arith.index_cast %get3A_201 : i32 to index
    %get3A_203 = arith.constant 48 : index
    %get3A_204 = tpu.vector_load %arg9[%get3A_202, %get3A_203] {strides = array<i32>} : memref<40x64xi32, #tpu.memory_space<vmem>>, vector<16xi32>,
    tpu.vector_store_idx %arg19[%get3A_204], %broadcast_in_dim3A_38 {add = true} : memref<10112xf32, #tpu.memory_space<vmem>>[vector<16xi32>], vector<16xf32>,
    %dma_wait3A_205 = arith.constant 0 : i32
    %dma_wait3A_206 = arith.constant 0 : i32
    %dma_wait3A_207 = tpu.memref_slice %arg9[%dma_wait3A_205, %dma_wait3A_206] : memref<40x64xi32, #tpu.memory_space<vmem>> -> memref<1x64xi32, #tpu.memory_space<vmem>>
    %dma_wait3A_208 = tpu.memref_squeeze %dma_wait3A_207 : memref<1x64xi32, #tpu.memory_space<vmem>> -> memref<64xi32, #tpu.memory_space<vmem>>
    %dma_wait3A_209 = arith.constant 0 : i32
    %dma_wait3A_210 = arith.constant 0 : i32
    %dma_wait3A_211 = tpu.memref_slice %arg7[%dma_wait3A_209, %dma_wait3A_210] : memref<10112x128xf32, #tpu.memory_space<vmem_shared>> -> memref<10112x128xf32, #tpu.memory_space<vmem_shared>>
    tpu.wait_indirect_dma semaphore(%arg18 : memref<!tpu.dma_semaphore, #tpu.memory_space<semaphore_mem>>) src(%arg12 : memref<64x128xf32, #tpu.memory_space<vmem>>) dst(%dma_wait3A_211 : memref<10112x128xf32, #tpu.memory_space<vmem_shared>>)
    %dma_wait3A_212 = arith.constant 0 : i32
    %dma_wait3A_213 = arith.constant 0 : i32
    %dma_wait3A_214 = tpu.memref_slice %arg9[%dma_wait3A_212, %dma_wait3A_213] : memref<40x64xi32, #tpu.memory_space<vmem>> -> memref<1x64xi32, #tpu.memory_space<vmem>>
    %dma_wait3A_215 = tpu.memref_squeeze %dma_wait3A_214 : memref<1x64xi32, #tpu.memory_space<vmem>> -> memref<64xi32, #tpu.memory_space<vmem>>
    %dma_wait3A_216 = arith.constant 0 : i32
    %dma_wait3A_217 = arith.constant 0 : i32
    %dma_wait3A_218 = tpu.memref_slice %arg7[%dma_wait3A_216, %dma_wait3A_217] : memref<10112x128xf32, #tpu.memory_space<vmem_shared>> -> memref<10112x128xf32, #tpu.memory_space<vmem_shared>>
    tpu.wait_indirect_dma semaphore(%arg16 : memref<!tpu.dma_semaphore, #tpu.memory_space<semaphore_mem>>) src(%arg10 : memref<64x128xf32, #tpu.memory_space<vmem>>) dst(%dma_wait3A_218 : memref<10112x128xf32, #tpu.memory_space<vmem_shared>>)
    "tpu.trace_stop"() : () -> ()
    "tpu.trace_start"() <{level = 10 : i32, message = "edges1"}> : () -> ()
    %add3A_219 = arith.constant 40 : i32
    %add3A_220 = arith.addi %mul3A_36, %add3A_219 : i32
    "tpu.region"() ({
      %run_scoped3A = tpu.sem_alloc : memref<!tpu.dma_semaphore, #tpu.memory_space<semaphore_mem>>
      %dma_start3A_771 = arith.constant 0 : i32
      %dma_start3A_772 = tpu.memref_slice %arg3[%add3A_220, %dma_start3A_771] : memref<5120x64xi32, #tpu.memory_space<hbm>> -> memref<40x64xi32, #tpu.memory_space<hbm>>
      %dma_start3A_773 = arith.constant 0 : i32
      %dma_start3A_774 = tpu.memref_slice %arg3[%add3A_220, %dma_start3A_773] : memref<5120x64xi32, #tpu.memory_space<hbm>> -> memref<40x64xi32, #tpu.memory_space<hbm>>
      tpu.enqueue_dma source(%dma_start3A_774 : memref<40x64xi32, #tpu.memory_space<hbm>>) target(%arg8 : memref<40x64xi32, #tpu.memory_space<vmem>>) target_semaphore(%run_scoped3A : memref<!tpu.dma_semaphore, #tpu.memory_space<semaphore_mem>>)
      %dma_wait3A_775 = arith.constant 0 : i32
      %dma_wait3A_776 = tpu.memref_slice %arg3[%add3A_220, %dma_wait3A_775] : memref<5120x64xi32, #tpu.memory_space<hbm>> -> memref<40x64xi32, #tpu.memory_space<hbm>>
      %dma_wait3A_777 = arith.constant 0 : i32
      %dma_wait3A_778 = tpu.memref_slice %arg3[%add3A_220, %dma_wait3A_777] : memref<5120x64xi32, #tpu.memory_space<hbm>> -> memref<40x64xi32, #tpu.memory_space<hbm>>
      tpu.wait_dma2 semaphore(%run_scoped3A : memref<!tpu.dma_semaphore, #tpu.memory_space<semaphore_mem>>) src(%dma_wait3A_778 : memref<40x64xi32, #tpu.memory_space<hbm>>) dst(%arg8 : memref<40x64xi32, #tpu.memory_space<vmem>>)
      tpu.yield
    }) : () -> ()
    "tpu.region"() ({
      %run_scoped3A = tpu.sem_alloc : memref<!tpu.dma_semaphore, #tpu.memory_space<semaphore_mem>>
      %dma_start3A_771 = arith.constant 0 : i32
      %dma_start3A_772 = tpu.memref_slice %arg4[%add3A_220, %dma_start3A_771] : memref<5120x64xi32, #tpu.memory_space<hbm>> -> memref<40x64xi32, #tpu.memory_space<hbm>>
      %dma_start3A_773 = arith.constant 0 : i32
      %dma_start3A_774 = tpu.memref_slice %arg4[%add3A_220, %dma_start3A_773] : memref<5120x64xi32, #tpu.memory_space<hbm>> -> memref<40x64xi32, #tpu.memory_space<hbm>>
      tpu.enqueue_dma source(%dma_start3A_774 : memref<40x64xi32, #tpu.memory_space<hbm>>) target(%arg9 : memref<40x64xi32, #tpu.memory_space<vmem>>) target_semaphore(%run_scoped3A : memref<!tpu.dma_semaphore, #tpu.memory_space<semaphore_mem>>)
      %dma_wait3A_775 = arith.constant 0 : i32
      %dma_wait3A_776 = tpu.memref_slice %arg4[%add3A_220, %dma_wait3A_775] : memref<5120x64xi32, #tpu.memory_space<hbm>> -> memref<40x64xi32, #tpu.memory_space<hbm>>
      %dma_wait3A_777 = arith.constant 0 : i32
      %dma_wait3A_778 = tpu.memref_slice %arg4[%add3A_220, %dma_wait3A_777] : memref<5120x64xi32, #tpu.memory_space<hbm>> -> memref<40x64xi32, #tpu.memory_space<hbm>>
      tpu.wait_dma2 semaphore(%run_scoped3A : memref<!tpu.dma_semaphore, #tpu.memory_space<semaphore_mem>>) src(%dma_wait3A_778 : memref<40x64xi32, #tpu.memory_space<hbm>>) dst(%arg9 : memref<40x64xi32, #tpu.memory_space<vmem>>)
      tpu.yield
    }) : () -> ()
    %dma_start3A_221 = arith.constant 0 : i32
    %dma_start3A_222 = arith.constant 0 : i32
    %dma_start3A_223 = tpu.memref_slice %arg8[%dma_start3A_221, %dma_start3A_222] : memref<40x64xi32, #tpu.memory_space<vmem>> -> memref<1x64xi32, #tpu.memory_space<vmem>>
    %dma_start3A_224 = tpu.memref_squeeze %dma_start3A_223 : memref<1x64xi32, #tpu.memory_space<vmem>> -> memref<64xi32, #tpu.memory_space<vmem>>
    %dma_start3A_225 = arith.constant 0 : i32
    %dma_start3A_226 = arith.constant 0 : i32
    %dma_start3A_227 = tpu.memref_slice %arg2[%dma_start3A_225, %dma_start3A_226] : memref<10000x128xf32, #tpu.memory_space<hbm>> -> memref<10000x128xf32, #tpu.memory_space<hbm>>
    tpu.enqueue_indirect_dma source(%dma_start3A_227 : memref<10000x128xf32, #tpu.memory_space<hbm>>) target(%arg10 : memref<64x128xf32, #tpu.memory_space<vmem>>) offsets(%dma_start3A_224 : memref<64xi32, #tpu.memory_space<vmem>>) semaphore(%arg13 : memref<!tpu.dma_semaphore, #tpu.memory_space<semaphore_mem>>)
    %dma_start3A_228 = arith.constant 1 : i32
    %dma_start3A_229 = arith.constant 0 : i32
    %dma_start3A_230 = tpu.memref_slice %arg8[%dma_start3A_228, %dma_start3A_229] : memref<40x64xi32, #tpu.memory_space<vmem>> -> memref<1x64xi32, #tpu.memory_space<vmem>>
    %dma_start3A_231 = tpu.memref_squeeze %dma_start3A_230 : memref<1x64xi32, #tpu.memory_space<vmem>> -> memref<64xi32, #tpu.memory_space<vmem>>
    %dma_start3A_232 = arith.constant 0 : i32
    %dma_start3A_233 = arith.constant 0 : i32
    %dma_start3A_234 = tpu.memref_slice %arg2[%dma_start3A_232, %dma_start3A_233] : memref<10000x128xf32, #tpu.memory_space<hbm>> -> memref<10000x128xf32, #tpu.memory_space<hbm>>
    tpu.enqueue_indirect_dma source(%dma_start3A_234 : memref<10000x128xf32, #tpu.memory_space<hbm>>) target(%arg11 : memref<64x128xf32, #tpu.memory_space<vmem>>) offsets(%dma_start3A_231 : memref<64xi32, #tpu.memory_space<vmem>>) semaphore(%arg14 : memref<!tpu.dma_semaphore, #tpu.memory_space<semaphore_mem>>)
    %dma_wait3A_235 = arith.constant 0 : i32
    %dma_wait3A_236 = arith.constant 0 : i32
    %dma_wait3A_237 = tpu.memref_slice %arg8[%dma_wait3A_235, %dma_wait3A_236] : memref<40x64xi32, #tpu.memory_space<vmem>> -> memref<1x64xi32, #tpu.memory_space<vmem>>
    %dma_wait3A_238 = tpu.memref_squeeze %dma_wait3A_237 : memref<1x64xi32, #tpu.memory_space<vmem>> -> memref<64xi32, #tpu.memory_space<vmem>>
    %dma_wait3A_239 = arith.constant 0 : i32
    %dma_wait3A_240 = arith.constant 0 : i32
    %dma_wait3A_241 = tpu.memref_slice %arg2[%dma_wait3A_239, %dma_wait3A_240] : memref<10000x128xf32, #tpu.memory_space<hbm>> -> memref<10000x128xf32, #tpu.memory_space<hbm>>
    tpu.wait_indirect_dma semaphore(%arg13 : memref<!tpu.dma_semaphore, #tpu.memory_space<semaphore_mem>>) src(%dma_wait3A_241 : memref<10000x128xf32, #tpu.memory_space<hbm>>) dst(%arg10 : memref<64x128xf32, #tpu.memory_space<vmem>>)
    %dma_start3A_242 = arith.constant 0 : i32
    %dma_start3A_243 = arith.constant 0 : i32
    %dma_start3A_244 = tpu.memref_slice %arg9[%dma_start3A_242, %dma_start3A_243] : memref<40x64xi32, #tpu.memory_space<vmem>> -> memref<1x64xi32, #tpu.memory_space<vmem>>
    %dma_start3A_245 = tpu.memref_squeeze %dma_start3A_244 : memref<1x64xi32, #tpu.memory_space<vmem>> -> memref<64xi32, #tpu.memory_space<vmem>>
    %dma_start3A_246 = arith.constant 0 : i32
    %dma_start3A_247 = arith.constant 0 : i32
    %dma_start3A_248 = tpu.memref_slice %arg7[%dma_start3A_246, %dma_start3A_247] : memref<10112x128xf32, #tpu.memory_space<vmem_shared>> -> memref<10112x128xf32, #tpu.memory_space<vmem_shared>>
    tpu.enqueue_indirect_dma source(%arg10 : memref<64x128xf32, #tpu.memory_space<vmem>>) target(%dma_start3A_248 : memref<10112x128xf32, #tpu.memory_space<vmem_shared>>) offsets(%dma_start3A_245 : memref<64xi32, #tpu.memory_space<vmem>>) semaphore(%arg16 : memref<!tpu.dma_semaphore, #tpu.memory_space<semaphore_mem>>) {add = true}
    %get3A_249 = arith.constant 0 : i32
    %get3A_250 = arith.index_cast %get3A_249 : i32 to index
    %get3A_251 = arith.constant 0 : index
    %get3A_252 = tpu.vector_load %arg9[%get3A_250, %get3A_251] {strides = array<i32>} : memref<40x64xi32, #tpu.memory_space<vmem>>, vector<16xi32>,
    tpu.vector_store_idx %arg19[%get3A_252], %broadcast_in_dim3A_38 {add = true} : memref<10112xf32, #tpu.memory_space<vmem>>[vector<16xi32>], vector<16xf32>,
    %get3A_253 = arith.constant 0 : i32
    %get3A_254 = arith.index_cast %get3A_253 : i32 to index
    %get3A_255 = arith.constant 16 : index
    %get3A_256 = tpu.vector_load %arg9[%get3A_254, %get3A_255] {strides = array<i32>} : memref<40x64xi32, #tpu.memory_space<vmem>>, vector<16xi32>,
    tpu.vector_store_idx %arg19[%get3A_256], %broadcast_in_dim3A_38 {add = true} : memref<10112xf32, #tpu.memory_space<vmem>>[vector<16xi32>], vector<16xf32>,
    %get3A_257 = arith.constant 0 : i32
    %get3A_258 = arith.index_cast %get3A_257 : i32 to index
    %get3A_259 = arith.constant 32 : index
    %get3A_260 = tpu.vector_load %arg9[%get3A_258, %get3A_259] {strides = array<i32>} : memref<40x64xi32, #tpu.memory_space<vmem>>, vector<16xi32>,
    tpu.vector_store_idx %arg19[%get3A_260], %broadcast_in_dim3A_38 {add = true} : memref<10112xf32, #tpu.memory_space<vmem>>[vector<16xi32>], vector<16xf32>,
    %get3A_261 = arith.constant 0 : i32
    %get3A_262 = arith.index_cast %get3A_261 : i32 to index
    %get3A_263 = arith.constant 48 : index
    %get3A_264 = tpu.vector_load %arg9[%get3A_262, %get3A_263] {strides = array<i32>} : memref<40x64xi32, #tpu.memory_space<vmem>>, vector<16xi32>,
    tpu.vector_store_idx %arg19[%get3A_264], %broadcast_in_dim3A_38 {add = true} : memref<10112xf32, #tpu.memory_space<vmem>>[vector<16xi32>], vector<16xf32>,
    %dma_start3A_265 = arith.constant 2 : i32
    %dma_start3A_266 = arith.constant 0 : i32
    %dma_start3A_267 = tpu.memref_slice %arg8[%dma_start3A_265, %dma_start3A_266] : memref<40x64xi32, #tpu.memory_space<vmem>> -> memref<1x64xi32, #tpu.memory_space<vmem>>
    %dma_start3A_268 = tpu.memref_squeeze %dma_start3A_267 : memref<1x64xi32, #tpu.memory_space<vmem>> -> memref<64xi32, #tpu.memory_space<vmem>>
    %dma_start3A_269 = arith.constant 0 : i32
    %dma_start3A_270 = arith.constant 0 : i32
    %dma_start3A_271 = tpu.memref_slice %arg2[%dma_start3A_269, %dma_start3A_270] : memref<10000x128xf32, #tpu.memory_space<hbm>> -> memref<10000x128xf32, #tpu.memory_space<hbm>>
    tpu.enqueue_indirect_dma source(%dma_start3A_271 : memref<10000x128xf32, #tpu.memory_space<hbm>>) target(%arg12 : memref<64x128xf32, #tpu.memory_space<vmem>>) offsets(%dma_start3A_268 : memref<64xi32, #tpu.memory_space<vmem>>) semaphore(%arg15 : memref<!tpu.dma_semaphore, #tpu.memory_space<semaphore_mem>>)
    %scan3A_272 = arith.constant 0 : i32
    %scan3A_273 = arith.constant 12 : i32
    %scan3A_274 = arith.addi %scan3A_272, %scan3A_273 : i32
    %scan3A_275 = arith.constant 1 : i32
    scf.for %scan3A_771 = %scan3A_272 to %scan3A_274 step %scan3A_275  : i32 {
      %mul3A_772 = arith.constant 1 : i32
      %mul3A_773 = arith.muli %scan3A_771, %mul3A_772 : i32
      %add3A_774 = arith.constant 0 : i32
      %add3A_775 = arith.addi %add3A_774, %mul3A_773 : i32
      %mul3A_776 = arith.constant 3 : i32
      %mul3A_777 = arith.muli %mul3A_776, %add3A_775 : i32
      %add3A_778 = arith.constant 1 : i32
      %add3A_779 = arith.addi %mul3A_777, %add3A_778 : i32
      %dma_wait3A_780 = arith.constant 0 : i32
      %dma_wait3A_781 = arith.constant 0 : i32
      %dma_wait3A_782 = tpu.memref_slice %arg8[%dma_wait3A_780, %dma_wait3A_781] : memref<40x64xi32, #tpu.memory_space<vmem>> -> memref<1x64xi32, #tpu.memory_space<vmem>>
      %dma_wait3A_783 = tpu.memref_squeeze %dma_wait3A_782 : memref<1x64xi32, #tpu.memory_space<vmem>> -> memref<64xi32, #tpu.memory_space<vmem>>
      %dma_wait3A_784 = arith.constant 0 : i32
      %dma_wait3A_785 = arith.constant 0 : i32
      %dma_wait3A_786 = tpu.memref_slice %arg2[%dma_wait3A_784, %dma_wait3A_785] : memref<10000x128xf32, #tpu.memory_space<hbm>> -> memref<10000x128xf32, #tpu.memory_space<hbm>>
      tpu.wait_indirect_dma semaphore(%arg14 : memref<!tpu.dma_semaphore, #tpu.memory_space<semaphore_mem>>) src(%dma_wait3A_786 : memref<10000x128xf32, #tpu.memory_space<hbm>>) dst(%arg11 : memref<64x128xf32, #tpu.memory_space<vmem>>)
      %dma_start3A_787 = arith.constant 0 : i32
      %dma_start3A_788 = tpu.memref_slice %arg9[%add3A_779, %dma_start3A_787] : memref<40x64xi32, #tpu.memory_space<vmem>> -> memref<1x64xi32, #tpu.memory_space<vmem>>
      %dma_start3A_789 = tpu.memref_squeeze %dma_start3A_788 : memref<1x64xi32, #tpu.memory_space<vmem>> -> memref<64xi32, #tpu.memory_space<vmem>>
      %dma_start3A_790 = arith.constant 0 : i32
      %dma_start3A_791 = arith.constant 0 : i32
      %dma_start3A_792 = tpu.memref_slice %arg7[%dma_start3A_790, %dma_start3A_791] : memref<10112x128xf32, #tpu.memory_space<vmem_shared>> -> memref<10112x128xf32, #tpu.memory_space<vmem_shared>>
      tpu.enqueue_indirect_dma source(%arg11 : memref<64x128xf32, #tpu.memory_space<vmem>>) target(%dma_start3A_792 : memref<10112x128xf32, #tpu.memory_space<vmem_shared>>) offsets(%dma_start3A_789 : memref<64xi32, #tpu.memory_space<vmem>>) semaphore(%arg17 : memref<!tpu.dma_semaphore, #tpu.memory_space<semaphore_mem>>) {add = true}
      %get3A_793 = arith.index_cast %add3A_779 : i32 to index
      %get3A_794 = arith.constant 0 : index
      %get3A_795 = tpu.vector_load %arg9[%get3A_793, %get3A_794] {strides = array<i32>} : memref<40x64xi32, #tpu.memory_space<vmem>>, vector<16xi32>,
      tpu.vector_store_idx %arg19[%get3A_795], %broadcast_in_dim3A_38 {add = true} : memref<10112xf32, #tpu.memory_space<vmem>>[vector<16xi32>], vector<16xf32>,
      %get3A_796 = arith.index_cast %add3A_779 : i32 to index
      %get3A_797 = arith.constant 16 : index
      %get3A_798 = tpu.vector_load %arg9[%get3A_796, %get3A_797] {strides = array<i32>} : memref<40x64xi32, #tpu.memory_space<vmem>>, vector<16xi32>,
      tpu.vector_store_idx %arg19[%get3A_798], %broadcast_in_dim3A_38 {add = true} : memref<10112xf32, #tpu.memory_space<vmem>>[vector<16xi32>], vector<16xf32>,
      %get3A_799 = arith.index_cast %add3A_779 : i32 to index
      %get3A_800 = arith.constant 32 : index
      %get3A_801 = tpu.vector_load %arg9[%get3A_799, %get3A_800] {strides = array<i32>} : memref<40x64xi32, #tpu.memory_space<vmem>>, vector<16xi32>,
      tpu.vector_store_idx %arg19[%get3A_801], %broadcast_in_dim3A_38 {add = true} : memref<10112xf32, #tpu.memory_space<vmem>>[vector<16xi32>], vector<16xf32>,
      %get3A_802 = arith.index_cast %add3A_779 : i32 to index
      %get3A_803 = arith.constant 48 : index
      %get3A_804 = tpu.vector_load %arg9[%get3A_802, %get3A_803] {strides = array<i32>} : memref<40x64xi32, #tpu.memory_space<vmem>>, vector<16xi32>,
      tpu.vector_store_idx %arg19[%get3A_804], %broadcast_in_dim3A_38 {add = true} : memref<10112xf32, #tpu.memory_space<vmem>>[vector<16xi32>], vector<16xf32>,
      %dma_wait3A_805 = arith.constant 0 : i32
      %dma_wait3A_806 = arith.constant 0 : i32
      %dma_wait3A_807 = tpu.memref_slice %arg9[%dma_wait3A_805, %dma_wait3A_806] : memref<40x64xi32, #tpu.memory_space<vmem>> -> memref<1x64xi32, #tpu.memory_space<vmem>>
      %dma_wait3A_808 = tpu.memref_squeeze %dma_wait3A_807 : memref<1x64xi32, #tpu.memory_space<vmem>> -> memref<64xi32, #tpu.memory_space<vmem>>
      %dma_wait3A_809 = arith.constant 0 : i32
      %dma_wait3A_810 = arith.constant 0 : i32
      %dma_wait3A_811 = tpu.memref_slice %arg7[%dma_wait3A_809, %dma_wait3A_810] : memref<10112x128xf32, #tpu.memory_space<vmem_shared>> -> memref<10112x128xf32, #tpu.memory_space<vmem_shared>>
      tpu.wait_indirect_dma semaphore(%arg16 : memref<!tpu.dma_semaphore, #tpu.memory_space<semaphore_mem>>) src(%arg10 : memref<64x128xf32, #tpu.memory_space<vmem>>) dst(%dma_wait3A_811 : memref<10112x128xf32, #tpu.memory_space<vmem_shared>>)
      %add3A_812 = arith.constant 2 : i32
      %add3A_813 = arith.addi %add3A_779, %add3A_812 : i32
      %dma_start3A_814 = arith.constant 0 : i32
      %dma_start3A_815 = tpu.memref_slice %arg8[%add3A_813, %dma_start3A_814] : memref<40x64xi32, #tpu.memory_space<vmem>> -> memref<1x64xi32, #tpu.memory_space<vmem>>
      %dma_start3A_816 = tpu.memref_squeeze %dma_start3A_815 : memref<1x64xi32, #tpu.memory_space<vmem>> -> memref<64xi32, #tpu.memory_space<vmem>>
      %dma_start3A_817 = arith.constant 0 : i32
      %dma_start3A_818 = arith.constant 0 : i32
      %dma_start3A_819 = tpu.memref_slice %arg2[%dma_start3A_817, %dma_start3A_818] : memref<10000x128xf32, #tpu.memory_space<hbm>> -> memref<10000x128xf32, #tpu.memory_space<hbm>>
      tpu.enqueue_indirect_dma source(%dma_start3A_819 : memref<10000x128xf32, #tpu.memory_space<hbm>>) target(%arg10 : memref<64x128xf32, #tpu.memory_space<vmem>>) offsets(%dma_start3A_816 : memref<64xi32, #tpu.memory_space<vmem>>) semaphore(%arg13 : memref<!tpu.dma_semaphore, #tpu.memory_space<semaphore_mem>>)
      %dma_wait3A_820 = arith.constant 0 : i32
      %dma_wait3A_821 = arith.constant 0 : i32
      %dma_wait3A_822 = tpu.memref_slice %arg8[%dma_wait3A_820, %dma_wait3A_821] : memref<40x64xi32, #tpu.memory_space<vmem>> -> memref<1x64xi32, #tpu.memory_space<vmem>>
      %dma_wait3A_823 = tpu.memref_squeeze %dma_wait3A_822 : memref<1x64xi32, #tpu.memory_space<vmem>> -> memref<64xi32, #tpu.memory_space<vmem>>
      %dma_wait3A_824 = arith.constant 0 : i32
      %dma_wait3A_825 = arith.constant 0 : i32
      %dma_wait3A_826 = tpu.memref_slice %arg2[%dma_wait3A_824, %dma_wait3A_825] : memref<10000x128xf32, #tpu.memory_space<hbm>> -> memref<10000x128xf32, #tpu.memory_space<hbm>>
      tpu.wait_indirect_dma semaphore(%arg15 : memref<!tpu.dma_semaphore, #tpu.memory_space<semaphore_mem>>) src(%dma_wait3A_826 : memref<10000x128xf32, #tpu.memory_space<hbm>>) dst(%arg12 : memref<64x128xf32, #tpu.memory_space<vmem>>)
      %add3A_827 = arith.constant 1 : i32
      %add3A_828 = arith.addi %add3A_779, %add3A_827 : i32
      %dma_start3A_829 = arith.constant 0 : i32
      %dma_start3A_830 = tpu.memref_slice %arg9[%add3A_828, %dma_start3A_829] : memref<40x64xi32, #tpu.memory_space<vmem>> -> memref<1x64xi32, #tpu.memory_space<vmem>>
      %dma_start3A_831 = tpu.memref_squeeze %dma_start3A_830 : memref<1x64xi32, #tpu.memory_space<vmem>> -> memref<64xi32, #tpu.memory_space<vmem>>
      %dma_start3A_832 = arith.constant 0 : i32
      %dma_start3A_833 = arith.constant 0 : i32
      %dma_start3A_834 = tpu.memref_slice %arg7[%dma_start3A_832, %dma_start3A_833] : memref<10112x128xf32, #tpu.memory_space<vmem_shared>> -> memref<10112x128xf32, #tpu.memory_space<vmem_shared>>
      tpu.enqueue_indirect_dma source(%arg12 : memref<64x128xf32, #tpu.memory_space<vmem>>) target(%dma_start3A_834 : memref<10112x128xf32, #tpu.memory_space<vmem_shared>>) offsets(%dma_start3A_831 : memref<64xi32, #tpu.memory_space<vmem>>) semaphore(%arg18 : memref<!tpu.dma_semaphore, #tpu.memory_space<semaphore_mem>>) {add = true}
      %add3A_835 = arith.constant 1 : i32
      %add3A_836 = arith.addi %add3A_779, %add3A_835 : i32
      %get3A_837 = arith.index_cast %add3A_836 : i32 to index
      %get3A_838 = arith.constant 0 : index
      %get3A_839 = tpu.vector_load %arg9[%get3A_837, %get3A_838] {strides = array<i32>} : memref<40x64xi32, #tpu.memory_space<vmem>>, vector<16xi32>,
      tpu.vector_store_idx %arg19[%get3A_839], %broadcast_in_dim3A_38 {add = true} : memref<10112xf32, #tpu.memory_space<vmem>>[vector<16xi32>], vector<16xf32>,
      %get3A_840 = arith.index_cast %add3A_836 : i32 to index
      %get3A_841 = arith.constant 16 : index
      %get3A_842 = tpu.vector_load %arg9[%get3A_840, %get3A_841] {strides = array<i32>} : memref<40x64xi32, #tpu.memory_space<vmem>>, vector<16xi32>,
      tpu.vector_store_idx %arg19[%get3A_842], %broadcast_in_dim3A_38 {add = true} : memref<10112xf32, #tpu.memory_space<vmem>>[vector<16xi32>], vector<16xf32>,
      %get3A_843 = arith.index_cast %add3A_836 : i32 to index
      %get3A_844 = arith.constant 32 : index
      %get3A_845 = tpu.vector_load %arg9[%get3A_843, %get3A_844] {strides = array<i32>} : memref<40x64xi32, #tpu.memory_space<vmem>>, vector<16xi32>,
      tpu.vector_store_idx %arg19[%get3A_845], %broadcast_in_dim3A_38 {add = true} : memref<10112xf32, #tpu.memory_space<vmem>>[vector<16xi32>], vector<16xf32>,
      %get3A_846 = arith.index_cast %add3A_836 : i32 to index
      %get3A_847 = arith.constant 48 : index
      %get3A_848 = tpu.vector_load %arg9[%get3A_846, %get3A_847] {strides = array<i32>} : memref<40x64xi32, #tpu.memory_space<vmem>>, vector<16xi32>,
      tpu.vector_store_idx %arg19[%get3A_848], %broadcast_in_dim3A_38 {add = true} : memref<10112xf32, #tpu.memory_space<vmem>>[vector<16xi32>], vector<16xf32>,
      %dma_wait3A_849 = arith.constant 0 : i32
      %dma_wait3A_850 = arith.constant 0 : i32
      %dma_wait3A_851 = tpu.memref_slice %arg9[%dma_wait3A_849, %dma_wait3A_850] : memref<40x64xi32, #tpu.memory_space<vmem>> -> memref<1x64xi32, #tpu.memory_space<vmem>>
      %dma_wait3A_852 = tpu.memref_squeeze %dma_wait3A_851 : memref<1x64xi32, #tpu.memory_space<vmem>> -> memref<64xi32, #tpu.memory_space<vmem>>
      %dma_wait3A_853 = arith.constant 0 : i32
      %dma_wait3A_854 = arith.constant 0 : i32
      %dma_wait3A_855 = tpu.memref_slice %arg7[%dma_wait3A_853, %dma_wait3A_854] : memref<10112x128xf32, #tpu.memory_space<vmem_shared>> -> memref<10112x128xf32, #tpu.memory_space<vmem_shared>>
      tpu.wait_indirect_dma semaphore(%arg17 : memref<!tpu.dma_semaphore, #tpu.memory_space<semaphore_mem>>) src(%arg11 : memref<64x128xf32, #tpu.memory_space<vmem>>) dst(%dma_wait3A_855 : memref<10112x128xf32, #tpu.memory_space<vmem_shared>>)
      %add3A_856 = arith.constant 3 : i32
      %add3A_857 = arith.addi %add3A_779, %add3A_856 : i32
      %dma_start3A_858 = arith.constant 0 : i32
      %dma_start3A_859 = tpu.memref_slice %arg8[%add3A_857, %dma_start3A_858] : memref<40x64xi32, #tpu.memory_space<vmem>> -> memref<1x64xi32, #tpu.memory_space<vmem>>
      %dma_start3A_860 = tpu.memref_squeeze %dma_start3A_859 : memref<1x64xi32, #tpu.memory_space<vmem>> -> memref<64xi32, #tpu.memory_space<vmem>>
      %dma_start3A_861 = arith.constant 0 : i32
      %dma_start3A_862 = arith.constant 0 : i32
      %dma_start3A_863 = tpu.memref_slice %arg2[%dma_start3A_861, %dma_start3A_862] : memref<10000x128xf32, #tpu.memory_space<hbm>> -> memref<10000x128xf32, #tpu.memory_space<hbm>>
      tpu.enqueue_indirect_dma source(%dma_start3A_863 : memref<10000x128xf32, #tpu.memory_space<hbm>>) target(%arg11 : memref<64x128xf32, #tpu.memory_space<vmem>>) offsets(%dma_start3A_860 : memref<64xi32, #tpu.memory_space<vmem>>) semaphore(%arg14 : memref<!tpu.dma_semaphore, #tpu.memory_space<semaphore_mem>>)
      %dma_wait3A_864 = arith.constant 0 : i32
      %dma_wait3A_865 = arith.constant 0 : i32
      %dma_wait3A_866 = tpu.memref_slice %arg8[%dma_wait3A_864, %dma_wait3A_865] : memref<40x64xi32, #tpu.memory_space<vmem>> -> memref<1x64xi32, #tpu.memory_space<vmem>>
      %dma_wait3A_867 = tpu.memref_squeeze %dma_wait3A_866 : memref<1x64xi32, #tpu.memory_space<vmem>> -> memref<64xi32, #tpu.memory_space<vmem>>
      %dma_wait3A_868 = arith.constant 0 : i32
      %dma_wait3A_869 = arith.constant 0 : i32
      %dma_wait3A_870 = tpu.memref_slice %arg2[%dma_wait3A_868, %dma_wait3A_869] : memref<10000x128xf32, #tpu.memory_space<hbm>> -> memref<10000x128xf32, #tpu.memory_space<hbm>>
      tpu.wait_indirect_dma semaphore(%arg13 : memref<!tpu.dma_semaphore, #tpu.memory_space<semaphore_mem>>) src(%dma_wait3A_870 : memref<10000x128xf32, #tpu.memory_space<hbm>>) dst(%arg10 : memref<64x128xf32, #tpu.memory_space<vmem>>)
      %add3A_871 = arith.constant 2 : i32
      %add3A_872 = arith.addi %add3A_779, %add3A_871 : i32
      %dma_start3A_873 = arith.constant 0 : i32
      %dma_start3A_874 = tpu.memref_slice %arg9[%add3A_872, %dma_start3A_873] : memref<40x64xi32, #tpu.memory_space<vmem>> -> memref<1x64xi32, #tpu.memory_space<vmem>>
      %dma_start3A_875 = tpu.memref_squeeze %dma_start3A_874 : memref<1x64xi32, #tpu.memory_space<vmem>> -> memref<64xi32, #tpu.memory_space<vmem>>
      %dma_start3A_876 = arith.constant 0 : i32
      %dma_start3A_877 = arith.constant 0 : i32
      %dma_start3A_878 = tpu.memref_slice %arg7[%dma_start3A_876, %dma_start3A_877] : memref<10112x128xf32, #tpu.memory_space<vmem_shared>> -> memref<10112x128xf32, #tpu.memory_space<vmem_shared>>
      tpu.enqueue_indirect_dma source(%arg10 : memref<64x128xf32, #tpu.memory_space<vmem>>) target(%dma_start3A_878 : memref<10112x128xf32, #tpu.memory_space<vmem_shared>>) offsets(%dma_start3A_875 : memref<64xi32, #tpu.memory_space<vmem>>) semaphore(%arg16 : memref<!tpu.dma_semaphore, #tpu.memory_space<semaphore_mem>>) {add = true}
      %add3A_879 = arith.constant 2 : i32
      %add3A_880 = arith.addi %add3A_779, %add3A_879 : i32
      %get3A_881 = arith.index_cast %add3A_880 : i32 to index
      %get3A_882 = arith.constant 0 : index
      %get3A_883 = tpu.vector_load %arg9[%get3A_881, %get3A_882] {strides = array<i32>} : memref<40x64xi32, #tpu.memory_space<vmem>>, vector<16xi32>,
      tpu.vector_store_idx %arg19[%get3A_883], %broadcast_in_dim3A_38 {add = true} : memref<10112xf32, #tpu.memory_space<vmem>>[vector<16xi32>], vector<16xf32>,
      %get3A_884 = arith.index_cast %add3A_880 : i32 to index
      %get3A_885 = arith.constant 16 : index
      %get3A_886 = tpu.vector_load %arg9[%get3A_884, %get3A_885] {strides = array<i32>} : memref<40x64xi32, #tpu.memory_space<vmem>>, vector<16xi32>,
      tpu.vector_store_idx %arg19[%get3A_886], %broadcast_in_dim3A_38 {add = true} : memref<10112xf32, #tpu.memory_space<vmem>>[vector<16xi32>], vector<16xf32>,
      %get3A_887 = arith.index_cast %add3A_880 : i32 to index
      %get3A_888 = arith.constant 32 : index
      %get3A_889 = tpu.vector_load %arg9[%get3A_887, %get3A_888] {strides = array<i32>} : memref<40x64xi32, #tpu.memory_space<vmem>>, vector<16xi32>,
      tpu.vector_store_idx %arg19[%get3A_889], %broadcast_in_dim3A_38 {add = true} : memref<10112xf32, #tpu.memory_space<vmem>>[vector<16xi32>], vector<16xf32>,
      %get3A_890 = arith.index_cast %add3A_880 : i32 to index
      %get3A_891 = arith.constant 48 : index
      %get3A_892 = tpu.vector_load %arg9[%get3A_890, %get3A_891] {strides = array<i32>} : memref<40x64xi32, #tpu.memory_space<vmem>>, vector<16xi32>,
      tpu.vector_store_idx %arg19[%get3A_892], %broadcast_in_dim3A_38 {add = true} : memref<10112xf32, #tpu.memory_space<vmem>>[vector<16xi32>], vector<16xf32>,
      %dma_wait3A_893 = arith.constant 0 : i32
      %dma_wait3A_894 = arith.constant 0 : i32
      %dma_wait3A_895 = tpu.memref_slice %arg9[%dma_wait3A_893, %dma_wait3A_894] : memref<40x64xi32, #tpu.memory_space<vmem>> -> memref<1x64xi32, #tpu.memory_space<vmem>>
      %dma_wait3A_896 = tpu.memref_squeeze %dma_wait3A_895 : memref<1x64xi32, #tpu.memory_space<vmem>> -> memref<64xi32, #tpu.memory_space<vmem>>
      %dma_wait3A_897 = arith.constant 0 : i32
      %dma_wait3A_898 = arith.constant 0 : i32
      %dma_wait3A_899 = tpu.memref_slice %arg7[%dma_wait3A_897, %dma_wait3A_898] : memref<10112x128xf32, #tpu.memory_space<vmem_shared>> -> memref<10112x128xf32, #tpu.memory_space<vmem_shared>>
      tpu.wait_indirect_dma semaphore(%arg18 : memref<!tpu.dma_semaphore, #tpu.memory_space<semaphore_mem>>) src(%arg12 : memref<64x128xf32, #tpu.memory_space<vmem>>) dst(%dma_wait3A_899 : memref<10112x128xf32, #tpu.memory_space<vmem_shared>>)
      %add3A_900 = arith.constant 4 : i32
      %add3A_901 = arith.addi %add3A_779, %add3A_900 : i32
      %dma_start3A_902 = arith.constant 0 : i32
      %dma_start3A_903 = tpu.memref_slice %arg8[%add3A_901, %dma_start3A_902] : memref<40x64xi32, #tpu.memory_space<vmem>> -> memref<1x64xi32, #tpu.memory_space<vmem>>
      %dma_start3A_904 = tpu.memref_squeeze %dma_start3A_903 : memref<1x64xi32, #tpu.memory_space<vmem>> -> memref<64xi32, #tpu.memory_space<vmem>>
      %dma_start3A_905 = arith.constant 0 : i32
      %dma_start3A_906 = arith.constant 0 : i32
      %dma_start3A_907 = tpu.memref_slice %arg2[%dma_start3A_905, %dma_start3A_906] : memref<10000x128xf32, #tpu.memory_space<hbm>> -> memref<10000x128xf32, #tpu.memory_space<hbm>>
      tpu.enqueue_indirect_dma source(%dma_start3A_907 : memref<10000x128xf32, #tpu.memory_space<hbm>>) target(%arg12 : memref<64x128xf32, #tpu.memory_space<vmem>>) offsets(%dma_start3A_904 : memref<64xi32, #tpu.memory_space<vmem>>) semaphore(%arg15 : memref<!tpu.dma_semaphore, #tpu.memory_space<semaphore_mem>>)
    }
    %scan3A_276 = arith.constant 12 : i32
    %dma_wait3A_277 = arith.constant 0 : i32
    %dma_wait3A_278 = arith.constant 0 : i32
    %dma_wait3A_279 = tpu.memref_slice %arg8[%dma_wait3A_277, %dma_wait3A_278] : memref<40x64xi32, #tpu.memory_space<vmem>> -> memref<1x64xi32, #tpu.memory_space<vmem>>
    %dma_wait3A_280 = tpu.memref_squeeze %dma_wait3A_279 : memref<1x64xi32, #tpu.memory_space<vmem>> -> memref<64xi32, #tpu.memory_space<vmem>>
    %dma_wait3A_281 = arith.constant 0 : i32
    %dma_wait3A_282 = arith.constant 0 : i32
    %dma_wait3A_283 = tpu.memref_slice %arg2[%dma_wait3A_281, %dma_wait3A_282] : memref<10000x128xf32, #tpu.memory_space<hbm>> -> memref<10000x128xf32, #tpu.memory_space<hbm>>
    tpu.wait_indirect_dma semaphore(%arg14 : memref<!tpu.dma_semaphore, #tpu.memory_space<semaphore_mem>>) src(%dma_wait3A_283 : memref<10000x128xf32, #tpu.memory_space<hbm>>) dst(%arg11 : memref<64x128xf32, #tpu.memory_space<vmem>>)
    %dma_start3A_284 = arith.constant 37 : i32
    %dma_start3A_285 = arith.constant 0 : i32
    %dma_start3A_286 = tpu.memref_slice %arg9[%dma_start3A_284, %dma_start3A_285] : memref<40x64xi32, #tpu.memory_space<vmem>> -> memref<1x64xi32, #tpu.memory_space<vmem>>
    %dma_start3A_287 = tpu.memref_squeeze %dma_start3A_286 : memref<1x64xi32, #tpu.memory_space<vmem>> -> memref<64xi32, #tpu.memory_space<vmem>>
    %dma_start3A_288 = arith.constant 0 : i32
    %dma_start3A_289 = arith.constant 0 : i32
    %dma_start3A_290 = tpu.memref_slice %arg7[%dma_start3A_288, %dma_start3A_289] : memref<10112x128xf32, #tpu.memory_space<vmem_shared>> -> memref<10112x128xf32, #tpu.memory_space<vmem_shared>>
    tpu.enqueue_indirect_dma source(%arg11 : memref<64x128xf32, #tpu.memory_space<vmem>>) target(%dma_start3A_290 : memref<10112x128xf32, #tpu.memory_space<vmem_shared>>) offsets(%dma_start3A_287 : memref<64xi32, #tpu.memory_space<vmem>>) semaphore(%arg17 : memref<!tpu.dma_semaphore, #tpu.memory_space<semaphore_mem>>) {add = true}
    %get3A_291 = arith.constant 37 : i32
    %get3A_292 = arith.index_cast %get3A_291 : i32 to index
    %get3A_293 = arith.constant 0 : index
    %get3A_294 = tpu.vector_load %arg9[%get3A_292, %get3A_293] {strides = array<i32>} : memref<40x64xi32, #tpu.memory_space<vmem>>, vector<16xi32>,
    tpu.vector_store_idx %arg19[%get3A_294], %broadcast_in_dim3A_38 {add = true} : memref<10112xf32, #tpu.memory_space<vmem>>[vector<16xi32>], vector<16xf32>,
    %get3A_295 = arith.constant 37 : i32
    %get3A_296 = arith.index_cast %get3A_295 : i32 to index
    %get3A_297 = arith.constant 16 : index
    %get3A_298 = tpu.vector_load %arg9[%get3A_296, %get3A_297] {strides = array<i32>} : memref<40x64xi32, #tpu.memory_space<vmem>>, vector<16xi32>,
    tpu.vector_store_idx %arg19[%get3A_298], %broadcast_in_dim3A_38 {add = true} : memref<10112xf32, #tpu.memory_space<vmem>>[vector<16xi32>], vector<16xf32>,
    %get3A_299 = arith.constant 37 : i32
    %get3A_300 = arith.index_cast %get3A_299 : i32 to index
    %get3A_301 = arith.constant 32 : index
    %get3A_302 = tpu.vector_load %arg9[%get3A_300, %get3A_301] {strides = array<i32>} : memref<40x64xi32, #tpu.memory_space<vmem>>, vector<16xi32>,
    tpu.vector_store_idx %arg19[%get3A_302], %broadcast_in_dim3A_38 {add = true} : memref<10112xf32, #tpu.memory_space<vmem>>[vector<16xi32>], vector<16xf32>,
    %get3A_303 = arith.constant 37 : i32
    %get3A_304 = arith.index_cast %get3A_303 : i32 to index
    %get3A_305 = arith.constant 48 : index
    %get3A_306 = tpu.vector_load %arg9[%get3A_304, %get3A_305] {strides = array<i32>} : memref<40x64xi32, #tpu.memory_space<vmem>>, vector<16xi32>,
    tpu.vector_store_idx %arg19[%get3A_306], %broadcast_in_dim3A_38 {add = true} : memref<10112xf32, #tpu.memory_space<vmem>>[vector<16xi32>], vector<16xf32>,
    %dma_wait3A_307 = arith.constant 0 : i32
    %dma_wait3A_308 = arith.constant 0 : i32
    %dma_wait3A_309 = tpu.memref_slice %arg9[%dma_wait3A_307, %dma_wait3A_308] : memref<40x64xi32, #tpu.memory_space<vmem>> -> memref<1x64xi32, #tpu.memory_space<vmem>>
    %dma_wait3A_310 = tpu.memref_squeeze %dma_wait3A_309 : memref<1x64xi32, #tpu.memory_space<vmem>> -> memref<64xi32, #tpu.memory_space<vmem>>
    %dma_wait3A_311 = arith.constant 0 : i32
    %dma_wait3A_312 = arith.constant 0 : i32
    %dma_wait3A_313 = tpu.memref_slice %arg7[%dma_wait3A_311, %dma_wait3A_312] : memref<10112x128xf32, #tpu.memory_space<vmem_shared>> -> memref<10112x128xf32, #tpu.memory_space<vmem_shared>>
    tpu.wait_indirect_dma semaphore(%arg16 : memref<!tpu.dma_semaphore, #tpu.memory_space<semaphore_mem>>) src(%arg10 : memref<64x128xf32, #tpu.memory_space<vmem>>) dst(%dma_wait3A_313 : memref<10112x128xf32, #tpu.memory_space<vmem_shared>>)
    %dma_start3A_314 = arith.constant 39 : i32
    %dma_start3A_315 = arith.constant 0 : i32
    %dma_start3A_316 = tpu.memref_slice %arg8[%dma_start3A_314, %dma_start3A_315] : memref<40x64xi32, #tpu.memory_space<vmem>> -> memref<1x64xi32, #tpu.memory_space<vmem>>
    %dma_start3A_317 = tpu.memref_squeeze %dma_start3A_316 : memref<1x64xi32, #tpu.memory_space<vmem>> -> memref<64xi32, #tpu.memory_space<vmem>>
    %dma_start3A_318 = arith.constant 0 : i32
    %dma_start3A_319 = arith.constant 0 : i32
    %dma_start3A_320 = tpu.memref_slice %arg2[%dma_start3A_318, %dma_start3A_319] : memref<10000x128xf32, #tpu.memory_space<hbm>> -> memref<10000x128xf32, #tpu.memory_space<hbm>>
    tpu.enqueue_indirect_dma source(%dma_start3A_320 : memref<10000x128xf32, #tpu.memory_space<hbm>>) target(%arg10 : memref<64x128xf32, #tpu.memory_space<vmem>>) offsets(%dma_start3A_317 : memref<64xi32, #tpu.memory_space<vmem>>) semaphore(%arg13 : memref<!tpu.dma_semaphore, #tpu.memory_space<semaphore_mem>>)
    %dma_wait3A_321 = arith.constant 0 : i32
    %dma_wait3A_322 = arith.constant 0 : i32
    %dma_wait3A_323 = tpu.memref_slice %arg8[%dma_wait3A_321, %dma_wait3A_322] : memref<40x64xi32, #tpu.memory_space<vmem>> -> memref<1x64xi32, #tpu.memory_space<vmem>>
    %dma_wait3A_324 = tpu.memref_squeeze %dma_wait3A_323 : memref<1x64xi32, #tpu.memory_space<vmem>> -> memref<64xi32, #tpu.memory_space<vmem>>
    %dma_wait3A_325 = arith.constant 0 : i32
    %dma_wait3A_326 = arith.constant 0 : i32
    %dma_wait3A_327 = tpu.memref_slice %arg2[%dma_wait3A_325, %dma_wait3A_326] : memref<10000x128xf32, #tpu.memory_space<hbm>> -> memref<10000x128xf32, #tpu.memory_space<hbm>>
    tpu.wait_indirect_dma semaphore(%arg15 : memref<!tpu.dma_semaphore, #tpu.memory_space<semaphore_mem>>) src(%dma_wait3A_327 : memref<10000x128xf32, #tpu.memory_space<hbm>>) dst(%arg12 : memref<64x128xf32, #tpu.memory_space<vmem>>)
    %dma_start3A_328 = arith.constant 38 : i32
    %dma_start3A_329 = arith.constant 0 : i32
    %dma_start3A_330 = tpu.memref_slice %arg9[%dma_start3A_328, %dma_start3A_329] : memref<40x64xi32, #tpu.memory_space<vmem>> -> memref<1x64xi32, #tpu.memory_space<vmem>>
    %dma_start3A_331 = tpu.memref_squeeze %dma_start3A_330 : memref<1x64xi32, #tpu.memory_space<vmem>> -> memref<64xi32, #tpu.memory_space<vmem>>
    %dma_start3A_332 = arith.constant 0 : i32
    %dma_start3A_333 = arith.constant 0 : i32
    %dma_start3A_334 = tpu.memref_slice %arg7[%dma_start3A_332, %dma_start3A_333] : memref<10112x128xf32, #tpu.memory_space<vmem_shared>> -> memref<10112x128xf32, #tpu.memory_space<vmem_shared>>
    tpu.enqueue_indirect_dma source(%arg12 : memref<64x128xf32, #tpu.memory_space<vmem>>) target(%dma_start3A_334 : memref<10112x128xf32, #tpu.memory_space<vmem_shared>>) offsets(%dma_start3A_331 : memref<64xi32, #tpu.memory_space<vmem>>) semaphore(%arg18 : memref<!tpu.dma_semaphore, #tpu.memory_space<semaphore_mem>>) {add = true}
    %get3A_335 = arith.constant 38 : i32
    %get3A_336 = arith.index_cast %get3A_335 : i32 to index
    %get3A_337 = arith.constant 0 : index
    %get3A_338 = tpu.vector_load %arg9[%get3A_336, %get3A_337] {strides = array<i32>} : memref<40x64xi32, #tpu.memory_space<vmem>>, vector<16xi32>,
    tpu.vector_store_idx %arg19[%get3A_338], %broadcast_in_dim3A_38 {add = true} : memref<10112xf32, #tpu.memory_space<vmem>>[vector<16xi32>], vector<16xf32>,
    %get3A_339 = arith.constant 38 : i32
    %get3A_340 = arith.index_cast %get3A_339 : i32 to index
    %get3A_341 = arith.constant 16 : index
    %get3A_342 = tpu.vector_load %arg9[%get3A_340, %get3A_341] {strides = array<i32>} : memref<40x64xi32, #tpu.memory_space<vmem>>, vector<16xi32>,
    tpu.vector_store_idx %arg19[%get3A_342], %broadcast_in_dim3A_38 {add = true} : memref<10112xf32, #tpu.memory_space<vmem>>[vector<16xi32>], vector<16xf32>,
    %get3A_343 = arith.constant 38 : i32
    %get3A_344 = arith.index_cast %get3A_343 : i32 to index
    %get3A_345 = arith.constant 32 : index
    %get3A_346 = tpu.vector_load %arg9[%get3A_344, %get3A_345] {strides = array<i32>} : memref<40x64xi32, #tpu.memory_space<vmem>>, vector<16xi32>,
    tpu.vector_store_idx %arg19[%get3A_346], %broadcast_in_dim3A_38 {add = true} : memref<10112xf32, #tpu.memory_space<vmem>>[vector<16xi32>], vector<16xf32>,
    %get3A_347 = arith.constant 38 : i32
    %get3A_348 = arith.index_cast %get3A_347 : i32 to index
    %get3A_349 = arith.constant 48 : index
    %get3A_350 = tpu.vector_load %arg9[%get3A_348, %get3A_349] {strides = array<i32>} : memref<40x64xi32, #tpu.memory_space<vmem>>, vector<16xi32>,
    tpu.vector_store_idx %arg19[%get3A_350], %broadcast_in_dim3A_38 {add = true} : memref<10112xf32, #tpu.memory_space<vmem>>[vector<16xi32>], vector<16xf32>,
    %dma_wait3A_351 = arith.constant 0 : i32
    %dma_wait3A_352 = arith.constant 0 : i32
    %dma_wait3A_353 = tpu.memref_slice %arg9[%dma_wait3A_351, %dma_wait3A_352] : memref<40x64xi32, #tpu.memory_space<vmem>> -> memref<1x64xi32, #tpu.memory_space<vmem>>
    %dma_wait3A_354 = tpu.memref_squeeze %dma_wait3A_353 : memref<1x64xi32, #tpu.memory_space<vmem>> -> memref<64xi32, #tpu.memory_space<vmem>>
    %dma_wait3A_355 = arith.constant 0 : i32
    %dma_wait3A_356 = arith.constant 0 : i32
    %dma_wait3A_357 = tpu.memref_slice %arg7[%dma_wait3A_355, %dma_wait3A_356] : memref<10112x128xf32, #tpu.memory_space<vmem_shared>> -> memref<10112x128xf32, #tpu.memory_space<vmem_shared>>
    tpu.wait_indirect_dma semaphore(%arg17 : memref<!tpu.dma_semaphore, #tpu.memory_space<semaphore_mem>>) src(%arg11 : memref<64x128xf32, #tpu.memory_space<vmem>>) dst(%dma_wait3A_357 : memref<10112x128xf32, #tpu.memory_space<vmem_shared>>)
    %dma_wait3A_358 = arith.constant 0 : i32
    %dma_wait3A_359 = arith.constant 0 : i32
    %dma_wait3A_360 = tpu.memref_slice %arg8[%dma_wait3A_358, %dma_wait3A_359] : memref<40x64xi32, #tpu.memory_space<vmem>> -> memref<1x64xi32, #tpu.memory_space<vmem>>
    %dma_wait3A_361 = tpu.memref_squeeze %dma_wait3A_360 : memref<1x64xi32, #tpu.memory_space<vmem>> -> memref<64xi32, #tpu.memory_space<vmem>>
    %dma_wait3A_362 = arith.constant 0 : i32
    %dma_wait3A_363 = arith.constant 0 : i32
    %dma_wait3A_364 = tpu.memref_slice %arg2[%dma_wait3A_362, %dma_wait3A_363] : memref<10000x128xf32, #tpu.memory_space<hbm>> -> memref<10000x128xf32, #tpu.memory_space<hbm>>
    tpu.wait_indirect_dma semaphore(%arg13 : memref<!tpu.dma_semaphore, #tpu.memory_space<semaphore_mem>>) src(%dma_wait3A_364 : memref<10000x128xf32, #tpu.memory_space<hbm>>) dst(%arg10 : memref<64x128xf32, #tpu.memory_space<vmem>>)
    %dma_start3A_365 = arith.constant 39 : i32
    %dma_start3A_366 = arith.constant 0 : i32
    %dma_start3A_367 = tpu.memref_slice %arg9[%dma_start3A_365, %dma_start3A_366] : memref<40x64xi32, #tpu.memory_space<vmem>> -> memref<1x64xi32, #tpu.memory_space<vmem>>
    %dma_start3A_368 = tpu.memref_squeeze %dma_start3A_367 : memref<1x64xi32, #tpu.memory_space<vmem>> -> memref<64xi32, #tpu.memory_space<vmem>>
    %dma_start3A_369 = arith.constant 0 : i32
    %dma_start3A_370 = arith.constant 0 : i32
    %dma_start3A_371 = tpu.memref_slice %arg7[%dma_start3A_369, %dma_start3A_370] : memref<10112x128xf32, #tpu.memory_space<vmem_shared>> -> memref<10112x128xf32, #tpu.memory_space<vmem_shared>>
    tpu.enqueue_indirect_dma source(%arg10 : memref<64x128xf32, #tpu.memory_space<vmem>>) target(%dma_start3A_371 : memref<10112x128xf32, #tpu.memory_space<vmem_shared>>) offsets(%dma_start3A_368 : memref<64xi32, #tpu.memory_space<vmem>>) semaphore(%arg16 : memref<!tpu.dma_semaphore, #tpu.memory_space<semaphore_mem>>) {add = true}
    %get3A_372 = arith.constant 39 : i32
    %get3A_373 = arith.index_cast %get3A_372 : i32 to index
    %get3A_374 = arith.constant 0 : index
    %get3A_375 = tpu.vector_load %arg9[%get3A_373, %get3A_374] {strides = array<i32>} : memref<40x64xi32, #tpu.memory_space<vmem>>, vector<16xi32>,
    tpu.vector_store_idx %arg19[%get3A_375], %broadcast_in_dim3A_38 {add = true} : memref<10112xf32, #tpu.memory_space<vmem>>[vector<16xi32>], vector<16xf32>,
    %get3A_376 = arith.constant 39 : i32
    %get3A_377 = arith.index_cast %get3A_376 : i32 to index
    %get3A_378 = arith.constant 16 : index
    %get3A_379 = tpu.vector_load %arg9[%get3A_377, %get3A_378] {strides = array<i32>} : memref<40x64xi32, #tpu.memory_space<vmem>>, vector<16xi32>,
    tpu.vector_store_idx %arg19[%get3A_379], %broadcast_in_dim3A_38 {add = true} : memref<10112xf32, #tpu.memory_space<vmem>>[vector<16xi32>], vector<16xf32>,
    %get3A_380 = arith.constant 39 : i32
    %get3A_381 = arith.index_cast %get3A_380 : i32 to index
    %get3A_382 = arith.constant 32 : index
    %get3A_383 = tpu.vector_load %arg9[%get3A_381, %get3A_382] {strides = array<i32>} : memref<40x64xi32, #tpu.memory_space<vmem>>, vector<16xi32>,
    tpu.vector_store_idx %arg19[%get3A_383], %broadcast_in_dim3A_38 {add = true} : memref<10112xf32, #tpu.memory_space<vmem>>[vector<16xi32>], vector<16xf32>,
    %get3A_384 = arith.constant 39 : i32
    %get3A_385 = arith.index_cast %get3A_384 : i32 to index
    %get3A_386 = arith.constant 48 : index
    %get3A_387 = tpu.vector_load %arg9[%get3A_385, %get3A_386] {strides = array<i32>} : memref<40x64xi32, #tpu.memory_space<vmem>>, vector<16xi32>,
    tpu.vector_store_idx %arg19[%get3A_387], %broadcast_in_dim3A_38 {add = true} : memref<10112xf32, #tpu.memory_space<vmem>>[vector<16xi32>], vector<16xf32>,
    %dma_wait3A_388 = arith.constant 0 : i32
    %dma_wait3A_389 = arith.constant 0 : i32
    %dma_wait3A_390 = tpu.memref_slice %arg9[%dma_wait3A_388, %dma_wait3A_389] : memref<40x64xi32, #tpu.memory_space<vmem>> -> memref<1x64xi32, #tpu.memory_space<vmem>>
    %dma_wait3A_391 = tpu.memref_squeeze %dma_wait3A_390 : memref<1x64xi32, #tpu.memory_space<vmem>> -> memref<64xi32, #tpu.memory_space<vmem>>
    %dma_wait3A_392 = arith.constant 0 : i32
    %dma_wait3A_393 = arith.constant 0 : i32
    %dma_wait3A_394 = tpu.memref_slice %arg7[%dma_wait3A_392, %dma_wait3A_393] : memref<10112x128xf32, #tpu.memory_space<vmem_shared>> -> memref<10112x128xf32, #tpu.memory_space<vmem_shared>>
    tpu.wait_indirect_dma semaphore(%arg18 : memref<!tpu.dma_semaphore, #tpu.memory_space<semaphore_mem>>) src(%arg12 : memref<64x128xf32, #tpu.memory_space<vmem>>) dst(%dma_wait3A_394 : memref<10112x128xf32, #tpu.memory_space<vmem_shared>>)
    %dma_wait3A_395 = arith.constant 0 : i32
    %dma_wait3A_396 = arith.constant 0 : i32
    %dma_wait3A_397 = tpu.memref_slice %arg9[%dma_wait3A_395, %dma_wait3A_396] : memref<40x64xi32, #tpu.memory_space<vmem>> -> memref<1x64xi32, #tpu.memory_space<vmem>>
    %dma_wait3A_398 = tpu.memref_squeeze %dma_wait3A_397 : memref<1x64xi32, #tpu.memory_space<vmem>> -> memref<64xi32, #tpu.memory_space<vmem>>
    %dma_wait3A_399 = arith.constant 0 : i32
    %dma_wait3A_400 = arith.constant 0 : i32
    %dma_wait3A_401 = tpu.memref_slice %arg7[%dma_wait3A_399, %dma_wait3A_400] : memref<10112x128xf32, #tpu.memory_space<vmem_shared>> -> memref<10112x128xf32, #tpu.memory_space<vmem_shared>>
    tpu.wait_indirect_dma semaphore(%arg16 : memref<!tpu.dma_semaphore, #tpu.memory_space<semaphore_mem>>) src(%arg10 : memref<64x128xf32, #tpu.memory_space<vmem>>) dst(%dma_wait3A_401 : memref<10112x128xf32, #tpu.memory_space<vmem_shared>>)
    "tpu.trace_stop"() : () -> ()
    "tpu.trace_start"() <{level = 10 : i32, message = "edges2"}> : () -> ()
    %add3A_402 = arith.constant 80 : i32
    %add3A_403 = arith.addi %mul3A_36, %add3A_402 : i32
    "tpu.region"() ({
      %run_scoped3A = tpu.sem_alloc : memref<!tpu.dma_semaphore, #tpu.memory_space<semaphore_mem>>
      %dma_start3A_771 = arith.constant 0 : i32
      %dma_start3A_772 = tpu.memref_slice %arg3[%add3A_403, %dma_start3A_771] : memref<5120x64xi32, #tpu.memory_space<hbm>> -> memref<40x64xi32, #tpu.memory_space<hbm>>
      %dma_start3A_773 = arith.constant 0 : i32
      %dma_start3A_774 = tpu.memref_slice %arg3[%add3A_403, %dma_start3A_773] : memref<5120x64xi32, #tpu.memory_space<hbm>> -> memref<40x64xi32, #tpu.memory_space<hbm>>
      tpu.enqueue_dma source(%dma_start3A_774 : memref<40x64xi32, #tpu.memory_space<hbm>>) target(%arg8 : memref<40x64xi32, #tpu.memory_space<vmem>>) target_semaphore(%run_scoped3A : memref<!tpu.dma_semaphore, #tpu.memory_space<semaphore_mem>>)
      %dma_wait3A_775 = arith.constant 0 : i32
      %dma_wait3A_776 = tpu.memref_slice %arg3[%add3A_403, %dma_wait3A_775] : memref<5120x64xi32, #tpu.memory_space<hbm>> -> memref<40x64xi32, #tpu.memory_space<hbm>>
      %dma_wait3A_777 = arith.constant 0 : i32
      %dma_wait3A_778 = tpu.memref_slice %arg3[%add3A_403, %dma_wait3A_777] : memref<5120x64xi32, #tpu.memory_space<hbm>> -> memref<40x64xi32, #tpu.memory_space<hbm>>
      tpu.wait_dma2 semaphore(%run_scoped3A : memref<!tpu.dma_semaphore, #tpu.memory_space<semaphore_mem>>) src(%dma_wait3A_778 : memref<40x64xi32, #tpu.memory_space<hbm>>) dst(%arg8 : memref<40x64xi32, #tpu.memory_space<vmem>>)
      tpu.yield
    }) : () -> ()
    "tpu.region"() ({
      %run_scoped3A = tpu.sem_alloc : memref<!tpu.dma_semaphore, #tpu.memory_space<semaphore_mem>>
      %dma_start3A_771 = arith.constant 0 : i32
      %dma_start3A_772 = tpu.memref_slice %arg4[%add3A_403, %dma_start3A_771] : memref<5120x64xi32, #tpu.memory_space<hbm>> -> memref<40x64xi32, #tpu.memory_space<hbm>>
      %dma_start3A_773 = arith.constant 0 : i32
      %dma_start3A_774 = tpu.memref_slice %arg4[%add3A_403, %dma_start3A_773] : memref<5120x64xi32, #tpu.memory_space<hbm>> -> memref<40x64xi32, #tpu.memory_space<hbm>>
      tpu.enqueue_dma source(%dma_start3A_774 : memref<40x64xi32, #tpu.memory_space<hbm>>) target(%arg9 : memref<40x64xi32, #tpu.memory_space<vmem>>) target_semaphore(%run_scoped3A : memref<!tpu.dma_semaphore, #tpu.memory_space<semaphore_mem>>)
      %dma_wait3A_775 = arith.constant 0 : i32
      %dma_wait3A_776 = tpu.memref_slice %arg4[%add3A_403, %dma_wait3A_775] : memref<5120x64xi32, #tpu.memory_space<hbm>> -> memref<40x64xi32, #tpu.memory_space<hbm>>
      %dma_wait3A_777 = arith.constant 0 : i32
      %dma_wait3A_778 = tpu.memref_slice %arg4[%add3A_403, %dma_wait3A_777] : memref<5120x64xi32, #tpu.memory_space<hbm>> -> memref<40x64xi32, #tpu.memory_space<hbm>>
      tpu.wait_dma2 semaphore(%run_scoped3A : memref<!tpu.dma_semaphore, #tpu.memory_space<semaphore_mem>>) src(%dma_wait3A_778 : memref<40x64xi32, #tpu.memory_space<hbm>>) dst(%arg9 : memref<40x64xi32, #tpu.memory_space<vmem>>)
      tpu.yield
    }) : () -> ()
    %dma_start3A_404 = arith.constant 0 : i32
    %dma_start3A_405 = arith.constant 0 : i32
    %dma_start3A_406 = tpu.memref_slice %arg8[%dma_start3A_404, %dma_start3A_405] : memref<40x64xi32, #tpu.memory_space<vmem>> -> memref<1x64xi32, #tpu.memory_space<vmem>>
    %dma_start3A_407 = tpu.memref_squeeze %dma_start3A_406 : memref<1x64xi32, #tpu.memory_space<vmem>> -> memref<64xi32, #tpu.memory_space<vmem>>
    %dma_start3A_408 = arith.constant 0 : i32
    %dma_start3A_409 = arith.constant 0 : i32
    %dma_start3A_410 = tpu.memref_slice %arg2[%dma_start3A_408, %dma_start3A_409] : memref<10000x128xf32, #tpu.memory_space<hbm>> -> memref<10000x128xf32, #tpu.memory_space<hbm>>
    tpu.enqueue_indirect_dma source(%dma_start3A_410 : memref<10000x128xf32, #tpu.memory_space<hbm>>) target(%arg10 : memref<64x128xf32, #tpu.memory_space<vmem>>) offsets(%dma_start3A_407 : memref<64xi32, #tpu.memory_space<vmem>>) semaphore(%arg13 : memref<!tpu.dma_semaphore, #tpu.memory_space<semaphore_mem>>)
    %dma_start3A_411 = arith.constant 1 : i32
    %dma_start3A_412 = arith.constant 0 : i32
    %dma_start3A_413 = tpu.memref_slice %arg8[%dma_start3A_411, %dma_start3A_412] : memref<40x64xi32, #tpu.memory_space<vmem>> -> memref<1x64xi32, #tpu.memory_space<vmem>>
    %dma_start3A_414 = tpu.memref_squeeze %dma_start3A_413 : memref<1x64xi32, #tpu.memory_space<vmem>> -> memref<64xi32, #tpu.memory_space<vmem>>
    %dma_start3A_415 = arith.constant 0 : i32
    %dma_start3A_416 = arith.constant 0 : i32
    %dma_start3A_417 = tpu.memref_slice %arg2[%dma_start3A_415, %dma_start3A_416] : memref<10000x128xf32, #tpu.memory_space<hbm>> -> memref<10000x128xf32, #tpu.memory_space<hbm>>
    tpu.enqueue_indirect_dma source(%dma_start3A_417 : memref<10000x128xf32, #tpu.memory_space<hbm>>) target(%arg11 : memref<64x128xf32, #tpu.memory_space<vmem>>) offsets(%dma_start3A_414 : memref<64xi32, #tpu.memory_space<vmem>>) semaphore(%arg14 : memref<!tpu.dma_semaphore, #tpu.memory_space<semaphore_mem>>)
    %dma_wait3A_418 = arith.constant 0 : i32
    %dma_wait3A_419 = arith.constant 0 : i32
    %dma_wait3A_420 = tpu.memref_slice %arg8[%dma_wait3A_418, %dma_wait3A_419] : memref<40x64xi32, #tpu.memory_space<vmem>> -> memref<1x64xi32, #tpu.memory_space<vmem>>
    %dma_wait3A_421 = tpu.memref_squeeze %dma_wait3A_420 : memref<1x64xi32, #tpu.memory_space<vmem>> -> memref<64xi32, #tpu.memory_space<vmem>>
    %dma_wait3A_422 = arith.constant 0 : i32
    %dma_wait3A_423 = arith.constant 0 : i32
    %dma_wait3A_424 = tpu.memref_slice %arg2[%dma_wait3A_422, %dma_wait3A_423] : memref<10000x128xf32, #tpu.memory_space<hbm>> -> memref<10000x128xf32, #tpu.memory_space<hbm>>
    tpu.wait_indirect_dma semaphore(%arg13 : memref<!tpu.dma_semaphore, #tpu.memory_space<semaphore_mem>>) src(%dma_wait3A_424 : memref<10000x128xf32, #tpu.memory_space<hbm>>) dst(%arg10 : memref<64x128xf32, #tpu.memory_space<vmem>>)
    %dma_start3A_425 = arith.constant 0 : i32
    %dma_start3A_426 = arith.constant 0 : i32
    %dma_start3A_427 = tpu.memref_slice %arg9[%dma_start3A_425, %dma_start3A_426] : memref<40x64xi32, #tpu.memory_space<vmem>> -> memref<1x64xi32, #tpu.memory_space<vmem>>
    %dma_start3A_428 = tpu.memref_squeeze %dma_start3A_427 : memref<1x64xi32, #tpu.memory_space<vmem>> -> memref<64xi32, #tpu.memory_space<vmem>>
    %dma_start3A_429 = arith.constant 0 : i32
    %dma_start3A_430 = arith.constant 0 : i32
    %dma_start3A_431 = tpu.memref_slice %arg7[%dma_start3A_429, %dma_start3A_430] : memref<10112x128xf32, #tpu.memory_space<vmem_shared>> -> memref<10112x128xf32, #tpu.memory_space<vmem_shared>>
    tpu.enqueue_indirect_dma source(%arg10 : memref<64x128xf32, #tpu.memory_space<vmem>>) target(%dma_start3A_431 : memref<10112x128xf32, #tpu.memory_space<vmem_shared>>) offsets(%dma_start3A_428 : memref<64xi32, #tpu.memory_space<vmem>>) semaphore(%arg16 : memref<!tpu.dma_semaphore, #tpu.memory_space<semaphore_mem>>) {add = true}
    %get3A_432 = arith.constant 0 : i32
    %get3A_433 = arith.index_cast %get3A_432 : i32 to index
    %get3A_434 = arith.constant 0 : index
    %get3A_435 = tpu.vector_load %arg9[%get3A_433, %get3A_434] {strides = array<i32>} : memref<40x64xi32, #tpu.memory_space<vmem>>, vector<16xi32>,
    tpu.vector_store_idx %arg19[%get3A_435], %broadcast_in_dim3A_38 {add = true} : memref<10112xf32, #tpu.memory_space<vmem>>[vector<16xi32>], vector<16xf32>,
    %get3A_436 = arith.constant 0 : i32
    %get3A_437 = arith.index_cast %get3A_436 : i32 to index
    %get3A_438 = arith.constant 16 : index
    %get3A_439 = tpu.vector_load %arg9[%get3A_437, %get3A_438] {strides = array<i32>} : memref<40x64xi32, #tpu.memory_space<vmem>>, vector<16xi32>,
    tpu.vector_store_idx %arg19[%get3A_439], %broadcast_in_dim3A_38 {add = true} : memref<10112xf32, #tpu.memory_space<vmem>>[vector<16xi32>], vector<16xf32>,
    %get3A_440 = arith.constant 0 : i32
    %get3A_441 = arith.index_cast %get3A_440 : i32 to index
    %get3A_442 = arith.constant 32 : index
    %get3A_443 = tpu.vector_load %arg9[%get3A_441, %get3A_442] {strides = array<i32>} : memref<40x64xi32, #tpu.memory_space<vmem>>, vector<16xi32>,
    tpu.vector_store_idx %arg19[%get3A_443], %broadcast_in_dim3A_38 {add = true} : memref<10112xf32, #tpu.memory_space<vmem>>[vector<16xi32>], vector<16xf32>,
    %get3A_444 = arith.constant 0 : i32
    %get3A_445 = arith.index_cast %get3A_444 : i32 to index
    %get3A_446 = arith.constant 48 : index
    %get3A_447 = tpu.vector_load %arg9[%get3A_445, %get3A_446] {strides = array<i32>} : memref<40x64xi32, #tpu.memory_space<vmem>>, vector<16xi32>,
    tpu.vector_store_idx %arg19[%get3A_447], %broadcast_in_dim3A_38 {add = true} : memref<10112xf32, #tpu.memory_space<vmem>>[vector<16xi32>], vector<16xf32>,
    %dma_start3A_448 = arith.constant 2 : i32
    %dma_start3A_449 = arith.constant 0 : i32
    %dma_start3A_450 = tpu.memref_slice %arg8[%dma_start3A_448, %dma_start3A_449] : memref<40x64xi32, #tpu.memory_space<vmem>> -> memref<1x64xi32, #tpu.memory_space<vmem>>
    %dma_start3A_451 = tpu.memref_squeeze %dma_start3A_450 : memref<1x64xi32, #tpu.memory_space<vmem>> -> memref<64xi32, #tpu.memory_space<vmem>>
    %dma_start3A_452 = arith.constant 0 : i32
    %dma_start3A_453 = arith.constant 0 : i32
    %dma_start3A_454 = tpu.memref_slice %arg2[%dma_start3A_452, %dma_start3A_453] : memref<10000x128xf32, #tpu.memory_space<hbm>> -> memref<10000x128xf32, #tpu.memory_space<hbm>>
    tpu.enqueue_indirect_dma source(%dma_start3A_454 : memref<10000x128xf32, #tpu.memory_space<hbm>>) target(%arg12 : memref<64x128xf32, #tpu.memory_space<vmem>>) offsets(%dma_start3A_451 : memref<64xi32, #tpu.memory_space<vmem>>) semaphore(%arg15 : memref<!tpu.dma_semaphore, #tpu.memory_space<semaphore_mem>>)
    %scan3A_455 = arith.constant 0 : i32
    %scan3A_456 = arith.constant 12 : i32
    %scan3A_457 = arith.addi %scan3A_455, %scan3A_456 : i32
    %scan3A_458 = arith.constant 1 : i32
    scf.for %scan3A_771 = %scan3A_455 to %scan3A_457 step %scan3A_458  : i32 {
      %mul3A_772 = arith.constant 1 : i32
      %mul3A_773 = arith.muli %scan3A_771, %mul3A_772 : i32
      %add3A_774 = arith.constant 0 : i32
      %add3A_775 = arith.addi %add3A_774, %mul3A_773 : i32
      %mul3A_776 = arith.constant 3 : i32
      %mul3A_777 = arith.muli %mul3A_776, %add3A_775 : i32
      %add3A_778 = arith.constant 1 : i32
      %add3A_779 = arith.addi %mul3A_777, %add3A_778 : i32
      %dma_wait3A_780 = arith.constant 0 : i32
      %dma_wait3A_781 = arith.constant 0 : i32
      %dma_wait3A_782 = tpu.memref_slice %arg8[%dma_wait3A_780, %dma_wait3A_781] : memref<40x64xi32, #tpu.memory_space<vmem>> -> memref<1x64xi32, #tpu.memory_space<vmem>>
      %dma_wait3A_783 = tpu.memref_squeeze %dma_wait3A_782 : memref<1x64xi32, #tpu.memory_space<vmem>> -> memref<64xi32, #tpu.memory_space<vmem>>
      %dma_wait3A_784 = arith.constant 0 : i32
      %dma_wait3A_785 = arith.constant 0 : i32
      %dma_wait3A_786 = tpu.memref_slice %arg2[%dma_wait3A_784, %dma_wait3A_785] : memref<10000x128xf32, #tpu.memory_space<hbm>> -> memref<10000x128xf32, #tpu.memory_space<hbm>>
      tpu.wait_indirect_dma semaphore(%arg14 : memref<!tpu.dma_semaphore, #tpu.memory_space<semaphore_mem>>) src(%dma_wait3A_786 : memref<10000x128xf32, #tpu.memory_space<hbm>>) dst(%arg11 : memref<64x128xf32, #tpu.memory_space<vmem>>)
      %dma_start3A_787 = arith.constant 0 : i32
      %dma_start3A_788 = tpu.memref_slice %arg9[%add3A_779, %dma_start3A_787] : memref<40x64xi32, #tpu.memory_space<vmem>> -> memref<1x64xi32, #tpu.memory_space<vmem>>
      %dma_start3A_789 = tpu.memref_squeeze %dma_start3A_788 : memref<1x64xi32, #tpu.memory_space<vmem>> -> memref<64xi32, #tpu.memory_space<vmem>>
      %dma_start3A_790 = arith.constant 0 : i32
      %dma_start3A_791 = arith.constant 0 : i32
      %dma_start3A_792 = tpu.memref_slice %arg7[%dma_start3A_790, %dma_start3A_791] : memref<10112x128xf32, #tpu.memory_space<vmem_shared>> -> memref<10112x128xf32, #tpu.memory_space<vmem_shared>>
      tpu.enqueue_indirect_dma source(%arg11 : memref<64x128xf32, #tpu.memory_space<vmem>>) target(%dma_start3A_792 : memref<10112x128xf32, #tpu.memory_space<vmem_shared>>) offsets(%dma_start3A_789 : memref<64xi32, #tpu.memory_space<vmem>>) semaphore(%arg17 : memref<!tpu.dma_semaphore, #tpu.memory_space<semaphore_mem>>) {add = true}
      %get3A_793 = arith.index_cast %add3A_779 : i32 to index
      %get3A_794 = arith.constant 0 : index
      %get3A_795 = tpu.vector_load %arg9[%get3A_793, %get3A_794] {strides = array<i32>} : memref<40x64xi32, #tpu.memory_space<vmem>>, vector<16xi32>,
      tpu.vector_store_idx %arg19[%get3A_795], %broadcast_in_dim3A_38 {add = true} : memref<10112xf32, #tpu.memory_space<vmem>>[vector<16xi32>], vector<16xf32>,
      %get3A_796 = arith.index_cast %add3A_779 : i32 to index
      %get3A_797 = arith.constant 16 : index
      %get3A_798 = tpu.vector_load %arg9[%get3A_796, %get3A_797] {strides = array<i32>} : memref<40x64xi32, #tpu.memory_space<vmem>>, vector<16xi32>,
      tpu.vector_store_idx %arg19[%get3A_798], %broadcast_in_dim3A_38 {add = true} : memref<10112xf32, #tpu.memory_space<vmem>>[vector<16xi32>], vector<16xf32>,
      %get3A_799 = arith.index_cast %add3A_779 : i32 to index
      %get3A_800 = arith.constant 32 : index
      %get3A_801 = tpu.vector_load %arg9[%get3A_799, %get3A_800] {strides = array<i32>} : memref<40x64xi32, #tpu.memory_space<vmem>>, vector<16xi32>,
      tpu.vector_store_idx %arg19[%get3A_801], %broadcast_in_dim3A_38 {add = true} : memref<10112xf32, #tpu.memory_space<vmem>>[vector<16xi32>], vector<16xf32>,
      %get3A_802 = arith.index_cast %add3A_779 : i32 to index
      %get3A_803 = arith.constant 48 : index
      %get3A_804 = tpu.vector_load %arg9[%get3A_802, %get3A_803] {strides = array<i32>} : memref<40x64xi32, #tpu.memory_space<vmem>>, vector<16xi32>,
      tpu.vector_store_idx %arg19[%get3A_804], %broadcast_in_dim3A_38 {add = true} : memref<10112xf32, #tpu.memory_space<vmem>>[vector<16xi32>], vector<16xf32>,
      %dma_wait3A_805 = arith.constant 0 : i32
      %dma_wait3A_806 = arith.constant 0 : i32
      %dma_wait3A_807 = tpu.memref_slice %arg9[%dma_wait3A_805, %dma_wait3A_806] : memref<40x64xi32, #tpu.memory_space<vmem>> -> memref<1x64xi32, #tpu.memory_space<vmem>>
      %dma_wait3A_808 = tpu.memref_squeeze %dma_wait3A_807 : memref<1x64xi32, #tpu.memory_space<vmem>> -> memref<64xi32, #tpu.memory_space<vmem>>
      %dma_wait3A_809 = arith.constant 0 : i32
      %dma_wait3A_810 = arith.constant 0 : i32
      %dma_wait3A_811 = tpu.memref_slice %arg7[%dma_wait3A_809, %dma_wait3A_810] : memref<10112x128xf32, #tpu.memory_space<vmem_shared>> -> memref<10112x128xf32, #tpu.memory_space<vmem_shared>>
      tpu.wait_indirect_dma semaphore(%arg16 : memref<!tpu.dma_semaphore, #tpu.memory_space<semaphore_mem>>) src(%arg10 : memref<64x128xf32, #tpu.memory_space<vmem>>) dst(%dma_wait3A_811 : memref<10112x128xf32, #tpu.memory_space<vmem_shared>>)
      %add3A_812 = arith.constant 2 : i32
      %add3A_813 = arith.addi %add3A_779, %add3A_812 : i32
      %dma_start3A_814 = arith.constant 0 : i32
      %dma_start3A_815 = tpu.memref_slice %arg8[%add3A_813, %dma_start3A_814] : memref<40x64xi32, #tpu.memory_space<vmem>> -> memref<1x64xi32, #tpu.memory_space<vmem>>
      %dma_start3A_816 = tpu.memref_squeeze %dma_start3A_815 : memref<1x64xi32, #tpu.memory_space<vmem>> -> memref<64xi32, #tpu.memory_space<vmem>>
      %dma_start3A_817 = arith.constant 0 : i32
      %dma_start3A_818 = arith.constant 0 : i32
      %dma_start3A_819 = tpu.memref_slice %arg2[%dma_start3A_817, %dma_start3A_818] : memref<10000x128xf32, #tpu.memory_space<hbm>> -> memref<10000x128xf32, #tpu.memory_space<hbm>>
      tpu.enqueue_indirect_dma source(%dma_start3A_819 : memref<10000x128xf32, #tpu.memory_space<hbm>>) target(%arg10 : memref<64x128xf32, #tpu.memory_space<vmem>>) offsets(%dma_start3A_816 : memref<64xi32, #tpu.memory_space<vmem>>) semaphore(%arg13 : memref<!tpu.dma_semaphore, #tpu.memory_space<semaphore_mem>>)
      %dma_wait3A_820 = arith.constant 0 : i32
      %dma_wait3A_821 = arith.constant 0 : i32
      %dma_wait3A_822 = tpu.memref_slice %arg8[%dma_wait3A_820, %dma_wait3A_821] : memref<40x64xi32, #tpu.memory_space<vmem>> -> memref<1x64xi32, #tpu.memory_space<vmem>>
      %dma_wait3A_823 = tpu.memref_squeeze %dma_wait3A_822 : memref<1x64xi32, #tpu.memory_space<vmem>> -> memref<64xi32, #tpu.memory_space<vmem>>
      %dma_wait3A_824 = arith.constant 0 : i32
      %dma_wait3A_825 = arith.constant 0 : i32
      %dma_wait3A_826 = tpu.memref_slice %arg2[%dma_wait3A_824, %dma_wait3A_825] : memref<10000x128xf32, #tpu.memory_space<hbm>> -> memref<10000x128xf32, #tpu.memory_space<hbm>>
      tpu.wait_indirect_dma semaphore(%arg15 : memref<!tpu.dma_semaphore, #tpu.memory_space<semaphore_mem>>) src(%dma_wait3A_826 : memref<10000x128xf32, #tpu.memory_space<hbm>>) dst(%arg12 : memref<64x128xf32, #tpu.memory_space<vmem>>)
      %add3A_827 = arith.constant 1 : i32
      %add3A_828 = arith.addi %add3A_779, %add3A_827 : i32
      %dma_start3A_829 = arith.constant 0 : i32
      %dma_start3A_830 = tpu.memref_slice %arg9[%add3A_828, %dma_start3A_829] : memref<40x64xi32, #tpu.memory_space<vmem>> -> memref<1x64xi32, #tpu.memory_space<vmem>>
      %dma_start3A_831 = tpu.memref_squeeze %dma_start3A_830 : memref<1x64xi32, #tpu.memory_space<vmem>> -> memref<64xi32, #tpu.memory_space<vmem>>
      %dma_start3A_832 = arith.constant 0 : i32
      %dma_start3A_833 = arith.constant 0 : i32
      %dma_start3A_834 = tpu.memref_slice %arg7[%dma_start3A_832, %dma_start3A_833] : memref<10112x128xf32, #tpu.memory_space<vmem_shared>> -> memref<10112x128xf32, #tpu.memory_space<vmem_shared>>
      tpu.enqueue_indirect_dma source(%arg12 : memref<64x128xf32, #tpu.memory_space<vmem>>) target(%dma_start3A_834 : memref<10112x128xf32, #tpu.memory_space<vmem_shared>>) offsets(%dma_start3A_831 : memref<64xi32, #tpu.memory_space<vmem>>) semaphore(%arg18 : memref<!tpu.dma_semaphore, #tpu.memory_space<semaphore_mem>>) {add = true}
      %add3A_835 = arith.constant 1 : i32
      %add3A_836 = arith.addi %add3A_779, %add3A_835 : i32
      %get3A_837 = arith.index_cast %add3A_836 : i32 to index
      %get3A_838 = arith.constant 0 : index
      %get3A_839 = tpu.vector_load %arg9[%get3A_837, %get3A_838] {strides = array<i32>} : memref<40x64xi32, #tpu.memory_space<vmem>>, vector<16xi32>,
      tpu.vector_store_idx %arg19[%get3A_839], %broadcast_in_dim3A_38 {add = true} : memref<10112xf32, #tpu.memory_space<vmem>>[vector<16xi32>], vector<16xf32>,
      %get3A_840 = arith.index_cast %add3A_836 : i32 to index
      %get3A_841 = arith.constant 16 : index
      %get3A_842 = tpu.vector_load %arg9[%get3A_840, %get3A_841] {strides = array<i32>} : memref<40x64xi32, #tpu.memory_space<vmem>>, vector<16xi32>,
      tpu.vector_store_idx %arg19[%get3A_842], %broadcast_in_dim3A_38 {add = true} : memref<10112xf32, #tpu.memory_space<vmem>>[vector<16xi32>], vector<16xf32>,
      %get3A_843 = arith.index_cast %add3A_836 : i32 to index
      %get3A_844 = arith.constant 32 : index
      %get3A_845 = tpu.vector_load %arg9[%get3A_843, %get3A_844] {strides = array<i32>} : memref<40x64xi32, #tpu.memory_space<vmem>>, vector<16xi32>,
      tpu.vector_store_idx %arg19[%get3A_845], %broadcast_in_dim3A_38 {add = true} : memref<10112xf32, #tpu.memory_space<vmem>>[vector<16xi32>], vector<16xf32>,
      %get3A_846 = arith.index_cast %add3A_836 : i32 to index
      %get3A_847 = arith.constant 48 : index
      %get3A_848 = tpu.vector_load %arg9[%get3A_846, %get3A_847] {strides = array<i32>} : memref<40x64xi32, #tpu.memory_space<vmem>>, vector<16xi32>,
      tpu.vector_store_idx %arg19[%get3A_848], %broadcast_in_dim3A_38 {add = true} : memref<10112xf32, #tpu.memory_space<vmem>>[vector<16xi32>], vector<16xf32>,
      %dma_wait3A_849 = arith.constant 0 : i32
      %dma_wait3A_850 = arith.constant 0 : i32
      %dma_wait3A_851 = tpu.memref_slice %arg9[%dma_wait3A_849, %dma_wait3A_850] : memref<40x64xi32, #tpu.memory_space<vmem>> -> memref<1x64xi32, #tpu.memory_space<vmem>>
      %dma_wait3A_852 = tpu.memref_squeeze %dma_wait3A_851 : memref<1x64xi32, #tpu.memory_space<vmem>> -> memref<64xi32, #tpu.memory_space<vmem>>
      %dma_wait3A_853 = arith.constant 0 : i32
      %dma_wait3A_854 = arith.constant 0 : i32
      %dma_wait3A_855 = tpu.memref_slice %arg7[%dma_wait3A_853, %dma_wait3A_854] : memref<10112x128xf32, #tpu.memory_space<vmem_shared>> -> memref<10112x128xf32, #tpu.memory_space<vmem_shared>>
      tpu.wait_indirect_dma semaphore(%arg17 : memref<!tpu.dma_semaphore, #tpu.memory_space<semaphore_mem>>) src(%arg11 : memref<64x128xf32, #tpu.memory_space<vmem>>) dst(%dma_wait3A_855 : memref<10112x128xf32, #tpu.memory_space<vmem_shared>>)
      %add3A_856 = arith.constant 3 : i32
      %add3A_857 = arith.addi %add3A_779, %add3A_856 : i32
      %dma_start3A_858 = arith.constant 0 : i32
      %dma_start3A_859 = tpu.memref_slice %arg8[%add3A_857, %dma_start3A_858] : memref<40x64xi32, #tpu.memory_space<vmem>> -> memref<1x64xi32, #tpu.memory_space<vmem>>
      %dma_start3A_860 = tpu.memref_squeeze %dma_start3A_859 : memref<1x64xi32, #tpu.memory_space<vmem>> -> memref<64xi32, #tpu.memory_space<vmem>>
      %dma_start3A_861 = arith.constant 0 : i32
      %dma_start3A_862 = arith.constant 0 : i32
      %dma_start3A_863 = tpu.memref_slice %arg2[%dma_start3A_861, %dma_start3A_862] : memref<10000x128xf32, #tpu.memory_space<hbm>> -> memref<10000x128xf32, #tpu.memory_space<hbm>>
      tpu.enqueue_indirect_dma source(%dma_start3A_863 : memref<10000x128xf32, #tpu.memory_space<hbm>>) target(%arg11 : memref<64x128xf32, #tpu.memory_space<vmem>>) offsets(%dma_start3A_860 : memref<64xi32, #tpu.memory_space<vmem>>) semaphore(%arg14 : memref<!tpu.dma_semaphore, #tpu.memory_space<semaphore_mem>>)
      %dma_wait3A_864 = arith.constant 0 : i32
      %dma_wait3A_865 = arith.constant 0 : i32
      %dma_wait3A_866 = tpu.memref_slice %arg8[%dma_wait3A_864, %dma_wait3A_865] : memref<40x64xi32, #tpu.memory_space<vmem>> -> memref<1x64xi32, #tpu.memory_space<vmem>>
      %dma_wait3A_867 = tpu.memref_squeeze %dma_wait3A_866 : memref<1x64xi32, #tpu.memory_space<vmem>> -> memref<64xi32, #tpu.memory_space<vmem>>
      %dma_wait3A_868 = arith.constant 0 : i32
      %dma_wait3A_869 = arith.constant 0 : i32
      %dma_wait3A_870 = tpu.memref_slice %arg2[%dma_wait3A_868, %dma_wait3A_869] : memref<10000x128xf32, #tpu.memory_space<hbm>> -> memref<10000x128xf32, #tpu.memory_space<hbm>>
      tpu.wait_indirect_dma semaphore(%arg13 : memref<!tpu.dma_semaphore, #tpu.memory_space<semaphore_mem>>) src(%dma_wait3A_870 : memref<10000x128xf32, #tpu.memory_space<hbm>>) dst(%arg10 : memref<64x128xf32, #tpu.memory_space<vmem>>)
      %add3A_871 = arith.constant 2 : i32
      %add3A_872 = arith.addi %add3A_779, %add3A_871 : i32
      %dma_start3A_873 = arith.constant 0 : i32
      %dma_start3A_874 = tpu.memref_slice %arg9[%add3A_872, %dma_start3A_873] : memref<40x64xi32, #tpu.memory_space<vmem>> -> memref<1x64xi32, #tpu.memory_space<vmem>>
      %dma_start3A_875 = tpu.memref_squeeze %dma_start3A_874 : memref<1x64xi32, #tpu.memory_space<vmem>> -> memref<64xi32, #tpu.memory_space<vmem>>
      %dma_start3A_876 = arith.constant 0 : i32
      %dma_start3A_877 = arith.constant 0 : i32
      %dma_start3A_878 = tpu.memref_slice %arg7[%dma_start3A_876, %dma_start3A_877] : memref<10112x128xf32, #tpu.memory_space<vmem_shared>> -> memref<10112x128xf32, #tpu.memory_space<vmem_shared>>
      tpu.enqueue_indirect_dma source(%arg10 : memref<64x128xf32, #tpu.memory_space<vmem>>) target(%dma_start3A_878 : memref<10112x128xf32, #tpu.memory_space<vmem_shared>>) offsets(%dma_start3A_875 : memref<64xi32, #tpu.memory_space<vmem>>) semaphore(%arg16 : memref<!tpu.dma_semaphore, #tpu.memory_space<semaphore_mem>>) {add = true}
      %add3A_879 = arith.constant 2 : i32
      %add3A_880 = arith.addi %add3A_779, %add3A_879 : i32
      %get3A_881 = arith.index_cast %add3A_880 : i32 to index
      %get3A_882 = arith.constant 0 : index
      %get3A_883 = tpu.vector_load %arg9[%get3A_881, %get3A_882] {strides = array<i32>} : memref<40x64xi32, #tpu.memory_space<vmem>>, vector<16xi32>,
      tpu.vector_store_idx %arg19[%get3A_883], %broadcast_in_dim3A_38 {add = true} : memref<10112xf32, #tpu.memory_space<vmem>>[vector<16xi32>], vector<16xf32>,
      %get3A_884 = arith.index_cast %add3A_880 : i32 to index
      %get3A_885 = arith.constant 16 : index
      %get3A_886 = tpu.vector_load %arg9[%get3A_884, %get3A_885] {strides = array<i32>} : memref<40x64xi32, #tpu.memory_space<vmem>>, vector<16xi32>,
      tpu.vector_store_idx %arg19[%get3A_886], %broadcast_in_dim3A_38 {add = true} : memref<10112xf32, #tpu.memory_space<vmem>>[vector<16xi32>], vector<16xf32>,
      %get3A_887 = arith.index_cast %add3A_880 : i32 to index
      %get3A_888 = arith.constant 32 : index
      %get3A_889 = tpu.vector_load %arg9[%get3A_887, %get3A_888] {strides = array<i32>} : memref<40x64xi32, #tpu.memory_space<vmem>>, vector<16xi32>,
      tpu.vector_store_idx %arg19[%get3A_889], %broadcast_in_dim3A_38 {add = true} : memref<10112xf32, #tpu.memory_space<vmem>>[vector<16xi32>], vector<16xf32>,
      %get3A_890 = arith.index_cast %add3A_880 : i32 to index
      %get3A_891 = arith.constant 48 : index
      %get3A_892 = tpu.vector_load %arg9[%get3A_890, %get3A_891] {strides = array<i32>} : memref<40x64xi32, #tpu.memory_space<vmem>>, vector<16xi32>,
      tpu.vector_store_idx %arg19[%get3A_892], %broadcast_in_dim3A_38 {add = true} : memref<10112xf32, #tpu.memory_space<vmem>>[vector<16xi32>], vector<16xf32>,
      %dma_wait3A_893 = arith.constant 0 : i32
      %dma_wait3A_894 = arith.constant 0 : i32
      %dma_wait3A_895 = tpu.memref_slice %arg9[%dma_wait3A_893, %dma_wait3A_894] : memref<40x64xi32, #tpu.memory_space<vmem>> -> memref<1x64xi32, #tpu.memory_space<vmem>>
      %dma_wait3A_896 = tpu.memref_squeeze %dma_wait3A_895 : memref<1x64xi32, #tpu.memory_space<vmem>> -> memref<64xi32, #tpu.memory_space<vmem>>
      %dma_wait3A_897 = arith.constant 0 : i32
      %dma_wait3A_898 = arith.constant 0 : i32
      %dma_wait3A_899 = tpu.memref_slice %arg7[%dma_wait3A_897, %dma_wait3A_898] : memref<10112x128xf32, #tpu.memory_space<vmem_shared>> -> memref<10112x128xf32, #tpu.memory_space<vmem_shared>>
      tpu.wait_indirect_dma semaphore(%arg18 : memref<!tpu.dma_semaphore, #tpu.memory_space<semaphore_mem>>) src(%arg12 : memref<64x128xf32, #tpu.memory_space<vmem>>) dst(%dma_wait3A_899 : memref<10112x128xf32, #tpu.memory_space<vmem_shared>>)
      %add3A_900 = arith.constant 4 : i32
      %add3A_901 = arith.addi %add3A_779, %add3A_900 : i32
      %dma_start3A_902 = arith.constant 0 : i32
      %dma_start3A_903 = tpu.memref_slice %arg8[%add3A_901, %dma_start3A_902] : memref<40x64xi32, #tpu.memory_space<vmem>> -> memref<1x64xi32, #tpu.memory_space<vmem>>
      %dma_start3A_904 = tpu.memref_squeeze %dma_start3A_903 : memref<1x64xi32, #tpu.memory_space<vmem>> -> memref<64xi32, #tpu.memory_space<vmem>>
      %dma_start3A_905 = arith.constant 0 : i32
      %dma_start3A_906 = arith.constant 0 : i32
      %dma_start3A_907 = tpu.memref_slice %arg2[%dma_start3A_905, %dma_start3A_906] : memref<10000x128xf32, #tpu.memory_space<hbm>> -> memref<10000x128xf32, #tpu.memory_space<hbm>>
      tpu.enqueue_indirect_dma source(%dma_start3A_907 : memref<10000x128xf32, #tpu.memory_space<hbm>>) target(%arg12 : memref<64x128xf32, #tpu.memory_space<vmem>>) offsets(%dma_start3A_904 : memref<64xi32, #tpu.memory_space<vmem>>) semaphore(%arg15 : memref<!tpu.dma_semaphore, #tpu.memory_space<semaphore_mem>>)
    }
    %scan3A_459 = arith.constant 12 : i32
    %dma_wait3A_460 = arith.constant 0 : i32
    %dma_wait3A_461 = arith.constant 0 : i32
    %dma_wait3A_462 = tpu.memref_slice %arg8[%dma_wait3A_460, %dma_wait3A_461] : memref<40x64xi32, #tpu.memory_space<vmem>> -> memref<1x64xi32, #tpu.memory_space<vmem>>
    %dma_wait3A_463 = tpu.memref_squeeze %dma_wait3A_462 : memref<1x64xi32, #tpu.memory_space<vmem>> -> memref<64xi32, #tpu.memory_space<vmem>>
    %dma_wait3A_464 = arith.constant 0 : i32
    %dma_wait3A_465 = arith.constant 0 : i32
    %dma_wait3A_466 = tpu.memref_slice %arg2[%dma_wait3A_464, %dma_wait3A_465] : memref<10000x128xf32, #tpu.memory_space<hbm>> -> memref<10000x128xf32, #tpu.memory_space<hbm>>
    tpu.wait_indirect_dma semaphore(%arg14 : memref<!tpu.dma_semaphore, #tpu.memory_space<semaphore_mem>>) src(%dma_wait3A_466 : memref<10000x128xf32, #tpu.memory_space<hbm>>) dst(%arg11 : memref<64x128xf32, #tpu.memory_space<vmem>>)
    %dma_start3A_467 = arith.constant 37 : i32
    %dma_start3A_468 = arith.constant 0 : i32
    %dma_start3A_469 = tpu.memref_slice %arg9[%dma_start3A_467, %dma_start3A_468] : memref<40x64xi32, #tpu.memory_space<vmem>> -> memref<1x64xi32, #tpu.memory_space<vmem>>
    %dma_start3A_470 = tpu.memref_squeeze %dma_start3A_469 : memref<1x64xi32, #tpu.memory_space<vmem>> -> memref<64xi32, #tpu.memory_space<vmem>>
    %dma_start3A_471 = arith.constant 0 : i32
    %dma_start3A_472 = arith.constant 0 : i32
    %dma_start3A_473 = tpu.memref_slice %arg7[%dma_start3A_471, %dma_start3A_472] : memref<10112x128xf32, #tpu.memory_space<vmem_shared>> -> memref<10112x128xf32, #tpu.memory_space<vmem_shared>>
    tpu.enqueue_indirect_dma source(%arg11 : memref<64x128xf32, #tpu.memory_space<vmem>>) target(%dma_start3A_473 : memref<10112x128xf32, #tpu.memory_space<vmem_shared>>) offsets(%dma_start3A_470 : memref<64xi32, #tpu.memory_space<vmem>>) semaphore(%arg17 : memref<!tpu.dma_semaphore, #tpu.memory_space<semaphore_mem>>) {add = true}
    %get3A_474 = arith.constant 37 : i32
    %get3A_475 = arith.index_cast %get3A_474 : i32 to index
    %get3A_476 = arith.constant 0 : index
    %get3A_477 = tpu.vector_load %arg9[%get3A_475, %get3A_476] {strides = array<i32>} : memref<40x64xi32, #tpu.memory_space<vmem>>, vector<16xi32>,
    tpu.vector_store_idx %arg19[%get3A_477], %broadcast_in_dim3A_38 {add = true} : memref<10112xf32, #tpu.memory_space<vmem>>[vector<16xi32>], vector<16xf32>,
    %get3A_478 = arith.constant 37 : i32
    %get3A_479 = arith.index_cast %get3A_478 : i32 to index
    %get3A_480 = arith.constant 16 : index
    %get3A_481 = tpu.vector_load %arg9[%get3A_479, %get3A_480] {strides = array<i32>} : memref<40x64xi32, #tpu.memory_space<vmem>>, vector<16xi32>,
    tpu.vector_store_idx %arg19[%get3A_481], %broadcast_in_dim3A_38 {add = true} : memref<10112xf32, #tpu.memory_space<vmem>>[vector<16xi32>], vector<16xf32>,
    %get3A_482 = arith.constant 37 : i32
    %get3A_483 = arith.index_cast %get3A_482 : i32 to index
    %get3A_484 = arith.constant 32 : index
    %get3A_485 = tpu.vector_load %arg9[%get3A_483, %get3A_484] {strides = array<i32>} : memref<40x64xi32, #tpu.memory_space<vmem>>, vector<16xi32>,
    tpu.vector_store_idx %arg19[%get3A_485], %broadcast_in_dim3A_38 {add = true} : memref<10112xf32, #tpu.memory_space<vmem>>[vector<16xi32>], vector<16xf32>,
    %get3A_486 = arith.constant 37 : i32
    %get3A_487 = arith.index_cast %get3A_486 : i32 to index
    %get3A_488 = arith.constant 48 : index
    %get3A_489 = tpu.vector_load %arg9[%get3A_487, %get3A_488] {strides = array<i32>} : memref<40x64xi32, #tpu.memory_space<vmem>>, vector<16xi32>,
    tpu.vector_store_idx %arg19[%get3A_489], %broadcast_in_dim3A_38 {add = true} : memref<10112xf32, #tpu.memory_space<vmem>>[vector<16xi32>], vector<16xf32>,
    %dma_wait3A_490 = arith.constant 0 : i32
    %dma_wait3A_491 = arith.constant 0 : i32
    %dma_wait3A_492 = tpu.memref_slice %arg9[%dma_wait3A_490, %dma_wait3A_491] : memref<40x64xi32, #tpu.memory_space<vmem>> -> memref<1x64xi32, #tpu.memory_space<vmem>>
    %dma_wait3A_493 = tpu.memref_squeeze %dma_wait3A_492 : memref<1x64xi32, #tpu.memory_space<vmem>> -> memref<64xi32, #tpu.memory_space<vmem>>
    %dma_wait3A_494 = arith.constant 0 : i32
    %dma_wait3A_495 = arith.constant 0 : i32
    %dma_wait3A_496 = tpu.memref_slice %arg7[%dma_wait3A_494, %dma_wait3A_495] : memref<10112x128xf32, #tpu.memory_space<vmem_shared>> -> memref<10112x128xf32, #tpu.memory_space<vmem_shared>>
    tpu.wait_indirect_dma semaphore(%arg16 : memref<!tpu.dma_semaphore, #tpu.memory_space<semaphore_mem>>) src(%arg10 : memref<64x128xf32, #tpu.memory_space<vmem>>) dst(%dma_wait3A_496 : memref<10112x128xf32, #tpu.memory_space<vmem_shared>>)
    %dma_start3A_497 = arith.constant 39 : i32
    %dma_start3A_498 = arith.constant 0 : i32
    %dma_start3A_499 = tpu.memref_slice %arg8[%dma_start3A_497, %dma_start3A_498] : memref<40x64xi32, #tpu.memory_space<vmem>> -> memref<1x64xi32, #tpu.memory_space<vmem>>
    %dma_start3A_500 = tpu.memref_squeeze %dma_start3A_499 : memref<1x64xi32, #tpu.memory_space<vmem>> -> memref<64xi32, #tpu.memory_space<vmem>>
    %dma_start3A_501 = arith.constant 0 : i32
    %dma_start3A_502 = arith.constant 0 : i32
    %dma_start3A_503 = tpu.memref_slice %arg2[%dma_start3A_501, %dma_start3A_502] : memref<10000x128xf32, #tpu.memory_space<hbm>> -> memref<10000x128xf32, #tpu.memory_space<hbm>>
    tpu.enqueue_indirect_dma source(%dma_start3A_503 : memref<10000x128xf32, #tpu.memory_space<hbm>>) target(%arg10 : memref<64x128xf32, #tpu.memory_space<vmem>>) offsets(%dma_start3A_500 : memref<64xi32, #tpu.memory_space<vmem>>) semaphore(%arg13 : memref<!tpu.dma_semaphore, #tpu.memory_space<semaphore_mem>>)
    %dma_wait3A_504 = arith.constant 0 : i32
    %dma_wait3A_505 = arith.constant 0 : i32
    %dma_wait3A_506 = tpu.memref_slice %arg8[%dma_wait3A_504, %dma_wait3A_505] : memref<40x64xi32, #tpu.memory_space<vmem>> -> memref<1x64xi32, #tpu.memory_space<vmem>>
    %dma_wait3A_507 = tpu.memref_squeeze %dma_wait3A_506 : memref<1x64xi32, #tpu.memory_space<vmem>> -> memref<64xi32, #tpu.memory_space<vmem>>
    %dma_wait3A_508 = arith.constant 0 : i32
    %dma_wait3A_509 = arith.constant 0 : i32
    %dma_wait3A_510 = tpu.memref_slice %arg2[%dma_wait3A_508, %dma_wait3A_509] : memref<10000x128xf32, #tpu.memory_space<hbm>> -> memref<10000x128xf32, #tpu.memory_space<hbm>>
    tpu.wait_indirect_dma semaphore(%arg15 : memref<!tpu.dma_semaphore, #tpu.memory_space<semaphore_mem>>) src(%dma_wait3A_510 : memref<10000x128xf32, #tpu.memory_space<hbm>>) dst(%arg12 : memref<64x128xf32, #tpu.memory_space<vmem>>)
    %dma_start3A_511 = arith.constant 38 : i32
    %dma_start3A_512 = arith.constant 0 : i32
    %dma_start3A_513 = tpu.memref_slice %arg9[%dma_start3A_511, %dma_start3A_512] : memref<40x64xi32, #tpu.memory_space<vmem>> -> memref<1x64xi32, #tpu.memory_space<vmem>>
    %dma_start3A_514 = tpu.memref_squeeze %dma_start3A_513 : memref<1x64xi32, #tpu.memory_space<vmem>> -> memref<64xi32, #tpu.memory_space<vmem>>
    %dma_start3A_515 = arith.constant 0 : i32
    %dma_start3A_516 = arith.constant 0 : i32
    %dma_start3A_517 = tpu.memref_slice %arg7[%dma_start3A_515, %dma_start3A_516] : memref<10112x128xf32, #tpu.memory_space<vmem_shared>> -> memref<10112x128xf32, #tpu.memory_space<vmem_shared>>
    tpu.enqueue_indirect_dma source(%arg12 : memref<64x128xf32, #tpu.memory_space<vmem>>) target(%dma_start3A_517 : memref<10112x128xf32, #tpu.memory_space<vmem_shared>>) offsets(%dma_start3A_514 : memref<64xi32, #tpu.memory_space<vmem>>) semaphore(%arg18 : memref<!tpu.dma_semaphore, #tpu.memory_space<semaphore_mem>>) {add = true}
    %get3A_518 = arith.constant 38 : i32
    %get3A_519 = arith.index_cast %get3A_518 : i32 to index
    %get3A_520 = arith.constant 0 : index
    %get3A_521 = tpu.vector_load %arg9[%get3A_519, %get3A_520] {strides = array<i32>} : memref<40x64xi32, #tpu.memory_space<vmem>>, vector<16xi32>,
    tpu.vector_store_idx %arg19[%get3A_521], %broadcast_in_dim3A_38 {add = true} : memref<10112xf32, #tpu.memory_space<vmem>>[vector<16xi32>], vector<16xf32>,
    %get3A_522 = arith.constant 38 : i32
    %get3A_523 = arith.index_cast %get3A_522 : i32 to index
    %get3A_524 = arith.constant 16 : index
    %get3A_525 = tpu.vector_load %arg9[%get3A_523, %get3A_524] {strides = array<i32>} : memref<40x64xi32, #tpu.memory_space<vmem>>, vector<16xi32>,
    tpu.vector_store_idx %arg19[%get3A_525], %broadcast_in_dim3A_38 {add = true} : memref<10112xf32, #tpu.memory_space<vmem>>[vector<16xi32>], vector<16xf32>,
    %get3A_526 = arith.constant 38 : i32
    %get3A_527 = arith.index_cast %get3A_526 : i32 to index
    %get3A_528 = arith.constant 32 : index
    %get3A_529 = tpu.vector_load %arg9[%get3A_527, %get3A_528] {strides = array<i32>} : memref<40x64xi32, #tpu.memory_space<vmem>>, vector<16xi32>,
    tpu.vector_store_idx %arg19[%get3A_529], %broadcast_in_dim3A_38 {add = true} : memref<10112xf32, #tpu.memory_space<vmem>>[vector<16xi32>], vector<16xf32>,
    %get3A_530 = arith.constant 38 : i32
    %get3A_531 = arith.index_cast %get3A_530 : i32 to index
    %get3A_532 = arith.constant 48 : index
    %get3A_533 = tpu.vector_load %arg9[%get3A_531, %get3A_532] {strides = array<i32>} : memref<40x64xi32, #tpu.memory_space<vmem>>, vector<16xi32>,
    tpu.vector_store_idx %arg19[%get3A_533], %broadcast_in_dim3A_38 {add = true} : memref<10112xf32, #tpu.memory_space<vmem>>[vector<16xi32>], vector<16xf32>,
    %dma_wait3A_534 = arith.constant 0 : i32
    %dma_wait3A_535 = arith.constant 0 : i32
    %dma_wait3A_536 = tpu.memref_slice %arg9[%dma_wait3A_534, %dma_wait3A_535] : memref<40x64xi32, #tpu.memory_space<vmem>> -> memref<1x64xi32, #tpu.memory_space<vmem>>
    %dma_wait3A_537 = tpu.memref_squeeze %dma_wait3A_536 : memref<1x64xi32, #tpu.memory_space<vmem>> -> memref<64xi32, #tpu.memory_space<vmem>>
    %dma_wait3A_538 = arith.constant 0 : i32
    %dma_wait3A_539 = arith.constant 0 : i32
    %dma_wait3A_540 = tpu.memref_slice %arg7[%dma_wait3A_538, %dma_wait3A_539] : memref<10112x128xf32, #tpu.memory_space<vmem_shared>> -> memref<10112x128xf32, #tpu.memory_space<vmem_shared>>
    tpu.wait_indirect_dma semaphore(%arg17 : memref<!tpu.dma_semaphore, #tpu.memory_space<semaphore_mem>>) src(%arg11 : memref<64x128xf32, #tpu.memory_space<vmem>>) dst(%dma_wait3A_540 : memref<10112x128xf32, #tpu.memory_space<vmem_shared>>)
    %dma_wait3A_541 = arith.constant 0 : i32
    %dma_wait3A_542 = arith.constant 0 : i32
    %dma_wait3A_543 = tpu.memref_slice %arg8[%dma_wait3A_541, %dma_wait3A_542] : memref<40x64xi32, #tpu.memory_space<vmem>> -> memref<1x64xi32, #tpu.memory_space<vmem>>
    %dma_wait3A_544 = tpu.memref_squeeze %dma_wait3A_543 : memref<1x64xi32, #tpu.memory_space<vmem>> -> memref<64xi32, #tpu.memory_space<vmem>>
    %dma_wait3A_545 = arith.constant 0 : i32
    %dma_wait3A_546 = arith.constant 0 : i32
    %dma_wait3A_547 = tpu.memref_slice %arg2[%dma_wait3A_545, %dma_wait3A_546] : memref<10000x128xf32, #tpu.memory_space<hbm>> -> memref<10000x128xf32, #tpu.memory_space<hbm>>
    tpu.wait_indirect_dma semaphore(%arg13 : memref<!tpu.dma_semaphore, #tpu.memory_space<semaphore_mem>>) src(%dma_wait3A_547 : memref<10000x128xf32, #tpu.memory_space<hbm>>) dst(%arg10 : memref<64x128xf32, #tpu.memory_space<vmem>>)
    %dma_start3A_548 = arith.constant 39 : i32
    %dma_start3A_549 = arith.constant 0 : i32
    %dma_start3A_550 = tpu.memref_slice %arg9[%dma_start3A_548, %dma_start3A_549] : memref<40x64xi32, #tpu.memory_space<vmem>> -> memref<1x64xi32, #tpu.memory_space<vmem>>
    %dma_start3A_551 = tpu.memref_squeeze %dma_start3A_550 : memref<1x64xi32, #tpu.memory_space<vmem>> -> memref<64xi32, #tpu.memory_space<vmem>>
    %dma_start3A_552 = arith.constant 0 : i32
    %dma_start3A_553 = arith.constant 0 : i32
    %dma_start3A_554 = tpu.memref_slice %arg7[%dma_start3A_552, %dma_start3A_553] : memref<10112x128xf32, #tpu.memory_space<vmem_shared>> -> memref<10112x128xf32, #tpu.memory_space<vmem_shared>>
    tpu.enqueue_indirect_dma source(%arg10 : memref<64x128xf32, #tpu.memory_space<vmem>>) target(%dma_start3A_554 : memref<10112x128xf32, #tpu.memory_space<vmem_shared>>) offsets(%dma_start3A_551 : memref<64xi32, #tpu.memory_space<vmem>>) semaphore(%arg16 : memref<!tpu.dma_semaphore, #tpu.memory_space<semaphore_mem>>) {add = true}
    %get3A_555 = arith.constant 39 : i32
    %get3A_556 = arith.index_cast %get3A_555 : i32 to index
    %get3A_557 = arith.constant 0 : index
    %get3A_558 = tpu.vector_load %arg9[%get3A_556, %get3A_557] {strides = array<i32>} : memref<40x64xi32, #tpu.memory_space<vmem>>, vector<16xi32>,
    tpu.vector_store_idx %arg19[%get3A_558], %broadcast_in_dim3A_38 {add = true} : memref<10112xf32, #tpu.memory_space<vmem>>[vector<16xi32>], vector<16xf32>,
    %get3A_559 = arith.constant 39 : i32
    %get3A_560 = arith.index_cast %get3A_559 : i32 to index
    %get3A_561 = arith.constant 16 : index
    %get3A_562 = tpu.vector_load %arg9[%get3A_560, %get3A_561] {strides = array<i32>} : memref<40x64xi32, #tpu.memory_space<vmem>>, vector<16xi32>,
    tpu.vector_store_idx %arg19[%get3A_562], %broadcast_in_dim3A_38 {add = true} : memref<10112xf32, #tpu.memory_space<vmem>>[vector<16xi32>], vector<16xf32>,
    %get3A_563 = arith.constant 39 : i32
    %get3A_564 = arith.index_cast %get3A_563 : i32 to index
    %get3A_565 = arith.constant 32 : index
    %get3A_566 = tpu.vector_load %arg9[%get3A_564, %get3A_565] {strides = array<i32>} : memref<40x64xi32, #tpu.memory_space<vmem>>, vector<16xi32>,
    tpu.vector_store_idx %arg19[%get3A_566], %broadcast_in_dim3A_38 {add = true} : memref<10112xf32, #tpu.memory_space<vmem>>[vector<16xi32>], vector<16xf32>,
    %get3A_567 = arith.constant 39 : i32
    %get3A_568 = arith.index_cast %get3A_567 : i32 to index
    %get3A_569 = arith.constant 48 : index
    %get3A_570 = tpu.vector_load %arg9[%get3A_568, %get3A_569] {strides = array<i32>} : memref<40x64xi32, #tpu.memory_space<vmem>>, vector<16xi32>,
    tpu.vector_store_idx %arg19[%get3A_570], %broadcast_in_dim3A_38 {add = true} : memref<10112xf32, #tpu.memory_space<vmem>>[vector<16xi32>], vector<16xf32>,
    %dma_wait3A_571 = arith.constant 0 : i32
    %dma_wait3A_572 = arith.constant 0 : i32
    %dma_wait3A_573 = tpu.memref_slice %arg9[%dma_wait3A_571, %dma_wait3A_572] : memref<40x64xi32, #tpu.memory_space<vmem>> -> memref<1x64xi32, #tpu.memory_space<vmem>>
    %dma_wait3A_574 = tpu.memref_squeeze %dma_wait3A_573 : memref<1x64xi32, #tpu.memory_space<vmem>> -> memref<64xi32, #tpu.memory_space<vmem>>
    %dma_wait3A_575 = arith.constant 0 : i32
    %dma_wait3A_576 = arith.constant 0 : i32
    %dma_wait3A_577 = tpu.memref_slice %arg7[%dma_wait3A_575, %dma_wait3A_576] : memref<10112x128xf32, #tpu.memory_space<vmem_shared>> -> memref<10112x128xf32, #tpu.memory_space<vmem_shared>>
    tpu.wait_indirect_dma semaphore(%arg18 : memref<!tpu.dma_semaphore, #tpu.memory_space<semaphore_mem>>) src(%arg12 : memref<64x128xf32, #tpu.memory_space<vmem>>) dst(%dma_wait3A_577 : memref<10112x128xf32, #tpu.memory_space<vmem_shared>>)
    %dma_wait3A_578 = arith.constant 0 : i32
    %dma_wait3A_579 = arith.constant 0 : i32
    %dma_wait3A_580 = tpu.memref_slice %arg9[%dma_wait3A_578, %dma_wait3A_579] : memref<40x64xi32, #tpu.memory_space<vmem>> -> memref<1x64xi32, #tpu.memory_space<vmem>>
    %dma_wait3A_581 = tpu.memref_squeeze %dma_wait3A_580 : memref<1x64xi32, #tpu.memory_space<vmem>> -> memref<64xi32, #tpu.memory_space<vmem>>
    %dma_wait3A_582 = arith.constant 0 : i32
    %dma_wait3A_583 = arith.constant 0 : i32
    %dma_wait3A_584 = tpu.memref_slice %arg7[%dma_wait3A_582, %dma_wait3A_583] : memref<10112x128xf32, #tpu.memory_space<vmem_shared>> -> memref<10112x128xf32, #tpu.memory_space<vmem_shared>>
    tpu.wait_indirect_dma semaphore(%arg16 : memref<!tpu.dma_semaphore, #tpu.memory_space<semaphore_mem>>) src(%arg10 : memref<64x128xf32, #tpu.memory_space<vmem>>) dst(%dma_wait3A_584 : memref<10112x128xf32, #tpu.memory_space<vmem_shared>>)
    "tpu.trace_stop"() : () -> ()
    "tpu.trace_start"() <{level = 10 : i32, message = "edges3"}> : () -> ()
    %add3A_585 = arith.constant 120 : i32
    %add3A_586 = arith.addi %mul3A_36, %add3A_585 : i32
    "tpu.region"() ({
      %run_scoped3A = tpu.sem_alloc : memref<!tpu.dma_semaphore, #tpu.memory_space<semaphore_mem>>
      %dma_start3A_771 = arith.constant 0 : i32
      %dma_start3A_772 = tpu.memref_slice %arg3[%add3A_586, %dma_start3A_771] : memref<5120x64xi32, #tpu.memory_space<hbm>> -> memref<40x64xi32, #tpu.memory_space<hbm>>
      %dma_start3A_773 = arith.constant 0 : i32
      %dma_start3A_774 = tpu.memref_slice %arg3[%add3A_586, %dma_start3A_773] : memref<5120x64xi32, #tpu.memory_space<hbm>> -> memref<40x64xi32, #tpu.memory_space<hbm>>
      tpu.enqueue_dma source(%dma_start3A_774 : memref<40x64xi32, #tpu.memory_space<hbm>>) target(%arg8 : memref<40x64xi32, #tpu.memory_space<vmem>>) target_semaphore(%run_scoped3A : memref<!tpu.dma_semaphore, #tpu.memory_space<semaphore_mem>>)
      %dma_wait3A_775 = arith.constant 0 : i32
      %dma_wait3A_776 = tpu.memref_slice %arg3[%add3A_586, %dma_wait3A_775] : memref<5120x64xi32, #tpu.memory_space<hbm>> -> memref<40x64xi32, #tpu.memory_space<hbm>>
      %dma_wait3A_777 = arith.constant 0 : i32
      %dma_wait3A_778 = tpu.memref_slice %arg3[%add3A_586, %dma_wait3A_777] : memref<5120x64xi32, #tpu.memory_space<hbm>> -> memref<40x64xi32, #tpu.memory_space<hbm>>
      tpu.wait_dma2 semaphore(%run_scoped3A : memref<!tpu.dma_semaphore, #tpu.memory_space<semaphore_mem>>) src(%dma_wait3A_778 : memref<40x64xi32, #tpu.memory_space<hbm>>) dst(%arg8 : memref<40x64xi32, #tpu.memory_space<vmem>>)
      tpu.yield
    }) : () -> ()
    "tpu.region"() ({
      %run_scoped3A = tpu.sem_alloc : memref<!tpu.dma_semaphore, #tpu.memory_space<semaphore_mem>>
      %dma_start3A_771 = arith.constant 0 : i32
      %dma_start3A_772 = tpu.memref_slice %arg4[%add3A_586, %dma_start3A_771] : memref<5120x64xi32, #tpu.memory_space<hbm>> -> memref<40x64xi32, #tpu.memory_space<hbm>>
      %dma_start3A_773 = arith.constant 0 : i32
      %dma_start3A_774 = tpu.memref_slice %arg4[%add3A_586, %dma_start3A_773] : memref<5120x64xi32, #tpu.memory_space<hbm>> -> memref<40x64xi32, #tpu.memory_space<hbm>>
      tpu.enqueue_dma source(%dma_start3A_774 : memref<40x64xi32, #tpu.memory_space<hbm>>) target(%arg9 : memref<40x64xi32, #tpu.memory_space<vmem>>) target_semaphore(%run_scoped3A : memref<!tpu.dma_semaphore, #tpu.memory_space<semaphore_mem>>)
      %dma_wait3A_775 = arith.constant 0 : i32
      %dma_wait3A_776 = tpu.memref_slice %arg4[%add3A_586, %dma_wait3A_775] : memref<5120x64xi32, #tpu.memory_space<hbm>> -> memref<40x64xi32, #tpu.memory_space<hbm>>
      %dma_wait3A_777 = arith.constant 0 : i32
      %dma_wait3A_778 = tpu.memref_slice %arg4[%add3A_586, %dma_wait3A_777] : memref<5120x64xi32, #tpu.memory_space<hbm>> -> memref<40x64xi32, #tpu.memory_space<hbm>>
      tpu.wait_dma2 semaphore(%run_scoped3A : memref<!tpu.dma_semaphore, #tpu.memory_space<semaphore_mem>>) src(%dma_wait3A_778 : memref<40x64xi32, #tpu.memory_space<hbm>>) dst(%arg9 : memref<40x64xi32, #tpu.memory_space<vmem>>)
      tpu.yield
    }) : () -> ()
    %dma_start3A_587 = arith.constant 0 : i32
    %dma_start3A_588 = arith.constant 0 : i32
    %dma_start3A_589 = tpu.memref_slice %arg8[%dma_start3A_587, %dma_start3A_588] : memref<40x64xi32, #tpu.memory_space<vmem>> -> memref<1x64xi32, #tpu.memory_space<vmem>>
    %dma_start3A_590 = tpu.memref_squeeze %dma_start3A_589 : memref<1x64xi32, #tpu.memory_space<vmem>> -> memref<64xi32, #tpu.memory_space<vmem>>
    %dma_start3A_591 = arith.constant 0 : i32
    %dma_start3A_592 = arith.constant 0 : i32
    %dma_start3A_593 = tpu.memref_slice %arg2[%dma_start3A_591, %dma_start3A_592] : memref<10000x128xf32, #tpu.memory_space<hbm>> -> memref<10000x128xf32, #tpu.memory_space<hbm>>
    tpu.enqueue_indirect_dma source(%dma_start3A_593 : memref<10000x128xf32, #tpu.memory_space<hbm>>) target(%arg10 : memref<64x128xf32, #tpu.memory_space<vmem>>) offsets(%dma_start3A_590 : memref<64xi32, #tpu.memory_space<vmem>>) semaphore(%arg13 : memref<!tpu.dma_semaphore, #tpu.memory_space<semaphore_mem>>)
    %dma_start3A_594 = arith.constant 1 : i32
    %dma_start3A_595 = arith.constant 0 : i32
    %dma_start3A_596 = tpu.memref_slice %arg8[%dma_start3A_594, %dma_start3A_595] : memref<40x64xi32, #tpu.memory_space<vmem>> -> memref<1x64xi32, #tpu.memory_space<vmem>>
    %dma_start3A_597 = tpu.memref_squeeze %dma_start3A_596 : memref<1x64xi32, #tpu.memory_space<vmem>> -> memref<64xi32, #tpu.memory_space<vmem>>
    %dma_start3A_598 = arith.constant 0 : i32
    %dma_start3A_599 = arith.constant 0 : i32
    %dma_start3A_600 = tpu.memref_slice %arg2[%dma_start3A_598, %dma_start3A_599] : memref<10000x128xf32, #tpu.memory_space<hbm>> -> memref<10000x128xf32, #tpu.memory_space<hbm>>
    tpu.enqueue_indirect_dma source(%dma_start3A_600 : memref<10000x128xf32, #tpu.memory_space<hbm>>) target(%arg11 : memref<64x128xf32, #tpu.memory_space<vmem>>) offsets(%dma_start3A_597 : memref<64xi32, #tpu.memory_space<vmem>>) semaphore(%arg14 : memref<!tpu.dma_semaphore, #tpu.memory_space<semaphore_mem>>)
    %dma_wait3A_601 = arith.constant 0 : i32
    %dma_wait3A_602 = arith.constant 0 : i32
    %dma_wait3A_603 = tpu.memref_slice %arg8[%dma_wait3A_601, %dma_wait3A_602] : memref<40x64xi32, #tpu.memory_space<vmem>> -> memref<1x64xi32, #tpu.memory_space<vmem>>
    %dma_wait3A_604 = tpu.memref_squeeze %dma_wait3A_603 : memref<1x64xi32, #tpu.memory_space<vmem>> -> memref<64xi32, #tpu.memory_space<vmem>>
    %dma_wait3A_605 = arith.constant 0 : i32
    %dma_wait3A_606 = arith.constant 0 : i32
    %dma_wait3A_607 = tpu.memref_slice %arg2[%dma_wait3A_605, %dma_wait3A_606] : memref<10000x128xf32, #tpu.memory_space<hbm>> -> memref<10000x128xf32, #tpu.memory_space<hbm>>
    tpu.wait_indirect_dma semaphore(%arg13 : memref<!tpu.dma_semaphore, #tpu.memory_space<semaphore_mem>>) src(%dma_wait3A_607 : memref<10000x128xf32, #tpu.memory_space<hbm>>) dst(%arg10 : memref<64x128xf32, #tpu.memory_space<vmem>>)
    %dma_start3A_608 = arith.constant 0 : i32
    %dma_start3A_609 = arith.constant 0 : i32
    %dma_start3A_610 = tpu.memref_slice %arg9[%dma_start3A_608, %dma_start3A_609] : memref<40x64xi32, #tpu.memory_space<vmem>> -> memref<1x64xi32, #tpu.memory_space<vmem>>
    %dma_start3A_611 = tpu.memref_squeeze %dma_start3A_610 : memref<1x64xi32, #tpu.memory_space<vmem>> -> memref<64xi32, #tpu.memory_space<vmem>>
    %dma_start3A_612 = arith.constant 0 : i32
    %dma_start3A_613 = arith.constant 0 : i32
    %dma_start3A_614 = tpu.memref_slice %arg7[%dma_start3A_612, %dma_start3A_613] : memref<10112x128xf32, #tpu.memory_space<vmem_shared>> -> memref<10112x128xf32, #tpu.memory_space<vmem_shared>>
    tpu.enqueue_indirect_dma source(%arg10 : memref<64x128xf32, #tpu.memory_space<vmem>>) target(%dma_start3A_614 : memref<10112x128xf32, #tpu.memory_space<vmem_shared>>) offsets(%dma_start3A_611 : memref<64xi32, #tpu.memory_space<vmem>>) semaphore(%arg16 : memref<!tpu.dma_semaphore, #tpu.memory_space<semaphore_mem>>) {add = true}
    %get3A_615 = arith.constant 0 : i32
    %get3A_616 = arith.index_cast %get3A_615 : i32 to index
    %get3A_617 = arith.constant 0 : index
    %get3A_618 = tpu.vector_load %arg9[%get3A_616, %get3A_617] {strides = array<i32>} : memref<40x64xi32, #tpu.memory_space<vmem>>, vector<16xi32>,
    tpu.vector_store_idx %arg19[%get3A_618], %broadcast_in_dim3A_38 {add = true} : memref<10112xf32, #tpu.memory_space<vmem>>[vector<16xi32>], vector<16xf32>,
    %get3A_619 = arith.constant 0 : i32
    %get3A_620 = arith.index_cast %get3A_619 : i32 to index
    %get3A_621 = arith.constant 16 : index
    %get3A_622 = tpu.vector_load %arg9[%get3A_620, %get3A_621] {strides = array<i32>} : memref<40x64xi32, #tpu.memory_space<vmem>>, vector<16xi32>,
    tpu.vector_store_idx %arg19[%get3A_622], %broadcast_in_dim3A_38 {add = true} : memref<10112xf32, #tpu.memory_space<vmem>>[vector<16xi32>], vector<16xf32>,
    %get3A_623 = arith.constant 0 : i32
    %get3A_624 = arith.index_cast %get3A_623 : i32 to index
    %get3A_625 = arith.constant 32 : index
    %get3A_626 = tpu.vector_load %arg9[%get3A_624, %get3A_625] {strides = array<i32>} : memref<40x64xi32, #tpu.memory_space<vmem>>, vector<16xi32>,
    tpu.vector_store_idx %arg19[%get3A_626], %broadcast_in_dim3A_38 {add = true} : memref<10112xf32, #tpu.memory_space<vmem>>[vector<16xi32>], vector<16xf32>,
    %get3A_627 = arith.constant 0 : i32
    %get3A_628 = arith.index_cast %get3A_627 : i32 to index
    %get3A_629 = arith.constant 48 : index
    %get3A_630 = tpu.vector_load %arg9[%get3A_628, %get3A_629] {strides = array<i32>} : memref<40x64xi32, #tpu.memory_space<vmem>>, vector<16xi32>,
    tpu.vector_store_idx %arg19[%get3A_630], %broadcast_in_dim3A_38 {add = true} : memref<10112xf32, #tpu.memory_space<vmem>>[vector<16xi32>], vector<16xf32>,
    %dma_start3A_631 = arith.constant 2 : i32
    %dma_start3A_632 = arith.constant 0 : i32
    %dma_start3A_633 = tpu.memref_slice %arg8[%dma_start3A_631, %dma_start3A_632] : memref<40x64xi32, #tpu.memory_space<vmem>> -> memref<1x64xi32, #tpu.memory_space<vmem>>
    %dma_start3A_634 = tpu.memref_squeeze %dma_start3A_633 : memref<1x64xi32, #tpu.memory_space<vmem>> -> memref<64xi32, #tpu.memory_space<vmem>>
    %dma_start3A_635 = arith.constant 0 : i32
    %dma_start3A_636 = arith.constant 0 : i32
    %dma_start3A_637 = tpu.memref_slice %arg2[%dma_start3A_635, %dma_start3A_636] : memref<10000x128xf32, #tpu.memory_space<hbm>> -> memref<10000x128xf32, #tpu.memory_space<hbm>>
    tpu.enqueue_indirect_dma source(%dma_start3A_637 : memref<10000x128xf32, #tpu.memory_space<hbm>>) target(%arg12 : memref<64x128xf32, #tpu.memory_space<vmem>>) offsets(%dma_start3A_634 : memref<64xi32, #tpu.memory_space<vmem>>) semaphore(%arg15 : memref<!tpu.dma_semaphore, #tpu.memory_space<semaphore_mem>>)
    %scan3A_638 = arith.constant 0 : i32
    %scan3A_639 = arith.constant 12 : i32
    %scan3A_640 = arith.addi %scan3A_638, %scan3A_639 : i32
    %scan3A_641 = arith.constant 1 : i32
    scf.for %scan3A_771 = %scan3A_638 to %scan3A_640 step %scan3A_641  : i32 {
      %mul3A_772 = arith.constant 1 : i32
      %mul3A_773 = arith.muli %scan3A_771, %mul3A_772 : i32
      %add3A_774 = arith.constant 0 : i32
      %add3A_775 = arith.addi %add3A_774, %mul3A_773 : i32
      %mul3A_776 = arith.constant 3 : i32
      %mul3A_777 = arith.muli %mul3A_776, %add3A_775 : i32
      %add3A_778 = arith.constant 1 : i32
      %add3A_779 = arith.addi %mul3A_777, %add3A_778 : i32
      %dma_wait3A_780 = arith.constant 0 : i32
      %dma_wait3A_781 = arith.constant 0 : i32
      %dma_wait3A_782 = tpu.memref_slice %arg8[%dma_wait3A_780, %dma_wait3A_781] : memref<40x64xi32, #tpu.memory_space<vmem>> -> memref<1x64xi32, #tpu.memory_space<vmem>>
      %dma_wait3A_783 = tpu.memref_squeeze %dma_wait3A_782 : memref<1x64xi32, #tpu.memory_space<vmem>> -> memref<64xi32, #tpu.memory_space<vmem>>
      %dma_wait3A_784 = arith.constant 0 : i32
      %dma_wait3A_785 = arith.constant 0 : i32
      %dma_wait3A_786 = tpu.memref_slice %arg2[%dma_wait3A_784, %dma_wait3A_785] : memref<10000x128xf32, #tpu.memory_space<hbm>> -> memref<10000x128xf32, #tpu.memory_space<hbm>>
      tpu.wait_indirect_dma semaphore(%arg14 : memref<!tpu.dma_semaphore, #tpu.memory_space<semaphore_mem>>) src(%dma_wait3A_786 : memref<10000x128xf32, #tpu.memory_space<hbm>>) dst(%arg11 : memref<64x128xf32, #tpu.memory_space<vmem>>)
      %dma_start3A_787 = arith.constant 0 : i32
      %dma_start3A_788 = tpu.memref_slice %arg9[%add3A_779, %dma_start3A_787] : memref<40x64xi32, #tpu.memory_space<vmem>> -> memref<1x64xi32, #tpu.memory_space<vmem>>
      %dma_start3A_789 = tpu.memref_squeeze %dma_start3A_788 : memref<1x64xi32, #tpu.memory_space<vmem>> -> memref<64xi32, #tpu.memory_space<vmem>>
      %dma_start3A_790 = arith.constant 0 : i32
      %dma_start3A_791 = arith.constant 0 : i32
      %dma_start3A_792 = tpu.memref_slice %arg7[%dma_start3A_790, %dma_start3A_791] : memref<10112x128xf32, #tpu.memory_space<vmem_shared>> -> memref<10112x128xf32, #tpu.memory_space<vmem_shared>>
      tpu.enqueue_indirect_dma source(%arg11 : memref<64x128xf32, #tpu.memory_space<vmem>>) target(%dma_start3A_792 : memref<10112x128xf32, #tpu.memory_space<vmem_shared>>) offsets(%dma_start3A_789 : memref<64xi32, #tpu.memory_space<vmem>>) semaphore(%arg17 : memref<!tpu.dma_semaphore, #tpu.memory_space<semaphore_mem>>) {add = true}
      %get3A_793 = arith.index_cast %add3A_779 : i32 to index
      %get3A_794 = arith.constant 0 : index
      %get3A_795 = tpu.vector_load %arg9[%get3A_793, %get3A_794] {strides = array<i32>} : memref<40x64xi32, #tpu.memory_space<vmem>>, vector<16xi32>,
      tpu.vector_store_idx %arg19[%get3A_795], %broadcast_in_dim3A_38 {add = true} : memref<10112xf32, #tpu.memory_space<vmem>>[vector<16xi32>], vector<16xf32>,
      %get3A_796 = arith.index_cast %add3A_779 : i32 to index
      %get3A_797 = arith.constant 16 : index
      %get3A_798 = tpu.vector_load %arg9[%get3A_796, %get3A_797] {strides = array<i32>} : memref<40x64xi32, #tpu.memory_space<vmem>>, vector<16xi32>,
      tpu.vector_store_idx %arg19[%get3A_798], %broadcast_in_dim3A_38 {add = true} : memref<10112xf32, #tpu.memory_space<vmem>>[vector<16xi32>], vector<16xf32>,
      %get3A_799 = arith.index_cast %add3A_779 : i32 to index
      %get3A_800 = arith.constant 32 : index
      %get3A_801 = tpu.vector_load %arg9[%get3A_799, %get3A_800] {strides = array<i32>} : memref<40x64xi32, #tpu.memory_space<vmem>>, vector<16xi32>,
      tpu.vector_store_idx %arg19[%get3A_801], %broadcast_in_dim3A_38 {add = true} : memref<10112xf32, #tpu.memory_space<vmem>>[vector<16xi32>], vector<16xf32>,
      %get3A_802 = arith.index_cast %add3A_779 : i32 to index
      %get3A_803 = arith.constant 48 : index
      %get3A_804 = tpu.vector_load %arg9[%get3A_802, %get3A_803] {strides = array<i32>} : memref<40x64xi32, #tpu.memory_space<vmem>>, vector<16xi32>,
      tpu.vector_store_idx %arg19[%get3A_804], %broadcast_in_dim3A_38 {add = true} : memref<10112xf32, #tpu.memory_space<vmem>>[vector<16xi32>], vector<16xf32>,
      %dma_wait3A_805 = arith.constant 0 : i32
      %dma_wait3A_806 = arith.constant 0 : i32
      %dma_wait3A_807 = tpu.memref_slice %arg9[%dma_wait3A_805, %dma_wait3A_806] : memref<40x64xi32, #tpu.memory_space<vmem>> -> memref<1x64xi32, #tpu.memory_space<vmem>>
      %dma_wait3A_808 = tpu.memref_squeeze %dma_wait3A_807 : memref<1x64xi32, #tpu.memory_space<vmem>> -> memref<64xi32, #tpu.memory_space<vmem>>
      %dma_wait3A_809 = arith.constant 0 : i32
      %dma_wait3A_810 = arith.constant 0 : i32
      %dma_wait3A_811 = tpu.memref_slice %arg7[%dma_wait3A_809, %dma_wait3A_810] : memref<10112x128xf32, #tpu.memory_space<vmem_shared>> -> memref<10112x128xf32, #tpu.memory_space<vmem_shared>>
      tpu.wait_indirect_dma semaphore(%arg16 : memref<!tpu.dma_semaphore, #tpu.memory_space<semaphore_mem>>) src(%arg10 : memref<64x128xf32, #tpu.memory_space<vmem>>) dst(%dma_wait3A_811 : memref<10112x128xf32, #tpu.memory_space<vmem_shared>>)
      %add3A_812 = arith.constant 2 : i32
      %add3A_813 = arith.addi %add3A_779, %add3A_812 : i32
      %dma_start3A_814 = arith.constant 0 : i32
      %dma_start3A_815 = tpu.memref_slice %arg8[%add3A_813, %dma_start3A_814] : memref<40x64xi32, #tpu.memory_space<vmem>> -> memref<1x64xi32, #tpu.memory_space<vmem>>
      %dma_start3A_816 = tpu.memref_squeeze %dma_start3A_815 : memref<1x64xi32, #tpu.memory_space<vmem>> -> memref<64xi32, #tpu.memory_space<vmem>>
      %dma_start3A_817 = arith.constant 0 : i32
      %dma_start3A_818 = arith.constant 0 : i32
      %dma_start3A_819 = tpu.memref_slice %arg2[%dma_start3A_817, %dma_start3A_818] : memref<10000x128xf32, #tpu.memory_space<hbm>> -> memref<10000x128xf32, #tpu.memory_space<hbm>>
      tpu.enqueue_indirect_dma source(%dma_start3A_819 : memref<10000x128xf32, #tpu.memory_space<hbm>>) target(%arg10 : memref<64x128xf32, #tpu.memory_space<vmem>>) offsets(%dma_start3A_816 : memref<64xi32, #tpu.memory_space<vmem>>) semaphore(%arg13 : memref<!tpu.dma_semaphore, #tpu.memory_space<semaphore_mem>>)
      %dma_wait3A_820 = arith.constant 0 : i32
      %dma_wait3A_821 = arith.constant 0 : i32
      %dma_wait3A_822 = tpu.memref_slice %arg8[%dma_wait3A_820, %dma_wait3A_821] : memref<40x64xi32, #tpu.memory_space<vmem>> -> memref<1x64xi32, #tpu.memory_space<vmem>>
      %dma_wait3A_823 = tpu.memref_squeeze %dma_wait3A_822 : memref<1x64xi32, #tpu.memory_space<vmem>> -> memref<64xi32, #tpu.memory_space<vmem>>
      %dma_wait3A_824 = arith.constant 0 : i32
      %dma_wait3A_825 = arith.constant 0 : i32
      %dma_wait3A_826 = tpu.memref_slice %arg2[%dma_wait3A_824, %dma_wait3A_825] : memref<10000x128xf32, #tpu.memory_space<hbm>> -> memref<10000x128xf32, #tpu.memory_space<hbm>>
      tpu.wait_indirect_dma semaphore(%arg15 : memref<!tpu.dma_semaphore, #tpu.memory_space<semaphore_mem>>) src(%dma_wait3A_826 : memref<10000x128xf32, #tpu.memory_space<hbm>>) dst(%arg12 : memref<64x128xf32, #tpu.memory_space<vmem>>)
      %add3A_827 = arith.constant 1 : i32
      %add3A_828 = arith.addi %add3A_779, %add3A_827 : i32
      %dma_start3A_829 = arith.constant 0 : i32
      %dma_start3A_830 = tpu.memref_slice %arg9[%add3A_828, %dma_start3A_829] : memref<40x64xi32, #tpu.memory_space<vmem>> -> memref<1x64xi32, #tpu.memory_space<vmem>>
      %dma_start3A_831 = tpu.memref_squeeze %dma_start3A_830 : memref<1x64xi32, #tpu.memory_space<vmem>> -> memref<64xi32, #tpu.memory_space<vmem>>
      %dma_start3A_832 = arith.constant 0 : i32
      %dma_start3A_833 = arith.constant 0 : i32
      %dma_start3A_834 = tpu.memref_slice %arg7[%dma_start3A_832, %dma_start3A_833] : memref<10112x128xf32, #tpu.memory_space<vmem_shared>> -> memref<10112x128xf32, #tpu.memory_space<vmem_shared>>
      tpu.enqueue_indirect_dma source(%arg12 : memref<64x128xf32, #tpu.memory_space<vmem>>) target(%dma_start3A_834 : memref<10112x128xf32, #tpu.memory_space<vmem_shared>>) offsets(%dma_start3A_831 : memref<64xi32, #tpu.memory_space<vmem>>) semaphore(%arg18 : memref<!tpu.dma_semaphore, #tpu.memory_space<semaphore_mem>>) {add = true}
      %add3A_835 = arith.constant 1 : i32
      %add3A_836 = arith.addi %add3A_779, %add3A_835 : i32
      %get3A_837 = arith.index_cast %add3A_836 : i32 to index
      %get3A_838 = arith.constant 0 : index
      %get3A_839 = tpu.vector_load %arg9[%get3A_837, %get3A_838] {strides = array<i32>} : memref<40x64xi32, #tpu.memory_space<vmem>>, vector<16xi32>,
      tpu.vector_store_idx %arg19[%get3A_839], %broadcast_in_dim3A_38 {add = true} : memref<10112xf32, #tpu.memory_space<vmem>>[vector<16xi32>], vector<16xf32>,
      %get3A_840 = arith.index_cast %add3A_836 : i32 to index
      %get3A_841 = arith.constant 16 : index
      %get3A_842 = tpu.vector_load %arg9[%get3A_840, %get3A_841] {strides = array<i32>} : memref<40x64xi32, #tpu.memory_space<vmem>>, vector<16xi32>,
      tpu.vector_store_idx %arg19[%get3A_842], %broadcast_in_dim3A_38 {add = true} : memref<10112xf32, #tpu.memory_space<vmem>>[vector<16xi32>], vector<16xf32>,
      %get3A_843 = arith.index_cast %add3A_836 : i32 to index
      %get3A_844 = arith.constant 32 : index
      %get3A_845 = tpu.vector_load %arg9[%get3A_843, %get3A_844] {strides = array<i32>} : memref<40x64xi32, #tpu.memory_space<vmem>>, vector<16xi32>,
      tpu.vector_store_idx %arg19[%get3A_845], %broadcast_in_dim3A_38 {add = true} : memref<10112xf32, #tpu.memory_space<vmem>>[vector<16xi32>], vector<16xf32>,
      %get3A_846 = arith.index_cast %add3A_836 : i32 to index
      %get3A_847 = arith.constant 48 : index
      %get3A_848 = tpu.vector_load %arg9[%get3A_846, %get3A_847] {strides = array<i32>} : memref<40x64xi32, #tpu.memory_space<vmem>>, vector<16xi32>,
      tpu.vector_store_idx %arg19[%get3A_848], %broadcast_in_dim3A_38 {add = true} : memref<10112xf32, #tpu.memory_space<vmem>>[vector<16xi32>], vector<16xf32>,
      %dma_wait3A_849 = arith.constant 0 : i32
      %dma_wait3A_850 = arith.constant 0 : i32
      %dma_wait3A_851 = tpu.memref_slice %arg9[%dma_wait3A_849, %dma_wait3A_850] : memref<40x64xi32, #tpu.memory_space<vmem>> -> memref<1x64xi32, #tpu.memory_space<vmem>>
      %dma_wait3A_852 = tpu.memref_squeeze %dma_wait3A_851 : memref<1x64xi32, #tpu.memory_space<vmem>> -> memref<64xi32, #tpu.memory_space<vmem>>
      %dma_wait3A_853 = arith.constant 0 : i32
      %dma_wait3A_854 = arith.constant 0 : i32
      %dma_wait3A_855 = tpu.memref_slice %arg7[%dma_wait3A_853, %dma_wait3A_854] : memref<10112x128xf32, #tpu.memory_space<vmem_shared>> -> memref<10112x128xf32, #tpu.memory_space<vmem_shared>>
      tpu.wait_indirect_dma semaphore(%arg17 : memref<!tpu.dma_semaphore, #tpu.memory_space<semaphore_mem>>) src(%arg11 : memref<64x128xf32, #tpu.memory_space<vmem>>) dst(%dma_wait3A_855 : memref<10112x128xf32, #tpu.memory_space<vmem_shared>>)
      %add3A_856 = arith.constant 3 : i32
      %add3A_857 = arith.addi %add3A_779, %add3A_856 : i32
      %dma_start3A_858 = arith.constant 0 : i32
      %dma_start3A_859 = tpu.memref_slice %arg8[%add3A_857, %dma_start3A_858] : memref<40x64xi32, #tpu.memory_space<vmem>> -> memref<1x64xi32, #tpu.memory_space<vmem>>
      %dma_start3A_860 = tpu.memref_squeeze %dma_start3A_859 : memref<1x64xi32, #tpu.memory_space<vmem>> -> memref<64xi32, #tpu.memory_space<vmem>>
      %dma_start3A_861 = arith.constant 0 : i32
      %dma_start3A_862 = arith.constant 0 : i32
      %dma_start3A_863 = tpu.memref_slice %arg2[%dma_start3A_861, %dma_start3A_862] : memref<10000x128xf32, #tpu.memory_space<hbm>> -> memref<10000x128xf32, #tpu.memory_space<hbm>>
      tpu.enqueue_indirect_dma source(%dma_start3A_863 : memref<10000x128xf32, #tpu.memory_space<hbm>>) target(%arg11 : memref<64x128xf32, #tpu.memory_space<vmem>>) offsets(%dma_start3A_860 : memref<64xi32, #tpu.memory_space<vmem>>) semaphore(%arg14 : memref<!tpu.dma_semaphore, #tpu.memory_space<semaphore_mem>>)
      %dma_wait3A_864 = arith.constant 0 : i32
      %dma_wait3A_865 = arith.constant 0 : i32
      %dma_wait3A_866 = tpu.memref_slice %arg8[%dma_wait3A_864, %dma_wait3A_865] : memref<40x64xi32, #tpu.memory_space<vmem>> -> memref<1x64xi32, #tpu.memory_space<vmem>>
      %dma_wait3A_867 = tpu.memref_squeeze %dma_wait3A_866 : memref<1x64xi32, #tpu.memory_space<vmem>> -> memref<64xi32, #tpu.memory_space<vmem>>
      %dma_wait3A_868 = arith.constant 0 : i32
      %dma_wait3A_869 = arith.constant 0 : i32
      %dma_wait3A_870 = tpu.memref_slice %arg2[%dma_wait3A_868, %dma_wait3A_869] : memref<10000x128xf32, #tpu.memory_space<hbm>> -> memref<10000x128xf32, #tpu.memory_space<hbm>>
      tpu.wait_indirect_dma semaphore(%arg13 : memref<!tpu.dma_semaphore, #tpu.memory_space<semaphore_mem>>) src(%dma_wait3A_870 : memref<10000x128xf32, #tpu.memory_space<hbm>>) dst(%arg10 : memref<64x128xf32, #tpu.memory_space<vmem>>)
      %add3A_871 = arith.constant 2 : i32
      %add3A_872 = arith.addi %add3A_779, %add3A_871 : i32
      %dma_start3A_873 = arith.constant 0 : i32
      %dma_start3A_874 = tpu.memref_slice %arg9[%add3A_872, %dma_start3A_873] : memref<40x64xi32, #tpu.memory_space<vmem>> -> memref<1x64xi32, #tpu.memory_space<vmem>>
      %dma_start3A_875 = tpu.memref_squeeze %dma_start3A_874 : memref<1x64xi32, #tpu.memory_space<vmem>> -> memref<64xi32, #tpu.memory_space<vmem>>
      %dma_start3A_876 = arith.constant 0 : i32
      %dma_start3A_877 = arith.constant 0 : i32
      %dma_start3A_878 = tpu.memref_slice %arg7[%dma_start3A_876, %dma_start3A_877] : memref<10112x128xf32, #tpu.memory_space<vmem_shared>> -> memref<10112x128xf32, #tpu.memory_space<vmem_shared>>
      tpu.enqueue_indirect_dma source(%arg10 : memref<64x128xf32, #tpu.memory_space<vmem>>) target(%dma_start3A_878 : memref<10112x128xf32, #tpu.memory_space<vmem_shared>>) offsets(%dma_start3A_875 : memref<64xi32, #tpu.memory_space<vmem>>) semaphore(%arg16 : memref<!tpu.dma_semaphore, #tpu.memory_space<semaphore_mem>>) {add = true}
      %add3A_879 = arith.constant 2 : i32
      %add3A_880 = arith.addi %add3A_779, %add3A_879 : i32
      %get3A_881 = arith.index_cast %add3A_880 : i32 to index
      %get3A_882 = arith.constant 0 : index
      %get3A_883 = tpu.vector_load %arg9[%get3A_881, %get3A_882] {strides = array<i32>} : memref<40x64xi32, #tpu.memory_space<vmem>>, vector<16xi32>,
      tpu.vector_store_idx %arg19[%get3A_883], %broadcast_in_dim3A_38 {add = true} : memref<10112xf32, #tpu.memory_space<vmem>>[vector<16xi32>], vector<16xf32>,
      %get3A_884 = arith.index_cast %add3A_880 : i32 to index
      %get3A_885 = arith.constant 16 : index
      %get3A_886 = tpu.vector_load %arg9[%get3A_884, %get3A_885] {strides = array<i32>} : memref<40x64xi32, #tpu.memory_space<vmem>>, vector<16xi32>,
      tpu.vector_store_idx %arg19[%get3A_886], %broadcast_in_dim3A_38 {add = true} : memref<10112xf32, #tpu.memory_space<vmem>>[vector<16xi32>], vector<16xf32>,
      %get3A_887 = arith.index_cast %add3A_880 : i32 to index
      %get3A_888 = arith.constant 32 : index
      %get3A_889 = tpu.vector_load %arg9[%get3A_887, %get3A_888] {strides = array<i32>} : memref<40x64xi32, #tpu.memory_space<vmem>>, vector<16xi32>,
      tpu.vector_store_idx %arg19[%get3A_889], %broadcast_in_dim3A_38 {add = true} : memref<10112xf32, #tpu.memory_space<vmem>>[vector<16xi32>], vector<16xf32>,
      %get3A_890 = arith.index_cast %add3A_880 : i32 to index
      %get3A_891 = arith.constant 48 : index
      %get3A_892 = tpu.vector_load %arg9[%get3A_890, %get3A_891] {strides = array<i32>} : memref<40x64xi32, #tpu.memory_space<vmem>>, vector<16xi32>,
      tpu.vector_store_idx %arg19[%get3A_892], %broadcast_in_dim3A_38 {add = true} : memref<10112xf32, #tpu.memory_space<vmem>>[vector<16xi32>], vector<16xf32>,
      %dma_wait3A_893 = arith.constant 0 : i32
      %dma_wait3A_894 = arith.constant 0 : i32
      %dma_wait3A_895 = tpu.memref_slice %arg9[%dma_wait3A_893, %dma_wait3A_894] : memref<40x64xi32, #tpu.memory_space<vmem>> -> memref<1x64xi32, #tpu.memory_space<vmem>>
      %dma_wait3A_896 = tpu.memref_squeeze %dma_wait3A_895 : memref<1x64xi32, #tpu.memory_space<vmem>> -> memref<64xi32, #tpu.memory_space<vmem>>
      %dma_wait3A_897 = arith.constant 0 : i32
      %dma_wait3A_898 = arith.constant 0 : i32
      %dma_wait3A_899 = tpu.memref_slice %arg7[%dma_wait3A_897, %dma_wait3A_898] : memref<10112x128xf32, #tpu.memory_space<vmem_shared>> -> memref<10112x128xf32, #tpu.memory_space<vmem_shared>>
      tpu.wait_indirect_dma semaphore(%arg18 : memref<!tpu.dma_semaphore, #tpu.memory_space<semaphore_mem>>) src(%arg12 : memref<64x128xf32, #tpu.memory_space<vmem>>) dst(%dma_wait3A_899 : memref<10112x128xf32, #tpu.memory_space<vmem_shared>>)
      %add3A_900 = arith.constant 4 : i32
      %add3A_901 = arith.addi %add3A_779, %add3A_900 : i32
      %dma_start3A_902 = arith.constant 0 : i32
      %dma_start3A_903 = tpu.memref_slice %arg8[%add3A_901, %dma_start3A_902] : memref<40x64xi32, #tpu.memory_space<vmem>> -> memref<1x64xi32, #tpu.memory_space<vmem>>
      %dma_start3A_904 = tpu.memref_squeeze %dma_start3A_903 : memref<1x64xi32, #tpu.memory_space<vmem>> -> memref<64xi32, #tpu.memory_space<vmem>>
      %dma_start3A_905 = arith.constant 0 : i32
      %dma_start3A_906 = arith.constant 0 : i32
      %dma_start3A_907 = tpu.memref_slice %arg2[%dma_start3A_905, %dma_start3A_906] : memref<10000x128xf32, #tpu.memory_space<hbm>> -> memref<10000x128xf32, #tpu.memory_space<hbm>>
      tpu.enqueue_indirect_dma source(%dma_start3A_907 : memref<10000x128xf32, #tpu.memory_space<hbm>>) target(%arg12 : memref<64x128xf32, #tpu.memory_space<vmem>>) offsets(%dma_start3A_904 : memref<64xi32, #tpu.memory_space<vmem>>) semaphore(%arg15 : memref<!tpu.dma_semaphore, #tpu.memory_space<semaphore_mem>>)
    }
    %scan3A_642 = arith.constant 12 : i32
    %dma_wait3A_643 = arith.constant 0 : i32
    %dma_wait3A_644 = arith.constant 0 : i32
    %dma_wait3A_645 = tpu.memref_slice %arg8[%dma_wait3A_643, %dma_wait3A_644] : memref<40x64xi32, #tpu.memory_space<vmem>> -> memref<1x64xi32, #tpu.memory_space<vmem>>
    %dma_wait3A_646 = tpu.memref_squeeze %dma_wait3A_645 : memref<1x64xi32, #tpu.memory_space<vmem>> -> memref<64xi32, #tpu.memory_space<vmem>>
    %dma_wait3A_647 = arith.constant 0 : i32
    %dma_wait3A_648 = arith.constant 0 : i32
    %dma_wait3A_649 = tpu.memref_slice %arg2[%dma_wait3A_647, %dma_wait3A_648] : memref<10000x128xf32, #tpu.memory_space<hbm>> -> memref<10000x128xf32, #tpu.memory_space<hbm>>
    tpu.wait_indirect_dma semaphore(%arg14 : memref<!tpu.dma_semaphore, #tpu.memory_space<semaphore_mem>>) src(%dma_wait3A_649 : memref<10000x128xf32, #tpu.memory_space<hbm>>) dst(%arg11 : memref<64x128xf32, #tpu.memory_space<vmem>>)
    %dma_start3A_650 = arith.constant 37 : i32
    %dma_start3A_651 = arith.constant 0 : i32
    %dma_start3A_652 = tpu.memref_slice %arg9[%dma_start3A_650, %dma_start3A_651] : memref<40x64xi32, #tpu.memory_space<vmem>> -> memref<1x64xi32, #tpu.memory_space<vmem>>
    %dma_start3A_653 = tpu.memref_squeeze %dma_start3A_652 : memref<1x64xi32, #tpu.memory_space<vmem>> -> memref<64xi32, #tpu.memory_space<vmem>>
    %dma_start3A_654 = arith.constant 0 : i32
    %dma_start3A_655 = arith.constant 0 : i32
    %dma_start3A_656 = tpu.memref_slice %arg7[%dma_start3A_654, %dma_start3A_655] : memref<10112x128xf32, #tpu.memory_space<vmem_shared>> -> memref<10112x128xf32, #tpu.memory_space<vmem_shared>>
    tpu.enqueue_indirect_dma source(%arg11 : memref<64x128xf32, #tpu.memory_space<vmem>>) target(%dma_start3A_656 : memref<10112x128xf32, #tpu.memory_space<vmem_shared>>) offsets(%dma_start3A_653 : memref<64xi32, #tpu.memory_space<vmem>>) semaphore(%arg17 : memref<!tpu.dma_semaphore, #tpu.memory_space<semaphore_mem>>) {add = true}
    %get3A_657 = arith.constant 37 : i32
    %get3A_658 = arith.index_cast %get3A_657 : i32 to index
    %get3A_659 = arith.constant 0 : index
    %get3A_660 = tpu.vector_load %arg9[%get3A_658, %get3A_659] {strides = array<i32>} : memref<40x64xi32, #tpu.memory_space<vmem>>, vector<16xi32>,
    tpu.vector_store_idx %arg19[%get3A_660], %broadcast_in_dim3A_38 {add = true} : memref<10112xf32, #tpu.memory_space<vmem>>[vector<16xi32>], vector<16xf32>,
    %get3A_661 = arith.constant 37 : i32
    %get3A_662 = arith.index_cast %get3A_661 : i32 to index
    %get3A_663 = arith.constant 16 : index
    %get3A_664 = tpu.vector_load %arg9[%get3A_662, %get3A_663] {strides = array<i32>} : memref<40x64xi32, #tpu.memory_space<vmem>>, vector<16xi32>,
    tpu.vector_store_idx %arg19[%get3A_664], %broadcast_in_dim3A_38 {add = true} : memref<10112xf32, #tpu.memory_space<vmem>>[vector<16xi32>], vector<16xf32>,
    %get3A_665 = arith.constant 37 : i32
    %get3A_666 = arith.index_cast %get3A_665 : i32 to index
    %get3A_667 = arith.constant 32 : index
    %get3A_668 = tpu.vector_load %arg9[%get3A_666, %get3A_667] {strides = array<i32>} : memref<40x64xi32, #tpu.memory_space<vmem>>, vector<16xi32>,
    tpu.vector_store_idx %arg19[%get3A_668], %broadcast_in_dim3A_38 {add = true} : memref<10112xf32, #tpu.memory_space<vmem>>[vector<16xi32>], vector<16xf32>,
    %get3A_669 = arith.constant 37 : i32
    %get3A_670 = arith.index_cast %get3A_669 : i32 to index
    %get3A_671 = arith.constant 48 : index
    %get3A_672 = tpu.vector_load %arg9[%get3A_670, %get3A_671] {strides = array<i32>} : memref<40x64xi32, #tpu.memory_space<vmem>>, vector<16xi32>,
    tpu.vector_store_idx %arg19[%get3A_672], %broadcast_in_dim3A_38 {add = true} : memref<10112xf32, #tpu.memory_space<vmem>>[vector<16xi32>], vector<16xf32>,
    %dma_wait3A_673 = arith.constant 0 : i32
    %dma_wait3A_674 = arith.constant 0 : i32
    %dma_wait3A_675 = tpu.memref_slice %arg9[%dma_wait3A_673, %dma_wait3A_674] : memref<40x64xi32, #tpu.memory_space<vmem>> -> memref<1x64xi32, #tpu.memory_space<vmem>>
    %dma_wait3A_676 = tpu.memref_squeeze %dma_wait3A_675 : memref<1x64xi32, #tpu.memory_space<vmem>> -> memref<64xi32, #tpu.memory_space<vmem>>
    %dma_wait3A_677 = arith.constant 0 : i32
    %dma_wait3A_678 = arith.constant 0 : i32
    %dma_wait3A_679 = tpu.memref_slice %arg7[%dma_wait3A_677, %dma_wait3A_678] : memref<10112x128xf32, #tpu.memory_space<vmem_shared>> -> memref<10112x128xf32, #tpu.memory_space<vmem_shared>>
    tpu.wait_indirect_dma semaphore(%arg16 : memref<!tpu.dma_semaphore, #tpu.memory_space<semaphore_mem>>) src(%arg10 : memref<64x128xf32, #tpu.memory_space<vmem>>) dst(%dma_wait3A_679 : memref<10112x128xf32, #tpu.memory_space<vmem_shared>>)
    %dma_start3A_680 = arith.constant 39 : i32
    %dma_start3A_681 = arith.constant 0 : i32
    %dma_start3A_682 = tpu.memref_slice %arg8[%dma_start3A_680, %dma_start3A_681] : memref<40x64xi32, #tpu.memory_space<vmem>> -> memref<1x64xi32, #tpu.memory_space<vmem>>
    %dma_start3A_683 = tpu.memref_squeeze %dma_start3A_682 : memref<1x64xi32, #tpu.memory_space<vmem>> -> memref<64xi32, #tpu.memory_space<vmem>>
    %dma_start3A_684 = arith.constant 0 : i32
    %dma_start3A_685 = arith.constant 0 : i32
    %dma_start3A_686 = tpu.memref_slice %arg2[%dma_start3A_684, %dma_start3A_685] : memref<10000x128xf32, #tpu.memory_space<hbm>> -> memref<10000x128xf32, #tpu.memory_space<hbm>>
    tpu.enqueue_indirect_dma source(%dma_start3A_686 : memref<10000x128xf32, #tpu.memory_space<hbm>>) target(%arg10 : memref<64x128xf32, #tpu.memory_space<vmem>>) offsets(%dma_start3A_683 : memref<64xi32, #tpu.memory_space<vmem>>) semaphore(%arg13 : memref<!tpu.dma_semaphore, #tpu.memory_space<semaphore_mem>>)
    %dma_wait3A_687 = arith.constant 0 : i32
    %dma_wait3A_688 = arith.constant 0 : i32
    %dma_wait3A_689 = tpu.memref_slice %arg8[%dma_wait3A_687, %dma_wait3A_688] : memref<40x64xi32, #tpu.memory_space<vmem>> -> memref<1x64xi32, #tpu.memory_space<vmem>>
    %dma_wait3A_690 = tpu.memref_squeeze %dma_wait3A_689 : memref<1x64xi32, #tpu.memory_space<vmem>> -> memref<64xi32, #tpu.memory_space<vmem>>
    %dma_wait3A_691 = arith.constant 0 : i32
    %dma_wait3A_692 = arith.constant 0 : i32
    %dma_wait3A_693 = tpu.memref_slice %arg2[%dma_wait3A_691, %dma_wait3A_692] : memref<10000x128xf32, #tpu.memory_space<hbm>> -> memref<10000x128xf32, #tpu.memory_space<hbm>>
    tpu.wait_indirect_dma semaphore(%arg15 : memref<!tpu.dma_semaphore, #tpu.memory_space<semaphore_mem>>) src(%dma_wait3A_693 : memref<10000x128xf32, #tpu.memory_space<hbm>>) dst(%arg12 : memref<64x128xf32, #tpu.memory_space<vmem>>)
    %dma_start3A_694 = arith.constant 38 : i32
    %dma_start3A_695 = arith.constant 0 : i32
    %dma_start3A_696 = tpu.memref_slice %arg9[%dma_start3A_694, %dma_start3A_695] : memref<40x64xi32, #tpu.memory_space<vmem>> -> memref<1x64xi32, #tpu.memory_space<vmem>>
    %dma_start3A_697 = tpu.memref_squeeze %dma_start3A_696 : memref<1x64xi32, #tpu.memory_space<vmem>> -> memref<64xi32, #tpu.memory_space<vmem>>
    %dma_start3A_698 = arith.constant 0 : i32
    %dma_start3A_699 = arith.constant 0 : i32
    %dma_start3A_700 = tpu.memref_slice %arg7[%dma_start3A_698, %dma_start3A_699] : memref<10112x128xf32, #tpu.memory_space<vmem_shared>> -> memref<10112x128xf32, #tpu.memory_space<vmem_shared>>
    tpu.enqueue_indirect_dma source(%arg12 : memref<64x128xf32, #tpu.memory_space<vmem>>) target(%dma_start3A_700 : memref<10112x128xf32, #tpu.memory_space<vmem_shared>>) offsets(%dma_start3A_697 : memref<64xi32, #tpu.memory_space<vmem>>) semaphore(%arg18 : memref<!tpu.dma_semaphore, #tpu.memory_space<semaphore_mem>>) {add = true}
    %get3A_701 = arith.constant 38 : i32
    %get3A_702 = arith.index_cast %get3A_701 : i32 to index
    %get3A_703 = arith.constant 0 : index
    %get3A_704 = tpu.vector_load %arg9[%get3A_702, %get3A_703] {strides = array<i32>} : memref<40x64xi32, #tpu.memory_space<vmem>>, vector<16xi32>,
    tpu.vector_store_idx %arg19[%get3A_704], %broadcast_in_dim3A_38 {add = true} : memref<10112xf32, #tpu.memory_space<vmem>>[vector<16xi32>], vector<16xf32>,
    %get3A_705 = arith.constant 38 : i32
    %get3A_706 = arith.index_cast %get3A_705 : i32 to index
    %get3A_707 = arith.constant 16 : index
    %get3A_708 = tpu.vector_load %arg9[%get3A_706, %get3A_707] {strides = array<i32>} : memref<40x64xi32, #tpu.memory_space<vmem>>, vector<16xi32>,
    tpu.vector_store_idx %arg19[%get3A_708], %broadcast_in_dim3A_38 {add = true} : memref<10112xf32, #tpu.memory_space<vmem>>[vector<16xi32>], vector<16xf32>,
    %get3A_709 = arith.constant 38 : i32
    %get3A_710 = arith.index_cast %get3A_709 : i32 to index
    %get3A_711 = arith.constant 32 : index
    %get3A_712 = tpu.vector_load %arg9[%get3A_710, %get3A_711] {strides = array<i32>} : memref<40x64xi32, #tpu.memory_space<vmem>>, vector<16xi32>,
    tpu.vector_store_idx %arg19[%get3A_712], %broadcast_in_dim3A_38 {add = true} : memref<10112xf32, #tpu.memory_space<vmem>>[vector<16xi32>], vector<16xf32>,
    %get3A_713 = arith.constant 38 : i32
    %get3A_714 = arith.index_cast %get3A_713 : i32 to index
    %get3A_715 = arith.constant 48 : index
    %get3A_716 = tpu.vector_load %arg9[%get3A_714, %get3A_715] {strides = array<i32>} : memref<40x64xi32, #tpu.memory_space<vmem>>, vector<16xi32>,
    tpu.vector_store_idx %arg19[%get3A_716], %broadcast_in_dim3A_38 {add = true} : memref<10112xf32, #tpu.memory_space<vmem>>[vector<16xi32>], vector<16xf32>,
    %dma_wait3A_717 = arith.constant 0 : i32
    %dma_wait3A_718 = arith.constant 0 : i32
    %dma_wait3A_719 = tpu.memref_slice %arg9[%dma_wait3A_717, %dma_wait3A_718] : memref<40x64xi32, #tpu.memory_space<vmem>> -> memref<1x64xi32, #tpu.memory_space<vmem>>
    %dma_wait3A_720 = tpu.memref_squeeze %dma_wait3A_719 : memref<1x64xi32, #tpu.memory_space<vmem>> -> memref<64xi32, #tpu.memory_space<vmem>>
    %dma_wait3A_721 = arith.constant 0 : i32
    %dma_wait3A_722 = arith.constant 0 : i32
    %dma_wait3A_723 = tpu.memref_slice %arg7[%dma_wait3A_721, %dma_wait3A_722] : memref<10112x128xf32, #tpu.memory_space<vmem_shared>> -> memref<10112x128xf32, #tpu.memory_space<vmem_shared>>
    tpu.wait_indirect_dma semaphore(%arg17 : memref<!tpu.dma_semaphore, #tpu.memory_space<semaphore_mem>>) src(%arg11 : memref<64x128xf32, #tpu.memory_space<vmem>>) dst(%dma_wait3A_723 : memref<10112x128xf32, #tpu.memory_space<vmem_shared>>)
    %dma_wait3A_724 = arith.constant 0 : i32
    %dma_wait3A_725 = arith.constant 0 : i32
    %dma_wait3A_726 = tpu.memref_slice %arg8[%dma_wait3A_724, %dma_wait3A_725] : memref<40x64xi32, #tpu.memory_space<vmem>> -> memref<1x64xi32, #tpu.memory_space<vmem>>
    %dma_wait3A_727 = tpu.memref_squeeze %dma_wait3A_726 : memref<1x64xi32, #tpu.memory_space<vmem>> -> memref<64xi32, #tpu.memory_space<vmem>>
    %dma_wait3A_728 = arith.constant 0 : i32
    %dma_wait3A_729 = arith.constant 0 : i32
    %dma_wait3A_730 = tpu.memref_slice %arg2[%dma_wait3A_728, %dma_wait3A_729] : memref<10000x128xf32, #tpu.memory_space<hbm>> -> memref<10000x128xf32, #tpu.memory_space<hbm>>
    tpu.wait_indirect_dma semaphore(%arg13 : memref<!tpu.dma_semaphore, #tpu.memory_space<semaphore_mem>>) src(%dma_wait3A_730 : memref<10000x128xf32, #tpu.memory_space<hbm>>) dst(%arg10 : memref<64x128xf32, #tpu.memory_space<vmem>>)
    %dma_start3A_731 = arith.constant 39 : i32
    %dma_start3A_732 = arith.constant 0 : i32
    %dma_start3A_733 = tpu.memref_slice %arg9[%dma_start3A_731, %dma_start3A_732] : memref<40x64xi32, #tpu.memory_space<vmem>> -> memref<1x64xi32, #tpu.memory_space<vmem>>
    %dma_start3A_734 = tpu.memref_squeeze %dma_start3A_733 : memref<1x64xi32, #tpu.memory_space<vmem>> -> memref<64xi32, #tpu.memory_space<vmem>>
    %dma_start3A_735 = arith.constant 0 : i32
    %dma_start3A_736 = arith.constant 0 : i32
    %dma_start3A_737 = tpu.memref_slice %arg7[%dma_start3A_735, %dma_start3A_736] : memref<10112x128xf32, #tpu.memory_space<vmem_shared>> -> memref<10112x128xf32, #tpu.memory_space<vmem_shared>>
    tpu.enqueue_indirect_dma source(%arg10 : memref<64x128xf32, #tpu.memory_space<vmem>>) target(%dma_start3A_737 : memref<10112x128xf32, #tpu.memory_space<vmem_shared>>) offsets(%dma_start3A_734 : memref<64xi32, #tpu.memory_space<vmem>>) semaphore(%arg16 : memref<!tpu.dma_semaphore, #tpu.memory_space<semaphore_mem>>) {add = true}
    %get3A_738 = arith.constant 39 : i32
    %get3A_739 = arith.index_cast %get3A_738 : i32 to index
    %get3A_740 = arith.constant 0 : index
    %get3A_741 = tpu.vector_load %arg9[%get3A_739, %get3A_740] {strides = array<i32>} : memref<40x64xi32, #tpu.memory_space<vmem>>, vector<16xi32>,
    tpu.vector_store_idx %arg19[%get3A_741], %broadcast_in_dim3A_38 {add = true} : memref<10112xf32, #tpu.memory_space<vmem>>[vector<16xi32>], vector<16xf32>,
    %get3A_742 = arith.constant 39 : i32
    %get3A_743 = arith.index_cast %get3A_742 : i32 to index
    %get3A_744 = arith.constant 16 : index
    %get3A_745 = tpu.vector_load %arg9[%get3A_743, %get3A_744] {strides = array<i32>} : memref<40x64xi32, #tpu.memory_space<vmem>>, vector<16xi32>,
    tpu.vector_store_idx %arg19[%get3A_745], %broadcast_in_dim3A_38 {add = true} : memref<10112xf32, #tpu.memory_space<vmem>>[vector<16xi32>], vector<16xf32>,
    %get3A_746 = arith.constant 39 : i32
    %get3A_747 = arith.index_cast %get3A_746 : i32 to index
    %get3A_748 = arith.constant 32 : index
    %get3A_749 = tpu.vector_load %arg9[%get3A_747, %get3A_748] {strides = array<i32>} : memref<40x64xi32, #tpu.memory_space<vmem>>, vector<16xi32>,
    tpu.vector_store_idx %arg19[%get3A_749], %broadcast_in_dim3A_38 {add = true} : memref<10112xf32, #tpu.memory_space<vmem>>[vector<16xi32>], vector<16xf32>,
    %get3A_750 = arith.constant 39 : i32
    %get3A_751 = arith.index_cast %get3A_750 : i32 to index
    %get3A_752 = arith.constant 48 : index
    %get3A_753 = tpu.vector_load %arg9[%get3A_751, %get3A_752] {strides = array<i32>} : memref<40x64xi32, #tpu.memory_space<vmem>>, vector<16xi32>,
    tpu.vector_store_idx %arg19[%get3A_753], %broadcast_in_dim3A_38 {add = true} : memref<10112xf32, #tpu.memory_space<vmem>>[vector<16xi32>], vector<16xf32>,
    %dma_wait3A_754 = arith.constant 0 : i32
    %dma_wait3A_755 = arith.constant 0 : i32
    %dma_wait3A_756 = tpu.memref_slice %arg9[%dma_wait3A_754, %dma_wait3A_755] : memref<40x64xi32, #tpu.memory_space<vmem>> -> memref<1x64xi32, #tpu.memory_space<vmem>>
    %dma_wait3A_757 = tpu.memref_squeeze %dma_wait3A_756 : memref<1x64xi32, #tpu.memory_space<vmem>> -> memref<64xi32, #tpu.memory_space<vmem>>
    %dma_wait3A_758 = arith.constant 0 : i32
    %dma_wait3A_759 = arith.constant 0 : i32
    %dma_wait3A_760 = tpu.memref_slice %arg7[%dma_wait3A_758, %dma_wait3A_759] : memref<10112x128xf32, #tpu.memory_space<vmem_shared>> -> memref<10112x128xf32, #tpu.memory_space<vmem_shared>>
    tpu.wait_indirect_dma semaphore(%arg18 : memref<!tpu.dma_semaphore, #tpu.memory_space<semaphore_mem>>) src(%arg12 : memref<64x128xf32, #tpu.memory_space<vmem>>) dst(%dma_wait3A_760 : memref<10112x128xf32, #tpu.memory_space<vmem_shared>>)
    %dma_wait3A_761 = arith.constant 0 : i32
    %dma_wait3A_762 = arith.constant 0 : i32
    %dma_wait3A_763 = tpu.memref_slice %arg9[%dma_wait3A_761, %dma_wait3A_762] : memref<40x64xi32, #tpu.memory_space<vmem>> -> memref<1x64xi32, #tpu.memory_space<vmem>>
    %dma_wait3A_764 = tpu.memref_squeeze %dma_wait3A_763 : memref<1x64xi32, #tpu.memory_space<vmem>> -> memref<64xi32, #tpu.memory_space<vmem>>
    %dma_wait3A_765 = arith.constant 0 : i32
    %dma_wait3A_766 = arith.constant 0 : i32
    %dma_wait3A_767 = tpu.memref_slice %arg7[%dma_wait3A_765, %dma_wait3A_766] : memref<10112x128xf32, #tpu.memory_space<vmem_shared>> -> memref<10112x128xf32, #tpu.memory_space<vmem_shared>>
    tpu.wait_indirect_dma semaphore(%arg16 : memref<!tpu.dma_semaphore, #tpu.memory_space<semaphore_mem>>) src(%arg10 : memref<64x128xf32, #tpu.memory_space<vmem>>) dst(%dma_wait3A_767 : memref<10112x128xf32, #tpu.memory_space<vmem_shared>>)
    "tpu.trace_stop"() : () -> ()
    "tpu.trace_start"() <{level = 10 : i32, message = "writeback"}> : () -> ()
    %mul3A_768 = arith.constant 10112 : i32
    %mul3A_769 = arith.muli %add3A, %mul3A_768 : i32
    "tpu.region"() ({
      %run_scoped3A = tpu.sem_alloc : memref<!tpu.dma_semaphore, #tpu.memory_space<semaphore_mem>>
      %dma_start3A_771 = tpu.memref_slice %arg6[%mul3A_769] : memref<323584xf32, #tpu.memory_space<hbm>> -> memref<10112xf32, #tpu.memory_space<hbm>>
      %dma_start3A_772 = tpu.memref_slice %arg6[%mul3A_769] : memref<323584xf32, #tpu.memory_space<hbm>> -> memref<10112xf32, #tpu.memory_space<hbm>>
      tpu.enqueue_dma source(%arg19 : memref<10112xf32, #tpu.memory_space<vmem>>) target(%dma_start3A_772 : memref<10112xf32, #tpu.memory_space<hbm>>) target_semaphore(%run_scoped3A : memref<!tpu.dma_semaphore, #tpu.memory_space<semaphore_mem>>)
      %dma_wait3A_773 = tpu.memref_slice %arg6[%mul3A_769] : memref<323584xf32, #tpu.memory_space<hbm>> -> memref<10112xf32, #tpu.memory_space<hbm>>
      %dma_wait3A_774 = tpu.memref_slice %arg6[%mul3A_769] : memref<323584xf32, #tpu.memory_space<hbm>> -> memref<10112xf32, #tpu.memory_space<hbm>>
      tpu.wait_dma2 semaphore(%run_scoped3A : memref<!tpu.dma_semaphore, #tpu.memory_space<semaphore_mem>>) src(%arg19 : memref<10112xf32, #tpu.memory_space<vmem>>) dst(%dma_wait3A_774 : memref<10112xf32, #tpu.memory_space<hbm>>)
      tpu.yield
    }) : () -> ()
    %barrier3A_770 = arith.constant 0 : index
    tpu.barrier barrier_id(%barrier3A_770)
    "tpu.region"() ({
      %run_scoped3A = tpu.sem_alloc : memref<!tpu.dma_semaphore, #tpu.memory_space<semaphore_mem>>
      %dma_start3A_771 = arith.constant 0 : i32
      %dma_start3A_772 = tpu.memref_slice %arg5[%arg0, %mul3A_14, %dma_start3A_771] : memref<2x10112x128xf32, #tpu.memory_space<hbm>> -> memref<1x632x128xf32, #tpu.memory_space<hbm>>
      %dma_start3A_773 = tpu.memref_squeeze %dma_start3A_772 : memref<1x632x128xf32, #tpu.memory_space<hbm>> -> memref<632x128xf32, #tpu.memory_space<hbm>>
      %dma_start3A_774 = arith.constant 0 : i32
      %dma_start3A_775 = tpu.memref_slice %arg7[%mul3A_14, %dma_start3A_774] : memref<10112x128xf32, #tpu.memory_space<vmem_shared>> -> memref<632x128xf32, #tpu.memory_space<vmem_shared>>
      tpu.enqueue_dma source(%dma_start3A_775 : memref<632x128xf32, #tpu.memory_space<vmem_shared>>) target(%dma_start3A_773 : memref<632x128xf32, #tpu.memory_space<hbm>>) target_semaphore(%run_scoped3A : memref<!tpu.dma_semaphore, #tpu.memory_space<semaphore_mem>>)
      %dma_wait3A_776 = arith.constant 0 : i32
      %dma_wait3A_777 = tpu.memref_slice %arg5[%arg0, %mul3A_14, %dma_wait3A_776] : memref<2x10112x128xf32, #tpu.memory_space<hbm>> -> memref<1x632x128xf32, #tpu.memory_space<hbm>>
      %dma_wait3A_778 = tpu.memref_squeeze %dma_wait3A_777 : memref<1x632x128xf32, #tpu.memory_space<hbm>> -> memref<632x128xf32, #tpu.memory_space<hbm>>
      %dma_wait3A_779 = arith.constant 0 : i32
      %dma_wait3A_780 = tpu.memref_slice %arg7[%mul3A_14, %dma_wait3A_779] : memref<10112x128xf32, #tpu.memory_space<vmem_shared>> -> memref<632x128xf32, #tpu.memory_space<vmem_shared>>
      tpu.wait_dma2 semaphore(%run_scoped3A : memref<!tpu.dma_semaphore, #tpu.memory_space<semaphore_mem>>) src(%dma_wait3A_780 : memref<632x128xf32, #tpu.memory_space<vmem_shared>>) dst(%dma_wait3A_778 : memref<632x128xf32, #tpu.memory_space<hbm>>)
      tpu.yield
    }) : () -> ()
    "tpu.trace_stop"() : () -> ()
    return
  }
}

#map = affine_map<(d0, d1) -> (0, 0)>
#map1 = affine_map<(d0, d1) -> (0, 0, 0)>
module attributes {stable_mosaic.version = 14 : i64} {
  func.func @body(%arg0: i32, %arg1: i32, %arg2: memref<10000x64xf32, #tpu.memory_space<hbm>>, %arg3: memref<2560x128xi32, #tpu.memory_space<hbm>>, %arg4: memref<2560x128xi32, #tpu.memory_space<hbm>>, %arg5: memref<2x10112x64xf32, #tpu.memory_space<hbm>>, %arg6: memref<10112x64xf32, #tpu.memory_space<vmem_shared>>, %arg7: memref<40x128xi32, #tpu.memory_space<vmem>>, %arg8: memref<40x128xi32, #tpu.memory_space<vmem>>, %arg9: memref<128x64xf32, #tpu.memory_space<vmem>>, %arg10: memref<128x64xf32, #tpu.memory_space<vmem>>, %arg11: memref<128x64xf32, #tpu.memory_space<vmem>>, %arg12: memref<!tpu.dma_semaphore, #tpu.memory_space<semaphore_mem>>, %arg13: memref<!tpu.dma_semaphore, #tpu.memory_space<semaphore_mem>>, %arg14: memref<!tpu.dma_semaphore, #tpu.memory_space<semaphore_mem>>, %arg15: memref<!tpu.dma_semaphore, #tpu.memory_space<semaphore_mem>>, %arg16: memref<!tpu.dma_semaphore, #tpu.memory_space<semaphore_mem>>, %arg17: memref<!tpu.dma_semaphore, #tpu.memory_space<semaphore_mem>>) attributes {dimension_semantics = [#tpu.dimension_semantics<core_parallel>, #tpu.dimension_semantics<subcore_parallel>], iteration_bounds = array<i64: 2, 16>, scalar_prefetch = 0 : i64, scratch_operands = 12 : i64, tpu.core_type = #tpu.core_type<sc_vector_subcore>, window_params = [{transform_indices = #map}, {transform_indices = #map}, {transform_indices = #map}, {transform_indices = #map1}]} {
    %mul3A = arith.constant 2 : i32
    %mul3A_0 = arith.muli %arg1, %mul3A : i32
    %add3A = arith.addi %mul3A_0, %arg0 : i32
    %broadcast_in_dim3A = arith.constant 0.000000e+00 : f32
    "tpu.trace_start"() <{level = 10 : i32, message = "zeroing"}> : () -> ()
    %broadcast_in_dim3A_1 = vector.broadcast %broadcast_in_dim3A : f32 to vector<16xf32>
    %scan3A = arith.constant 0 : i32
    %scan3A_2 = arith.constant 512 : i32
    %scan3A_3 = arith.addi %scan3A, %scan3A_2 : i32
    %scan3A_4 = arith.constant 1 : i32
    scf.for %scan3A_259 = %scan3A to %scan3A_3 step %scan3A_4  : i32 {
      %mul3A_260 = arith.constant 1 : i32
      %mul3A_261 = arith.muli %scan3A_259, %mul3A_260 : i32
      %add3A_262 = arith.constant 0 : i32
      %add3A_263 = arith.addi %add3A_262, %mul3A_261 : i32
      %jit3A = arith.constant 4 : i32
      %div3A = arith.divsi %add3A_263, %jit3A : i32
      %sign3A = arith.constant 0 : i32
      %sign3A_264 = arith.cmpi sgt, %add3A_263, %sign3A : i32
      %sign3A_265 = arith.extui %sign3A_264 : i1 to i32
      %sign3A_266 = arith.constant 0 : i32
      %sign3A_267 = arith.cmpi slt, %add3A_263, %sign3A_266 : i32
      %sign3A_268 = arith.extui %sign3A_267 : i1 to i32
      %sign3A_269 = arith.subi %sign3A_265, %sign3A_268 : i32
      %sign3A_270 = arith.constant 0 : i32
      %sign3A_271 = arith.cmpi sgt, %jit3A, %sign3A_270 : i32
      %sign3A_272 = arith.extui %sign3A_271 : i1 to i32
      %sign3A_273 = arith.constant 0 : i32
      %sign3A_274 = arith.cmpi slt, %jit3A, %sign3A_273 : i32
      %sign3A_275 = arith.extui %sign3A_274 : i1 to i32
      %sign3A_276 = arith.subi %sign3A_272, %sign3A_275 : i32
      %ne3A = arith.cmpi ne, %sign3A_269, %sign3A_276 : i32
      %rem3A = arith.remsi %add3A_263, %jit3A : i32
      %ne3A_277 = arith.constant 0 : i32
      %ne3A_278 = arith.cmpi ne, %rem3A, %ne3A_277 : i32
      %and3A = arith.andi %ne3A, %ne3A_278 : i1
      %sub3A = arith.constant 1 : i32
      %sub3A_279 = arith.subi %div3A, %sub3A : i32
      %select_n3A = arith.select %and3A, %sub3A_279, %div3A : i32
      %jit3A_280 = arith.constant 4 : i32
      %eq3A = arith.constant 0 : i32
      %eq3A_281 = arith.cmpi eq, %jit3A_280, %eq3A : i32
      %jit3A_282 = arith.constant 1 : i32
      %select_n3A_283 = arith.select %eq3A_281, %jit3A_282, %jit3A_280 : i32
      %rem3A_284 = arith.remsi %add3A_263, %select_n3A_283 : i32
      %ne3A_285 = arith.constant 0 : i32
      %ne3A_286 = arith.cmpi ne, %rem3A_284, %ne3A_285 : i32
      %lt3A = arith.constant 0 : i32
      %lt3A_287 = arith.cmpi slt, %rem3A_284, %lt3A : i32
      %lt3A_288 = arith.constant 0 : i32
      %lt3A_289 = arith.cmpi slt, %select_n3A_283, %lt3A_288 : i32
      %ne3A_290 = arith.xori %lt3A_287, %lt3A_289 : i1
      %and3A_291 = arith.andi %ne3A_290, %ne3A_286 : i1
      %add3A_292 = arith.addi %rem3A_284, %select_n3A_283 : i32
      %select_n3A_293 = arith.select %and3A_291, %add3A_292, %rem3A_284 : i32
      %mul3A_294 = arith.constant 16 : i32
      %mul3A_295 = arith.muli %select_n3A_293, %mul3A_294 : i32
      %swap3A = arith.index_cast %select_n3A : i32 to index
      %swap3A_296 = arith.index_cast %mul3A_295 : i32 to index
      %swap3A_297 = tpu.vector_load %arg9[%swap3A, %swap3A_296] {strides = array<i32>} : memref<128x64xf32, #tpu.memory_space<vmem>>, vector<16xf32>,
      tpu.vector_store %arg9[%swap3A, %swap3A_296], %broadcast_in_dim3A_1 {strides = array<i32>} : memref<128x64xf32, #tpu.memory_space<vmem>>, vector<16xf32>,
    }
    %scan3A_5 = arith.constant 512 : i32
    "tpu.trace_stop"() : () -> ()
    "tpu.trace_start"() <{level = 10 : i32, message = "acc_zero"}> : () -> ()
    %mul3A_6 = arith.constant 632 : i32
    %mul3A_7 = arith.muli %arg1, %mul3A_6 : i32
    %add3A_8 = arith.constant 0 : i32
    %add3A_9 = arith.addi %mul3A_7, %add3A_8 : i32
    "tpu.region"() ({
      %run_scoped3A = tpu.sem_alloc : memref<!tpu.dma_semaphore, #tpu.memory_space<semaphore_mem>>
      %dma_start3A_259 = arith.constant 0 : i32
      %dma_start3A_260 = arith.constant 0 : i32
      %dma_start3A_261 = tpu.memref_slice %arg9[%dma_start3A_259, %dma_start3A_260] : memref<128x64xf32, #tpu.memory_space<vmem>> -> memref<128x64xf32, #tpu.memory_space<vmem>>
      %dma_start3A_262 = arith.constant 0 : i32
      %dma_start3A_263 = tpu.memref_slice %arg6[%add3A_9, %dma_start3A_262] : memref<10112x64xf32, #tpu.memory_space<vmem_shared>> -> memref<128x64xf32, #tpu.memory_space<vmem_shared>>
      %dma_start3A_264 = arith.constant 0 : i32
      %dma_start3A_265 = tpu.memref_slice %arg6[%add3A_9, %dma_start3A_264] : memref<10112x64xf32, #tpu.memory_space<vmem_shared>> -> memref<128x64xf32, #tpu.memory_space<vmem_shared>>
      %dma_start3A_266 = arith.constant 0 : i32
      %dma_start3A_267 = arith.constant 0 : i32
      %dma_start3A_268 = tpu.memref_slice %arg9[%dma_start3A_266, %dma_start3A_267] : memref<128x64xf32, #tpu.memory_space<vmem>> -> memref<128x64xf32, #tpu.memory_space<vmem>>
      tpu.enqueue_dma source(%dma_start3A_268 : memref<128x64xf32, #tpu.memory_space<vmem>>) target(%dma_start3A_265 : memref<128x64xf32, #tpu.memory_space<vmem_shared>>) target_semaphore(%run_scoped3A : memref<!tpu.dma_semaphore, #tpu.memory_space<semaphore_mem>>)
      %dma_wait3A_269 = arith.constant 0 : i32
      %dma_wait3A_270 = arith.constant 0 : i32
      %dma_wait3A_271 = tpu.memref_slice %arg9[%dma_wait3A_269, %dma_wait3A_270] : memref<128x64xf32, #tpu.memory_space<vmem>> -> memref<128x64xf32, #tpu.memory_space<vmem>>
      %dma_wait3A_272 = arith.constant 0 : i32
      %dma_wait3A_273 = tpu.memref_slice %arg6[%add3A_9, %dma_wait3A_272] : memref<10112x64xf32, #tpu.memory_space<vmem_shared>> -> memref<128x64xf32, #tpu.memory_space<vmem_shared>>
      %dma_wait3A_274 = arith.constant 0 : i32
      %dma_wait3A_275 = tpu.memref_slice %arg6[%add3A_9, %dma_wait3A_274] : memref<10112x64xf32, #tpu.memory_space<vmem_shared>> -> memref<128x64xf32, #tpu.memory_space<vmem_shared>>
      %dma_wait3A_276 = arith.constant 0 : i32
      %dma_wait3A_277 = arith.constant 0 : i32
      %dma_wait3A_278 = tpu.memref_slice %arg9[%dma_wait3A_276, %dma_wait3A_277] : memref<128x64xf32, #tpu.memory_space<vmem>> -> memref<128x64xf32, #tpu.memory_space<vmem>>
      tpu.wait_dma2 semaphore(%run_scoped3A : memref<!tpu.dma_semaphore, #tpu.memory_space<semaphore_mem>>) src(%dma_wait3A_278 : memref<128x64xf32, #tpu.memory_space<vmem>>) dst(%dma_wait3A_275 : memref<128x64xf32, #tpu.memory_space<vmem_shared>>)
      tpu.yield
    }) : () -> ()
    %add3A_10 = arith.constant 128 : i32
    %add3A_11 = arith.addi %mul3A_7, %add3A_10 : i32
    "tpu.region"() ({
      %run_scoped3A = tpu.sem_alloc : memref<!tpu.dma_semaphore, #tpu.memory_space<semaphore_mem>>
      %dma_start3A_259 = arith.constant 0 : i32
      %dma_start3A_260 = arith.constant 0 : i32
      %dma_start3A_261 = tpu.memref_slice %arg9[%dma_start3A_259, %dma_start3A_260] : memref<128x64xf32, #tpu.memory_space<vmem>> -> memref<128x64xf32, #tpu.memory_space<vmem>>
      %dma_start3A_262 = arith.constant 0 : i32
      %dma_start3A_263 = tpu.memref_slice %arg6[%add3A_11, %dma_start3A_262] : memref<10112x64xf32, #tpu.memory_space<vmem_shared>> -> memref<128x64xf32, #tpu.memory_space<vmem_shared>>
      %dma_start3A_264 = arith.constant 0 : i32
      %dma_start3A_265 = tpu.memref_slice %arg6[%add3A_11, %dma_start3A_264] : memref<10112x64xf32, #tpu.memory_space<vmem_shared>> -> memref<128x64xf32, #tpu.memory_space<vmem_shared>>
      %dma_start3A_266 = arith.constant 0 : i32
      %dma_start3A_267 = arith.constant 0 : i32
      %dma_start3A_268 = tpu.memref_slice %arg9[%dma_start3A_266, %dma_start3A_267] : memref<128x64xf32, #tpu.memory_space<vmem>> -> memref<128x64xf32, #tpu.memory_space<vmem>>
      tpu.enqueue_dma source(%dma_start3A_268 : memref<128x64xf32, #tpu.memory_space<vmem>>) target(%dma_start3A_265 : memref<128x64xf32, #tpu.memory_space<vmem_shared>>) target_semaphore(%run_scoped3A : memref<!tpu.dma_semaphore, #tpu.memory_space<semaphore_mem>>)
      %dma_wait3A_269 = arith.constant 0 : i32
      %dma_wait3A_270 = arith.constant 0 : i32
      %dma_wait3A_271 = tpu.memref_slice %arg9[%dma_wait3A_269, %dma_wait3A_270] : memref<128x64xf32, #tpu.memory_space<vmem>> -> memref<128x64xf32, #tpu.memory_space<vmem>>
      %dma_wait3A_272 = arith.constant 0 : i32
      %dma_wait3A_273 = tpu.memref_slice %arg6[%add3A_11, %dma_wait3A_272] : memref<10112x64xf32, #tpu.memory_space<vmem_shared>> -> memref<128x64xf32, #tpu.memory_space<vmem_shared>>
      %dma_wait3A_274 = arith.constant 0 : i32
      %dma_wait3A_275 = tpu.memref_slice %arg6[%add3A_11, %dma_wait3A_274] : memref<10112x64xf32, #tpu.memory_space<vmem_shared>> -> memref<128x64xf32, #tpu.memory_space<vmem_shared>>
      %dma_wait3A_276 = arith.constant 0 : i32
      %dma_wait3A_277 = arith.constant 0 : i32
      %dma_wait3A_278 = tpu.memref_slice %arg9[%dma_wait3A_276, %dma_wait3A_277] : memref<128x64xf32, #tpu.memory_space<vmem>> -> memref<128x64xf32, #tpu.memory_space<vmem>>
      tpu.wait_dma2 semaphore(%run_scoped3A : memref<!tpu.dma_semaphore, #tpu.memory_space<semaphore_mem>>) src(%dma_wait3A_278 : memref<128x64xf32, #tpu.memory_space<vmem>>) dst(%dma_wait3A_275 : memref<128x64xf32, #tpu.memory_space<vmem_shared>>)
      tpu.yield
    }) : () -> ()
    %add3A_12 = arith.constant 256 : i32
    %add3A_13 = arith.addi %mul3A_7, %add3A_12 : i32
    "tpu.region"() ({
      %run_scoped3A = tpu.sem_alloc : memref<!tpu.dma_semaphore, #tpu.memory_space<semaphore_mem>>
      %dma_start3A_259 = arith.constant 0 : i32
      %dma_start3A_260 = arith.constant 0 : i32
      %dma_start3A_261 = tpu.memref_slice %arg9[%dma_start3A_259, %dma_start3A_260] : memref<128x64xf32, #tpu.memory_space<vmem>> -> memref<128x64xf32, #tpu.memory_space<vmem>>
      %dma_start3A_262 = arith.constant 0 : i32
      %dma_start3A_263 = tpu.memref_slice %arg6[%add3A_13, %dma_start3A_262] : memref<10112x64xf32, #tpu.memory_space<vmem_shared>> -> memref<128x64xf32, #tpu.memory_space<vmem_shared>>
      %dma_start3A_264 = arith.constant 0 : i32
      %dma_start3A_265 = tpu.memref_slice %arg6[%add3A_13, %dma_start3A_264] : memref<10112x64xf32, #tpu.memory_space<vmem_shared>> -> memref<128x64xf32, #tpu.memory_space<vmem_shared>>
      %dma_start3A_266 = arith.constant 0 : i32
      %dma_start3A_267 = arith.constant 0 : i32
      %dma_start3A_268 = tpu.memref_slice %arg9[%dma_start3A_266, %dma_start3A_267] : memref<128x64xf32, #tpu.memory_space<vmem>> -> memref<128x64xf32, #tpu.memory_space<vmem>>
      tpu.enqueue_dma source(%dma_start3A_268 : memref<128x64xf32, #tpu.memory_space<vmem>>) target(%dma_start3A_265 : memref<128x64xf32, #tpu.memory_space<vmem_shared>>) target_semaphore(%run_scoped3A : memref<!tpu.dma_semaphore, #tpu.memory_space<semaphore_mem>>)
      %dma_wait3A_269 = arith.constant 0 : i32
      %dma_wait3A_270 = arith.constant 0 : i32
      %dma_wait3A_271 = tpu.memref_slice %arg9[%dma_wait3A_269, %dma_wait3A_270] : memref<128x64xf32, #tpu.memory_space<vmem>> -> memref<128x64xf32, #tpu.memory_space<vmem>>
      %dma_wait3A_272 = arith.constant 0 : i32
      %dma_wait3A_273 = tpu.memref_slice %arg6[%add3A_13, %dma_wait3A_272] : memref<10112x64xf32, #tpu.memory_space<vmem_shared>> -> memref<128x64xf32, #tpu.memory_space<vmem_shared>>
      %dma_wait3A_274 = arith.constant 0 : i32
      %dma_wait3A_275 = tpu.memref_slice %arg6[%add3A_13, %dma_wait3A_274] : memref<10112x64xf32, #tpu.memory_space<vmem_shared>> -> memref<128x64xf32, #tpu.memory_space<vmem_shared>>
      %dma_wait3A_276 = arith.constant 0 : i32
      %dma_wait3A_277 = arith.constant 0 : i32
      %dma_wait3A_278 = tpu.memref_slice %arg9[%dma_wait3A_276, %dma_wait3A_277] : memref<128x64xf32, #tpu.memory_space<vmem>> -> memref<128x64xf32, #tpu.memory_space<vmem>>
      tpu.wait_dma2 semaphore(%run_scoped3A : memref<!tpu.dma_semaphore, #tpu.memory_space<semaphore_mem>>) src(%dma_wait3A_278 : memref<128x64xf32, #tpu.memory_space<vmem>>) dst(%dma_wait3A_275 : memref<128x64xf32, #tpu.memory_space<vmem_shared>>)
      tpu.yield
    }) : () -> ()
    %add3A_14 = arith.constant 384 : i32
    %add3A_15 = arith.addi %mul3A_7, %add3A_14 : i32
    "tpu.region"() ({
      %run_scoped3A = tpu.sem_alloc : memref<!tpu.dma_semaphore, #tpu.memory_space<semaphore_mem>>
      %dma_start3A_259 = arith.constant 0 : i32
      %dma_start3A_260 = arith.constant 0 : i32
      %dma_start3A_261 = tpu.memref_slice %arg9[%dma_start3A_259, %dma_start3A_260] : memref<128x64xf32, #tpu.memory_space<vmem>> -> memref<128x64xf32, #tpu.memory_space<vmem>>
      %dma_start3A_262 = arith.constant 0 : i32
      %dma_start3A_263 = tpu.memref_slice %arg6[%add3A_15, %dma_start3A_262] : memref<10112x64xf32, #tpu.memory_space<vmem_shared>> -> memref<128x64xf32, #tpu.memory_space<vmem_shared>>
      %dma_start3A_264 = arith.constant 0 : i32
      %dma_start3A_265 = tpu.memref_slice %arg6[%add3A_15, %dma_start3A_264] : memref<10112x64xf32, #tpu.memory_space<vmem_shared>> -> memref<128x64xf32, #tpu.memory_space<vmem_shared>>
      %dma_start3A_266 = arith.constant 0 : i32
      %dma_start3A_267 = arith.constant 0 : i32
      %dma_start3A_268 = tpu.memref_slice %arg9[%dma_start3A_266, %dma_start3A_267] : memref<128x64xf32, #tpu.memory_space<vmem>> -> memref<128x64xf32, #tpu.memory_space<vmem>>
      tpu.enqueue_dma source(%dma_start3A_268 : memref<128x64xf32, #tpu.memory_space<vmem>>) target(%dma_start3A_265 : memref<128x64xf32, #tpu.memory_space<vmem_shared>>) target_semaphore(%run_scoped3A : memref<!tpu.dma_semaphore, #tpu.memory_space<semaphore_mem>>)
      %dma_wait3A_269 = arith.constant 0 : i32
      %dma_wait3A_270 = arith.constant 0 : i32
      %dma_wait3A_271 = tpu.memref_slice %arg9[%dma_wait3A_269, %dma_wait3A_270] : memref<128x64xf32, #tpu.memory_space<vmem>> -> memref<128x64xf32, #tpu.memory_space<vmem>>
      %dma_wait3A_272 = arith.constant 0 : i32
      %dma_wait3A_273 = tpu.memref_slice %arg6[%add3A_15, %dma_wait3A_272] : memref<10112x64xf32, #tpu.memory_space<vmem_shared>> -> memref<128x64xf32, #tpu.memory_space<vmem_shared>>
      %dma_wait3A_274 = arith.constant 0 : i32
      %dma_wait3A_275 = tpu.memref_slice %arg6[%add3A_15, %dma_wait3A_274] : memref<10112x64xf32, #tpu.memory_space<vmem_shared>> -> memref<128x64xf32, #tpu.memory_space<vmem_shared>>
      %dma_wait3A_276 = arith.constant 0 : i32
      %dma_wait3A_277 = arith.constant 0 : i32
      %dma_wait3A_278 = tpu.memref_slice %arg9[%dma_wait3A_276, %dma_wait3A_277] : memref<128x64xf32, #tpu.memory_space<vmem>> -> memref<128x64xf32, #tpu.memory_space<vmem>>
      tpu.wait_dma2 semaphore(%run_scoped3A : memref<!tpu.dma_semaphore, #tpu.memory_space<semaphore_mem>>) src(%dma_wait3A_278 : memref<128x64xf32, #tpu.memory_space<vmem>>) dst(%dma_wait3A_275 : memref<128x64xf32, #tpu.memory_space<vmem_shared>>)
      tpu.yield
    }) : () -> ()
    %add3A_16 = arith.constant 512 : i32
    %add3A_17 = arith.addi %mul3A_7, %add3A_16 : i32
    "tpu.region"() ({
      %run_scoped3A = tpu.sem_alloc : memref<!tpu.dma_semaphore, #tpu.memory_space<semaphore_mem>>
      %dma_start3A_259 = arith.constant 0 : i32
      %dma_start3A_260 = arith.constant 0 : i32
      %dma_start3A_261 = tpu.memref_slice %arg9[%dma_start3A_259, %dma_start3A_260] : memref<128x64xf32, #tpu.memory_space<vmem>> -> memref<120x64xf32, #tpu.memory_space<vmem>>
      %dma_start3A_262 = arith.constant 0 : i32
      %dma_start3A_263 = tpu.memref_slice %arg6[%add3A_17, %dma_start3A_262] : memref<10112x64xf32, #tpu.memory_space<vmem_shared>> -> memref<120x64xf32, #tpu.memory_space<vmem_shared>>
      %dma_start3A_264 = arith.constant 0 : i32
      %dma_start3A_265 = tpu.memref_slice %arg6[%add3A_17, %dma_start3A_264] : memref<10112x64xf32, #tpu.memory_space<vmem_shared>> -> memref<120x64xf32, #tpu.memory_space<vmem_shared>>
      %dma_start3A_266 = arith.constant 0 : i32
      %dma_start3A_267 = arith.constant 0 : i32
      %dma_start3A_268 = tpu.memref_slice %arg9[%dma_start3A_266, %dma_start3A_267] : memref<128x64xf32, #tpu.memory_space<vmem>> -> memref<120x64xf32, #tpu.memory_space<vmem>>
      tpu.enqueue_dma source(%dma_start3A_268 : memref<120x64xf32, #tpu.memory_space<vmem>>) target(%dma_start3A_265 : memref<120x64xf32, #tpu.memory_space<vmem_shared>>) target_semaphore(%run_scoped3A : memref<!tpu.dma_semaphore, #tpu.memory_space<semaphore_mem>>)
      %dma_wait3A_269 = arith.constant 0 : i32
      %dma_wait3A_270 = arith.constant 0 : i32
      %dma_wait3A_271 = tpu.memref_slice %arg9[%dma_wait3A_269, %dma_wait3A_270] : memref<128x64xf32, #tpu.memory_space<vmem>> -> memref<120x64xf32, #tpu.memory_space<vmem>>
      %dma_wait3A_272 = arith.constant 0 : i32
      %dma_wait3A_273 = tpu.memref_slice %arg6[%add3A_17, %dma_wait3A_272] : memref<10112x64xf32, #tpu.memory_space<vmem_shared>> -> memref<120x64xf32, #tpu.memory_space<vmem_shared>>
      %dma_wait3A_274 = arith.constant 0 : i32
      %dma_wait3A_275 = tpu.memref_slice %arg6[%add3A_17, %dma_wait3A_274] : memref<10112x64xf32, #tpu.memory_space<vmem_shared>> -> memref<120x64xf32, #tpu.memory_space<vmem_shared>>
      %dma_wait3A_276 = arith.constant 0 : i32
      %dma_wait3A_277 = arith.constant 0 : i32
      %dma_wait3A_278 = tpu.memref_slice %arg9[%dma_wait3A_276, %dma_wait3A_277] : memref<128x64xf32, #tpu.memory_space<vmem>> -> memref<120x64xf32, #tpu.memory_space<vmem>>
      tpu.wait_dma2 semaphore(%run_scoped3A : memref<!tpu.dma_semaphore, #tpu.memory_space<semaphore_mem>>) src(%dma_wait3A_278 : memref<120x64xf32, #tpu.memory_space<vmem>>) dst(%dma_wait3A_275 : memref<120x64xf32, #tpu.memory_space<vmem_shared>>)
      tpu.yield
    }) : () -> ()
    %barrier3A = arith.constant 0 : index
    tpu.barrier barrier_id(%barrier3A)
    "tpu.trace_stop"() : () -> ()
    %mul3A_18 = arith.constant 80 : i32
    %mul3A_19 = arith.muli %add3A, %mul3A_18 : i32
    %broadcast_in_dim3A_20 = arith.constant 1.000000e+00 : f32
    %broadcast_in_dim3A_21 = vector.broadcast %broadcast_in_dim3A_20 : f32 to vector<16xf32>
    "tpu.trace_start"() <{level = 10 : i32, message = "edges0"}> : () -> ()
    %add3A_22 = arith.constant 0 : i32
    %add3A_23 = arith.addi %mul3A_19, %add3A_22 : i32
    "tpu.region"() ({
      %run_scoped3A = tpu.sem_alloc : memref<!tpu.dma_semaphore, #tpu.memory_space<semaphore_mem>>
      %dma_start3A_259 = arith.constant 0 : i32
      %dma_start3A_260 = tpu.memref_slice %arg3[%add3A_23, %dma_start3A_259] : memref<2560x128xi32, #tpu.memory_space<hbm>> -> memref<40x128xi32, #tpu.memory_space<hbm>>
      %dma_start3A_261 = arith.constant 0 : i32
      %dma_start3A_262 = tpu.memref_slice %arg3[%add3A_23, %dma_start3A_261] : memref<2560x128xi32, #tpu.memory_space<hbm>> -> memref<40x128xi32, #tpu.memory_space<hbm>>
      tpu.enqueue_dma source(%dma_start3A_262 : memref<40x128xi32, #tpu.memory_space<hbm>>) target(%arg7 : memref<40x128xi32, #tpu.memory_space<vmem>>) target_semaphore(%run_scoped3A : memref<!tpu.dma_semaphore, #tpu.memory_space<semaphore_mem>>)
      %dma_wait3A_263 = arith.constant 0 : i32
      %dma_wait3A_264 = tpu.memref_slice %arg3[%add3A_23, %dma_wait3A_263] : memref<2560x128xi32, #tpu.memory_space<hbm>> -> memref<40x128xi32, #tpu.memory_space<hbm>>
      %dma_wait3A_265 = arith.constant 0 : i32
      %dma_wait3A_266 = tpu.memref_slice %arg3[%add3A_23, %dma_wait3A_265] : memref<2560x128xi32, #tpu.memory_space<hbm>> -> memref<40x128xi32, #tpu.memory_space<hbm>>
      tpu.wait_dma2 semaphore(%run_scoped3A : memref<!tpu.dma_semaphore, #tpu.memory_space<semaphore_mem>>) src(%dma_wait3A_266 : memref<40x128xi32, #tpu.memory_space<hbm>>) dst(%arg7 : memref<40x128xi32, #tpu.memory_space<vmem>>)
      tpu.yield
    }) : () -> ()
    "tpu.region"() ({
      %run_scoped3A = tpu.sem_alloc : memref<!tpu.dma_semaphore, #tpu.memory_space<semaphore_mem>>
      %dma_start3A_259 = arith.constant 0 : i32
      %dma_start3A_260 = tpu.memref_slice %arg4[%add3A_23, %dma_start3A_259] : memref<2560x128xi32, #tpu.memory_space<hbm>> -> memref<40x128xi32, #tpu.memory_space<hbm>>
      %dma_start3A_261 = arith.constant 0 : i32
      %dma_start3A_262 = tpu.memref_slice %arg4[%add3A_23, %dma_start3A_261] : memref<2560x128xi32, #tpu.memory_space<hbm>> -> memref<40x128xi32, #tpu.memory_space<hbm>>
      tpu.enqueue_dma source(%dma_start3A_262 : memref<40x128xi32, #tpu.memory_space<hbm>>) target(%arg8 : memref<40x128xi32, #tpu.memory_space<vmem>>) target_semaphore(%run_scoped3A : memref<!tpu.dma_semaphore, #tpu.memory_space<semaphore_mem>>)
      %dma_wait3A_263 = arith.constant 0 : i32
      %dma_wait3A_264 = tpu.memref_slice %arg4[%add3A_23, %dma_wait3A_263] : memref<2560x128xi32, #tpu.memory_space<hbm>> -> memref<40x128xi32, #tpu.memory_space<hbm>>
      %dma_wait3A_265 = arith.constant 0 : i32
      %dma_wait3A_266 = tpu.memref_slice %arg4[%add3A_23, %dma_wait3A_265] : memref<2560x128xi32, #tpu.memory_space<hbm>> -> memref<40x128xi32, #tpu.memory_space<hbm>>
      tpu.wait_dma2 semaphore(%run_scoped3A : memref<!tpu.dma_semaphore, #tpu.memory_space<semaphore_mem>>) src(%dma_wait3A_266 : memref<40x128xi32, #tpu.memory_space<hbm>>) dst(%arg8 : memref<40x128xi32, #tpu.memory_space<vmem>>)
      tpu.yield
    }) : () -> ()
    %dma_start3A = arith.constant 0 : i32
    %dma_start3A_24 = arith.constant 0 : i32
    %dma_start3A_25 = tpu.memref_slice %arg7[%dma_start3A, %dma_start3A_24] : memref<40x128xi32, #tpu.memory_space<vmem>> -> memref<1x128xi32, #tpu.memory_space<vmem>>
    %dma_start3A_26 = tpu.memref_squeeze %dma_start3A_25 : memref<1x128xi32, #tpu.memory_space<vmem>> -> memref<128xi32, #tpu.memory_space<vmem>>
    %dma_start3A_27 = arith.constant 0 : i32
    %dma_start3A_28 = arith.constant 0 : i32
    %dma_start3A_29 = tpu.memref_slice %arg2[%dma_start3A_27, %dma_start3A_28] : memref<10000x64xf32, #tpu.memory_space<hbm>> -> memref<10000x64xf32, #tpu.memory_space<hbm>>
    tpu.enqueue_indirect_dma source(%dma_start3A_29 : memref<10000x64xf32, #tpu.memory_space<hbm>>) target(%arg9 : memref<128x64xf32, #tpu.memory_space<vmem>>) offsets(%dma_start3A_26 : memref<128xi32, #tpu.memory_space<vmem>>) semaphore(%arg12 : memref<!tpu.dma_semaphore, #tpu.memory_space<semaphore_mem>>)
    %dma_start3A_30 = arith.constant 1 : i32
    %dma_start3A_31 = arith.constant 0 : i32
    %dma_start3A_32 = tpu.memref_slice %arg7[%dma_start3A_30, %dma_start3A_31] : memref<40x128xi32, #tpu.memory_space<vmem>> -> memref<1x128xi32, #tpu.memory_space<vmem>>
    %dma_start3A_33 = tpu.memref_squeeze %dma_start3A_32 : memref<1x128xi32, #tpu.memory_space<vmem>> -> memref<128xi32, #tpu.memory_space<vmem>>
    %dma_start3A_34 = arith.constant 0 : i32
    %dma_start3A_35 = arith.constant 0 : i32
    %dma_start3A_36 = tpu.memref_slice %arg2[%dma_start3A_34, %dma_start3A_35] : memref<10000x64xf32, #tpu.memory_space<hbm>> -> memref<10000x64xf32, #tpu.memory_space<hbm>>
    tpu.enqueue_indirect_dma source(%dma_start3A_36 : memref<10000x64xf32, #tpu.memory_space<hbm>>) target(%arg10 : memref<128x64xf32, #tpu.memory_space<vmem>>) offsets(%dma_start3A_33 : memref<128xi32, #tpu.memory_space<vmem>>) semaphore(%arg13 : memref<!tpu.dma_semaphore, #tpu.memory_space<semaphore_mem>>)
    %dma_wait3A = arith.constant 0 : i32
    %dma_wait3A_37 = arith.constant 0 : i32
    %dma_wait3A_38 = tpu.memref_slice %arg7[%dma_wait3A, %dma_wait3A_37] : memref<40x128xi32, #tpu.memory_space<vmem>> -> memref<1x128xi32, #tpu.memory_space<vmem>>
    %dma_wait3A_39 = tpu.memref_squeeze %dma_wait3A_38 : memref<1x128xi32, #tpu.memory_space<vmem>> -> memref<128xi32, #tpu.memory_space<vmem>>
    %dma_wait3A_40 = arith.constant 0 : i32
    %dma_wait3A_41 = arith.constant 0 : i32
    %dma_wait3A_42 = tpu.memref_slice %arg2[%dma_wait3A_40, %dma_wait3A_41] : memref<10000x64xf32, #tpu.memory_space<hbm>> -> memref<10000x64xf32, #tpu.memory_space<hbm>>
    tpu.wait_indirect_dma semaphore(%arg12 : memref<!tpu.dma_semaphore, #tpu.memory_space<semaphore_mem>>) src(%dma_wait3A_42 : memref<10000x64xf32, #tpu.memory_space<hbm>>) dst(%arg9 : memref<128x64xf32, #tpu.memory_space<vmem>>)
    %dma_start3A_43 = arith.constant 0 : i32
    %dma_start3A_44 = arith.constant 0 : i32
    %dma_start3A_45 = tpu.memref_slice %arg8[%dma_start3A_43, %dma_start3A_44] : memref<40x128xi32, #tpu.memory_space<vmem>> -> memref<1x128xi32, #tpu.memory_space<vmem>>
    %dma_start3A_46 = tpu.memref_squeeze %dma_start3A_45 : memref<1x128xi32, #tpu.memory_space<vmem>> -> memref<128xi32, #tpu.memory_space<vmem>>
    %dma_start3A_47 = arith.constant 0 : i32
    %dma_start3A_48 = arith.constant 0 : i32
    %dma_start3A_49 = tpu.memref_slice %arg6[%dma_start3A_47, %dma_start3A_48] : memref<10112x64xf32, #tpu.memory_space<vmem_shared>> -> memref<10112x64xf32, #tpu.memory_space<vmem_shared>>
    tpu.enqueue_indirect_dma source(%arg9 : memref<128x64xf32, #tpu.memory_space<vmem>>) target(%dma_start3A_49 : memref<10112x64xf32, #tpu.memory_space<vmem_shared>>) offsets(%dma_start3A_46 : memref<128xi32, #tpu.memory_space<vmem>>) semaphore(%arg15 : memref<!tpu.dma_semaphore, #tpu.memory_space<semaphore_mem>>) {add = true}
    %dma_start3A_50 = arith.constant 2 : i32
    %dma_start3A_51 = arith.constant 0 : i32
    %dma_start3A_52 = tpu.memref_slice %arg7[%dma_start3A_50, %dma_start3A_51] : memref<40x128xi32, #tpu.memory_space<vmem>> -> memref<1x128xi32, #tpu.memory_space<vmem>>
    %dma_start3A_53 = tpu.memref_squeeze %dma_start3A_52 : memref<1x128xi32, #tpu.memory_space<vmem>> -> memref<128xi32, #tpu.memory_space<vmem>>
    %dma_start3A_54 = arith.constant 0 : i32
    %dma_start3A_55 = arith.constant 0 : i32
    %dma_start3A_56 = tpu.memref_slice %arg2[%dma_start3A_54, %dma_start3A_55] : memref<10000x64xf32, #tpu.memory_space<hbm>> -> memref<10000x64xf32, #tpu.memory_space<hbm>>
    tpu.enqueue_indirect_dma source(%dma_start3A_56 : memref<10000x64xf32, #tpu.memory_space<hbm>>) target(%arg11 : memref<128x64xf32, #tpu.memory_space<vmem>>) offsets(%dma_start3A_53 : memref<128xi32, #tpu.memory_space<vmem>>) semaphore(%arg14 : memref<!tpu.dma_semaphore, #tpu.memory_space<semaphore_mem>>)
    %scan3A_57 = arith.constant 0 : i32
    %scan3A_58 = arith.constant 12 : i32
    %scan3A_59 = arith.addi %scan3A_57, %scan3A_58 : i32
    %scan3A_60 = arith.constant 1 : i32
    scf.for %scan3A_259 = %scan3A_57 to %scan3A_59 step %scan3A_60  : i32 {
      %mul3A_260 = arith.constant 1 : i32
      %mul3A_261 = arith.muli %scan3A_259, %mul3A_260 : i32
      %add3A_262 = arith.constant 0 : i32
      %add3A_263 = arith.addi %add3A_262, %mul3A_261 : i32
      %mul3A_264 = arith.constant 3 : i32
      %mul3A_265 = arith.muli %mul3A_264, %add3A_263 : i32
      %add3A_266 = arith.constant 1 : i32
      %add3A_267 = arith.addi %mul3A_265, %add3A_266 : i32
      %dma_wait3A_268 = arith.constant 0 : i32
      %dma_wait3A_269 = arith.constant 0 : i32
      %dma_wait3A_270 = tpu.memref_slice %arg7[%dma_wait3A_268, %dma_wait3A_269] : memref<40x128xi32, #tpu.memory_space<vmem>> -> memref<1x128xi32, #tpu.memory_space<vmem>>
      %dma_wait3A_271 = tpu.memref_squeeze %dma_wait3A_270 : memref<1x128xi32, #tpu.memory_space<vmem>> -> memref<128xi32, #tpu.memory_space<vmem>>
      %dma_wait3A_272 = arith.constant 0 : i32
      %dma_wait3A_273 = arith.constant 0 : i32
      %dma_wait3A_274 = tpu.memref_slice %arg2[%dma_wait3A_272, %dma_wait3A_273] : memref<10000x64xf32, #tpu.memory_space<hbm>> -> memref<10000x64xf32, #tpu.memory_space<hbm>>
      tpu.wait_indirect_dma semaphore(%arg13 : memref<!tpu.dma_semaphore, #tpu.memory_space<semaphore_mem>>) src(%dma_wait3A_274 : memref<10000x64xf32, #tpu.memory_space<hbm>>) dst(%arg10 : memref<128x64xf32, #tpu.memory_space<vmem>>)
      %dma_start3A_275 = arith.constant 0 : i32
      %dma_start3A_276 = tpu.memref_slice %arg8[%add3A_267, %dma_start3A_275] : memref<40x128xi32, #tpu.memory_space<vmem>> -> memref<1x128xi32, #tpu.memory_space<vmem>>
      %dma_start3A_277 = tpu.memref_squeeze %dma_start3A_276 : memref<1x128xi32, #tpu.memory_space<vmem>> -> memref<128xi32, #tpu.memory_space<vmem>>
      %dma_start3A_278 = arith.constant 0 : i32
      %dma_start3A_279 = arith.constant 0 : i32
      %dma_start3A_280 = tpu.memref_slice %arg6[%dma_start3A_278, %dma_start3A_279] : memref<10112x64xf32, #tpu.memory_space<vmem_shared>> -> memref<10112x64xf32, #tpu.memory_space<vmem_shared>>
      tpu.enqueue_indirect_dma source(%arg10 : memref<128x64xf32, #tpu.memory_space<vmem>>) target(%dma_start3A_280 : memref<10112x64xf32, #tpu.memory_space<vmem_shared>>) offsets(%dma_start3A_277 : memref<128xi32, #tpu.memory_space<vmem>>) semaphore(%arg16 : memref<!tpu.dma_semaphore, #tpu.memory_space<semaphore_mem>>) {add = true}
      %dma_wait3A_281 = arith.constant 0 : i32
      %dma_wait3A_282 = arith.constant 0 : i32
      %dma_wait3A_283 = tpu.memref_slice %arg8[%dma_wait3A_281, %dma_wait3A_282] : memref<40x128xi32, #tpu.memory_space<vmem>> -> memref<1x128xi32, #tpu.memory_space<vmem>>
      %dma_wait3A_284 = tpu.memref_squeeze %dma_wait3A_283 : memref<1x128xi32, #tpu.memory_space<vmem>> -> memref<128xi32, #tpu.memory_space<vmem>>
      %dma_wait3A_285 = arith.constant 0 : i32
      %dma_wait3A_286 = arith.constant 0 : i32
      %dma_wait3A_287 = tpu.memref_slice %arg6[%dma_wait3A_285, %dma_wait3A_286] : memref<10112x64xf32, #tpu.memory_space<vmem_shared>> -> memref<10112x64xf32, #tpu.memory_space<vmem_shared>>
      tpu.wait_indirect_dma semaphore(%arg15 : memref<!tpu.dma_semaphore, #tpu.memory_space<semaphore_mem>>) src(%arg9 : memref<128x64xf32, #tpu.memory_space<vmem>>) dst(%dma_wait3A_287 : memref<10112x64xf32, #tpu.memory_space<vmem_shared>>)
      %add3A_288 = arith.constant 2 : i32
      %add3A_289 = arith.addi %add3A_267, %add3A_288 : i32
      %dma_start3A_290 = arith.constant 0 : i32
      %dma_start3A_291 = tpu.memref_slice %arg7[%add3A_289, %dma_start3A_290] : memref<40x128xi32, #tpu.memory_space<vmem>> -> memref<1x128xi32, #tpu.memory_space<vmem>>
      %dma_start3A_292 = tpu.memref_squeeze %dma_start3A_291 : memref<1x128xi32, #tpu.memory_space<vmem>> -> memref<128xi32, #tpu.memory_space<vmem>>
      %dma_start3A_293 = arith.constant 0 : i32
      %dma_start3A_294 = arith.constant 0 : i32
      %dma_start3A_295 = tpu.memref_slice %arg2[%dma_start3A_293, %dma_start3A_294] : memref<10000x64xf32, #tpu.memory_space<hbm>> -> memref<10000x64xf32, #tpu.memory_space<hbm>>
      tpu.enqueue_indirect_dma source(%dma_start3A_295 : memref<10000x64xf32, #tpu.memory_space<hbm>>) target(%arg9 : memref<128x64xf32, #tpu.memory_space<vmem>>) offsets(%dma_start3A_292 : memref<128xi32, #tpu.memory_space<vmem>>) semaphore(%arg12 : memref<!tpu.dma_semaphore, #tpu.memory_space<semaphore_mem>>)
      %dma_wait3A_296 = arith.constant 0 : i32
      %dma_wait3A_297 = arith.constant 0 : i32
      %dma_wait3A_298 = tpu.memref_slice %arg7[%dma_wait3A_296, %dma_wait3A_297] : memref<40x128xi32, #tpu.memory_space<vmem>> -> memref<1x128xi32, #tpu.memory_space<vmem>>
      %dma_wait3A_299 = tpu.memref_squeeze %dma_wait3A_298 : memref<1x128xi32, #tpu.memory_space<vmem>> -> memref<128xi32, #tpu.memory_space<vmem>>
      %dma_wait3A_300 = arith.constant 0 : i32
      %dma_wait3A_301 = arith.constant 0 : i32
      %dma_wait3A_302 = tpu.memref_slice %arg2[%dma_wait3A_300, %dma_wait3A_301] : memref<10000x64xf32, #tpu.memory_space<hbm>> -> memref<10000x64xf32, #tpu.memory_space<hbm>>
      tpu.wait_indirect_dma semaphore(%arg14 : memref<!tpu.dma_semaphore, #tpu.memory_space<semaphore_mem>>) src(%dma_wait3A_302 : memref<10000x64xf32, #tpu.memory_space<hbm>>) dst(%arg11 : memref<128x64xf32, #tpu.memory_space<vmem>>)
      %add3A_303 = arith.constant 1 : i32
      %add3A_304 = arith.addi %add3A_267, %add3A_303 : i32
      %dma_start3A_305 = arith.constant 0 : i32
      %dma_start3A_306 = tpu.memref_slice %arg8[%add3A_304, %dma_start3A_305] : memref<40x128xi32, #tpu.memory_space<vmem>> -> memref<1x128xi32, #tpu.memory_space<vmem>>
      %dma_start3A_307 = tpu.memref_squeeze %dma_start3A_306 : memref<1x128xi32, #tpu.memory_space<vmem>> -> memref<128xi32, #tpu.memory_space<vmem>>
      %dma_start3A_308 = arith.constant 0 : i32
      %dma_start3A_309 = arith.constant 0 : i32
      %dma_start3A_310 = tpu.memref_slice %arg6[%dma_start3A_308, %dma_start3A_309] : memref<10112x64xf32, #tpu.memory_space<vmem_shared>> -> memref<10112x64xf32, #tpu.memory_space<vmem_shared>>
      tpu.enqueue_indirect_dma source(%arg11 : memref<128x64xf32, #tpu.memory_space<vmem>>) target(%dma_start3A_310 : memref<10112x64xf32, #tpu.memory_space<vmem_shared>>) offsets(%dma_start3A_307 : memref<128xi32, #tpu.memory_space<vmem>>) semaphore(%arg17 : memref<!tpu.dma_semaphore, #tpu.memory_space<semaphore_mem>>) {add = true}
      %add3A_311 = arith.constant 1 : i32
      %add3A_312 = arith.addi %add3A_267, %add3A_311 : i32
      %dma_wait3A_313 = arith.constant 0 : i32
      %dma_wait3A_314 = arith.constant 0 : i32
      %dma_wait3A_315 = tpu.memref_slice %arg8[%dma_wait3A_313, %dma_wait3A_314] : memref<40x128xi32, #tpu.memory_space<vmem>> -> memref<1x128xi32, #tpu.memory_space<vmem>>
      %dma_wait3A_316 = tpu.memref_squeeze %dma_wait3A_315 : memref<1x128xi32, #tpu.memory_space<vmem>> -> memref<128xi32, #tpu.memory_space<vmem>>
      %dma_wait3A_317 = arith.constant 0 : i32
      %dma_wait3A_318 = arith.constant 0 : i32
      %dma_wait3A_319 = tpu.memref_slice %arg6[%dma_wait3A_317, %dma_wait3A_318] : memref<10112x64xf32, #tpu.memory_space<vmem_shared>> -> memref<10112x64xf32, #tpu.memory_space<vmem_shared>>
      tpu.wait_indirect_dma semaphore(%arg16 : memref<!tpu.dma_semaphore, #tpu.memory_space<semaphore_mem>>) src(%arg10 : memref<128x64xf32, #tpu.memory_space<vmem>>) dst(%dma_wait3A_319 : memref<10112x64xf32, #tpu.memory_space<vmem_shared>>)
      %add3A_320 = arith.constant 3 : i32
      %add3A_321 = arith.addi %add3A_267, %add3A_320 : i32
      %dma_start3A_322 = arith.constant 0 : i32
      %dma_start3A_323 = tpu.memref_slice %arg7[%add3A_321, %dma_start3A_322] : memref<40x128xi32, #tpu.memory_space<vmem>> -> memref<1x128xi32, #tpu.memory_space<vmem>>
      %dma_start3A_324 = tpu.memref_squeeze %dma_start3A_323 : memref<1x128xi32, #tpu.memory_space<vmem>> -> memref<128xi32, #tpu.memory_space<vmem>>
      %dma_start3A_325 = arith.constant 0 : i32
      %dma_start3A_326 = arith.constant 0 : i32
      %dma_start3A_327 = tpu.memref_slice %arg2[%dma_start3A_325, %dma_start3A_326] : memref<10000x64xf32, #tpu.memory_space<hbm>> -> memref<10000x64xf32, #tpu.memory_space<hbm>>
      tpu.enqueue_indirect_dma source(%dma_start3A_327 : memref<10000x64xf32, #tpu.memory_space<hbm>>) target(%arg10 : memref<128x64xf32, #tpu.memory_space<vmem>>) offsets(%dma_start3A_324 : memref<128xi32, #tpu.memory_space<vmem>>) semaphore(%arg13 : memref<!tpu.dma_semaphore, #tpu.memory_space<semaphore_mem>>)
      %dma_wait3A_328 = arith.constant 0 : i32
      %dma_wait3A_329 = arith.constant 0 : i32
      %dma_wait3A_330 = tpu.memref_slice %arg7[%dma_wait3A_328, %dma_wait3A_329] : memref<40x128xi32, #tpu.memory_space<vmem>> -> memref<1x128xi32, #tpu.memory_space<vmem>>
      %dma_wait3A_331 = tpu.memref_squeeze %dma_wait3A_330 : memref<1x128xi32, #tpu.memory_space<vmem>> -> memref<128xi32, #tpu.memory_space<vmem>>
      %dma_wait3A_332 = arith.constant 0 : i32
      %dma_wait3A_333 = arith.constant 0 : i32
      %dma_wait3A_334 = tpu.memref_slice %arg2[%dma_wait3A_332, %dma_wait3A_333] : memref<10000x64xf32, #tpu.memory_space<hbm>> -> memref<10000x64xf32, #tpu.memory_space<hbm>>
      tpu.wait_indirect_dma semaphore(%arg12 : memref<!tpu.dma_semaphore, #tpu.memory_space<semaphore_mem>>) src(%dma_wait3A_334 : memref<10000x64xf32, #tpu.memory_space<hbm>>) dst(%arg9 : memref<128x64xf32, #tpu.memory_space<vmem>>)
      %add3A_335 = arith.constant 2 : i32
      %add3A_336 = arith.addi %add3A_267, %add3A_335 : i32
      %dma_start3A_337 = arith.constant 0 : i32
      %dma_start3A_338 = tpu.memref_slice %arg8[%add3A_336, %dma_start3A_337] : memref<40x128xi32, #tpu.memory_space<vmem>> -> memref<1x128xi32, #tpu.memory_space<vmem>>
      %dma_start3A_339 = tpu.memref_squeeze %dma_start3A_338 : memref<1x128xi32, #tpu.memory_space<vmem>> -> memref<128xi32, #tpu.memory_space<vmem>>
      %dma_start3A_340 = arith.constant 0 : i32
      %dma_start3A_341 = arith.constant 0 : i32
      %dma_start3A_342 = tpu.memref_slice %arg6[%dma_start3A_340, %dma_start3A_341] : memref<10112x64xf32, #tpu.memory_space<vmem_shared>> -> memref<10112x64xf32, #tpu.memory_space<vmem_shared>>
      tpu.enqueue_indirect_dma source(%arg9 : memref<128x64xf32, #tpu.memory_space<vmem>>) target(%dma_start3A_342 : memref<10112x64xf32, #tpu.memory_space<vmem_shared>>) offsets(%dma_start3A_339 : memref<128xi32, #tpu.memory_space<vmem>>) semaphore(%arg15 : memref<!tpu.dma_semaphore, #tpu.memory_space<semaphore_mem>>) {add = true}
      %add3A_343 = arith.constant 2 : i32
      %add3A_344 = arith.addi %add3A_267, %add3A_343 : i32
      %dma_wait3A_345 = arith.constant 0 : i32
      %dma_wait3A_346 = arith.constant 0 : i32
      %dma_wait3A_347 = tpu.memref_slice %arg8[%dma_wait3A_345, %dma_wait3A_346] : memref<40x128xi32, #tpu.memory_space<vmem>> -> memref<1x128xi32, #tpu.memory_space<vmem>>
      %dma_wait3A_348 = tpu.memref_squeeze %dma_wait3A_347 : memref<1x128xi32, #tpu.memory_space<vmem>> -> memref<128xi32, #tpu.memory_space<vmem>>
      %dma_wait3A_349 = arith.constant 0 : i32
      %dma_wait3A_350 = arith.constant 0 : i32
      %dma_wait3A_351 = tpu.memref_slice %arg6[%dma_wait3A_349, %dma_wait3A_350] : memref<10112x64xf32, #tpu.memory_space<vmem_shared>> -> memref<10112x64xf32, #tpu.memory_space<vmem_shared>>
      tpu.wait_indirect_dma semaphore(%arg17 : memref<!tpu.dma_semaphore, #tpu.memory_space<semaphore_mem>>) src(%arg11 : memref<128x64xf32, #tpu.memory_space<vmem>>) dst(%dma_wait3A_351 : memref<10112x64xf32, #tpu.memory_space<vmem_shared>>)
      %add3A_352 = arith.constant 4 : i32
      %add3A_353 = arith.addi %add3A_267, %add3A_352 : i32
      %dma_start3A_354 = arith.constant 0 : i32
      %dma_start3A_355 = tpu.memref_slice %arg7[%add3A_353, %dma_start3A_354] : memref<40x128xi32, #tpu.memory_space<vmem>> -> memref<1x128xi32, #tpu.memory_space<vmem>>
      %dma_start3A_356 = tpu.memref_squeeze %dma_start3A_355 : memref<1x128xi32, #tpu.memory_space<vmem>> -> memref<128xi32, #tpu.memory_space<vmem>>
      %dma_start3A_357 = arith.constant 0 : i32
      %dma_start3A_358 = arith.constant 0 : i32
      %dma_start3A_359 = tpu.memref_slice %arg2[%dma_start3A_357, %dma_start3A_358] : memref<10000x64xf32, #tpu.memory_space<hbm>> -> memref<10000x64xf32, #tpu.memory_space<hbm>>
      tpu.enqueue_indirect_dma source(%dma_start3A_359 : memref<10000x64xf32, #tpu.memory_space<hbm>>) target(%arg11 : memref<128x64xf32, #tpu.memory_space<vmem>>) offsets(%dma_start3A_356 : memref<128xi32, #tpu.memory_space<vmem>>) semaphore(%arg14 : memref<!tpu.dma_semaphore, #tpu.memory_space<semaphore_mem>>)
    }
    %scan3A_61 = arith.constant 12 : i32
    %dma_wait3A_62 = arith.constant 0 : i32
    %dma_wait3A_63 = arith.constant 0 : i32
    %dma_wait3A_64 = tpu.memref_slice %arg7[%dma_wait3A_62, %dma_wait3A_63] : memref<40x128xi32, #tpu.memory_space<vmem>> -> memref<1x128xi32, #tpu.memory_space<vmem>>
    %dma_wait3A_65 = tpu.memref_squeeze %dma_wait3A_64 : memref<1x128xi32, #tpu.memory_space<vmem>> -> memref<128xi32, #tpu.memory_space<vmem>>
    %dma_wait3A_66 = arith.constant 0 : i32
    %dma_wait3A_67 = arith.constant 0 : i32
    %dma_wait3A_68 = tpu.memref_slice %arg2[%dma_wait3A_66, %dma_wait3A_67] : memref<10000x64xf32, #tpu.memory_space<hbm>> -> memref<10000x64xf32, #tpu.memory_space<hbm>>
    tpu.wait_indirect_dma semaphore(%arg13 : memref<!tpu.dma_semaphore, #tpu.memory_space<semaphore_mem>>) src(%dma_wait3A_68 : memref<10000x64xf32, #tpu.memory_space<hbm>>) dst(%arg10 : memref<128x64xf32, #tpu.memory_space<vmem>>)
    %dma_start3A_69 = arith.constant 37 : i32
    %dma_start3A_70 = arith.constant 0 : i32
    %dma_start3A_71 = tpu.memref_slice %arg8[%dma_start3A_69, %dma_start3A_70] : memref<40x128xi32, #tpu.memory_space<vmem>> -> memref<1x128xi32, #tpu.memory_space<vmem>>
    %dma_start3A_72 = tpu.memref_squeeze %dma_start3A_71 : memref<1x128xi32, #tpu.memory_space<vmem>> -> memref<128xi32, #tpu.memory_space<vmem>>
    %dma_start3A_73 = arith.constant 0 : i32
    %dma_start3A_74 = arith.constant 0 : i32
    %dma_start3A_75 = tpu.memref_slice %arg6[%dma_start3A_73, %dma_start3A_74] : memref<10112x64xf32, #tpu.memory_space<vmem_shared>> -> memref<10112x64xf32, #tpu.memory_space<vmem_shared>>
    tpu.enqueue_indirect_dma source(%arg10 : memref<128x64xf32, #tpu.memory_space<vmem>>) target(%dma_start3A_75 : memref<10112x64xf32, #tpu.memory_space<vmem_shared>>) offsets(%dma_start3A_72 : memref<128xi32, #tpu.memory_space<vmem>>) semaphore(%arg16 : memref<!tpu.dma_semaphore, #tpu.memory_space<semaphore_mem>>) {add = true}
    %dma_wait3A_76 = arith.constant 0 : i32
    %dma_wait3A_77 = arith.constant 0 : i32
    %dma_wait3A_78 = tpu.memref_slice %arg8[%dma_wait3A_76, %dma_wait3A_77] : memref<40x128xi32, #tpu.memory_space<vmem>> -> memref<1x128xi32, #tpu.memory_space<vmem>>
    %dma_wait3A_79 = tpu.memref_squeeze %dma_wait3A_78 : memref<1x128xi32, #tpu.memory_space<vmem>> -> memref<128xi32, #tpu.memory_space<vmem>>
    %dma_wait3A_80 = arith.constant 0 : i32
    %dma_wait3A_81 = arith.constant 0 : i32
    %dma_wait3A_82 = tpu.memref_slice %arg6[%dma_wait3A_80, %dma_wait3A_81] : memref<10112x64xf32, #tpu.memory_space<vmem_shared>> -> memref<10112x64xf32, #tpu.memory_space<vmem_shared>>
    tpu.wait_indirect_dma semaphore(%arg15 : memref<!tpu.dma_semaphore, #tpu.memory_space<semaphore_mem>>) src(%arg9 : memref<128x64xf32, #tpu.memory_space<vmem>>) dst(%dma_wait3A_82 : memref<10112x64xf32, #tpu.memory_space<vmem_shared>>)
    %dma_start3A_83 = arith.constant 39 : i32
    %dma_start3A_84 = arith.constant 0 : i32
    %dma_start3A_85 = tpu.memref_slice %arg7[%dma_start3A_83, %dma_start3A_84] : memref<40x128xi32, #tpu.memory_space<vmem>> -> memref<1x128xi32, #tpu.memory_space<vmem>>
    %dma_start3A_86 = tpu.memref_squeeze %dma_start3A_85 : memref<1x128xi32, #tpu.memory_space<vmem>> -> memref<128xi32, #tpu.memory_space<vmem>>
    %dma_start3A_87 = arith.constant 0 : i32
    %dma_start3A_88 = arith.constant 0 : i32
    %dma_start3A_89 = tpu.memref_slice %arg2[%dma_start3A_87, %dma_start3A_88] : memref<10000x64xf32, #tpu.memory_space<hbm>> -> memref<10000x64xf32, #tpu.memory_space<hbm>>
    tpu.enqueue_indirect_dma source(%dma_start3A_89 : memref<10000x64xf32, #tpu.memory_space<hbm>>) target(%arg9 : memref<128x64xf32, #tpu.memory_space<vmem>>) offsets(%dma_start3A_86 : memref<128xi32, #tpu.memory_space<vmem>>) semaphore(%arg12 : memref<!tpu.dma_semaphore, #tpu.memory_space<semaphore_mem>>)
    %dma_wait3A_90 = arith.constant 0 : i32
    %dma_wait3A_91 = arith.constant 0 : i32
    %dma_wait3A_92 = tpu.memref_slice %arg7[%dma_wait3A_90, %dma_wait3A_91] : memref<40x128xi32, #tpu.memory_space<vmem>> -> memref<1x128xi32, #tpu.memory_space<vmem>>
    %dma_wait3A_93 = tpu.memref_squeeze %dma_wait3A_92 : memref<1x128xi32, #tpu.memory_space<vmem>> -> memref<128xi32, #tpu.memory_space<vmem>>
    %dma_wait3A_94 = arith.constant 0 : i32
    %dma_wait3A_95 = arith.constant 0 : i32
    %dma_wait3A_96 = tpu.memref_slice %arg2[%dma_wait3A_94, %dma_wait3A_95] : memref<10000x64xf32, #tpu.memory_space<hbm>> -> memref<10000x64xf32, #tpu.memory_space<hbm>>
    tpu.wait_indirect_dma semaphore(%arg14 : memref<!tpu.dma_semaphore, #tpu.memory_space<semaphore_mem>>) src(%dma_wait3A_96 : memref<10000x64xf32, #tpu.memory_space<hbm>>) dst(%arg11 : memref<128x64xf32, #tpu.memory_space<vmem>>)
    %dma_start3A_97 = arith.constant 38 : i32
    %dma_start3A_98 = arith.constant 0 : i32
    %dma_start3A_99 = tpu.memref_slice %arg8[%dma_start3A_97, %dma_start3A_98] : memref<40x128xi32, #tpu.memory_space<vmem>> -> memref<1x128xi32, #tpu.memory_space<vmem>>
    %dma_start3A_100 = tpu.memref_squeeze %dma_start3A_99 : memref<1x128xi32, #tpu.memory_space<vmem>> -> memref<128xi32, #tpu.memory_space<vmem>>
    %dma_start3A_101 = arith.constant 0 : i32
    %dma_start3A_102 = arith.constant 0 : i32
    %dma_start3A_103 = tpu.memref_slice %arg6[%dma_start3A_101, %dma_start3A_102] : memref<10112x64xf32, #tpu.memory_space<vmem_shared>> -> memref<10112x64xf32, #tpu.memory_space<vmem_shared>>
    tpu.enqueue_indirect_dma source(%arg11 : memref<128x64xf32, #tpu.memory_space<vmem>>) target(%dma_start3A_103 : memref<10112x64xf32, #tpu.memory_space<vmem_shared>>) offsets(%dma_start3A_100 : memref<128xi32, #tpu.memory_space<vmem>>) semaphore(%arg17 : memref<!tpu.dma_semaphore, #tpu.memory_space<semaphore_mem>>) {add = true}
    %dma_wait3A_104 = arith.constant 0 : i32
    %dma_wait3A_105 = arith.constant 0 : i32
    %dma_wait3A_106 = tpu.memref_slice %arg8[%dma_wait3A_104, %dma_wait3A_105] : memref<40x128xi32, #tpu.memory_space<vmem>> -> memref<1x128xi32, #tpu.memory_space<vmem>>
    %dma_wait3A_107 = tpu.memref_squeeze %dma_wait3A_106 : memref<1x128xi32, #tpu.memory_space<vmem>> -> memref<128xi32, #tpu.memory_space<vmem>>
    %dma_wait3A_108 = arith.constant 0 : i32
    %dma_wait3A_109 = arith.constant 0 : i32
    %dma_wait3A_110 = tpu.memref_slice %arg6[%dma_wait3A_108, %dma_wait3A_109] : memref<10112x64xf32, #tpu.memory_space<vmem_shared>> -> memref<10112x64xf32, #tpu.memory_space<vmem_shared>>
    tpu.wait_indirect_dma semaphore(%arg16 : memref<!tpu.dma_semaphore, #tpu.memory_space<semaphore_mem>>) src(%arg10 : memref<128x64xf32, #tpu.memory_space<vmem>>) dst(%dma_wait3A_110 : memref<10112x64xf32, #tpu.memory_space<vmem_shared>>)
    %dma_wait3A_111 = arith.constant 0 : i32
    %dma_wait3A_112 = arith.constant 0 : i32
    %dma_wait3A_113 = tpu.memref_slice %arg7[%dma_wait3A_111, %dma_wait3A_112] : memref<40x128xi32, #tpu.memory_space<vmem>> -> memref<1x128xi32, #tpu.memory_space<vmem>>
    %dma_wait3A_114 = tpu.memref_squeeze %dma_wait3A_113 : memref<1x128xi32, #tpu.memory_space<vmem>> -> memref<128xi32, #tpu.memory_space<vmem>>
    %dma_wait3A_115 = arith.constant 0 : i32
    %dma_wait3A_116 = arith.constant 0 : i32
    %dma_wait3A_117 = tpu.memref_slice %arg2[%dma_wait3A_115, %dma_wait3A_116] : memref<10000x64xf32, #tpu.memory_space<hbm>> -> memref<10000x64xf32, #tpu.memory_space<hbm>>
    tpu.wait_indirect_dma semaphore(%arg12 : memref<!tpu.dma_semaphore, #tpu.memory_space<semaphore_mem>>) src(%dma_wait3A_117 : memref<10000x64xf32, #tpu.memory_space<hbm>>) dst(%arg9 : memref<128x64xf32, #tpu.memory_space<vmem>>)
    %dma_start3A_118 = arith.constant 39 : i32
    %dma_start3A_119 = arith.constant 0 : i32
    %dma_start3A_120 = tpu.memref_slice %arg8[%dma_start3A_118, %dma_start3A_119] : memref<40x128xi32, #tpu.memory_space<vmem>> -> memref<1x128xi32, #tpu.memory_space<vmem>>
    %dma_start3A_121 = tpu.memref_squeeze %dma_start3A_120 : memref<1x128xi32, #tpu.memory_space<vmem>> -> memref<128xi32, #tpu.memory_space<vmem>>
    %dma_start3A_122 = arith.constant 0 : i32
    %dma_start3A_123 = arith.constant 0 : i32
    %dma_start3A_124 = tpu.memref_slice %arg6[%dma_start3A_122, %dma_start3A_123] : memref<10112x64xf32, #tpu.memory_space<vmem_shared>> -> memref<10112x64xf32, #tpu.memory_space<vmem_shared>>
    tpu.enqueue_indirect_dma source(%arg9 : memref<128x64xf32, #tpu.memory_space<vmem>>) target(%dma_start3A_124 : memref<10112x64xf32, #tpu.memory_space<vmem_shared>>) offsets(%dma_start3A_121 : memref<128xi32, #tpu.memory_space<vmem>>) semaphore(%arg15 : memref<!tpu.dma_semaphore, #tpu.memory_space<semaphore_mem>>) {add = true}
    %dma_wait3A_125 = arith.constant 0 : i32
    %dma_wait3A_126 = arith.constant 0 : i32
    %dma_wait3A_127 = tpu.memref_slice %arg8[%dma_wait3A_125, %dma_wait3A_126] : memref<40x128xi32, #tpu.memory_space<vmem>> -> memref<1x128xi32, #tpu.memory_space<vmem>>
    %dma_wait3A_128 = tpu.memref_squeeze %dma_wait3A_127 : memref<1x128xi32, #tpu.memory_space<vmem>> -> memref<128xi32, #tpu.memory_space<vmem>>
    %dma_wait3A_129 = arith.constant 0 : i32
    %dma_wait3A_130 = arith.constant 0 : i32
    %dma_wait3A_131 = tpu.memref_slice %arg6[%dma_wait3A_129, %dma_wait3A_130] : memref<10112x64xf32, #tpu.memory_space<vmem_shared>> -> memref<10112x64xf32, #tpu.memory_space<vmem_shared>>
    tpu.wait_indirect_dma semaphore(%arg17 : memref<!tpu.dma_semaphore, #tpu.memory_space<semaphore_mem>>) src(%arg11 : memref<128x64xf32, #tpu.memory_space<vmem>>) dst(%dma_wait3A_131 : memref<10112x64xf32, #tpu.memory_space<vmem_shared>>)
    %dma_wait3A_132 = arith.constant 0 : i32
    %dma_wait3A_133 = arith.constant 0 : i32
    %dma_wait3A_134 = tpu.memref_slice %arg8[%dma_wait3A_132, %dma_wait3A_133] : memref<40x128xi32, #tpu.memory_space<vmem>> -> memref<1x128xi32, #tpu.memory_space<vmem>>
    %dma_wait3A_135 = tpu.memref_squeeze %dma_wait3A_134 : memref<1x128xi32, #tpu.memory_space<vmem>> -> memref<128xi32, #tpu.memory_space<vmem>>
    %dma_wait3A_136 = arith.constant 0 : i32
    %dma_wait3A_137 = arith.constant 0 : i32
    %dma_wait3A_138 = tpu.memref_slice %arg6[%dma_wait3A_136, %dma_wait3A_137] : memref<10112x64xf32, #tpu.memory_space<vmem_shared>> -> memref<10112x64xf32, #tpu.memory_space<vmem_shared>>
    tpu.wait_indirect_dma semaphore(%arg15 : memref<!tpu.dma_semaphore, #tpu.memory_space<semaphore_mem>>) src(%arg9 : memref<128x64xf32, #tpu.memory_space<vmem>>) dst(%dma_wait3A_138 : memref<10112x64xf32, #tpu.memory_space<vmem_shared>>)
    "tpu.trace_stop"() : () -> ()
    "tpu.trace_start"() <{level = 10 : i32, message = "edges1"}> : () -> ()
    %add3A_139 = arith.constant 40 : i32
    %add3A_140 = arith.addi %mul3A_19, %add3A_139 : i32
    "tpu.region"() ({
      %run_scoped3A = tpu.sem_alloc : memref<!tpu.dma_semaphore, #tpu.memory_space<semaphore_mem>>
      %dma_start3A_259 = arith.constant 0 : i32
      %dma_start3A_260 = tpu.memref_slice %arg3[%add3A_140, %dma_start3A_259] : memref<2560x128xi32, #tpu.memory_space<hbm>> -> memref<40x128xi32, #tpu.memory_space<hbm>>
      %dma_start3A_261 = arith.constant 0 : i32
      %dma_start3A_262 = tpu.memref_slice %arg3[%add3A_140, %dma_start3A_261] : memref<2560x128xi32, #tpu.memory_space<hbm>> -> memref<40x128xi32, #tpu.memory_space<hbm>>
      tpu.enqueue_dma source(%dma_start3A_262 : memref<40x128xi32, #tpu.memory_space<hbm>>) target(%arg7 : memref<40x128xi32, #tpu.memory_space<vmem>>) target_semaphore(%run_scoped3A : memref<!tpu.dma_semaphore, #tpu.memory_space<semaphore_mem>>)
      %dma_wait3A_263 = arith.constant 0 : i32
      %dma_wait3A_264 = tpu.memref_slice %arg3[%add3A_140, %dma_wait3A_263] : memref<2560x128xi32, #tpu.memory_space<hbm>> -> memref<40x128xi32, #tpu.memory_space<hbm>>
      %dma_wait3A_265 = arith.constant 0 : i32
      %dma_wait3A_266 = tpu.memref_slice %arg3[%add3A_140, %dma_wait3A_265] : memref<2560x128xi32, #tpu.memory_space<hbm>> -> memref<40x128xi32, #tpu.memory_space<hbm>>
      tpu.wait_dma2 semaphore(%run_scoped3A : memref<!tpu.dma_semaphore, #tpu.memory_space<semaphore_mem>>) src(%dma_wait3A_266 : memref<40x128xi32, #tpu.memory_space<hbm>>) dst(%arg7 : memref<40x128xi32, #tpu.memory_space<vmem>>)
      tpu.yield
    }) : () -> ()
    "tpu.region"() ({
      %run_scoped3A = tpu.sem_alloc : memref<!tpu.dma_semaphore, #tpu.memory_space<semaphore_mem>>
      %dma_start3A_259 = arith.constant 0 : i32
      %dma_start3A_260 = tpu.memref_slice %arg4[%add3A_140, %dma_start3A_259] : memref<2560x128xi32, #tpu.memory_space<hbm>> -> memref<40x128xi32, #tpu.memory_space<hbm>>
      %dma_start3A_261 = arith.constant 0 : i32
      %dma_start3A_262 = tpu.memref_slice %arg4[%add3A_140, %dma_start3A_261] : memref<2560x128xi32, #tpu.memory_space<hbm>> -> memref<40x128xi32, #tpu.memory_space<hbm>>
      tpu.enqueue_dma source(%dma_start3A_262 : memref<40x128xi32, #tpu.memory_space<hbm>>) target(%arg8 : memref<40x128xi32, #tpu.memory_space<vmem>>) target_semaphore(%run_scoped3A : memref<!tpu.dma_semaphore, #tpu.memory_space<semaphore_mem>>)
      %dma_wait3A_263 = arith.constant 0 : i32
      %dma_wait3A_264 = tpu.memref_slice %arg4[%add3A_140, %dma_wait3A_263] : memref<2560x128xi32, #tpu.memory_space<hbm>> -> memref<40x128xi32, #tpu.memory_space<hbm>>
      %dma_wait3A_265 = arith.constant 0 : i32
      %dma_wait3A_266 = tpu.memref_slice %arg4[%add3A_140, %dma_wait3A_265] : memref<2560x128xi32, #tpu.memory_space<hbm>> -> memref<40x128xi32, #tpu.memory_space<hbm>>
      tpu.wait_dma2 semaphore(%run_scoped3A : memref<!tpu.dma_semaphore, #tpu.memory_space<semaphore_mem>>) src(%dma_wait3A_266 : memref<40x128xi32, #tpu.memory_space<hbm>>) dst(%arg8 : memref<40x128xi32, #tpu.memory_space<vmem>>)
      tpu.yield
    }) : () -> ()
    %dma_start3A_141 = arith.constant 0 : i32
    %dma_start3A_142 = arith.constant 0 : i32
    %dma_start3A_143 = tpu.memref_slice %arg7[%dma_start3A_141, %dma_start3A_142] : memref<40x128xi32, #tpu.memory_space<vmem>> -> memref<1x128xi32, #tpu.memory_space<vmem>>
    %dma_start3A_144 = tpu.memref_squeeze %dma_start3A_143 : memref<1x128xi32, #tpu.memory_space<vmem>> -> memref<128xi32, #tpu.memory_space<vmem>>
    %dma_start3A_145 = arith.constant 0 : i32
    %dma_start3A_146 = arith.constant 0 : i32
    %dma_start3A_147 = tpu.memref_slice %arg2[%dma_start3A_145, %dma_start3A_146] : memref<10000x64xf32, #tpu.memory_space<hbm>> -> memref<10000x64xf32, #tpu.memory_space<hbm>>
    tpu.enqueue_indirect_dma source(%dma_start3A_147 : memref<10000x64xf32, #tpu.memory_space<hbm>>) target(%arg9 : memref<128x64xf32, #tpu.memory_space<vmem>>) offsets(%dma_start3A_144 : memref<128xi32, #tpu.memory_space<vmem>>) semaphore(%arg12 : memref<!tpu.dma_semaphore, #tpu.memory_space<semaphore_mem>>)
    %dma_start3A_148 = arith.constant 1 : i32
    %dma_start3A_149 = arith.constant 0 : i32
    %dma_start3A_150 = tpu.memref_slice %arg7[%dma_start3A_148, %dma_start3A_149] : memref<40x128xi32, #tpu.memory_space<vmem>> -> memref<1x128xi32, #tpu.memory_space<vmem>>
    %dma_start3A_151 = tpu.memref_squeeze %dma_start3A_150 : memref<1x128xi32, #tpu.memory_space<vmem>> -> memref<128xi32, #tpu.memory_space<vmem>>
    %dma_start3A_152 = arith.constant 0 : i32
    %dma_start3A_153 = arith.constant 0 : i32
    %dma_start3A_154 = tpu.memref_slice %arg2[%dma_start3A_152, %dma_start3A_153] : memref<10000x64xf32, #tpu.memory_space<hbm>> -> memref<10000x64xf32, #tpu.memory_space<hbm>>
    tpu.enqueue_indirect_dma source(%dma_start3A_154 : memref<10000x64xf32, #tpu.memory_space<hbm>>) target(%arg10 : memref<128x64xf32, #tpu.memory_space<vmem>>) offsets(%dma_start3A_151 : memref<128xi32, #tpu.memory_space<vmem>>) semaphore(%arg13 : memref<!tpu.dma_semaphore, #tpu.memory_space<semaphore_mem>>)
    %dma_wait3A_155 = arith.constant 0 : i32
    %dma_wait3A_156 = arith.constant 0 : i32
    %dma_wait3A_157 = tpu.memref_slice %arg7[%dma_wait3A_155, %dma_wait3A_156] : memref<40x128xi32, #tpu.memory_space<vmem>> -> memref<1x128xi32, #tpu.memory_space<vmem>>
    %dma_wait3A_158 = tpu.memref_squeeze %dma_wait3A_157 : memref<1x128xi32, #tpu.memory_space<vmem>> -> memref<128xi32, #tpu.memory_space<vmem>>
    %dma_wait3A_159 = arith.constant 0 : i32
    %dma_wait3A_160 = arith.constant 0 : i32
    %dma_wait3A_161 = tpu.memref_slice %arg2[%dma_wait3A_159, %dma_wait3A_160] : memref<10000x64xf32, #tpu.memory_space<hbm>> -> memref<10000x64xf32, #tpu.memory_space<hbm>>
    tpu.wait_indirect_dma semaphore(%arg12 : memref<!tpu.dma_semaphore, #tpu.memory_space<semaphore_mem>>) src(%dma_wait3A_161 : memref<10000x64xf32, #tpu.memory_space<hbm>>) dst(%arg9 : memref<128x64xf32, #tpu.memory_space<vmem>>)
    %dma_start3A_162 = arith.constant 0 : i32
    %dma_start3A_163 = arith.constant 0 : i32
    %dma_start3A_164 = tpu.memref_slice %arg8[%dma_start3A_162, %dma_start3A_163] : memref<40x128xi32, #tpu.memory_space<vmem>> -> memref<1x128xi32, #tpu.memory_space<vmem>>
    %dma_start3A_165 = tpu.memref_squeeze %dma_start3A_164 : memref<1x128xi32, #tpu.memory_space<vmem>> -> memref<128xi32, #tpu.memory_space<vmem>>
    %dma_start3A_166 = arith.constant 0 : i32
    %dma_start3A_167 = arith.constant 0 : i32
    %dma_start3A_168 = tpu.memref_slice %arg6[%dma_start3A_166, %dma_start3A_167] : memref<10112x64xf32, #tpu.memory_space<vmem_shared>> -> memref<10112x64xf32, #tpu.memory_space<vmem_shared>>
    tpu.enqueue_indirect_dma source(%arg9 : memref<128x64xf32, #tpu.memory_space<vmem>>) target(%dma_start3A_168 : memref<10112x64xf32, #tpu.memory_space<vmem_shared>>) offsets(%dma_start3A_165 : memref<128xi32, #tpu.memory_space<vmem>>) semaphore(%arg15 : memref<!tpu.dma_semaphore, #tpu.memory_space<semaphore_mem>>) {add = true}
    %dma_start3A_169 = arith.constant 2 : i32
    %dma_start3A_170 = arith.constant 0 : i32
    %dma_start3A_171 = tpu.memref_slice %arg7[%dma_start3A_169, %dma_start3A_170] : memref<40x128xi32, #tpu.memory_space<vmem>> -> memref<1x128xi32, #tpu.memory_space<vmem>>
    %dma_start3A_172 = tpu.memref_squeeze %dma_start3A_171 : memref<1x128xi32, #tpu.memory_space<vmem>> -> memref<128xi32, #tpu.memory_space<vmem>>
    %dma_start3A_173 = arith.constant 0 : i32
    %dma_start3A_174 = arith.constant 0 : i32
    %dma_start3A_175 = tpu.memref_slice %arg2[%dma_start3A_173, %dma_start3A_174] : memref<10000x64xf32, #tpu.memory_space<hbm>> -> memref<10000x64xf32, #tpu.memory_space<hbm>>
    tpu.enqueue_indirect_dma source(%dma_start3A_175 : memref<10000x64xf32, #tpu.memory_space<hbm>>) target(%arg11 : memref<128x64xf32, #tpu.memory_space<vmem>>) offsets(%dma_start3A_172 : memref<128xi32, #tpu.memory_space<vmem>>) semaphore(%arg14 : memref<!tpu.dma_semaphore, #tpu.memory_space<semaphore_mem>>)
    %scan3A_176 = arith.constant 0 : i32
    %scan3A_177 = arith.constant 12 : i32
    %scan3A_178 = arith.addi %scan3A_176, %scan3A_177 : i32
    %scan3A_179 = arith.constant 1 : i32
    scf.for %scan3A_259 = %scan3A_176 to %scan3A_178 step %scan3A_179  : i32 {
      %mul3A_260 = arith.constant 1 : i32
      %mul3A_261 = arith.muli %scan3A_259, %mul3A_260 : i32
      %add3A_262 = arith.constant 0 : i32
      %add3A_263 = arith.addi %add3A_262, %mul3A_261 : i32
      %mul3A_264 = arith.constant 3 : i32
      %mul3A_265 = arith.muli %mul3A_264, %add3A_263 : i32
      %add3A_266 = arith.constant 1 : i32
      %add3A_267 = arith.addi %mul3A_265, %add3A_266 : i32
      %dma_wait3A_268 = arith.constant 0 : i32
      %dma_wait3A_269 = arith.constant 0 : i32
      %dma_wait3A_270 = tpu.memref_slice %arg7[%dma_wait3A_268, %dma_wait3A_269] : memref<40x128xi32, #tpu.memory_space<vmem>> -> memref<1x128xi32, #tpu.memory_space<vmem>>
      %dma_wait3A_271 = tpu.memref_squeeze %dma_wait3A_270 : memref<1x128xi32, #tpu.memory_space<vmem>> -> memref<128xi32, #tpu.memory_space<vmem>>
      %dma_wait3A_272 = arith.constant 0 : i32
      %dma_wait3A_273 = arith.constant 0 : i32
      %dma_wait3A_274 = tpu.memref_slice %arg2[%dma_wait3A_272, %dma_wait3A_273] : memref<10000x64xf32, #tpu.memory_space<hbm>> -> memref<10000x64xf32, #tpu.memory_space<hbm>>
      tpu.wait_indirect_dma semaphore(%arg13 : memref<!tpu.dma_semaphore, #tpu.memory_space<semaphore_mem>>) src(%dma_wait3A_274 : memref<10000x64xf32, #tpu.memory_space<hbm>>) dst(%arg10 : memref<128x64xf32, #tpu.memory_space<vmem>>)
      %dma_start3A_275 = arith.constant 0 : i32
      %dma_start3A_276 = tpu.memref_slice %arg8[%add3A_267, %dma_start3A_275] : memref<40x128xi32, #tpu.memory_space<vmem>> -> memref<1x128xi32, #tpu.memory_space<vmem>>
      %dma_start3A_277 = tpu.memref_squeeze %dma_start3A_276 : memref<1x128xi32, #tpu.memory_space<vmem>> -> memref<128xi32, #tpu.memory_space<vmem>>
      %dma_start3A_278 = arith.constant 0 : i32
      %dma_start3A_279 = arith.constant 0 : i32
      %dma_start3A_280 = tpu.memref_slice %arg6[%dma_start3A_278, %dma_start3A_279] : memref<10112x64xf32, #tpu.memory_space<vmem_shared>> -> memref<10112x64xf32, #tpu.memory_space<vmem_shared>>
      tpu.enqueue_indirect_dma source(%arg10 : memref<128x64xf32, #tpu.memory_space<vmem>>) target(%dma_start3A_280 : memref<10112x64xf32, #tpu.memory_space<vmem_shared>>) offsets(%dma_start3A_277 : memref<128xi32, #tpu.memory_space<vmem>>) semaphore(%arg16 : memref<!tpu.dma_semaphore, #tpu.memory_space<semaphore_mem>>) {add = true}
      %dma_wait3A_281 = arith.constant 0 : i32
      %dma_wait3A_282 = arith.constant 0 : i32
      %dma_wait3A_283 = tpu.memref_slice %arg8[%dma_wait3A_281, %dma_wait3A_282] : memref<40x128xi32, #tpu.memory_space<vmem>> -> memref<1x128xi32, #tpu.memory_space<vmem>>
      %dma_wait3A_284 = tpu.memref_squeeze %dma_wait3A_283 : memref<1x128xi32, #tpu.memory_space<vmem>> -> memref<128xi32, #tpu.memory_space<vmem>>
      %dma_wait3A_285 = arith.constant 0 : i32
      %dma_wait3A_286 = arith.constant 0 : i32
      %dma_wait3A_287 = tpu.memref_slice %arg6[%dma_wait3A_285, %dma_wait3A_286] : memref<10112x64xf32, #tpu.memory_space<vmem_shared>> -> memref<10112x64xf32, #tpu.memory_space<vmem_shared>>
      tpu.wait_indirect_dma semaphore(%arg15 : memref<!tpu.dma_semaphore, #tpu.memory_space<semaphore_mem>>) src(%arg9 : memref<128x64xf32, #tpu.memory_space<vmem>>) dst(%dma_wait3A_287 : memref<10112x64xf32, #tpu.memory_space<vmem_shared>>)
      %add3A_288 = arith.constant 2 : i32
      %add3A_289 = arith.addi %add3A_267, %add3A_288 : i32
      %dma_start3A_290 = arith.constant 0 : i32
      %dma_start3A_291 = tpu.memref_slice %arg7[%add3A_289, %dma_start3A_290] : memref<40x128xi32, #tpu.memory_space<vmem>> -> memref<1x128xi32, #tpu.memory_space<vmem>>
      %dma_start3A_292 = tpu.memref_squeeze %dma_start3A_291 : memref<1x128xi32, #tpu.memory_space<vmem>> -> memref<128xi32, #tpu.memory_space<vmem>>
      %dma_start3A_293 = arith.constant 0 : i32
      %dma_start3A_294 = arith.constant 0 : i32
      %dma_start3A_295 = tpu.memref_slice %arg2[%dma_start3A_293, %dma_start3A_294] : memref<10000x64xf32, #tpu.memory_space<hbm>> -> memref<10000x64xf32, #tpu.memory_space<hbm>>
      tpu.enqueue_indirect_dma source(%dma_start3A_295 : memref<10000x64xf32, #tpu.memory_space<hbm>>) target(%arg9 : memref<128x64xf32, #tpu.memory_space<vmem>>) offsets(%dma_start3A_292 : memref<128xi32, #tpu.memory_space<vmem>>) semaphore(%arg12 : memref<!tpu.dma_semaphore, #tpu.memory_space<semaphore_mem>>)
      %dma_wait3A_296 = arith.constant 0 : i32
      %dma_wait3A_297 = arith.constant 0 : i32
      %dma_wait3A_298 = tpu.memref_slice %arg7[%dma_wait3A_296, %dma_wait3A_297] : memref<40x128xi32, #tpu.memory_space<vmem>> -> memref<1x128xi32, #tpu.memory_space<vmem>>
      %dma_wait3A_299 = tpu.memref_squeeze %dma_wait3A_298 : memref<1x128xi32, #tpu.memory_space<vmem>> -> memref<128xi32, #tpu.memory_space<vmem>>
      %dma_wait3A_300 = arith.constant 0 : i32
      %dma_wait3A_301 = arith.constant 0 : i32
      %dma_wait3A_302 = tpu.memref_slice %arg2[%dma_wait3A_300, %dma_wait3A_301] : memref<10000x64xf32, #tpu.memory_space<hbm>> -> memref<10000x64xf32, #tpu.memory_space<hbm>>
      tpu.wait_indirect_dma semaphore(%arg14 : memref<!tpu.dma_semaphore, #tpu.memory_space<semaphore_mem>>) src(%dma_wait3A_302 : memref<10000x64xf32, #tpu.memory_space<hbm>>) dst(%arg11 : memref<128x64xf32, #tpu.memory_space<vmem>>)
      %add3A_303 = arith.constant 1 : i32
      %add3A_304 = arith.addi %add3A_267, %add3A_303 : i32
      %dma_start3A_305 = arith.constant 0 : i32
      %dma_start3A_306 = tpu.memref_slice %arg8[%add3A_304, %dma_start3A_305] : memref<40x128xi32, #tpu.memory_space<vmem>> -> memref<1x128xi32, #tpu.memory_space<vmem>>
      %dma_start3A_307 = tpu.memref_squeeze %dma_start3A_306 : memref<1x128xi32, #tpu.memory_space<vmem>> -> memref<128xi32, #tpu.memory_space<vmem>>
      %dma_start3A_308 = arith.constant 0 : i32
      %dma_start3A_309 = arith.constant 0 : i32
      %dma_start3A_310 = tpu.memref_slice %arg6[%dma_start3A_308, %dma_start3A_309] : memref<10112x64xf32, #tpu.memory_space<vmem_shared>> -> memref<10112x64xf32, #tpu.memory_space<vmem_shared>>
      tpu.enqueue_indirect_dma source(%arg11 : memref<128x64xf32, #tpu.memory_space<vmem>>) target(%dma_start3A_310 : memref<10112x64xf32, #tpu.memory_space<vmem_shared>>) offsets(%dma_start3A_307 : memref<128xi32, #tpu.memory_space<vmem>>) semaphore(%arg17 : memref<!tpu.dma_semaphore, #tpu.memory_space<semaphore_mem>>) {add = true}
      %add3A_311 = arith.constant 1 : i32
      %add3A_312 = arith.addi %add3A_267, %add3A_311 : i32
      %dma_wait3A_313 = arith.constant 0 : i32
      %dma_wait3A_314 = arith.constant 0 : i32
      %dma_wait3A_315 = tpu.memref_slice %arg8[%dma_wait3A_313, %dma_wait3A_314] : memref<40x128xi32, #tpu.memory_space<vmem>> -> memref<1x128xi32, #tpu.memory_space<vmem>>
      %dma_wait3A_316 = tpu.memref_squeeze %dma_wait3A_315 : memref<1x128xi32, #tpu.memory_space<vmem>> -> memref<128xi32, #tpu.memory_space<vmem>>
      %dma_wait3A_317 = arith.constant 0 : i32
      %dma_wait3A_318 = arith.constant 0 : i32
      %dma_wait3A_319 = tpu.memref_slice %arg6[%dma_wait3A_317, %dma_wait3A_318] : memref<10112x64xf32, #tpu.memory_space<vmem_shared>> -> memref<10112x64xf32, #tpu.memory_space<vmem_shared>>
      tpu.wait_indirect_dma semaphore(%arg16 : memref<!tpu.dma_semaphore, #tpu.memory_space<semaphore_mem>>) src(%arg10 : memref<128x64xf32, #tpu.memory_space<vmem>>) dst(%dma_wait3A_319 : memref<10112x64xf32, #tpu.memory_space<vmem_shared>>)
      %add3A_320 = arith.constant 3 : i32
      %add3A_321 = arith.addi %add3A_267, %add3A_320 : i32
      %dma_start3A_322 = arith.constant 0 : i32
      %dma_start3A_323 = tpu.memref_slice %arg7[%add3A_321, %dma_start3A_322] : memref<40x128xi32, #tpu.memory_space<vmem>> -> memref<1x128xi32, #tpu.memory_space<vmem>>
      %dma_start3A_324 = tpu.memref_squeeze %dma_start3A_323 : memref<1x128xi32, #tpu.memory_space<vmem>> -> memref<128xi32, #tpu.memory_space<vmem>>
      %dma_start3A_325 = arith.constant 0 : i32
      %dma_start3A_326 = arith.constant 0 : i32
      %dma_start3A_327 = tpu.memref_slice %arg2[%dma_start3A_325, %dma_start3A_326] : memref<10000x64xf32, #tpu.memory_space<hbm>> -> memref<10000x64xf32, #tpu.memory_space<hbm>>
      tpu.enqueue_indirect_dma source(%dma_start3A_327 : memref<10000x64xf32, #tpu.memory_space<hbm>>) target(%arg10 : memref<128x64xf32, #tpu.memory_space<vmem>>) offsets(%dma_start3A_324 : memref<128xi32, #tpu.memory_space<vmem>>) semaphore(%arg13 : memref<!tpu.dma_semaphore, #tpu.memory_space<semaphore_mem>>)
      %dma_wait3A_328 = arith.constant 0 : i32
      %dma_wait3A_329 = arith.constant 0 : i32
      %dma_wait3A_330 = tpu.memref_slice %arg7[%dma_wait3A_328, %dma_wait3A_329] : memref<40x128xi32, #tpu.memory_space<vmem>> -> memref<1x128xi32, #tpu.memory_space<vmem>>
      %dma_wait3A_331 = tpu.memref_squeeze %dma_wait3A_330 : memref<1x128xi32, #tpu.memory_space<vmem>> -> memref<128xi32, #tpu.memory_space<vmem>>
      %dma_wait3A_332 = arith.constant 0 : i32
      %dma_wait3A_333 = arith.constant 0 : i32
      %dma_wait3A_334 = tpu.memref_slice %arg2[%dma_wait3A_332, %dma_wait3A_333] : memref<10000x64xf32, #tpu.memory_space<hbm>> -> memref<10000x64xf32, #tpu.memory_space<hbm>>
      tpu.wait_indirect_dma semaphore(%arg12 : memref<!tpu.dma_semaphore, #tpu.memory_space<semaphore_mem>>) src(%dma_wait3A_334 : memref<10000x64xf32, #tpu.memory_space<hbm>>) dst(%arg9 : memref<128x64xf32, #tpu.memory_space<vmem>>)
      %add3A_335 = arith.constant 2 : i32
      %add3A_336 = arith.addi %add3A_267, %add3A_335 : i32
      %dma_start3A_337 = arith.constant 0 : i32
      %dma_start3A_338 = tpu.memref_slice %arg8[%add3A_336, %dma_start3A_337] : memref<40x128xi32, #tpu.memory_space<vmem>> -> memref<1x128xi32, #tpu.memory_space<vmem>>
      %dma_start3A_339 = tpu.memref_squeeze %dma_start3A_338 : memref<1x128xi32, #tpu.memory_space<vmem>> -> memref<128xi32, #tpu.memory_space<vmem>>
      %dma_start3A_340 = arith.constant 0 : i32
      %dma_start3A_341 = arith.constant 0 : i32
      %dma_start3A_342 = tpu.memref_slice %arg6[%dma_start3A_340, %dma_start3A_341] : memref<10112x64xf32, #tpu.memory_space<vmem_shared>> -> memref<10112x64xf32, #tpu.memory_space<vmem_shared>>
      tpu.enqueue_indirect_dma source(%arg9 : memref<128x64xf32, #tpu.memory_space<vmem>>) target(%dma_start3A_342 : memref<10112x64xf32, #tpu.memory_space<vmem_shared>>) offsets(%dma_start3A_339 : memref<128xi32, #tpu.memory_space<vmem>>) semaphore(%arg15 : memref<!tpu.dma_semaphore, #tpu.memory_space<semaphore_mem>>) {add = true}
      %add3A_343 = arith.constant 2 : i32
      %add3A_344 = arith.addi %add3A_267, %add3A_343 : i32
      %dma_wait3A_345 = arith.constant 0 : i32
      %dma_wait3A_346 = arith.constant 0 : i32
      %dma_wait3A_347 = tpu.memref_slice %arg8[%dma_wait3A_345, %dma_wait3A_346] : memref<40x128xi32, #tpu.memory_space<vmem>> -> memref<1x128xi32, #tpu.memory_space<vmem>>
      %dma_wait3A_348 = tpu.memref_squeeze %dma_wait3A_347 : memref<1x128xi32, #tpu.memory_space<vmem>> -> memref<128xi32, #tpu.memory_space<vmem>>
      %dma_wait3A_349 = arith.constant 0 : i32
      %dma_wait3A_350 = arith.constant 0 : i32
      %dma_wait3A_351 = tpu.memref_slice %arg6[%dma_wait3A_349, %dma_wait3A_350] : memref<10112x64xf32, #tpu.memory_space<vmem_shared>> -> memref<10112x64xf32, #tpu.memory_space<vmem_shared>>
      tpu.wait_indirect_dma semaphore(%arg17 : memref<!tpu.dma_semaphore, #tpu.memory_space<semaphore_mem>>) src(%arg11 : memref<128x64xf32, #tpu.memory_space<vmem>>) dst(%dma_wait3A_351 : memref<10112x64xf32, #tpu.memory_space<vmem_shared>>)
      %add3A_352 = arith.constant 4 : i32
      %add3A_353 = arith.addi %add3A_267, %add3A_352 : i32
      %dma_start3A_354 = arith.constant 0 : i32
      %dma_start3A_355 = tpu.memref_slice %arg7[%add3A_353, %dma_start3A_354] : memref<40x128xi32, #tpu.memory_space<vmem>> -> memref<1x128xi32, #tpu.memory_space<vmem>>
      %dma_start3A_356 = tpu.memref_squeeze %dma_start3A_355 : memref<1x128xi32, #tpu.memory_space<vmem>> -> memref<128xi32, #tpu.memory_space<vmem>>
      %dma_start3A_357 = arith.constant 0 : i32
      %dma_start3A_358 = arith.constant 0 : i32
      %dma_start3A_359 = tpu.memref_slice %arg2[%dma_start3A_357, %dma_start3A_358] : memref<10000x64xf32, #tpu.memory_space<hbm>> -> memref<10000x64xf32, #tpu.memory_space<hbm>>
      tpu.enqueue_indirect_dma source(%dma_start3A_359 : memref<10000x64xf32, #tpu.memory_space<hbm>>) target(%arg11 : memref<128x64xf32, #tpu.memory_space<vmem>>) offsets(%dma_start3A_356 : memref<128xi32, #tpu.memory_space<vmem>>) semaphore(%arg14 : memref<!tpu.dma_semaphore, #tpu.memory_space<semaphore_mem>>)
    }
    %scan3A_180 = arith.constant 12 : i32
    %dma_wait3A_181 = arith.constant 0 : i32
    %dma_wait3A_182 = arith.constant 0 : i32
    %dma_wait3A_183 = tpu.memref_slice %arg7[%dma_wait3A_181, %dma_wait3A_182] : memref<40x128xi32, #tpu.memory_space<vmem>> -> memref<1x128xi32, #tpu.memory_space<vmem>>
    %dma_wait3A_184 = tpu.memref_squeeze %dma_wait3A_183 : memref<1x128xi32, #tpu.memory_space<vmem>> -> memref<128xi32, #tpu.memory_space<vmem>>
    %dma_wait3A_185 = arith.constant 0 : i32
    %dma_wait3A_186 = arith.constant 0 : i32
    %dma_wait3A_187 = tpu.memref_slice %arg2[%dma_wait3A_185, %dma_wait3A_186] : memref<10000x64xf32, #tpu.memory_space<hbm>> -> memref<10000x64xf32, #tpu.memory_space<hbm>>
    tpu.wait_indirect_dma semaphore(%arg13 : memref<!tpu.dma_semaphore, #tpu.memory_space<semaphore_mem>>) src(%dma_wait3A_187 : memref<10000x64xf32, #tpu.memory_space<hbm>>) dst(%arg10 : memref<128x64xf32, #tpu.memory_space<vmem>>)
    %dma_start3A_188 = arith.constant 37 : i32
    %dma_start3A_189 = arith.constant 0 : i32
    %dma_start3A_190 = tpu.memref_slice %arg8[%dma_start3A_188, %dma_start3A_189] : memref<40x128xi32, #tpu.memory_space<vmem>> -> memref<1x128xi32, #tpu.memory_space<vmem>>
    %dma_start3A_191 = tpu.memref_squeeze %dma_start3A_190 : memref<1x128xi32, #tpu.memory_space<vmem>> -> memref<128xi32, #tpu.memory_space<vmem>>
    %dma_start3A_192 = arith.constant 0 : i32
    %dma_start3A_193 = arith.constant 0 : i32
    %dma_start3A_194 = tpu.memref_slice %arg6[%dma_start3A_192, %dma_start3A_193] : memref<10112x64xf32, #tpu.memory_space<vmem_shared>> -> memref<10112x64xf32, #tpu.memory_space<vmem_shared>>
    tpu.enqueue_indirect_dma source(%arg10 : memref<128x64xf32, #tpu.memory_space<vmem>>) target(%dma_start3A_194 : memref<10112x64xf32, #tpu.memory_space<vmem_shared>>) offsets(%dma_start3A_191 : memref<128xi32, #tpu.memory_space<vmem>>) semaphore(%arg16 : memref<!tpu.dma_semaphore, #tpu.memory_space<semaphore_mem>>) {add = true}
    %dma_wait3A_195 = arith.constant 0 : i32
    %dma_wait3A_196 = arith.constant 0 : i32
    %dma_wait3A_197 = tpu.memref_slice %arg8[%dma_wait3A_195, %dma_wait3A_196] : memref<40x128xi32, #tpu.memory_space<vmem>> -> memref<1x128xi32, #tpu.memory_space<vmem>>
    %dma_wait3A_198 = tpu.memref_squeeze %dma_wait3A_197 : memref<1x128xi32, #tpu.memory_space<vmem>> -> memref<128xi32, #tpu.memory_space<vmem>>
    %dma_wait3A_199 = arith.constant 0 : i32
    %dma_wait3A_200 = arith.constant 0 : i32
    %dma_wait3A_201 = tpu.memref_slice %arg6[%dma_wait3A_199, %dma_wait3A_200] : memref<10112x64xf32, #tpu.memory_space<vmem_shared>> -> memref<10112x64xf32, #tpu.memory_space<vmem_shared>>
    tpu.wait_indirect_dma semaphore(%arg15 : memref<!tpu.dma_semaphore, #tpu.memory_space<semaphore_mem>>) src(%arg9 : memref<128x64xf32, #tpu.memory_space<vmem>>) dst(%dma_wait3A_201 : memref<10112x64xf32, #tpu.memory_space<vmem_shared>>)
    %dma_start3A_202 = arith.constant 39 : i32
    %dma_start3A_203 = arith.constant 0 : i32
    %dma_start3A_204 = tpu.memref_slice %arg7[%dma_start3A_202, %dma_start3A_203] : memref<40x128xi32, #tpu.memory_space<vmem>> -> memref<1x128xi32, #tpu.memory_space<vmem>>
    %dma_start3A_205 = tpu.memref_squeeze %dma_start3A_204 : memref<1x128xi32, #tpu.memory_space<vmem>> -> memref<128xi32, #tpu.memory_space<vmem>>
    %dma_start3A_206 = arith.constant 0 : i32
    %dma_start3A_207 = arith.constant 0 : i32
    %dma_start3A_208 = tpu.memref_slice %arg2[%dma_start3A_206, %dma_start3A_207] : memref<10000x64xf32, #tpu.memory_space<hbm>> -> memref<10000x64xf32, #tpu.memory_space<hbm>>
    tpu.enqueue_indirect_dma source(%dma_start3A_208 : memref<10000x64xf32, #tpu.memory_space<hbm>>) target(%arg9 : memref<128x64xf32, #tpu.memory_space<vmem>>) offsets(%dma_start3A_205 : memref<128xi32, #tpu.memory_space<vmem>>) semaphore(%arg12 : memref<!tpu.dma_semaphore, #tpu.memory_space<semaphore_mem>>)
    %dma_wait3A_209 = arith.constant 0 : i32
    %dma_wait3A_210 = arith.constant 0 : i32
    %dma_wait3A_211 = tpu.memref_slice %arg7[%dma_wait3A_209, %dma_wait3A_210] : memref<40x128xi32, #tpu.memory_space<vmem>> -> memref<1x128xi32, #tpu.memory_space<vmem>>
    %dma_wait3A_212 = tpu.memref_squeeze %dma_wait3A_211 : memref<1x128xi32, #tpu.memory_space<vmem>> -> memref<128xi32, #tpu.memory_space<vmem>>
    %dma_wait3A_213 = arith.constant 0 : i32
    %dma_wait3A_214 = arith.constant 0 : i32
    %dma_wait3A_215 = tpu.memref_slice %arg2[%dma_wait3A_213, %dma_wait3A_214] : memref<10000x64xf32, #tpu.memory_space<hbm>> -> memref<10000x64xf32, #tpu.memory_space<hbm>>
    tpu.wait_indirect_dma semaphore(%arg14 : memref<!tpu.dma_semaphore, #tpu.memory_space<semaphore_mem>>) src(%dma_wait3A_215 : memref<10000x64xf32, #tpu.memory_space<hbm>>) dst(%arg11 : memref<128x64xf32, #tpu.memory_space<vmem>>)
    %dma_start3A_216 = arith.constant 38 : i32
    %dma_start3A_217 = arith.constant 0 : i32
    %dma_start3A_218 = tpu.memref_slice %arg8[%dma_start3A_216, %dma_start3A_217] : memref<40x128xi32, #tpu.memory_space<vmem>> -> memref<1x128xi32, #tpu.memory_space<vmem>>
    %dma_start3A_219 = tpu.memref_squeeze %dma_start3A_218 : memref<1x128xi32, #tpu.memory_space<vmem>> -> memref<128xi32, #tpu.memory_space<vmem>>
    %dma_start3A_220 = arith.constant 0 : i32
    %dma_start3A_221 = arith.constant 0 : i32
    %dma_start3A_222 = tpu.memref_slice %arg6[%dma_start3A_220, %dma_start3A_221] : memref<10112x64xf32, #tpu.memory_space<vmem_shared>> -> memref<10112x64xf32, #tpu.memory_space<vmem_shared>>
    tpu.enqueue_indirect_dma source(%arg11 : memref<128x64xf32, #tpu.memory_space<vmem>>) target(%dma_start3A_222 : memref<10112x64xf32, #tpu.memory_space<vmem_shared>>) offsets(%dma_start3A_219 : memref<128xi32, #tpu.memory_space<vmem>>) semaphore(%arg17 : memref<!tpu.dma_semaphore, #tpu.memory_space<semaphore_mem>>) {add = true}
    %dma_wait3A_223 = arith.constant 0 : i32
    %dma_wait3A_224 = arith.constant 0 : i32
    %dma_wait3A_225 = tpu.memref_slice %arg8[%dma_wait3A_223, %dma_wait3A_224] : memref<40x128xi32, #tpu.memory_space<vmem>> -> memref<1x128xi32, #tpu.memory_space<vmem>>
    %dma_wait3A_226 = tpu.memref_squeeze %dma_wait3A_225 : memref<1x128xi32, #tpu.memory_space<vmem>> -> memref<128xi32, #tpu.memory_space<vmem>>
    %dma_wait3A_227 = arith.constant 0 : i32
    %dma_wait3A_228 = arith.constant 0 : i32
    %dma_wait3A_229 = tpu.memref_slice %arg6[%dma_wait3A_227, %dma_wait3A_228] : memref<10112x64xf32, #tpu.memory_space<vmem_shared>> -> memref<10112x64xf32, #tpu.memory_space<vmem_shared>>
    tpu.wait_indirect_dma semaphore(%arg16 : memref<!tpu.dma_semaphore, #tpu.memory_space<semaphore_mem>>) src(%arg10 : memref<128x64xf32, #tpu.memory_space<vmem>>) dst(%dma_wait3A_229 : memref<10112x64xf32, #tpu.memory_space<vmem_shared>>)
    %dma_wait3A_230 = arith.constant 0 : i32
    %dma_wait3A_231 = arith.constant 0 : i32
    %dma_wait3A_232 = tpu.memref_slice %arg7[%dma_wait3A_230, %dma_wait3A_231] : memref<40x128xi32, #tpu.memory_space<vmem>> -> memref<1x128xi32, #tpu.memory_space<vmem>>
    %dma_wait3A_233 = tpu.memref_squeeze %dma_wait3A_232 : memref<1x128xi32, #tpu.memory_space<vmem>> -> memref<128xi32, #tpu.memory_space<vmem>>
    %dma_wait3A_234 = arith.constant 0 : i32
    %dma_wait3A_235 = arith.constant 0 : i32
    %dma_wait3A_236 = tpu.memref_slice %arg2[%dma_wait3A_234, %dma_wait3A_235] : memref<10000x64xf32, #tpu.memory_space<hbm>> -> memref<10000x64xf32, #tpu.memory_space<hbm>>
    tpu.wait_indirect_dma semaphore(%arg12 : memref<!tpu.dma_semaphore, #tpu.memory_space<semaphore_mem>>) src(%dma_wait3A_236 : memref<10000x64xf32, #tpu.memory_space<hbm>>) dst(%arg9 : memref<128x64xf32, #tpu.memory_space<vmem>>)
    %dma_start3A_237 = arith.constant 39 : i32
    %dma_start3A_238 = arith.constant 0 : i32
    %dma_start3A_239 = tpu.memref_slice %arg8[%dma_start3A_237, %dma_start3A_238] : memref<40x128xi32, #tpu.memory_space<vmem>> -> memref<1x128xi32, #tpu.memory_space<vmem>>
    %dma_start3A_240 = tpu.memref_squeeze %dma_start3A_239 : memref<1x128xi32, #tpu.memory_space<vmem>> -> memref<128xi32, #tpu.memory_space<vmem>>
    %dma_start3A_241 = arith.constant 0 : i32
    %dma_start3A_242 = arith.constant 0 : i32
    %dma_start3A_243 = tpu.memref_slice %arg6[%dma_start3A_241, %dma_start3A_242] : memref<10112x64xf32, #tpu.memory_space<vmem_shared>> -> memref<10112x64xf32, #tpu.memory_space<vmem_shared>>
    tpu.enqueue_indirect_dma source(%arg9 : memref<128x64xf32, #tpu.memory_space<vmem>>) target(%dma_start3A_243 : memref<10112x64xf32, #tpu.memory_space<vmem_shared>>) offsets(%dma_start3A_240 : memref<128xi32, #tpu.memory_space<vmem>>) semaphore(%arg15 : memref<!tpu.dma_semaphore, #tpu.memory_space<semaphore_mem>>) {add = true}
    %dma_wait3A_244 = arith.constant 0 : i32
    %dma_wait3A_245 = arith.constant 0 : i32
    %dma_wait3A_246 = tpu.memref_slice %arg8[%dma_wait3A_244, %dma_wait3A_245] : memref<40x128xi32, #tpu.memory_space<vmem>> -> memref<1x128xi32, #tpu.memory_space<vmem>>
    %dma_wait3A_247 = tpu.memref_squeeze %dma_wait3A_246 : memref<1x128xi32, #tpu.memory_space<vmem>> -> memref<128xi32, #tpu.memory_space<vmem>>
    %dma_wait3A_248 = arith.constant 0 : i32
    %dma_wait3A_249 = arith.constant 0 : i32
    %dma_wait3A_250 = tpu.memref_slice %arg6[%dma_wait3A_248, %dma_wait3A_249] : memref<10112x64xf32, #tpu.memory_space<vmem_shared>> -> memref<10112x64xf32, #tpu.memory_space<vmem_shared>>
    tpu.wait_indirect_dma semaphore(%arg17 : memref<!tpu.dma_semaphore, #tpu.memory_space<semaphore_mem>>) src(%arg11 : memref<128x64xf32, #tpu.memory_space<vmem>>) dst(%dma_wait3A_250 : memref<10112x64xf32, #tpu.memory_space<vmem_shared>>)
    %dma_wait3A_251 = arith.constant 0 : i32
    %dma_wait3A_252 = arith.constant 0 : i32
    %dma_wait3A_253 = tpu.memref_slice %arg8[%dma_wait3A_251, %dma_wait3A_252] : memref<40x128xi32, #tpu.memory_space<vmem>> -> memref<1x128xi32, #tpu.memory_space<vmem>>
    %dma_wait3A_254 = tpu.memref_squeeze %dma_wait3A_253 : memref<1x128xi32, #tpu.memory_space<vmem>> -> memref<128xi32, #tpu.memory_space<vmem>>
    %dma_wait3A_255 = arith.constant 0 : i32
    %dma_wait3A_256 = arith.constant 0 : i32
    %dma_wait3A_257 = tpu.memref_slice %arg6[%dma_wait3A_255, %dma_wait3A_256] : memref<10112x64xf32, #tpu.memory_space<vmem_shared>> -> memref<10112x64xf32, #tpu.memory_space<vmem_shared>>
    tpu.wait_indirect_dma semaphore(%arg15 : memref<!tpu.dma_semaphore, #tpu.memory_space<semaphore_mem>>) src(%arg9 : memref<128x64xf32, #tpu.memory_space<vmem>>) dst(%dma_wait3A_257 : memref<10112x64xf32, #tpu.memory_space<vmem_shared>>)
    "tpu.trace_stop"() : () -> ()
    "tpu.trace_start"() <{level = 10 : i32, message = "writeback"}> : () -> ()
    %barrier3A_258 = arith.constant 0 : index
    tpu.barrier barrier_id(%barrier3A_258)
    "tpu.region"() ({
      %run_scoped3A = tpu.sem_alloc : memref<!tpu.dma_semaphore, #tpu.memory_space<semaphore_mem>>
      %dma_start3A_259 = arith.constant 0 : i32
      %dma_start3A_260 = tpu.memref_slice %arg5[%arg0, %mul3A_7, %dma_start3A_259] : memref<2x10112x64xf32, #tpu.memory_space<hbm>> -> memref<1x632x64xf32, #tpu.memory_space<hbm>>
      %dma_start3A_261 = tpu.memref_squeeze %dma_start3A_260 : memref<1x632x64xf32, #tpu.memory_space<hbm>> -> memref<632x64xf32, #tpu.memory_space<hbm>>
      %dma_start3A_262 = arith.constant 0 : i32
      %dma_start3A_263 = tpu.memref_slice %arg6[%mul3A_7, %dma_start3A_262] : memref<10112x64xf32, #tpu.memory_space<vmem_shared>> -> memref<632x64xf32, #tpu.memory_space<vmem_shared>>
      tpu.enqueue_dma source(%dma_start3A_263 : memref<632x64xf32, #tpu.memory_space<vmem_shared>>) target(%dma_start3A_261 : memref<632x64xf32, #tpu.memory_space<hbm>>) target_semaphore(%run_scoped3A : memref<!tpu.dma_semaphore, #tpu.memory_space<semaphore_mem>>)
      %dma_wait3A_264 = arith.constant 0 : i32
      %dma_wait3A_265 = tpu.memref_slice %arg5[%arg0, %mul3A_7, %dma_wait3A_264] : memref<2x10112x64xf32, #tpu.memory_space<hbm>> -> memref<1x632x64xf32, #tpu.memory_space<hbm>>
      %dma_wait3A_266 = tpu.memref_squeeze %dma_wait3A_265 : memref<1x632x64xf32, #tpu.memory_space<hbm>> -> memref<632x64xf32, #tpu.memory_space<hbm>>
      %dma_wait3A_267 = arith.constant 0 : i32
      %dma_wait3A_268 = tpu.memref_slice %arg6[%mul3A_7, %dma_wait3A_267] : memref<10112x64xf32, #tpu.memory_space<vmem_shared>> -> memref<632x64xf32, #tpu.memory_space<vmem_shared>>
      tpu.wait_dma2 semaphore(%run_scoped3A : memref<!tpu.dma_semaphore, #tpu.memory_space<semaphore_mem>>) src(%dma_wait3A_268 : memref<632x64xf32, #tpu.memory_space<vmem_shared>>) dst(%dma_wait3A_266 : memref<632x64xf32, #tpu.memory_space<hbm>>)
      tpu.yield
    }) : () -> ()
    "tpu.trace_stop"() : () -> ()
    return
  }
}

module attributes {stable_mosaic.version = 14 : i64} {
  func.func @_tc0_body(%arg0: i32, %arg1: memref<2000x128xf32, #tpu.memory_space<vmem>>, %arg2: memref<128x256xf32, #tpu.memory_space<vmem>>, %arg3: memref<1x256xf32, #tpu.memory_space<vmem>>, %arg4: memref<2000x256xf32, #tpu.memory_space<vmem>>) attributes {dimension_semantics = [#tpu.dimension_semantics<arbitrary>], iteration_bounds = array<i64: 5>, scalar_prefetch = 0 : i64, scratch_operands = 0 : i64, tpu.core_type = #tpu.core_type<tc>, window_params = [{transform_indices = @transform_0, window_bounds = array<i64: 2000, 128>}, {pipeline_mode = #tpu.pipeline_mode<synchronous>, transform_indices = @transform_1, window_bounds = array<i64: 128, 256>}, {pipeline_mode = #tpu.pipeline_mode<synchronous>, transform_indices = @transform_2, window_bounds = array<i64: 1, 256>}, {transform_indices = @transform_3, window_bounds = array<i64: 2000, 256>}]} {
    %get3A = arith.constant 0 : index
    %get3A_0 = arith.constant 0 : index
    %get3A_1 = vector.load %arg1[%get3A, %get3A_0] : memref<2000x128xf32, #tpu.memory_space<vmem>>, vector<2000x128xf32>
    %get3A_2 = arith.constant 0 : index
    %get3A_3 = arith.constant 0 : index
    %get3A_4 = vector.load %arg2[%get3A_2, %get3A_3] : memref<128x256xf32, #tpu.memory_space<vmem>>, vector<128x256xf32>
    %dot_general3A = arith.constant dense<0.000000e+00> : vector<2000x256xf32>
    %dot_general3A_5 = tpu.matmul %get3A_1, %get3A_4, %dot_general3A {dimension_numbers = #tpu.dot_dimension_numbers<[1], [0], [0], [1], [0, 0, 1, 1], [], []>, transpose_lhs_hint = false} : vector<2000x128xf32>, vector<128x256xf32>, vector<2000x256xf32> -> vector<2000x256xf32>
    %get3A_6 = arith.constant 0 : index
    %get3A_7 = arith.constant 0 : index
    %get3A_8 = vector.load %arg3[%get3A_6, %get3A_7] : memref<1x256xf32, #tpu.memory_space<vmem>>, vector<1x256xf32>
    %add3A = vector.broadcast %get3A_8 : vector<1x256xf32> to vector<2000x256xf32>
    %add3A_9 = arith.addf %dot_general3A_5, %add3A : vector<2000x256xf32>
    %swap3A = arith.constant 0 : index
    %swap3A_10 = arith.constant 0 : index
    %swap3A_11 = vector.load %arg4[%swap3A, %swap3A_10] : memref<2000x256xf32, #tpu.memory_space<vmem>>, vector<2000x256xf32>
    tpu.vector_store %arg4[%swap3A, %swap3A_10], %add3A_9 {strides = array<i32>} : memref<2000x256xf32, #tpu.memory_space<vmem>>, vector<2000x256xf32>,
    return
  }
  func.func @transform_0(%arg0: i32) -> (i32, i32) {
    %c0_i32 = arith.constant 0 : i32
    %c0_i32_0 = arith.constant 0 : i32
    return %arg0, %c0_i32 : i32, i32
  }
  func.func @transform_1(%arg0: i32) -> (i32, i32) {
    %c0_i32 = arith.constant 0 : i32
    %c0_i32_0 = arith.constant 0 : i32
    %c0_i32_1 = arith.constant 0 : i32
    return %c0_i32, %c0_i32_0 : i32, i32
  }
  func.func @transform_2(%arg0: i32) -> (i32, i32) {
    %c0_i32 = arith.constant 0 : i32
    %c0_i32_0 = arith.constant 0 : i32
    %c0_i32_1 = arith.constant 0 : i32
    return %c0_i32, %c0_i32_0 : i32, i32
  }
  func.func @transform_3(%arg0: i32) -> (i32, i32) {
    %c0_i32 = arith.constant 0 : i32
    %c0_i32_0 = arith.constant 0 : i32
    return %arg0, %c0_i32 : i32, i32
  }
}

module attributes {stable_mosaic.version = 14 : i64} {
  func.func @_tc1_body(%arg0: i32, %arg1: memref<2x2000x128xf32, #tpu.memory_space<vmem>>, %arg2: memref<2000x32xf32, #tpu.memory_space<vmem>>, %arg3: memref<2000x256xf32, #tpu.memory_space<vmem>>, %arg4: memref<128x256xf32, #tpu.memory_space<vmem>>, %arg5: memref<256x64xf32, #tpu.memory_space<vmem>>, %arg6: memref<256x64xf32, #tpu.memory_space<vmem>>, %arg7: memref<1x64xf32, #tpu.memory_space<vmem>>, %arg8: memref<2000x64xf32, #tpu.memory_space<vmem>>, %arg9: memref<2000x64xf32, #tpu.memory_space<vmem>>) attributes {dimension_semantics = [#tpu.dimension_semantics<arbitrary>], iteration_bounds = array<i64: 5>, scalar_prefetch = 0 : i64, scratch_operands = 0 : i64, tpu.core_type = #tpu.core_type<tc>, window_params = [{transform_indices = @transform_0, window_bounds = array<i64: 2, 2000, 128>}, {transform_indices = @transform_1, window_bounds = array<i64: 2000, 32>}, {transform_indices = @transform_2, window_bounds = array<i64: 2000, 256>}, {pipeline_mode = #tpu.pipeline_mode<synchronous>, transform_indices = @transform_3, window_bounds = array<i64: 128, 256>}, {pipeline_mode = #tpu.pipeline_mode<synchronous>, transform_indices = @transform_4, window_bounds = array<i64: 256, 64>}, {pipeline_mode = #tpu.pipeline_mode<synchronous>, transform_indices = @transform_5, window_bounds = array<i64: 256, 64>}, {pipeline_mode = #tpu.pipeline_mode<synchronous>, transform_indices = @transform_6, window_bounds = array<i64: 1, 64>}, {transform_indices = @transform_7, window_bounds = array<i64: 2000, 64>}, {transform_indices = @transform_8, window_bounds = array<i64: 2000, 64>}]} {
    %get3A = arith.constant 0 : index
    %get3A_0 = arith.constant 0 : index
    %get3A_1 = vector.load %arg2[%get3A, %get3A_0] : memref<2000x32xf32, #tpu.memory_space<vmem>>, vector<2000x32xf32>
    %reduce_sum3A = arith.constant dense<0.000000e+00> : vector<2000xf32>
    %reduce_sum3A_2 = vector.multi_reduction <add>, %get3A_1, %reduce_sum3A [1] : vector<2000x32xf32> to vector<2000xf32>
    %max3A = arith.constant 1.000000e+00 : f32
    %max3A_3 = vector.broadcast %max3A : f32 to vector<2000xf32>
    %max3A_4 = arith.maximumf %reduce_sum3A_2, %max3A_3 : vector<2000xf32>
    %get3A_5 = arith.constant 0 : index
    %get3A_6 = arith.constant 0 : index
    %get3A_7 = arith.constant 0 : index
    %get3A_8 = vector.load %arg1[%get3A_5, %get3A_6, %get3A_7] : memref<2x2000x128xf32, #tpu.memory_space<vmem>>, vector<1x2000x128xf32>
    %get3A_9 = vector.shape_cast %get3A_8 : vector<1x2000x128xf32> to vector<2000x128xf32>
    %get3A_10 = arith.constant 1 : index
    %get3A_11 = arith.constant 0 : index
    %get3A_12 = arith.constant 0 : index
    %get3A_13 = vector.load %arg1[%get3A_10, %get3A_11, %get3A_12] : memref<2x2000x128xf32, #tpu.memory_space<vmem>>, vector<1x2000x128xf32>
    %get3A_14 = vector.shape_cast %get3A_13 : vector<1x2000x128xf32> to vector<2000x128xf32>
    %add3A = arith.addf %get3A_9, %get3A_14 : vector<2000x128xf32>
    %broadcast_in_dim3A = vector.shape_cast %max3A_4 : vector<2000xf32> to vector<2000x1xf32>
    %div3A = vector.broadcast %broadcast_in_dim3A : vector<2000x1xf32> to vector<2000x128xf32>
    %div3A_15 = arith.divf %add3A, %div3A : vector<2000x128xf32>
    %get3A_16 = arith.constant 0 : index
    %get3A_17 = arith.constant 0 : index
    %get3A_18 = vector.load %arg4[%get3A_16, %get3A_17] : memref<128x256xf32, #tpu.memory_space<vmem>>, vector<128x256xf32>
    %dot_general3A = arith.constant dense<0.000000e+00> : vector<2000x256xf32>
    %dot_general3A_19 = tpu.matmul %div3A_15, %get3A_18, %dot_general3A {dimension_numbers = #tpu.dot_dimension_numbers<[1], [0], [0], [1], [0, 0, 1, 1], [], []>, transpose_lhs_hint = false} : vector<2000x128xf32>, vector<128x256xf32>, vector<2000x256xf32> -> vector<2000x256xf32>
    %get3A_20 = arith.constant 0 : index
    %get3A_21 = arith.constant 0 : index
    %get3A_22 = vector.load %arg3[%get3A_20, %get3A_21] : memref<2000x256xf32, #tpu.memory_space<vmem>>, vector<2000x256xf32>
    %add3A_23 = arith.addf %dot_general3A_19, %get3A_22 : vector<2000x256xf32>
    %max3A_24 = arith.constant 0.000000e+00 : f32
    %max3A_25 = vector.broadcast %max3A_24 : f32 to vector<2000x256xf32>
    %max3A_26 = arith.maximumf %add3A_23, %max3A_25 : vector<2000x256xf32>
    %get3A_27 = arith.constant 0 : index
    %get3A_28 = arith.constant 0 : index
    %get3A_29 = vector.load %arg5[%get3A_27, %get3A_28] : memref<256x64xf32, #tpu.memory_space<vmem>>, vector<256x64xf32>
    %dot_general3A_30 = arith.constant dense<0.000000e+00> : vector<2000x64xf32>
    %dot_general3A_31 = tpu.matmul %max3A_26, %get3A_29, %dot_general3A_30 {dimension_numbers = #tpu.dot_dimension_numbers<[1], [0], [0], [1], [0, 0, 1, 1], [], []>, transpose_lhs_hint = false} : vector<2000x256xf32>, vector<256x64xf32>, vector<2000x64xf32> -> vector<2000x64xf32>
    %swap3A = arith.constant 0 : index
    %swap3A_32 = arith.constant 0 : index
    %swap3A_33 = vector.load %arg8[%swap3A, %swap3A_32] : memref<2000x64xf32, #tpu.memory_space<vmem>>, vector<2000x64xf32>
    tpu.vector_store %arg8[%swap3A, %swap3A_32], %dot_general3A_31 {strides = array<i32>} : memref<2000x64xf32, #tpu.memory_space<vmem>>, vector<2000x64xf32>,
    %get3A_34 = arith.constant 0 : index
    %get3A_35 = arith.constant 0 : index
    %get3A_36 = vector.load %arg6[%get3A_34, %get3A_35] : memref<256x64xf32, #tpu.memory_space<vmem>>, vector<256x64xf32>
    %dot_general3A_37 = arith.constant dense<0.000000e+00> : vector<2000x64xf32>
    %dot_general3A_38 = tpu.matmul %max3A_26, %get3A_36, %dot_general3A_37 {dimension_numbers = #tpu.dot_dimension_numbers<[1], [0], [0], [1], [0, 0, 1, 1], [], []>, transpose_lhs_hint = false} : vector<2000x256xf32>, vector<256x64xf32>, vector<2000x64xf32> -> vector<2000x64xf32>
    %get3A_39 = arith.constant 0 : index
    %get3A_40 = arith.constant 0 : index
    %get3A_41 = vector.load %arg7[%get3A_39, %get3A_40] : memref<1x64xf32, #tpu.memory_space<vmem>>, vector<1x64xf32>
    %add3A_42 = vector.broadcast %get3A_41 : vector<1x64xf32> to vector<2000x64xf32>
    %add3A_43 = arith.addf %dot_general3A_38, %add3A_42 : vector<2000x64xf32>
    %swap3A_44 = arith.constant 0 : index
    %swap3A_45 = arith.constant 0 : index
    %swap3A_46 = vector.load %arg9[%swap3A_44, %swap3A_45] : memref<2000x64xf32, #tpu.memory_space<vmem>>, vector<2000x64xf32>
    tpu.vector_store %arg9[%swap3A_44, %swap3A_45], %add3A_43 {strides = array<i32>} : memref<2000x64xf32, #tpu.memory_space<vmem>>, vector<2000x64xf32>,
    return
  }
  func.func @transform_0(%arg0: i32) -> (i32, i32, i32) {
    %c0_i32 = arith.constant 0 : i32
    %c0_i32_0 = arith.constant 0 : i32
    %c0_i32_1 = arith.constant 0 : i32
    return %c0_i32, %arg0, %c0_i32_0 : i32, i32, i32
  }
  func.func @transform_1(%arg0: i32) -> (i32, i32) {
    %c0_i32 = arith.constant 0 : i32
    %c0_i32_0 = arith.constant 0 : i32
    return %arg0, %c0_i32 : i32, i32
  }
  func.func @transform_2(%arg0: i32) -> (i32, i32) {
    %c0_i32 = arith.constant 0 : i32
    %c0_i32_0 = arith.constant 0 : i32
    return %arg0, %c0_i32 : i32, i32
  }
  func.func @transform_3(%arg0: i32) -> (i32, i32) {
    %c0_i32 = arith.constant 0 : i32
    %c0_i32_0 = arith.constant 0 : i32
    %c0_i32_1 = arith.constant 0 : i32
    return %c0_i32, %c0_i32_0 : i32, i32
  }
  func.func @transform_4(%arg0: i32) -> (i32, i32) {
    %c0_i32 = arith.constant 0 : i32
    %c0_i32_0 = arith.constant 0 : i32
    %c0_i32_1 = arith.constant 0 : i32
    return %c0_i32, %c0_i32_0 : i32, i32
  }
  func.func @transform_5(%arg0: i32) -> (i32, i32) {
    %c0_i32 = arith.constant 0 : i32
    %c0_i32_0 = arith.constant 0 : i32
    %c0_i32_1 = arith.constant 0 : i32
    return %c0_i32, %c0_i32_0 : i32, i32
  }
  func.func @transform_6(%arg0: i32) -> (i32, i32) {
    %c0_i32 = arith.constant 0 : i32
    %c0_i32_0 = arith.constant 0 : i32
    %c0_i32_1 = arith.constant 0 : i32
    return %c0_i32, %c0_i32_0 : i32, i32
  }
  func.func @transform_7(%arg0: i32) -> (i32, i32) {
    %c0_i32 = arith.constant 0 : i32
    %c0_i32_0 = arith.constant 0 : i32
    return %arg0, %c0_i32 : i32, i32
  }
  func.func @transform_8(%arg0: i32) -> (i32, i32) {
    %c0_i32 = arith.constant 0 : i32
    %c0_i32_0 = arith.constant 0 : i32
    return %arg0, %c0_i32 : i32, i32
  }
}

module attributes {stable_mosaic.version = 14 : i64} {
  func.func @_tc2_body(%arg0: i32, %arg1: memref<2x2000x64xf32, #tpu.memory_space<vmem>>, %arg2: memref<2000x32xf32, #tpu.memory_space<vmem>>, %arg3: memref<2000x64xf32, #tpu.memory_space<vmem>>, %arg4: memref<2000x64xf32, #tpu.memory_space<vmem>>) attributes {dimension_semantics = [#tpu.dimension_semantics<arbitrary>], iteration_bounds = array<i64: 5>, scalar_prefetch = 0 : i64, scratch_operands = 0 : i64, tpu.core_type = #tpu.core_type<tc>, window_params = [{transform_indices = @transform_0, window_bounds = array<i64: 2, 2000, 64>}, {transform_indices = @transform_1, window_bounds = array<i64: 2000, 32>}, {transform_indices = @transform_2, window_bounds = array<i64: 2000, 64>}, {transform_indices = @transform_3, window_bounds = array<i64: 2000, 64>}]} {
    %get3A = arith.constant 0 : index
    %get3A_0 = arith.constant 0 : index
    %get3A_1 = vector.load %arg2[%get3A, %get3A_0] : memref<2000x32xf32, #tpu.memory_space<vmem>>, vector<2000x32xf32>
    %reduce_sum3A = arith.constant dense<0.000000e+00> : vector<2000xf32>
    %reduce_sum3A_2 = vector.multi_reduction <add>, %get3A_1, %reduce_sum3A [1] : vector<2000x32xf32> to vector<2000xf32>
    %max3A = arith.constant 1.000000e+00 : f32
    %max3A_3 = vector.broadcast %max3A : f32 to vector<2000xf32>
    %max3A_4 = arith.maximumf %reduce_sum3A_2, %max3A_3 : vector<2000xf32>
    %get3A_5 = arith.constant 0 : index
    %get3A_6 = arith.constant 0 : index
    %get3A_7 = arith.constant 0 : index
    %get3A_8 = vector.load %arg1[%get3A_5, %get3A_6, %get3A_7] : memref<2x2000x64xf32, #tpu.memory_space<vmem>>, vector<1x2000x64xf32>
    %get3A_9 = vector.shape_cast %get3A_8 : vector<1x2000x64xf32> to vector<2000x64xf32>
    %get3A_10 = arith.constant 1 : index
    %get3A_11 = arith.constant 0 : index
    %get3A_12 = arith.constant 0 : index
    %get3A_13 = vector.load %arg1[%get3A_10, %get3A_11, %get3A_12] : memref<2x2000x64xf32, #tpu.memory_space<vmem>>, vector<1x2000x64xf32>
    %get3A_14 = vector.shape_cast %get3A_13 : vector<1x2000x64xf32> to vector<2000x64xf32>
    %add3A = arith.addf %get3A_9, %get3A_14 : vector<2000x64xf32>
    %broadcast_in_dim3A = vector.shape_cast %max3A_4 : vector<2000xf32> to vector<2000x1xf32>
    %div3A = vector.broadcast %broadcast_in_dim3A : vector<2000x1xf32> to vector<2000x64xf32>
    %div3A_15 = arith.divf %add3A, %div3A : vector<2000x64xf32>
    %get3A_16 = arith.constant 0 : index
    %get3A_17 = arith.constant 0 : index
    %get3A_18 = vector.load %arg3[%get3A_16, %get3A_17] : memref<2000x64xf32, #tpu.memory_space<vmem>>, vector<2000x64xf32>
    %add3A_19 = arith.addf %div3A_15, %get3A_18 : vector<2000x64xf32>
    %reduce_max3A = arith.constant dense<0xFF800000> : vector<2000xf32>
    %reduce_max3A_20 = vector.multi_reduction <maximumf>, %add3A_19, %reduce_max3A [1] : vector<2000x64xf32> to vector<2000xf32>
    %broadcast_in_dim3A_21 = vector.shape_cast %reduce_max3A_20 : vector<2000xf32> to vector<2000x1xf32>
    %sub3A = vector.broadcast %broadcast_in_dim3A_21 : vector<2000x1xf32> to vector<2000x64xf32>
    %sub3A_22 = arith.subf %add3A_19, %sub3A : vector<2000x64xf32>
    %exp3A = math.exp %sub3A_22 : vector<2000x64xf32>
    %sub3A_23 = vector.broadcast %broadcast_in_dim3A_21 : vector<2000x1xf32> to vector<2000x64xf32>
    %sub3A_24 = arith.subf %add3A_19, %sub3A_23 : vector<2000x64xf32>
    %reduce_sum3A_25 = arith.constant dense<0.000000e+00> : vector<2000xf32>
    %reduce_sum3A_26 = vector.multi_reduction <add>, %exp3A, %reduce_sum3A_25 [1] : vector<2000x64xf32> to vector<2000xf32>
    %broadcast_in_dim3A_27 = vector.shape_cast %reduce_sum3A_26 : vector<2000xf32> to vector<2000x1xf32>
    %log3A = math.log %broadcast_in_dim3A_27 : vector<2000x1xf32>
    %sub3A_28 = vector.broadcast %log3A : vector<2000x1xf32> to vector<2000x64xf32>
    %sub3A_29 = arith.subf %sub3A_24, %sub3A_28 : vector<2000x64xf32>
    %swap3A = arith.constant 0 : index
    %swap3A_30 = arith.constant 0 : index
    %swap3A_31 = vector.load %arg4[%swap3A, %swap3A_30] : memref<2000x64xf32, #tpu.memory_space<vmem>>, vector<2000x64xf32>
    tpu.vector_store %arg4[%swap3A, %swap3A_30], %sub3A_29 {strides = array<i32>} : memref<2000x64xf32, #tpu.memory_space<vmem>>, vector<2000x64xf32>,
    return
  }
  func.func @transform_0(%arg0: i32) -> (i32, i32, i32) {
    %c0_i32 = arith.constant 0 : i32
    %c0_i32_0 = arith.constant 0 : i32
    %c0_i32_1 = arith.constant 0 : i32
    return %c0_i32, %arg0, %c0_i32_0 : i32, i32, i32
  }
  func.func @transform_1(%arg0: i32) -> (i32, i32) {
    %c0_i32 = arith.constant 0 : i32
    %c0_i32_0 = arith.constant 0 : i32
    return %arg0, %c0_i32 : i32, i32
  }
  func.func @transform_2(%arg0: i32) -> (i32, i32) {
    %c0_i32 = arith.constant 0 : i32
    %c0_i32_0 = arith.constant 0 : i32
    return %arg0, %c0_i32 : i32, i32
  }
  func.func @transform_3(%arg0: i32) -> (i32, i32) {
    %c0_i32 = arith.constant 0 : i32
    %c0_i32_0 = arith.constant 0 : i32
    return %arg0, %c0_i32 : i32, i32
  }
}

</mosaic_0001>

<sc_bundles>
// kernel: kernel.10.cloned.1.call-start
scs
__scs_entry_jumppad:
0x0: {  	(pc) =	sbr.rel $0x88, $3  }
0x1: {  	(tag) =	ssettag $0x0;
	lr =	simm.s32 $0x1  }
0x2: {  	[smem:$0x3F99] =	sst lr;
	_ =	strace $0xD0000000  }
0x3: {  	_ = 	snop  }
0x4: {  	_ = 	snop  }
0x5: {  	_ = 	snop  }
0x6: {  	_ = 	snop  }
0x7: {  	_ = 	snop  }
__scs_overlays_trampoline_lowered:
0x8: {  	[smem:$0x3FA8] =	sst s0  }
0x9: {  	[smem:$0x3FA9] =	sst s1  }
0xa: {  	[smem:$0x3FAA] =	sst s2  }
0xb: {  	[smem:$0x3FAB] =	sst s3  }
0xc: {  	[smem:$0x3FAC] =	sst s4  }
0xd: {  	[smem:$0x3FAD] =	sst s5  }
0xe: {  	[smem:$0x3FAE] =	sst s6  }
0xf: {  	[smem:$0x3FAF] =	sst s7  }
0x10: {  	[smem:$0x3FB0] =	sst s8  }
0x11: {  	[smem:$0x3FB1] =	sst s9;
	s0 =	simm.s32 @!p0 $0x0  }
0x12: {  	s1 =	sld [smem:$0x3F97];
	s0 =	simm.s32 @p0 $0x1  }
0x13: {  	[smem:$0x3FB2] =	sst s0;
	s0 =	simm.s32 @!p1 $0x0  }
0x14: {  	s2 =	sld [smem:$0x3F96];
	s0 =	simm.s32 @p1 $0x1  }
0x15: {  	[smem:$0x3FB3] =	sst s0;
	s0 =	simm.s32 @!p2 $0x0  }
0x16: {  	s3 =	sld [smem:$0x3FDB];
	s0 =	simm.s32 @p2 $0x1  }
0x17: {  	s4 =	simm.s32 $0x1BF5;
	[smem:$0x3FB5] =	sst s0  }
0x18: {  	s0 =	sld [smem:$0x3F98];
	_ =	swait.ge [sflag:s4], $0x0  }
0x19: {  	s7 =	sld [smem:$0x3F99]  }
0x1a: {  	s8 =	sadd.s32 $0xFFFFE003, lr  }
0x1b: {  	s9 =	sadd.s32 $0xFFFFFEF7, lr;
	s5 =	simm.s32 $0xFFFFFFFF;
	p2 =	slt.u32 s8, $0xFFFFF086  }
0x1c: {  	p1 =	slt.u32 s9, $0xF7A;
	s5 =	simm.s32 @!p2 $0x0  }
0x1d: {  	s5 =	simm.s32 @p1 $0x1;
	p0 =	seq.s32 s7, s2  }
0x1e: {  	s7 =	smul.u32 @!p0 $0xF7A, s2;
	p2 =	seq.s32 @!p0 s5, $0x0  }
0x1f: {  	s9 =	smul.u32 $0xF7A, s1;
	s8 =	simm.s32 @!p0 $0x1BF5;
	p2 =	por !p2, p0  }
0x20: {  	[sflag:s8] =	ssyncset.s32 @!p0 $0xFFFFF086;
	s6 =	sadd.s32 @!p0 s3, s7;
	s7 =	simm.s32 @!p0 $0x108  }
0x21: {  	s3 =	sadd.s32 s3, s9;
	s6 =	sadd.s32 @!p0 $0x88, s6;
	s7 =	simm.s32 @p2 $0x1082  }
0x22: {  	[simem:s7], [sflag:s8] =	dma.local @!p0 [hbm:s6], $0xF7A  }
0x23: {  	s9 =	sor.u32 $0xD0000000, s2;
	s6 =	simm.s32 $0x108;
	_ =	swait.ge @!p0 [sflag:s8], $0x0  }
0x24: {  	s3 =	sadd.s32 $0x88, s3;
	s6 =	simm.s32 @!p1 $0x1082;
	[sflag:s4] =	ssyncset.s32 $0xFFFFF086  }
0x25: {  	[simem:s6], [sflag:s4] =	dma.local [hbm:s3], $0xF7A  }
0x26: {  	[smem:$0x3F99] =	sst s1;
	(tag) =	ssettag s2;
	_ =	strace s9  }
0x27: {  	s1 =	sld [smem:$0x3FA9]  }
0x28: {  	s2 =	sld [smem:$0x3FAA]  }
0x29: {  	s4 =	sld [smem:$0x3FAC]  }
0x2a: {  	p0 =	seq.s32 s5, $0x0;
	s5 =	sld [smem:$0x3FAD]  }
0x2b: {  	s6 =	sld [smem:$0x3FAE]  }
0x2c: {  	s7 =	sld [smem:$0x3FAF]  }
0x2d: {  	s3 =	simm.s32 $0x108;
	s8 =	sld [smem:$0x3FB0]  }
0x2e: {  	s3 =	simm.s32 @!p0 $0x1082;
	s9 =	sld [smem:$0x3FB1]  }
0x2f: {  	lr =	sadd.s32 s0, s3;
	s0 =	sld [smem:$0x3FA8]  }
0x30: {  	s3 =	sld [smem:$0x3FAB]  }
0x31: {  	[smem:$0x3FB4] =	sst s10  }
0x32: {  	s10 =	sld [smem:$0x3FB2];
	_ =	sdelay $0x3  }
0x33: {  	p0 =	seq.s32 s10, $0x1;
	s10 =	sld [smem:$0x3FB4];
	_ =	sdelay $0x3  }
0x34: {  	[smem:$0x3FB4] =	sst s10  }
0x35: {  	s10 =	sld [smem:$0x3FB3];
	_ =	sdelay $0x3  }
0x36: {  	p1 =	seq.s32 s10, $0x1;
	s10 =	sld [smem:$0x3FB4];
	_ =	sdelay $0x3  }
0x37: {  	[smem:$0x3FB4] =	sst s10  }
0x38: {  	s10 =	sld [smem:$0x3FB5]  }
0x39: {  	_ = 	snop;
	(pc) =	sbr.ind lr, $3  }
0x3a: {  	_ = 	snop  }
0x3b: {  	_ = 	snop  }
0x3c: {  	p2 =	seq.s32 s10, $0x1;
	s10 =	sld [smem:$0x3FB4]  }
0x3d: {  	_ =	shalt  }
0x3e: {  	_ =	shalt  }
0x3f: {  	_ =	shalt  }
0x40: {  	_ =	shalt  }
0x41: {  	_ =	shalt  }
0x42: {  	_ =	shalt  }
0x43: {  	_ =	shalt  }
0x44: {  	_ =	shalt  }
0x45: {  	_ =	shalt  }
0x46: {  	_ =	shalt  }
0x47: {  	_ =	shalt  }
0x48: {  	_ =	shalt  }
0x49: {  	_ =	shalt  }
0x4a: {  	_ =	shalt  }
0x4b: {  	_ =	shalt  }
0x4c: {  	_ =	shalt  }
0x4d: {  	_ =	shalt  }
0x4e: {  	_ =	shalt  }
0x4f: {  	_ =	shalt  }
0x50: {  	_ =	shalt  }
0x51: {  	_ =	shalt  }
0x52: {  	_ =	shalt  }
0x53: {  	_ =	shalt  }
0x54: {  	_ =	shalt  }
0x55: {  	_ =	shalt  }
0x56: {  	_ =	shalt  }
0x57: {  	_ =	shalt  }
0x58: {  	_ =	shalt  }
0x59: {  	_ =	shalt  }
0x5a: {  	_ =	shalt  }
0x5b: {  	_ =	shalt  }
0x5c: {  	_ =	shalt  }
0x5d: {  	_ =	shalt  }
0x5e: {  	_ =	shalt  }
0x5f: {  	_ =	shalt  }
0x60: {  	_ =	shalt  }
0x61: {  	_ =	shalt  }
0x62: {  	_ =	shalt  }
0x63: {  	_ =	shalt  }
0x64: {  	_ =	shalt  }
0x65: {  	_ =	shalt  }
0x66: {  	_ =	shalt  }
0x67: {  	_ =	shalt  }
0x68: {  	_ =	shalt  }
0x69: {  	_ =	shalt  }
0x6a: {  	_ =	shalt  }
0x6b: {  	_ =	shalt  }
0x6c: {  	_ =	shalt  }
0x6d: {  	_ =	shalt  }
0x6e: {  	_ =	shalt  }
0x6f: {  	_ =	shalt  }
0x70: {  	_ =	shalt  }
0x71: {  	_ =	shalt  }
0x72: {  	_ =	shalt  }
0x73: {  	_ =	shalt  }
0x74: {  	_ =	shalt  }
0x75: {  	_ =	shalt  }
0x76: {  	_ =	shalt  }
0x77: {  	_ =	shalt  }
0x78: {  	_ =	shalt  }
0x79: {  	_ =	shalt  }
0x7a: {  	_ =	shalt  }
0x7b: {  	_ =	shalt  }
0x7c: {  	_ =	shalt  }
0x7d: {  	_ =	shalt  }
0x7e: {  	_ =	shalt  }
0x7f: {  	_ =	shalt  }
0x80: {  	_ =	shalt  }
0x81: {  	_ =	shalt  }
0x82: {  	_ =	shalt  }
0x83: {  	_ =	shalt  }
0x84: {  	_ =	shalt  }
0x85: {  	_ =	shalt  }
0x86: {  	_ =	shalt  }
0x87: {  	_ =	shalt  }
.Lfunc_end0:
.L_simem_size_0:
called_computation.1_lowered:
.L_overlay_start_0:
0x88: {  	s2 =	sld [smem:$0x3FD9]  }
0x89: {  	s3 =	sld [smem:$0x3FFE];
	_ =	sdelay $0x1  }
0x8a: {  	s1 =	srdreg.scid  }
0x8b: {  	s0 =	sand.u32 $0x1, s1  }
0x8c: {  	s17 =	sshll.u32 s0, $0xA;
	s2 =	sadd.s32 s3, s2  }
0x8d: {  	s2 =	sadd.s32 s2, s17  }
0x8e: {  	[smem:$0x3FC0] =	sst s2  }
0x8f: {  	_ = 	snop  }
0x90: {  	s2 =	sld [smem:$0x3FD0];
	(tm) =	ssettm $0x1  }
0x91: {  	s18 =	sld [smem:$0x3FFB];
	_ =	sdelay $0x3  }
0x92: {  	_ =	strace s18  }
0x93: {  	s3 =	sld [smem:$0x3FFC];
	_ =	sdelay $0x3  }
0x94: {  	_ =	strace s3  }
0x95: {  	s3 =	sld [smem:$0x3FFD];
	_ =	sdelay $0x3  }
0x96: {  	_ =	strace s3  }
0x97: {  	_ =	strace $0x8FFFFFFF  }
0x98: {  	s19 =	sld [smem:$0x3FDB];
	_ =	sdelay $0x1  }
0x99: {  	s4 =	simm.s32 $_scs_section_size  }
0x9a: {  	s5 =	simm.s32 $_size__tile_overlayer_lowered;
	s6 =	simm.s32 $_tile_overlayer_lowered  }
0x9b: {  	s22 =	simm.s32 $0x1BFF;
	s21 =	sshll.u32 s6, $0x1;
	s3 =	sadd.s32 s4, s19  }
0x9c: {  	s7 =	simm.s32 $0x0;
	s20 =	sshll.u32 s5, $0x1;
	s5 =	sadd.s32 s21, s3  }
0x9d: {  	[timem:s7], [sflag:s22] =	dma.local [hbm:s5], s20  }
0x9e: {  	_ =	swait.ge [sflag:s22], s20  }
0x9f: {  	s4 =	ssub.s32 $0x0, s20;
	[sflag:s22] =	ssyncset.done $0x0  }
0xa0: {  	[sflag:s22] =	ssyncadd.s32 s4;
	_ =	sdelay $0x1  }
0xa1: {  	s23 =	simm.s32 $0x1B8B  }
0xa2: {  	_ =	swait.ge [sflag:s23], $0x1  }
0xa3: {  	[sflag:s23] =	ssyncset.done $0x0  }
0xa4: {  	s25 =	simm.s32 $0x1B8E;
	s24 =	sld [smem:$0x3FFE];
	[sflag:s23] =	ssyncadd.s32 $0xFFFFFFFF  }
0xa5: {  	s26 =	simm.s32 $execute0_lowered;
	[smem:$0x3FD2] =	sst s25  }
0xa6: {  	s5 =	sshll.u32 s26, $0x1;
	_ =	strace $0x80000050;
	[dreg:$0x1] =	wrdreg $0xFFFFFFFF  }
0xa7: {  	s28 =	simm.s32 $_size_execute0_lowered;
	s3 =	sadd.s32 s3, s5;
	[dreg:$0x0] =	wrdreg $0x0  }
0xa8: {  	s5 =	sshll.u32 s28, $0x1;
	[dreg:$0x2] =	wrdreg s3  }
0xa9: {  	[dreg:$0x3] =	wrdreg s5  }
0xaa: {  	[dreg:$0x4] =	wrdreg $0xC0  }
0xab: {  	_ =	task [dreg:s7], $0x5FFFF  }
0xac: {  	[dreg:$0x1] =	wrdreg $0xFFFFFFFF  }
0xad: {  	[dreg:$0x0] =	wrdreg $0x60  }
0xae: {  	[dreg:$0x2] =	wrdreg s2  }
0xaf: {  	[dreg:$0x3] =	wrdreg s24  }
0xb0: {  	[dreg:$0x4] =	wrdreg $0x0  }
0xb1: {  	[dreg:$0x5] =	wrdreg $0x9  }
0xb2: {  	_ =	task.clear_ibuf [dreg:s7], $0x6FFFF;
	_ =	strace $0x90000050  }
0xb3: {  	s29 =	simm.s32 $0x9;
	_ =	strace $0x80000057  }
0xb4: {  	_ =	swait.ge [sflag:s29], $0x1  }
0xb5: {  	[sflag:s29] =	ssyncadd.s32 $0xFFFFFFFF  }
0xb6: {  	_ =	strace $0x90000057  }
0xb7: {  	_ =	sfence  }
0xb8: {  	s30 =	sld [smem:$0x0];
	_ =	sdelay $0x2  }
0xb9: {  	s31 =	sshll.u32 s1, $0xD;
	s1 =	sshrl.u32 s1, $0x2  }
0xba: {  	s3 =	sand.u32 $0x4000, s31;
	s1 =	sadd.s32 s1, s30  }
0xbb: {  	s0 =	sor.u32 s3, s0;
	s1 =	sshll.u32 s1, $0x11  }
0xbc: {  	s0 =	sor.u32 s1, s0  }
0xbd: {  	s0 =	sadd.s32 $0x8F2B, s0  }
0xbe: {  	[sflag:s0] =	ssyncadd.remote.s32 $0x1  }
0xbf: {  	_ =	sfence.sel $0xFFFF  }
0xc0: {  	[dreg:$0x0] =	wrdreg $0xFFFFFFFF;
	(pc) =	sbr.abs _section_cstart, $3  }
0xc1: {  	[dreg:$0x1] =	wrdreg $0xFFFFFFFF  }
0xc2: {  	_ =	task.clear_ibuf [dreg:s7], $0x2FFFF;
	_ =	strace $0x9FFFFFFF  }
0xc3: {  	(tm) =	ssettm $0x7FFFFFFF  }
tec
execute0_lowered:
.L_overlay_start_1:
0x0: {  	(tag) =	ssettag $0x1  }
0x1: {  	s1 =	rddreg [dreg:$0x0]  }
0x2: {  	s0 =	rddreg [dreg:$0x1]  }
0x3: {  	s3 =	rddreg [dreg:$0x2]  }
0x4: {  	s2 =	srdreg.scid;
	s10 =	stileid.u32  }
0x5: {  	s5 =	simm.s32 $0x0;
	s16 =	simm.s32 $0xC600;
	s28 =	simm.s32 $0x4  }
0x6: {  	s29 =	simm.s32 $0x3;
	s30 =	simm.s32 $0x5;
	s31 =	simm.s32 $0x6  }
0x7: {  	s2 =	sand.u32 $0x1, s2;
	s4 =	smul.u32 $0x9E00, s10;
	[smem:$0x7FF] =	sst s5  }
0x8: {  	s6 =	sadd.s32 $0x2400, s0;
	s9 =	smul.u32 $0x27800, s10;
	s10 =	sshll.u32 s10, $0x1  }
0x9: {  	s17 =	smul.u32 $0x9E000, s2;
	s8 =	ssub.s32 $0x2, s2;
	s2 =	sor.u32 s2, s10  }
0xa: {  	s7 =	sadd.s32 $0xC400, s0;
	_ =	strace $0x80000051;
	s20 =	smul.u32 $0x2800, s2  }
0xb: {  	s18 =	sshrl.u32 s8, $0x1;
	s9 =	sshrl.u32 s9, $0x2;
	s2 =	smul.u32 $0x500, s2  }
0xc: {  	s5 =	sadd.s32 s4, s17;
	s8 =	ssub.s32 s8, s18;
	s19 =	sadd.s32 s9, s3  }
0xd: {  	s17 =	simm.s32 $0x7;
	s18 =	simm.s32 $0x9E00;
	s5 =	sshrl.u32 s5, $0x3  }
0xe: {  	s21 =	sadd.s32 $0x2000, s19;
	s22 =	sadd.s32 $0x4000, s19;
	s23 =	sadd.s32 $0x6000, s19  }
0xf: {  	s24 =	sshrl.u32 s20, $0x3;
	s25 =	sadd.s32 s6, s2;
	[dreg:$0x4] =	wrdreg s21  }
0x10: {  	s2 =	sadd.s32 s7, s2;
	s15 =	smax.u32 s8, $0x1;
	[dreg:$0x5] =	wrdreg s22  }
0x11: {  	s20 =	simm.s32 $0x80;
	s0 =	sadd.s32 s5, s0;
	[dreg:$0x6] =	wrdreg s23  }
0x12: {  	s5 =	sadd.s32 s4, s3;
	s4 =	sadd.s32 $0x8000, s19;
	[dreg:$0x8] =	wrdreg s25  }
0x13: {  	[dreg:$0x9] =	wrdreg s2;
	s26 =	sadd.s32 $0x280, s24;
	s19 =	simm.s32 $0xB200  }
0x14: {  	s21 =	simm.s32 $0x9E80;
	s22 =	simm.s32 $0xE600;
	s23 =	simm.s32 $0x1  }
0x15: {  	s24 =	simm.s32 $0x9F00;
	s25 =	simm.s32 $0x10600;
	s2 =	simm.s32 $0xB180  }
0x16: {  	[dreg:$0x7] =	wrdreg s4;
	s12 =	sadd.s32 s6, s26;
	s13 =	sadd.s32 s7, s26  }
0x17: {  	s14 =	sadd.s32 $0x16400, s0;
	s26 =	simm.s32 $0x2;
	s0 =	simm.s32 $0xC480  }
0x18: {  	v0 =	vimm.f32 $0.0e+00;
	s4 =	simm.s32 $0xC500;
	s6 =	simm.s32 $0xC580;
	s7 =	simm.s32 $0x0  }
.LBB2_1:
0x19: {  	s9 =	simm.s32 $0x0  }
0x1a: {  	s8 =	sand.u32 $0x7F00, s9  }
0x1b: {  	_ =	strace $0x80000052;
	s9 =	sand.u32 $0x30, s9;
	s10 =	sshrl.u32 s8, $0x2  }
0x1c: {  	s8 =	simm.s32 $0x40;
	s10 =	sor.u32 s9, s10;
	s9 =	simm.s32 $0x0  }
.LBB2_2:
0x1d: {  	p0 =	sne.s32 s8, $0x7FC0  }
0x1e: {  	[tilespmem:s10+$0xC600] =	vst v0;
	s9 =	sadd.s32 $0x10, s9;
	s10 =	smov.u32 s8;
	s8 =	sadd.s32 $0x40, s8  }
.Ltmp0:
0x1f: {  	(pc) =	sbr.rel @p0 .LBB2_2-.Ltmp0, $4  }
0x20: {  	_ = 	snop  }
0x21: {  	s10 =	sand.u32 $0x7F00, s10  }
0x22: {  	s11 =	sand.u32 $0x30, s9;
	s10 =	sshrl.u32 s10, $0x2  }
0x23: {  	s10 =	sor.u32 s11, s10  }
0x24: {  	[tilespmem:s10+$0xC600] =	vst v0  }
0x25: {  	_ =	strace $0x90000052  }
0x26: {  	_ =	strace $0x80000053  }
0x27: {  	[spmem:s5] =	stream.linear.scatter [tilespmem:s16], [sflag:$0x7], $0x2000, $0x200038;
	[tilespmem:$0x12600] =	vst v63  }
0x28: {  	_ =	swait.ge [sflag:s17], $0x2000  }
0x29: {  	[sflag:s17] =	ssyncset.done $0x0  }
0x2a: {  	s8 =	rddreg [dreg:$0x4];
	[sflag:s17] =	ssyncadd.s32 $0xFFFFE000  }
0x2b: {  	[spmem:s8] =	stream.linear.scatter [tilespmem:s16], [sflag:$0x7], $0x2000, $0x200038;
	[tilespmem:$0x12600] =	vst v63  }
0x2c: {  	_ =	swait.ge [sflag:s17], $0x2000  }
0x2d: {  	[sflag:s17] =	ssyncset.done $0x0  }
0x2e: {  	s10 =	rddreg [dreg:$0x5];
	[sflag:s17] =	ssyncadd.s32 $0xFFFFE000  }
0x2f: {  	[spmem:s10] =	stream.linear.scatter [tilespmem:s16], [sflag:$0x7], $0x2000, $0x200038;
	[tilespmem:$0x12600] =	vst v63  }
0x30: {  	_ =	swait.ge [sflag:s17], $0x2000  }
0x31: {  	[sflag:s17] =	ssyncset.done $0x0  }
0x32: {  	s11 =	rddreg [dreg:$0x6];
	[sflag:s17] =	ssyncadd.s32 $0xFFFFE000  }
0x33: {  	[spmem:s11] =	stream.linear.scatter [tilespmem:s16], [sflag:$0x7], $0x2000, $0x200038;
	[tilespmem:$0x12600] =	vst v63  }
0x34: {  	_ =	swait.ge [sflag:s17], $0x2000  }
0x35: {  	[sflag:s17] =	ssyncset.done $0x0  }
0x36: {  	s9 =	rddreg [dreg:$0x7];
	[sflag:s17] =	ssyncadd.s32 $0xFFFFE000  }
0x37: {  	[spmem:s9] =	stream.linear.scatter [tilespmem:s16], [sflag:$0x7], $0x1E00, $0x200038;
	[tilespmem:$0x12600] =	vst v63  }
0x38: {  	_ =	swait.ge [sflag:s17], $0x1E00  }
0x39: {  	[sflag:s17] =	ssyncset.done $0x0  }
0x3a: {  	[sflag:s17] =	ssyncadd.s32 $0xFFFFE200  }
0x3b: {  	[bflag:$0x0] =	sbarrier.arrive $0xFFFF  }
0x3c: {  	_ =	strace $0x90000053  }
0x3d: {  	_ =	strace $0x80000054  }
0x3e: {  	s10 =	simm.s32 $0x0;
	s9 =	rddreg [dreg:$0x8]  }
0x3f: {  	[tilespmem:s18], [sflag:$0x7] =	stream.linear.gather [hbm4b:s9+s10], $0x1400, $0x200038;
	[tilespmem:$0x12600] =	vst v63  }
0x40: {  	_ =	swait.ge [sflag:s17], $0x1400  }
0x41: {  	[sflag:s17] =	ssyncset.done $0x0  }
0x42: {  	s11 =	rddreg [dreg:$0x9];
	[sflag:s17] =	ssyncadd.s32 $0xFFFFEC00  }
0x43: {  	[tilespmem:s19], [sflag:$0x7] =	stream.linear.gather [hbm4b:s11+s10], $0x1400, $0x200038;
	[tilespmem:$0x12600] =	vst v63  }
0x44: {  	_ =	swait.ge [sflag:s17], $0x1400  }
0x45: {  	[sflag:s17] =	ssyncset.done $0x0  }
0x46: {  	[sflag:s17] =	ssyncadd.s32 $0xFFFFEC00  }
0x47: {  	[tilespmem:s16], [sflag:$0x1] =	stream.indirect.gather [hbm4b:s1+s20], $0x40, s18, s20, $0x2000b8;
	[tilespmem:$0x12600] =	vst v63  }
0x48: {  	_ = 	snop  }
0x49: {  	[tilespmem:s22], [sflag:$0x2] =	stream.indirect.gather [hbm4b:s1+s20], $0x40, s21, s20, $0x2000b8;
	[tilespmem:$0x12600] =	vst v63  }
0x4a: {  	_ =	swait.ge [sflag:s23], $0x2000  }
0x4b: {  	[sflag:s23] =	ssyncset.done $0x0  }
0x4c: {  	[sflag:s23] =	ssyncadd.s32 $0xFFFFE000  }
0x4d: {  	[spmem:s3] =	stream.indirect.scatter.add.f32 [tilespmem:s16], [sflag:$0x4], $0x40, s19, s20, $0x2000b8;
	[tilespmem:$0x12600] =	vst v63  }
0x4e: {  	_ = 	snop  }
0x4f: {  	[tilespmem:s25], [sflag:$0x3] =	stream.indirect.gather [hbm4b:s1+s20], $0x40, s24, s20, $0x2000b8;
	[tilespmem:$0x12600] =	vst v63  }
0x50: {  	_ =	swait.ge [sflag:s26], $0x2000  }
0x51: {  	[sflag:s26] =	ssyncset.done $0x0  }
0x52: {  	s10 =	simm.s32 $0xB280;
	[sflag:s26] =	ssyncadd.s32 $0xFFFFE000  }
0x53: {  	[spmem:s3] =	stream.indirect.scatter.add.f32 [tilespmem:s22], [sflag:$0x5], $0x40, s10, s20, $0x2000b8;
	[tilespmem:$0x12600] =	vst v63  }
0x54: {  	_ =	swait.ge [sflag:s28], $0x2000  }
0x55: {  	[sflag:s28] =	ssyncset.done $0x0  }
0x56: {  	s11 =	simm.s32 $0x9F80;
	[sflag:s28] =	ssyncadd.s32 $0xFFFFE000  }
0x57: {  	[tilespmem:s16], [sflag:$0x1] =	stream.indirect.gather [hbm4b:s1+s20], $0x40, s11, s20, $0x2000b8;
	[tilespmem:$0x12600] =	vst v63  }
0x58: {  	_ =	swait.ge [sflag:s29], $0x2000  }
0x59: {  	[sflag:s29] =	ssyncset.done $0x0  }
0x5a: {  	s9 =	simm.s32 $0xB300;
	[sflag:s29] =	ssyncadd.s32 $0xFFFFE000  }
0x5b: {  	[spmem:s3] =	stream.indirect.scatter.add.f32 [tilespmem:s25], [sflag:$0x6], $0x40, s9, s20, $0x2000b8;
	[tilespmem:$0x12600] =	vst v63  }
0x5c: {  	_ =	swait.ge [sflag:s30], $0x2000  }
0x5d: {  	[sflag:s30] =	ssyncset.done $0x0  }
0x5e: {  	s10 =	simm.s32 $0xA000;
	[sflag:s30] =	ssyncadd.s32 $0xFFFFE000  }
0x5f: {  	[tilespmem:s22], [sflag:$0x2] =	stream.indirect.gather [hbm4b:s1+s20], $0x40, s10, s20, $0x2000b8;
	[tilespmem:$0x12600] =	vst v63  }
0x60: {  	_ =	swait.ge [sflag:s23], $0x2000  }
0x61: {  	[sflag:s23] =	ssyncset.done $0x0  }
0x62: {  	s11 =	simm.s32 $0xB380;
	[sflag:s23] =	ssyncadd.s32 $0xFFFFE000  }
0x63: {  	[spmem:s3] =	stream.indirect.scatter.add.f32 [tilespmem:s16], [sflag:$0x4], $0x40, s11, s20, $0x2000b8;
	[tilespmem:$0x12600] =	vst v63  }
0x64: {  	_ =	swait.ge [sflag:s31], $0x2000  }
0x65: {  	[sflag:s31] =	ssyncset.done $0x0  }
0x66: {  	s8 =	simm.s32 $0x600;
	s9 =	simm.s32 $0xA080;
	[sflag:s31] =	ssyncadd.s32 $0xFFFFE000  }
.LBB2_4:
0x67: {  	[tilespmem:s25], [sflag:$0x3] =	stream.indirect.gather [hbm4b:s1+s20], $0x40, s9, s20, $0x2000b8;
	[tilespmem:$0x12600] =	vst v63  }
0x68: {  	s9 =	smov.u32 s8  }
0x69: {  	p0 =	sne.s32 s8, $0x4200;
	s8 =	sadd.s32 $0x600, s8;
	_ =	swait.ge [sflag:s26], $0x2000  }
0x6a: {  	s9 =	sshra.s32 s9, $0x2;
	[sflag:s26] =	ssyncset.done $0x0  }
0x6b: {  	s10 =	sadd.s32 $0xB280, s9;
	[sflag:s26] =	ssyncadd.s32 $0xFFFFE000  }
0x6c: {  	[spmem:s3] =	stream.indirect.scatter.add.f32 [tilespmem:s22], [sflag:$0x5], $0x40, s10, s20, $0x2000b8;
	[tilespmem:$0x12600] =	vst v63  }
0x6d: {  	_ =	swait.ge [sflag:s28], $0x2000  }
0x6e: {  	[sflag:s28] =	ssyncset.done $0x0  }
0x6f: {  	s10 =	sadd.s32 $0x9F80, s9;
	[sflag:s28] =	ssyncadd.s32 $0xFFFFE000  }
0x70: {  	[tilespmem:s16], [sflag:$0x1] =	stream.indirect.gather [hbm4b:s1+s20], $0x40, s10, s20, $0x2000b8;
	[tilespmem:$0x12600] =	vst v63  }
0x71: {  	_ =	swait.ge [sflag:s29], $0x2000  }
0x72: {  	[sflag:s29] =	ssyncset.done $0x0  }
0x73: {  	s10 =	sadd.s32 $0xB300, s9;
	[sflag:s29] =	ssyncadd.s32 $0xFFFFE000  }
0x74: {  	[spmem:s3] =	stream.indirect.scatter.add.f32 [tilespmem:s25], [sflag:$0x6], $0x40, s10, s20, $0x2000b8;
	[tilespmem:$0x12600] =	vst v63  }
0x75: {  	_ =	swait.ge [sflag:s30], $0x2000  }
0x76: {  	[sflag:s30] =	ssyncset.done $0x0  }
0x77: {  	s10 =	sadd.s32 $0xA000, s9;
	[sflag:s30] =	ssyncadd.s32 $0xFFFFE000  }
0x78: {  	[tilespmem:s22], [sflag:$0x2] =	stream.indirect.gather [hbm4b:s1+s20], $0x40, s10, s20, $0x2000b8;
	[tilespmem:$0x12600] =	vst v63  }
0x79: {  	_ =	swait.ge [sflag:s23], $0x2000  }
0x7a: {  	[sflag:s23] =	ssyncset.done $0x0  }
.Ltmp1:
0x7b: {  	s10 =	sadd.s32 $0xB380, s9;
	[sflag:s23] =	ssyncadd.s32 $0xFFFFE000;
	(pc) =	sbr.rel @p0 .LBB2_4-.Ltmp1, $4  }
0x7c: {  	[spmem:s3] =	stream.indirect.scatter.add.f32 [tilespmem:s16], [sflag:$0x4], $0x40, s10, s20, $0x2000b8;
	[tilespmem:$0x12600] =	vst v63  }
0x7d: {  	_ =	swait.ge [sflag:s31], $0x2000  }
0x7e: {  	[sflag:s31] =	ssyncset.done $0x0  }
0x7f: {  	s9 =	sadd.s32 $0xA080, s9;
	[sflag:s31] =	ssyncadd.s32 $0xFFFFE000  }
0x80: {  	[tilespmem:s25], [sflag:$0x3] =	stream.indirect.gather [hbm4b:s1+s20], $0x40, s9, s20, $0x2000b8;
	[tilespmem:$0x12600] =	vst v63  }
0x81: {  	_ =	swait.ge [sflag:s26], $0x2000  }
0x82: {  	[sflag:s26] =	ssyncset.done $0x0  }
0x83: {  	[sflag:s26] =	ssyncadd.s32 $0xFFFFE000  }
0x84: {  	[spmem:s3] =	stream.indirect.scatter.add.f32 [tilespmem:s22], [sflag:$0x5], $0x40, s0, s20, $0x2000b8;
	[tilespmem:$0x12600] =	vst v63  }
0x85: {  	_ =	swait.ge [sflag:s28], $0x2000  }
0x86: {  	[sflag:s28] =	ssyncset.done $0x0  }
0x87: {  	[sflag:s28] =	ssyncadd.s32 $0xFFFFE000  }
0x88: {  	[tilespmem:s16], [sflag:$0x1] =	stream.indirect.gather [hbm4b:s1+s20], $0x40, s2, s20, $0x2000b8;
	[tilespmem:$0x12600] =	vst v63  }
0x89: {  	_ =	swait.ge [sflag:s29], $0x2000  }
0x8a: {  	[sflag:s29] =	ssyncset.done $0x0  }
0x8b: {  	[sflag:s29] =	ssyncadd.s32 $0xFFFFE000  }
0x8c: {  	[spmem:s3] =	stream.indirect.scatter.add.f32 [tilespmem:s25], [sflag:$0x6], $0x40, s4, s20, $0x2000b8;
	[tilespmem:$0x12600] =	vst v63  }
0x8d: {  	_ =	swait.ge [sflag:s30], $0x2000  }
0x8e: {  	[sflag:s30] =	ssyncset.done $0x0  }
0x8f: {  	[sflag:s30] =	ssyncadd.s32 $0xFFFFE000  }
0x90: {  	_ =	swait.ge [sflag:s23], $0x2000  }
0x91: {  	[sflag:s23] =	ssyncset.done $0x0  }
0x92: {  	[sflag:s23] =	ssyncadd.s32 $0xFFFFE000  }
0x93: {  	[spmem:s3] =	stream.indirect.scatter.add.f32 [tilespmem:s16], [sflag:$0x4], $0x40, s6, s20, $0x2000b8;
	[tilespmem:$0x12600] =	vst v63  }
0x94: {  	_ =	swait.ge [sflag:s31], $0x2000  }
0x95: {  	[sflag:s31] =	ssyncset.done $0x0  }
0x96: {  	[sflag:s31] =	ssyncadd.s32 $0xFFFFE000  }
0x97: {  	_ =	swait.ge [sflag:s28], $0x2000  }
0x98: {  	[sflag:s28] =	ssyncset.done $0x0  }
0x99: {  	[sflag:s28] =	ssyncadd.s32 $0xFFFFE000  }
0x9a: {  	_ =	strace $0x90000054  }
0x9b: {  	s8 =	simm.s32 $0x0;
	_ =	strace $0x80000055  }
0x9c: {  	[tilespmem:s18], [sflag:$0x7] =	stream.linear.gather [hbm4b:s12+s8], $0x1400, $0x200038;
	[tilespmem:$0x12600] =	vst v63  }
0x9d: {  	_ =	swait.ge [sflag:s17], $0x1400  }
0x9e: {  	[sflag:s17] =	ssyncset.done $0x0  }
0x9f: {  	[sflag:s17] =	ssyncadd.s32 $0xFFFFEC00  }
0xa0: {  	[tilespmem:s19], [sflag:$0x7] =	stream.linear.gather [hbm4b:s13+s8], $0x1400, $0x200038;
	[tilespmem:$0x12600] =	vst v63  }
0xa1: {  	_ =	swait.ge [sflag:s17], $0x1400  }
0xa2: {  	[sflag:s17] =	ssyncset.done $0x0  }
0xa3: {  	[sflag:s17] =	ssyncadd.s32 $0xFFFFEC00  }
0xa4: {  	[tilespmem:s16], [sflag:$0x1] =	stream.indirect.gather [hbm4b:s1+s20], $0x40, s18, s20, $0x2000b8;
	[tilespmem:$0x12600] =	vst v63  }
0xa5: {  	_ = 	snop  }
0xa6: {  	[tilespmem:s22], [sflag:$0x2] =	stream.indirect.gather [hbm4b:s1+s20], $0x40, s21, s20, $0x2000b8;
	[tilespmem:$0x12600] =	vst v63  }
0xa7: {  	_ =	swait.ge [sflag:s23], $0x2000  }
0xa8: {  	[sflag:s23] =	ssyncset.done $0x0  }
0xa9: {  	[sflag:s23] =	ssyncadd.s32 $0xFFFFE000  }
0xaa: {  	[spmem:s3] =	stream.indirect.scatter.add.f32 [tilespmem:s16], [sflag:$0x4], $0x40, s19, s20, $0x2000b8;
	[tilespmem:$0x12600] =	vst v63  }
0xab: {  	_ = 	snop  }
0xac: {  	[tilespmem:s25], [sflag:$0x3] =	stream.indirect.gather [hbm4b:s1+s20], $0x40, s24, s20, $0x2000b8;
	[tilespmem:$0x12600] =	vst v63  }
0xad: {  	_ =	swait.ge [sflag:s26], $0x2000  }
0xae: {  	[sflag:s26] =	ssyncset.done $0x0  }
0xaf: {  	s10 =	simm.s32 $0xB280;
	[sflag:s26] =	ssyncadd.s32 $0xFFFFE000  }
0xb0: {  	[spmem:s3] =	stream.indirect.scatter.add.f32 [tilespmem:s22], [sflag:$0x5], $0x40, s10, s20, $0x2000b8;
	[tilespmem:$0x12600] =	vst v63  }
0xb1: {  	_ =	swait.ge [sflag:s28], $0x2000  }
0xb2: {  	[sflag:s28] =	ssyncset.done $0x0  }
0xb3: {  	s11 =	simm.s32 $0x9F80;
	[sflag:s28] =	ssyncadd.s32 $0xFFFFE000  }
0xb4: {  	[tilespmem:s16], [sflag:$0x1] =	stream.indirect.gather [hbm4b:s1+s20], $0x40, s11, s20, $0x2000b8;
	[tilespmem:$0x12600] =	vst v63  }
0xb5: {  	_ =	swait.ge [sflag:s29], $0x2000  }
0xb6: {  	[sflag:s29] =	ssyncset.done $0x0  }
0xb7: {  	s9 =	simm.s32 $0xB300;
	[sflag:s29] =	ssyncadd.s32 $0xFFFFE000  }
0xb8: {  	[spmem:s3] =	stream.indirect.scatter.add.f32 [tilespmem:s25], [sflag:$0x6], $0x40, s9, s20, $0x2000b8;
	[tilespmem:$0x12600] =	vst v63  }
0xb9: {  	_ =	swait.ge [sflag:s30], $0x2000  }
0xba: {  	[sflag:s30] =	ssyncset.done $0x0  }
0xbb: {  	s10 =	simm.s32 $0xA000;
	[sflag:s30] =	ssyncadd.s32 $0xFFFFE000  }
0xbc: {  	[tilespmem:s22], [sflag:$0x2] =	stream.indirect.gather [hbm4b:s1+s20], $0x40, s10, s20, $0x2000b8;
	[tilespmem:$0x12600] =	vst v63  }
0xbd: {  	_ =	swait.ge [sflag:s23], $0x2000  }
0xbe: {  	[sflag:s23] =	ssyncset.done $0x0  }
0xbf: {  	s11 =	simm.s32 $0xB380;
	[sflag:s23] =	ssyncadd.s32 $0xFFFFE000  }
0xc0: {  	[spmem:s3] =	stream.indirect.scatter.add.f32 [tilespmem:s16], [sflag:$0x4], $0x40, s11, s20, $0x2000b8;
	[tilespmem:$0x12600] =	vst v63  }
0xc1: {  	_ =	swait.ge [sflag:s31], $0x2000  }
0xc2: {  	[sflag:s31] =	ssyncset.done $0x0  }
0xc3: {  	s8 =	simm.s32 $0x600;
	s9 =	simm.s32 $0xA080;
	[sflag:s31] =	ssyncadd.s32 $0xFFFFE000  }
.LBB2_6:
0xc4: {  	[tilespmem:s25], [sflag:$0x3] =	stream.indirect.gather [hbm4b:s1+s20], $0x40, s9, s20, $0x2000b8;
	[tilespmem:$0x12600] =	vst v63  }
0xc5: {  	s9 =	smov.u32 s8  }
0xc6: {  	p0 =	sne.s32 s8, $0x4200;
	s8 =	sadd.s32 $0x600, s8;
	_ =	swait.ge [sflag:s26], $0x2000  }
0xc7: {  	s9 =	sshra.s32 s9, $0x2;
	[sflag:s26] =	ssyncset.done $0x0  }
0xc8: {  	s10 =	sadd.s32 $0xB280, s9;
	[sflag:s26] =	ssyncadd.s32 $0xFFFFE000  }
0xc9: {  	[spmem:s3] =	stream.indirect.scatter.add.f32 [tilespmem:s22], [sflag:$0x5], $0x40, s10, s20, $0x2000b8;
	[tilespmem:$0x12600] =	vst v63  }
0xca: {  	_ =	swait.ge [sflag:s28], $0x2000  }
0xcb: {  	[sflag:s28] =	ssyncset.done $0x0  }
0xcc: {  	s10 =	sadd.s32 $0x9F80, s9;
	[sflag:s28] =	ssyncadd.s32 $0xFFFFE000  }
0xcd: {  	[tilespmem:s16], [sflag:$0x1] =	stream.indirect.gather [hbm4b:s1+s20], $0x40, s10, s20, $0x2000b8;
	[tilespmem:$0x12600] =	vst v63  }
0xce: {  	_ =	swait.ge [sflag:s29], $0x2000  }
0xcf: {  	[sflag:s29] =	ssyncset.done $0x0  }
0xd0: {  	s10 =	sadd.s32 $0xB300, s9;
	[sflag:s29] =	ssyncadd.s32 $0xFFFFE000  }
0xd1: {  	[spmem:s3] =	stream.indirect.scatter.add.f32 [tilespmem:s25], [sflag:$0x6], $0x40, s10, s20, $0x2000b8;
	[tilespmem:$0x12600] =	vst v63  }
0xd2: {  	_ =	swait.ge [sflag:s30], $0x2000  }
0xd3: {  	[sflag:s30] =	ssyncset.done $0x0  }
0xd4: {  	s10 =	sadd.s32 $0xA000, s9;
	[sflag:s30] =	ssyncadd.s32 $0xFFFFE000  }
0xd5: {  	[tilespmem:s22], [sflag:$0x2] =	stream.indirect.gather [hbm4b:s1+s20], $0x40, s10, s20, $0x2000b8;
	[tilespmem:$0x12600] =	vst v63  }
0xd6: {  	_ =	swait.ge [sflag:s23], $0x2000  }
0xd7: {  	[sflag:s23] =	ssyncset.done $0x0  }
.Ltmp2:
0xd8: {  	s10 =	sadd.s32 $0xB380, s9;
	[sflag:s23] =	ssyncadd.s32 $0xFFFFE000;
	(pc) =	sbr.rel @p0 .LBB2_6-.Ltmp2, $4  }
0xd9: {  	[spmem:s3] =	stream.indirect.scatter.add.f32 [tilespmem:s16], [sflag:$0x4], $0x40, s10, s20, $0x2000b8;
	[tilespmem:$0x12600] =	vst v63  }
0xda: {  	_ =	swait.ge [sflag:s31], $0x2000  }
0xdb: {  	[sflag:s31] =	ssyncset.done $0x0  }
0xdc: {  	s9 =	sadd.s32 $0xA080, s9;
	[sflag:s31] =	ssyncadd.s32 $0xFFFFE000  }
0xdd: {  	[tilespmem:s25], [sflag:$0x3] =	stream.indirect.gather [hbm4b:s1+s20], $0x40, s9, s20, $0x2000b8;
	[tilespmem:$0x12600] =	vst v63  }
0xde: {  	_ =	swait.ge [sflag:s26], $0x2000  }
0xdf: {  	[sflag:s26] =	ssyncset.done $0x0  }
0xe0: {  	[sflag:s26] =	ssyncadd.s32 $0xFFFFE000  }
0xe1: {  	[spmem:s3] =	stream.indirect.scatter.add.f32 [tilespmem:s22], [sflag:$0x5], $0x40, s0, s20, $0x2000b8;
	[tilespmem:$0x12600] =	vst v63  }
0xe2: {  	_ =	swait.ge [sflag:s28], $0x2000  }
0xe3: {  	[sflag:s28] =	ssyncset.done $0x0  }
0xe4: {  	[sflag:s28] =	ssyncadd.s32 $0xFFFFE000  }
0xe5: {  	[tilespmem:s16], [sflag:$0x1] =	stream.indirect.gather [hbm4b:s1+s20], $0x40, s2, s20, $0x2000b8;
	[tilespmem:$0x12600] =	vst v63  }
0xe6: {  	_ =	swait.ge [sflag:s29], $0x2000  }
0xe7: {  	[sflag:s29] =	ssyncset.done $0x0  }
0xe8: {  	[sflag:s29] =	ssyncadd.s32 $0xFFFFE000  }
0xe9: {  	[spmem:s3] =	stream.indirect.scatter.add.f32 [tilespmem:s25], [sflag:$0x6], $0x40, s4, s20, $0x2000b8;
	[tilespmem:$0x12600] =	vst v63  }
0xea: {  	_ =	swait.ge [sflag:s30], $0x2000  }
0xeb: {  	[sflag:s30] =	ssyncset.done $0x0  }
0xec: {  	[sflag:s30] =	ssyncadd.s32 $0xFFFFE000  }
0xed: {  	_ =	swait.ge [sflag:s23], $0x2000  }
0xee: {  	[sflag:s23] =	ssyncset.done $0x0  }
0xef: {  	[sflag:s23] =	ssyncadd.s32 $0xFFFFE000  }
0xf0: {  	[spmem:s3] =	stream.indirect.scatter.add.f32 [tilespmem:s16], [sflag:$0x4], $0x40, s6, s20, $0x2000b8;
	[tilespmem:$0x12600] =	vst v63  }
0xf1: {  	_ =	swait.ge [sflag:s31], $0x2000  }
0xf2: {  	[sflag:s31] =	ssyncset.done $0x0  }
0xf3: {  	[sflag:s31] =	ssyncadd.s32 $0xFFFFE000  }
0xf4: {  	_ =	swait.ge [sflag:s28], $0x2000  }
0xf5: {  	[sflag:s28] =	ssyncset.done $0x0  }
0xf6: {  	[sflag:s28] =	ssyncadd.s32 $0xFFFFE000  }
0xf7: {  	s8 =	stileid.u32;
	s11 =	sshrl.u32 s5, $0x3;
	_ =	strace $0x90000055  }
0xf8: {  	s7 =	sadd.s32 $0x1, s7;
	s8 =	sshll.u32 s8, $0x6;
	_ =	strace $0x80000056  }
0xf9: {  	p0 =	sne.s32 s7, s15;
	s8 =	sor.u32 $0x1C07, s8;
	[bflag:$0x0] =	sbarrier.arrive $0xFFFF  }
0xfa: {  	[hbm:s14], [sflag:s8] =	dma.local [spmem:s11], $0x13C0  }
.Ltmp3:
0xfb: {  	_ = 	snop;
	(pc) =	sbr.rel @p0 .LBB2_1-.Ltmp3, $4  }
0xfc: {  	_ =	swait.ge [sflag:s17], $0x13C0  }
0xfd: {  	[sflag:s17] =	ssyncset.done $0x0  }
0xfe: {  	[sflag:s17] =	ssyncadd.s32 $0xFFFFEC40  }
0xff: {  	_ =	strace $0x90000056  }
0x100: {  	_ =	sfence.sel $0x180000  }
0x101: {  	[bflag:$0x0] =	sbarrier.arrive $0xFFFF  }
0x102: {  	_ =	strace $0x90000051  }
0x103: {  	s0 =	stileid.u32;
	[bflag:$0x2] =	sbarrier.arrive $0xFFFF  }
0x104: {  	p0 =	sne.s32 s0, $0x0;
	s0 =	rddreg [dreg:$0x3]  }
0x105: {  	s0 =	sadd.s32 @!p0 $0x100000, s0  }
0x106: {  	[sflag:s0] =	ssyncadd.tile.s32 @!p0 $0x1;
	_ =	shalt  }
.Lfunc_end2:
_tile_overlayer_lowered:
.L_overlay_start_2:
0x107: {  	(tag) =	ssettag $0x2  }
0x108: {  	s0 =	rddreg [dreg:$0x0];
	s2 =	stileid.u32  }
0x109: {  	s1 =	rddreg [dreg:$0x1];
	p0 =	sne.s32 s2, $0x0  }
0x10a: {  	s3 =	rddreg [dreg:$0x2];
	[bflag:$0x3] =	sbarrier.arrive $0xFFFF;
	s2 =	simm.s32 @!p0 $0x1C07  }
0x10b: {  	[timem:s3], [sflag:s2] =	dma.local @!p0 [hbm:s0], s1  }
0x10c: {  	s0 =	simm.s32 @!p0 $0x7  }
0x10d: {  	_ =	swait.ge @!p0 [sflag:s0], s1  }
0x10e: {  	s1 =	ssub.s32 @!p0 $0x0, s1;
	[sflag:s0] =	ssyncset.done @!p0 $0x0  }
0x10f: {  	[sflag:s0] =	ssyncadd.s32 @!p0 s1  }
0x110: {  	[bflag:$0x3] =	sbarrier.arrive $0xFFFF  }
0x111: {  	_ =	shalt  }

// kernel: kernel.7.cloned.1.call-start
scs
__scs_entry_jumppad:
0x0: {  	(pc) =	sbr.rel $0x88, $3  }
0x1: {  	(tag) =	ssettag $0x0;
	lr =	simm.s32 $0x1  }
0x2: {  	[smem:$0x3F99] =	sst lr;
	_ =	strace $0xD0000000  }
0x3: {  	_ = 	snop  }
0x4: {  	_ = 	snop  }
0x5: {  	_ = 	snop  }
0x6: {  	_ = 	snop  }
0x7: {  	_ = 	snop  }
__scs_overlays_trampoline_lowered:
0x8: {  	[smem:$0x3FA8] =	sst s0  }
0x9: {  	[smem:$0x3FA9] =	sst s1  }
0xa: {  	[smem:$0x3FAA] =	sst s2  }
0xb: {  	[smem:$0x3FAB] =	sst s3  }
0xc: {  	[smem:$0x3FAC] =	sst s4  }
0xd: {  	[smem:$0x3FAD] =	sst s5  }
0xe: {  	[smem:$0x3FAE] =	sst s6  }
0xf: {  	[smem:$0x3FAF] =	sst s7  }
0x10: {  	[smem:$0x3FB0] =	sst s8  }
0x11: {  	[smem:$0x3FB1] =	sst s9;
	s0 =	simm.s32 @!p0 $0x0  }
0x12: {  	s1 =	sld [smem:$0x3F97];
	s0 =	simm.s32 @p0 $0x1  }
0x13: {  	[smem:$0x3FB2] =	sst s0;
	s0 =	simm.s32 @!p1 $0x0  }
0x14: {  	s2 =	sld [smem:$0x3F96];
	s0 =	simm.s32 @p1 $0x1  }
0x15: {  	[smem:$0x3FB3] =	sst s0;
	s0 =	simm.s32 @!p2 $0x0  }
0x16: {  	s3 =	sld [smem:$0x3FDB];
	s0 =	simm.s32 @p2 $0x1  }
0x17: {  	s4 =	simm.s32 $0x1BF5;
	[smem:$0x3FB5] =	sst s0  }
0x18: {  	s0 =	sld [smem:$0x3F98];
	_ =	swait.ge [sflag:s4], $0x0  }
0x19: {  	s7 =	sld [smem:$0x3F99]  }
0x1a: {  	s8 =	sadd.s32 $0xFFFFE003, lr  }
0x1b: {  	s9 =	sadd.s32 $0xFFFFFEF7, lr;
	s5 =	simm.s32 $0xFFFFFFFF;
	p2 =	slt.u32 s8, $0xFFFFF086  }
0x1c: {  	p1 =	slt.u32 s9, $0xF7A;
	s5 =	simm.s32 @!p2 $0x0  }
0x1d: {  	s5 =	simm.s32 @p1 $0x1;
	p0 =	seq.s32 s7, s2  }
0x1e: {  	s7 =	smul.u32 @!p0 $0xF7A, s2;
	p2 =	seq.s32 @!p0 s5, $0x0  }
0x1f: {  	s9 =	smul.u32 $0xF7A, s1;
	s8 =	simm.s32 @!p0 $0x1BF5;
	p2 =	por !p2, p0  }
0x20: {  	[sflag:s8] =	ssyncset.s32 @!p0 $0xFFFFF086;
	s6 =	sadd.s32 @!p0 s3, s7;
	s7 =	simm.s32 @!p0 $0x108  }
0x21: {  	s3 =	sadd.s32 s3, s9;
	s6 =	sadd.s32 @!p0 $0x88, s6;
	s7 =	simm.s32 @p2 $0x1082  }
0x22: {  	[simem:s7], [sflag:s8] =	dma.local @!p0 [hbm:s6], $0xF7A  }
0x23: {  	s9 =	sor.u32 $0xD0000000, s2;
	s6 =	simm.s32 $0x108;
	_ =	swait.ge @!p0 [sflag:s8], $0x0  }
0x24: {  	s3 =	sadd.s32 $0x88, s3;
	s6 =	simm.s32 @!p1 $0x1082;
	[sflag:s4] =	ssyncset.s32 $0xFFFFF086  }
0x25: {  	[simem:s6], [sflag:s4] =	dma.local [hbm:s3], $0xF7A  }
0x26: {  	[smem:$0x3F99] =	sst s1;
	(tag) =	ssettag s2;
	_ =	strace s9  }
0x27: {  	s1 =	sld [smem:$0x3FA9]  }
0x28: {  	s2 =	sld [smem:$0x3FAA]  }
0x29: {  	s4 =	sld [smem:$0x3FAC]  }
0x2a: {  	p0 =	seq.s32 s5, $0x0;
	s5 =	sld [smem:$0x3FAD]  }
0x2b: {  	s6 =	sld [smem:$0x3FAE]  }
0x2c: {  	s7 =	sld [smem:$0x3FAF]  }
0x2d: {  	s3 =	simm.s32 $0x108;
	s8 =	sld [smem:$0x3FB0]  }
0x2e: {  	s3 =	simm.s32 @!p0 $0x1082;
	s9 =	sld [smem:$0x3FB1]  }
0x2f: {  	lr =	sadd.s32 s0, s3;
	s0 =	sld [smem:$0x3FA8]  }
0x30: {  	s3 =	sld [smem:$0x3FAB]  }
0x31: {  	[smem:$0x3FB4] =	sst s10  }
0x32: {  	s10 =	sld [smem:$0x3FB2];
	_ =	sdelay $0x3  }
0x33: {  	p0 =	seq.s32 s10, $0x1;
	s10 =	sld [smem:$0x3FB4];
	_ =	sdelay $0x3  }
0x34: {  	[smem:$0x3FB4] =	sst s10  }
0x35: {  	s10 =	sld [smem:$0x3FB3];
	_ =	sdelay $0x3  }
0x36: {  	p1 =	seq.s32 s10, $0x1;
	s10 =	sld [smem:$0x3FB4];
	_ =	sdelay $0x3  }
0x37: {  	[smem:$0x3FB4] =	sst s10  }
0x38: {  	s10 =	sld [smem:$0x3FB5]  }
0x39: {  	_ = 	snop;
	(pc) =	sbr.ind lr, $3  }
0x3a: {  	_ = 	snop  }
0x3b: {  	_ = 	snop  }
0x3c: {  	p2 =	seq.s32 s10, $0x1;
	s10 =	sld [smem:$0x3FB4]  }
0x3d: {  	_ =	shalt  }
0x3e: {  	_ =	shalt  }
0x3f: {  	_ =	shalt  }
0x40: {  	_ =	shalt  }
0x41: {  	_ =	shalt  }
0x42: {  	_ =	shalt  }
0x43: {  	_ =	shalt  }
0x44: {  	_ =	shalt  }
0x45: {  	_ =	shalt  }
0x46: {  	_ =	shalt  }
0x47: {  	_ =	shalt  }
0x48: {  	_ =	shalt  }
0x49: {  	_ =	shalt  }
0x4a: {  	_ =	shalt  }
0x4b: {  	_ =	shalt  }
0x4c: {  	_ =	shalt  }
0x4d: {  	_ =	shalt  }
0x4e: {  	_ =	shalt  }
0x4f: {  	_ =	shalt  }
0x50: {  	_ =	shalt  }
0x51: {  	_ =	shalt  }
0x52: {  	_ =	shalt  }
0x53: {  	_ =	shalt  }
0x54: {  	_ =	shalt  }
0x55: {  	_ =	shalt  }
0x56: {  	_ =	shalt  }
0x57: {  	_ =	shalt  }
0x58: {  	_ =	shalt  }
0x59: {  	_ =	shalt  }
0x5a: {  	_ =	shalt  }
0x5b: {  	_ =	shalt  }
0x5c: {  	_ =	shalt  }
0x5d: {  	_ =	shalt  }
0x5e: {  	_ =	shalt  }
0x5f: {  	_ =	shalt  }
0x60: {  	_ =	shalt  }
0x61: {  	_ =	shalt  }
0x62: {  	_ =	shalt  }
0x63: {  	_ =	shalt  }
0x64: {  	_ =	shalt  }
0x65: {  	_ =	shalt  }
0x66: {  	_ =	shalt  }
0x67: {  	_ =	shalt  }
0x68: {  	_ =	shalt  }
0x69: {  	_ =	shalt  }
0x6a: {  	_ =	shalt  }
0x6b: {  	_ =	shalt  }
0x6c: {  	_ =	shalt  }
0x6d: {  	_ =	shalt  }
0x6e: {  	_ =	shalt  }
0x6f: {  	_ =	shalt  }
0x70: {  	_ =	shalt  }
0x71: {  	_ =	shalt  }
0x72: {  	_ =	shalt  }
0x73: {  	_ =	shalt  }
0x74: {  	_ =	shalt  }
0x75: {  	_ =	shalt  }
0x76: {  	_ =	shalt  }
0x77: {  	_ =	shalt  }
0x78: {  	_ =	shalt  }
0x79: {  	_ =	shalt  }
0x7a: {  	_ =	shalt  }
0x7b: {  	_ =	shalt  }
0x7c: {  	_ =	shalt  }
0x7d: {  	_ =	shalt  }
0x7e: {  	_ =	shalt  }
0x7f: {  	_ =	shalt  }
0x80: {  	_ =	shalt  }
0x81: {  	_ =	shalt  }
0x82: {  	_ =	shalt  }
0x83: {  	_ =	shalt  }
0x84: {  	_ =	shalt  }
0x85: {  	_ =	shalt  }
0x86: {  	_ =	shalt  }
0x87: {  	_ =	shalt  }
.Lfunc_end0:
.L_simem_size_0:
called_computation_lowered:
.L_overlay_start_0:
0x88: {  	s2 =	sld [smem:$0x3FD9]  }
0x89: {  	s3 =	sld [smem:$0x3FFE];
	_ =	sdelay $0x1  }
0x8a: {  	s1 =	srdreg.scid  }
0x8b: {  	s0 =	sand.u32 $0x1, s1  }
0x8c: {  	s17 =	sshll.u32 s0, $0xA;
	s2 =	sadd.s32 s3, s2  }
0x8d: {  	s2 =	sadd.s32 s2, s17  }
0x8e: {  	[smem:$0x3FC0] =	sst s2  }
0x8f: {  	_ = 	snop  }
0x90: {  	s2 =	sld [smem:$0x3FC9]  }
0x91: {  	s18 =	sld [smem:$0x3FD0];
	(tm) =	ssettm $0x1  }
0x92: {  	s4 =	sld [smem:$0x3FFB];
	_ =	sdelay $0x3  }
0x93: {  	_ =	strace s4  }
0x94: {  	s4 =	sld [smem:$0x3FFC];
	_ =	sdelay $0x3  }
0x95: {  	_ =	strace s4  }
0x96: {  	s4 =	sld [smem:$0x3FFD];
	_ =	sdelay $0x3  }
0x97: {  	_ =	strace s4  }
0x98: {  	_ =	strace $0x8FFFFFFF  }
0x99: {  	s19 =	sld [smem:$0x3FDB];
	_ =	sdelay $0x1  }
0x9a: {  	s5 =	simm.s32 $_scs_section_size  }
0x9b: {  	s6 =	simm.s32 $_size__tile_overlayer_lowered;
	s7 =	simm.s32 $_tile_overlayer_lowered  }
0x9c: {  	s22 =	simm.s32 $0x1BFF;
	s21 =	sshll.u32 s7, $0x1;
	s4 =	sadd.s32 s5, s19  }
0x9d: {  	s8 =	simm.s32 $0x0;
	s20 =	sshll.u32 s6, $0x1;
	s6 =	sadd.s32 s21, s4  }
0x9e: {  	[timem:s8], [sflag:s22] =	dma.local [hbm:s6], s20  }
0x9f: {  	_ =	swait.ge [sflag:s22], s20  }
0xa0: {  	s5 =	ssub.s32 $0x0, s20;
	[sflag:s22] =	ssyncset.done $0x0  }
0xa1: {  	[sflag:s22] =	ssyncadd.s32 s5;
	_ =	sdelay $0x1  }
0xa2: {  	s23 =	simm.s32 $0x1B8B  }
0xa3: {  	_ =	swait.ge [sflag:s23], $0x1  }
0xa4: {  	[sflag:s23] =	ssyncset.done $0x0  }
0xa5: {  	s25 =	simm.s32 $0x1B8E;
	s24 =	sld [smem:$0x3FFE];
	[sflag:s23] =	ssyncadd.s32 $0xFFFFFFFF  }
0xa6: {  	s26 =	simm.s32 $execute0_lowered;
	[smem:$0x3FD2] =	sst s25  }
0xa7: {  	s6 =	sshll.u32 s26, $0x1;
	_ =	strace $0x80000046;
	[dreg:$0x1] =	wrdreg $0xFFFFFFFF  }
0xa8: {  	s28 =	simm.s32 $_size_execute0_lowered;
	s4 =	sadd.s32 s4, s6;
	[dreg:$0x0] =	wrdreg $0x0  }
0xa9: {  	s6 =	sshll.u32 s28, $0x1;
	[dreg:$0x2] =	wrdreg s4  }
0xaa: {  	[dreg:$0x3] =	wrdreg s6  }
0xab: {  	[dreg:$0x4] =	wrdreg $0xC0  }
0xac: {  	_ =	task [dreg:s8], $0x5FFFF  }
0xad: {  	[dreg:$0x1] =	wrdreg $0xFFFFFFFF  }
0xae: {  	[dreg:$0x0] =	wrdreg $0x60  }
0xaf: {  	[dreg:$0x2] =	wrdreg s2  }
0xb0: {  	[dreg:$0x3] =	wrdreg s24  }
0xb1: {  	[dreg:$0x4] =	wrdreg s18  }
0xb2: {  	[dreg:$0x5] =	wrdreg $0x0  }
0xb3: {  	[dreg:$0x6] =	wrdreg $0x9  }
0xb4: {  	_ =	task.clear_ibuf [dreg:s8], $0x7FFFF;
	_ =	strace $0x90000046  }
0xb5: {  	s29 =	simm.s32 $0x9;
	_ =	strace $0x8000004F  }
0xb6: {  	_ =	swait.ge [sflag:s29], $0x1  }
0xb7: {  	[sflag:s29] =	ssyncadd.s32 $0xFFFFFFFF  }
0xb8: {  	_ =	strace $0x9000004F  }
0xb9: {  	_ =	sfence  }
0xba: {  	s30 =	sld [smem:$0x0];
	_ =	sdelay $0x2  }
0xbb: {  	s31 =	sshll.u32 s1, $0xD;
	s1 =	sshrl.u32 s1, $0x2  }
0xbc: {  	s3 =	sand.u32 $0x4000, s31;
	s1 =	sadd.s32 s1, s30  }
0xbd: {  	s0 =	sor.u32 s3, s0;
	s1 =	sshll.u32 s1, $0x11  }
0xbe: {  	s0 =	sor.u32 s1, s0  }
0xbf: {  	s0 =	sadd.s32 $0x8F2B, s0  }
0xc0: {  	[sflag:s0] =	ssyncadd.remote.s32 $0x1  }
0xc1: {  	_ =	sfence.sel $0xFFFF  }
0xc2: {  	[dreg:$0x0] =	wrdreg $0xFFFFFFFF;
	(pc) =	sbr.abs _section_cstart, $3  }
0xc3: {  	[dreg:$0x1] =	wrdreg $0xFFFFFFFF  }
0xc4: {  	_ =	task.clear_ibuf [dreg:s8], $0x2FFFF;
	_ =	strace $0x9FFFFFFF  }
0xc5: {  	(tm) =	ssettm $0x7FFFFFFF  }
tec
execute0_lowered:
.L_overlay_start_1:
0x0: {  	(tag) =	ssettag $0x1  }
0x1: {  	s0 =	rddreg [dreg:$0x0]  }
0x2: {  	s1 =	rddreg [dreg:$0x1]  }
0x3: {  	s2 =	rddreg [dreg:$0x2];
	s4 =	srdreg.scid  }
0x4: {  	s3 =	rddreg [dreg:$0x3];
	s11 =	stileid.u32;
	s28 =	simm.s32 $0x7  }
0x5: {  	s29 =	simm.s32 $0x13C00;
	s30 =	simm.s32 $0x15000;
	s31 =	simm.s32 $0x40  }
0x6: {  	s5 =	sand.u32 $0x1, s4;
	s4 =	simm.s32 $0x0;
	s8 =	smul.u32 $0x4F000, s11  }
0x7: {  	s7 =	smul.u32 $0x13C00, s11;
	s9 =	sadd.s32 $0x2A400, s1;
	s11 =	sshll.u32 s11, $0x1  }
0x8: {  	s6 =	smul.u32 $0x13C000, s5;
	[smem:$0x7FF] =	sst s4;
	s8 =	sshrl.u32 s8, $0x2  }
0x9: {  	s23 =	ssub.s32 $0x2, s5;
	s24 =	sor.u32 s5, s11;
	s5 =	sadd.s32 s8, s3  }
0xa: {  	_ =	strace $0x80000047;
	s10 =	sshrl.u32 s23, $0x1;
	s8 =	sadd.s32 $0x2000, s5  }
0xb: {  	s26 =	smul.u32 $0x5000, s24;
	s25 =	sadd.s32 $0x4000, s5;
	[dreg:$0x5] =	wrdreg s8  }
0xc: {  	s15 =	smul.u32 $0xA00, s24;
	s13 =	sadd.s32 $0x6000, s5;
	[dreg:$0x6] =	wrdreg s25  }
0xd: {  	s6 =	sadd.s32 s7, s6;
	s14 =	sadd.s32 $0x8000, s5;
	[dreg:$0x7] =	wrdreg s13  }
0xe: {  	s7 =	sadd.s32 $0x16400, s1;
	s12 =	sadd.s32 $0xA000, s5;
	[dreg:$0x8] =	wrdreg s14  }
0xf: {  	s6 =	sshrl.u32 s6, $0x3;
	s16 =	sadd.s32 $0xC000, s5;
	[dreg:$0x9] =	wrdreg s12  }
0x10: {  	s17 =	sadd.s32 $0xE000, s5;
	s18 =	sadd.s32 s7, s15;
	[dreg:$0xa] =	wrdreg s16  }
0x11: {  	s11 =	sadd.s32 s9, s15;
	s15 =	simm.s32 $0x16280;
	[dreg:$0xb] =	wrdreg s17  }
0x12: {  	s1 =	sadd.s32 s6, s1;
	s6 =	ssub.s32 s23, s10;
	[dreg:$0xc] =	wrdreg s18  }
0x13: {  	s8 =	sshrl.u32 s26, $0x3;
	[dreg:$0xd] =	wrdreg s11;
	s10 =	smul.u32 $0x4F0, s24  }
0x14: {  	s25 =	sadd.s32 $0x10000, s5;
	s26 =	sadd.s32 $0x12000, s5;
	s12 =	simm.s32 $0x3  }
0x15: {  	s13 =	simm.s32 $0x5;
	s14 =	simm.s32 $0x6;
	s16 =	simm.s32 $0x14F80  }
0x16: {  	s17 =	simm.s32 $0x16300;
	s18 =	simm.s32 $0x16380;
	s19 =	sadd.s32 $0x280, s8  }
0x17: {  	s22 =	sadd.s32 $0x500, s8;
	s8 =	sadd.s32 $0x780, s8;
	[dreg:$0x14] =	wrdreg s25  }
0x18: {  	[dreg:$0x16] =	wrdreg s26;
	s25 =	smax.u32 s6, $0x1;
	s20 =	sadd.s32 s7, s19  }
0x19: {  	s26 =	simm.s32 $0x16400;
	s21 =	sadd.s32 s9, s19;
	[dreg:$0xe] =	wrdreg s20  }
0x1a: {  	s6 =	simm.s32 $0x1;
	s23 =	sadd.s32 s7, s22;
	[dreg:$0xf] =	wrdreg s21  }
0x1b: {  	s11 =	sadd.s32 s9, s22;
	s7 =	sadd.s32 s7, s8;
	[dreg:$0x10] =	wrdreg s23  }
0x1c: {  	s24 =	sadd.s32 s9, s8;
	s2 =	sadd.s32 s2, s10;
	[dreg:$0x11] =	wrdreg s11  }
0x1d: {  	s8 =	simm.s32 $0x13D00;
	s9 =	simm.s32 $0x1A400;
	[dreg:$0x12] =	wrdreg s7  }
0x1e: {  	s10 =	simm.s32 $0x2;
	s19 =	simm.s32 $0x0;
	[dreg:$0x13] =	wrdreg s24  }
0x1f: {  	[dreg:$0x15] =	wrdreg s2;
	s24 =	sadd.s32 $0x3E400, s1;
	s1 =	simm.s32 $0x13C80  }
0x20: {  	v0 =	vimm.f32 $0.0e+00;
	v1 =	vimm.f32 $1.000000000e+00;
	s2 =	simm.s32 $0x18400;
	s7 =	simm.s32 $0x1C400;
	s11 =	simm.s32 $0x4  }
.LBB2_1:
0x21: {  	s20 =	sand.u32 $0x7E00, s4  }
0x22: {  	_ =	strace $0x80000048;
	s21 =	sand.u32 $0x70, s4;
	s22 =	sshrl.u32 s20, $0x2  }
0x23: {  	s20 =	simm.s32 $0x40;
	s22 =	sor.u32 s21, s22;
	s21 =	simm.s32 $0x0  }
.LBB2_2:
0x24: {  	p0 =	sne.s32 s20, $0x7FC0  }
0x25: {  	[tilespmem:s22+$0x16400] =	vst v0;
	s21 =	sadd.s32 $0x10, s21;
	s22 =	smov.u32 s20;
	s20 =	sadd.s32 $0x40, s20  }
.Ltmp0:
0x26: {  	(pc) =	sbr.rel @p0 .LBB2_2-.Ltmp0, $4  }
0x27: {  	_ = 	snop  }
0x28: {  	s22 =	sand.u32 $0x7E00, s22  }
0x29: {  	s23 =	sand.u32 $0x70, s21;
	s22 =	sshrl.u32 s22, $0x2  }
0x2a: {  	s22 =	sor.u32 s23, s22  }
0x2b: {  	[tilespmem:s22+$0x16400] =	vst v0  }
0x2c: {  	s20 =	simm.s32 $0x40;
	s21 =	simm.s32 $0x0;
	_ =	strace $0x90000048  }
.LBB2_4:
0x2d: {  	p0 =	sne.s32 s20, $0x9DC0;
	[tilespmem:s21+$0x1C400] =	vst v0;
	s21 =	smov.u32 s20;
	s20 =	sadd.s32 $0x40, s20  }
.Ltmp1:
0x2e: {  	(pc) =	sbr.rel @p0 .LBB2_4-.Ltmp1, $2  }
0x2f: {  	_ =	sdelay $0x2  }
0x30: {  	s21 =	sshra.s32 s21, $0x2  }
0x31: {  	[tilespmem:s21+$0x1C400] =	vst v0  }
0x32: {  	_ =	strace $0x80000049  }
0x33: {  	[spmem:s5] =	stream.linear.scatter [tilespmem:s26], [sflag:$0x7], $0x2000, $0x200038;
	[tilespmem:$0x1EB80] =	vst v63  }
0x34: {  	_ =	swait.ge [sflag:s28], $0x2000  }
0x35: {  	[sflag:s28] =	ssyncset.done $0x0  }
0x36: {  	s20 =	rddreg [dreg:$0x5];
	[sflag:s28] =	ssyncadd.s32 $0xFFFFE000  }
0x37: {  	[spmem:s20] =	stream.linear.scatter [tilespmem:s26], [sflag:$0x7], $0x2000, $0x200038;
	[tilespmem:$0x1EB80] =	vst v63  }
0x38: {  	_ =	swait.ge [sflag:s28], $0x2000  }
0x39: {  	[sflag:s28] =	ssyncset.done $0x0  }
0x3a: {  	s23 =	rddreg [dreg:$0x6];
	[sflag:s28] =	ssyncadd.s32 $0xFFFFE000  }
0x3b: {  	[spmem:s23] =	stream.linear.scatter [tilespmem:s26], [sflag:$0x7], $0x2000, $0x200038;
	[tilespmem:$0x1EB80] =	vst v63  }
0x3c: {  	_ =	swait.ge [sflag:s28], $0x2000  }
0x3d: {  	[sflag:s28] =	ssyncset.done $0x0  }
0x3e: {  	s21 =	rddreg [dreg:$0x7];
	[sflag:s28] =	ssyncadd.s32 $0xFFFFE000  }
0x3f: {  	[spmem:s21] =	stream.linear.scatter [tilespmem:s26], [sflag:$0x7], $0x2000, $0x200038;
	[tilespmem:$0x1EB80] =	vst v63  }
0x40: {  	_ =	swait.ge [sflag:s28], $0x2000  }
0x41: {  	[sflag:s28] =	ssyncset.done $0x0  }
0x42: {  	s22 =	rddreg [dreg:$0x8];
	[sflag:s28] =	ssyncadd.s32 $0xFFFFE000  }
0x43: {  	[spmem:s22] =	stream.linear.scatter [tilespmem:s26], [sflag:$0x7], $0x2000, $0x200038;
	[tilespmem:$0x1EB80] =	vst v63  }
0x44: {  	_ =	swait.ge [sflag:s28], $0x2000  }
0x45: {  	[sflag:s28] =	ssyncset.done $0x0  }
0x46: {  	s23 =	rddreg [dreg:$0x9];
	[sflag:s28] =	ssyncadd.s32 $0xFFFFE000  }
0x47: {  	[spmem:s23] =	stream.linear.scatter [tilespmem:s26], [sflag:$0x7], $0x2000, $0x200038;
	[tilespmem:$0x1EB80] =	vst v63  }
0x48: {  	_ =	swait.ge [sflag:s28], $0x2000  }
0x49: {  	[sflag:s28] =	ssyncset.done $0x0  }
0x4a: {  	s21 =	rddreg [dreg:$0xa];
	[sflag:s28] =	ssyncadd.s32 $0xFFFFE000  }
0x4b: {  	[spmem:s21] =	stream.linear.scatter [tilespmem:s26], [sflag:$0x7], $0x2000, $0x200038;
	[tilespmem:$0x1EB80] =	vst v63  }
0x4c: {  	_ =	swait.ge [sflag:s28], $0x2000  }
0x4d: {  	[sflag:s28] =	ssyncset.done $0x0  }
0x4e: {  	s22 =	rddreg [dreg:$0xb];
	[sflag:s28] =	ssyncadd.s32 $0xFFFFE000  }
0x4f: {  	[spmem:s22] =	stream.linear.scatter [tilespmem:s26], [sflag:$0x7], $0x2000, $0x200038;
	[tilespmem:$0x1EB80] =	vst v63  }
0x50: {  	_ =	swait.ge [sflag:s28], $0x2000  }
0x51: {  	[sflag:s28] =	ssyncset.done $0x0  }
0x52: {  	s23 =	rddreg [dreg:$0x14];
	[sflag:s28] =	ssyncadd.s32 $0xFFFFE000  }
0x53: {  	[spmem:s23] =	stream.linear.scatter [tilespmem:s26], [sflag:$0x7], $0x2000, $0x200038;
	[tilespmem:$0x1EB80] =	vst v63  }
0x54: {  	_ =	swait.ge [sflag:s28], $0x2000  }
0x55: {  	[sflag:s28] =	ssyncset.done $0x0  }
0x56: {  	s21 =	rddreg [dreg:$0x16];
	[sflag:s28] =	ssyncadd.s32 $0xFFFFE000  }
0x57: {  	[spmem:s21] =	stream.linear.scatter [tilespmem:s26], [sflag:$0x7], $0x1C00, $0x200038;
	[tilespmem:$0x1EB80] =	vst v63  }
0x58: {  	_ =	swait.ge [sflag:s28], $0x1C00  }
0x59: {  	[sflag:s28] =	ssyncset.done $0x0  }
0x5a: {  	[sflag:s28] =	ssyncadd.s32 $0xFFFFE400  }
0x5b: {  	[bflag:$0x0] =	sbarrier.arrive $0xFFFF  }
0x5c: {  	_ =	strace $0x90000049  }
0x5d: {  	_ =	strace $0x8000004A  }
0x5e: {  	s20 =	simm.s32 $0x0;
	s22 =	rddreg [dreg:$0xc]  }
0x5f: {  	[tilespmem:s29], [sflag:$0x7] =	stream.linear.gather [hbm4b:s22+s20], $0x1400, $0x200038;
	[tilespmem:$0x1EB80] =	vst v63  }
0x60: {  	_ =	swait.ge [sflag:s28], $0x1400  }
0x61: {  	[sflag:s28] =	ssyncset.done $0x0  }
0x62: {  	s23 =	rddreg [dreg:$0xd];
	[sflag:s28] =	ssyncadd.s32 $0xFFFFEC00  }
0x63: {  	[tilespmem:s30], [sflag:$0x7] =	stream.linear.gather [hbm4b:s23+s20], $0x1400, $0x200038;
	[tilespmem:$0x1EB80] =	vst v63  }
0x64: {  	_ =	swait.ge [sflag:s28], $0x1400  }
0x65: {  	[sflag:s28] =	ssyncset.done $0x0  }
0x66: {  	[sflag:s28] =	ssyncadd.s32 $0xFFFFEC00  }
0x67: {  	[tilespmem:s26], [sflag:$0x1] =	stream.indirect.gather [hbm4b:s0+s31], $0x80, s29, s31, $0x2000b8;
	[tilespmem:$0x1EB80] =	vst v63  }
0x68: {  	_ = 	snop  }
0x69: {  	[tilespmem:s2], [sflag:$0x2] =	stream.indirect.gather [hbm4b:s0+s31], $0x80, s1, s31, $0x2000b8;
	[tilespmem:$0x1EB80] =	vst v63  }
0x6a: {  	_ =	swait.ge [sflag:s6], $0x2000  }
0x6b: {  	[sflag:s6] =	ssyncset.done $0x0  }
0x6c: {  	[sflag:s6] =	ssyncadd.s32 $0xFFFFE000  }
0x6d: {  	[spmem:s3] =	stream.indirect.scatter.add.f32 [tilespmem:s26], [sflag:$0x4], $0x80, s30, s31, $0x2000b8;
	[tilespmem:$0x1EB80] =	vst v63  }
0x6e: {  	v2 =	vld [tilespmem:$0x15000];
	_ =	sdelay $0x7  }
0x6f: {  	[tilespmem:v2+s7+$0x0] =	vst.idx.add.f32.msk $0xffff, v1  }
0x70: {  	v2 =	vld [tilespmem:$0x15010];
	_ =	sdelay $0x7  }
0x71: {  	[tilespmem:v2+s7+$0x0] =	vst.idx.add.f32.msk $0xffff, v1  }
0x72: {  	v2 =	vld [tilespmem:$0x15020];
	_ =	sdelay $0x7  }
0x73: {  	[tilespmem:v2+s7+$0x0] =	vst.idx.add.f32.msk $0xffff, v1  }
0x74: {  	v2 =	vld [tilespmem:$0x15030];
	_ =	sdelay $0x7  }
0x75: {  	[tilespmem:v2+s7+$0x0] =	vst.idx.add.f32.msk $0xffff, v1  }
0x76: {  	[tilespmem:s9], [sflag:$0x3] =	stream.indirect.gather [hbm4b:s0+s31], $0x80, s8, s31, $0x2000b8;
	[tilespmem:$0x1EB80] =	vst v63  }
.LBB2_6:
0x77: {  	_ =	swait.ge [sflag:s10], $0x2000  }
0x78: {  	s21 =	sshra.s32 s20, $0x2;
	[sflag:s10] =	ssyncset.done $0x0  }
0x79: {  	s22 =	sadd.s32 $0x15080, s21;
	[sflag:s10] =	ssyncadd.s32 $0xFFFFE000  }
0x7a: {  	[spmem:s3] =	stream.indirect.scatter.add.f32 [tilespmem:s2], [sflag:$0x5], $0x80, s22, s31, $0x2000b8;
	[tilespmem:$0x1EB80] =	vst v63  }
0x7b: {  	v2 =	vld [tilespmem:s21+$0x15080];
	_ =	sdelay $0x7  }
0x7c: {  	[tilespmem:v2+s7+$0x0] =	vst.idx.add.f32.msk $0xffff, v1  }
0x7d: {  	v2 =	vld [tilespmem:s21+$0x15090];
	_ =	sdelay $0x7  }
0x7e: {  	[tilespmem:v2+s7+$0x0] =	vst.idx.add.f32.msk $0xffff, v1  }
0x7f: {  	v2 =	vld [tilespmem:s21+$0x150A0];
	_ =	sdelay $0x7  }
0x80: {  	[tilespmem:v2+s7+$0x0] =	vst.idx.add.f32.msk $0xffff, v1  }
0x81: {  	v2 =	vld [tilespmem:s21+$0x150B0];
	_ =	sdelay $0x7  }
0x82: {  	[tilespmem:v2+s7+$0x0] =	vst.idx.add.f32.msk $0xffff, v1  }
0x83: {  	_ =	swait.ge [sflag:s11], $0x2000  }
0x84: {  	[sflag:s11] =	ssyncset.done $0x0  }
0x85: {  	s23 =	sadd.s32 $0x13D80, s21;
	[sflag:s11] =	ssyncadd.s32 $0xFFFFE000  }
0x86: {  	[tilespmem:s26], [sflag:$0x1] =	stream.indirect.gather [hbm4b:s0+s31], $0x80, s23, s31, $0x2000b8;
	[tilespmem:$0x1EB80] =	vst v63  }
0x87: {  	_ =	swait.ge [sflag:s12], $0x2000  }
0x88: {  	[sflag:s12] =	ssyncset.done $0x0  }
0x89: {  	s23 =	sadd.s32 $0x15100, s21;
	[sflag:s12] =	ssyncadd.s32 $0xFFFFE000  }
0x8a: {  	[spmem:s3] =	stream.indirect.scatter.add.f32 [tilespmem:s9], [sflag:$0x6], $0x80, s23, s31, $0x2000b8;
	[tilespmem:$0x1EB80] =	vst v63  }
0x8b: {  	v2 =	vld [tilespmem:s21+$0x15100];
	_ =	sdelay $0x7  }
0x8c: {  	[tilespmem:v2+s7+$0x0] =	vst.idx.add.f32.msk $0xffff, v1  }
0x8d: {  	v2 =	vld [tilespmem:s21+$0x15110];
	_ =	sdelay $0x7  }
0x8e: {  	[tilespmem:v2+s7+$0x0] =	vst.idx.add.f32.msk $0xffff, v1  }
0x8f: {  	v2 =	vld [tilespmem:s21+$0x15120];
	_ =	sdelay $0x7  }
0x90: {  	[tilespmem:v2+s7+$0x0] =	vst.idx.add.f32.msk $0xffff, v1  }
0x91: {  	v2 =	vld [tilespmem:s21+$0x15130];
	_ =	sdelay $0x7  }
0x92: {  	[tilespmem:v2+s7+$0x0] =	vst.idx.add.f32.msk $0xffff, v1  }
0x93: {  	_ =	swait.ge [sflag:s13], $0x2000  }
0x94: {  	[sflag:s13] =	ssyncset.done $0x0  }
0x95: {  	s23 =	sadd.s32 $0x13E00, s21;
	[sflag:s13] =	ssyncadd.s32 $0xFFFFE000  }
0x96: {  	[tilespmem:s2], [sflag:$0x2] =	stream.indirect.gather [hbm4b:s0+s31], $0x80, s23, s31, $0x2000b8;
	[tilespmem:$0x1EB80] =	vst v63  }
0x97: {  	_ =	swait.ge [sflag:s6], $0x2000  }
0x98: {  	[sflag:s6] =	ssyncset.done $0x0  }
0x99: {  	s23 =	sadd.s32 $0x15180, s21;
	[sflag:s6] =	ssyncadd.s32 $0xFFFFE000  }
0x9a: {  	[spmem:s3] =	stream.indirect.scatter.add.f32 [tilespmem:s26], [sflag:$0x4], $0x80, s23, s31, $0x2000b8;
	[tilespmem:$0x1EB80] =	vst v63  }
0x9b: {  	v2 =	vld [tilespmem:s21+$0x15180];
	_ =	sdelay $0x7  }
0x9c: {  	[tilespmem:v2+s7+$0x0] =	vst.idx.add.f32.msk $0xffff, v1  }
0x9d: {  	v2 =	vld [tilespmem:s21+$0x15190];
	_ =	sdelay $0x7  }
0x9e: {  	[tilespmem:v2+s7+$0x0] =	vst.idx.add.f32.msk $0xffff, v1  }
0x9f: {  	v2 =	vld [tilespmem:s21+$0x151A0];
	_ =	sdelay $0x7  }
0xa0: {  	[tilespmem:v2+s7+$0x0] =	vst.idx.add.f32.msk $0xffff, v1  }
0xa1: {  	v2 =	vld [tilespmem:s21+$0x151B0];
	_ =	sdelay $0x6  }
0xa2: {  	p0 =	sne.s32 s20, $0x4200  }
.Ltmp2:
0xa3: {  	[tilespmem:v2+s7+$0x0] =	vst.idx.add.f32.msk $0xffff, v1;
	(pc) =	sbr.rel @p0 .LBB2_6-.Ltmp2, $4  }
0xa4: {  	_ =	swait.ge [sflag:s14], $0x2000  }
0xa5: {  	[sflag:s14] =	ssyncset.done $0x0  }
0xa6: {  	s20 =	sadd.s32 $0x600, s20;
	s21 =	sadd.s32 $0x13E80, s21;
	[sflag:s14] =	ssyncadd.s32 $0xFFFFE000  }
0xa7: {  	[tilespmem:s9], [sflag:$0x3] =	stream.indirect.gather [hbm4b:s0+s31], $0x80, s21, s31, $0x2000b8;
	[tilespmem:$0x1EB80] =	vst v63  }
0xa8: {  	_ =	swait.ge [sflag:s10], $0x2000  }
0xa9: {  	[sflag:s10] =	ssyncset.done $0x0  }
0xaa: {  	[sflag:s10] =	ssyncadd.s32 $0xFFFFE000  }
0xab: {  	[spmem:s3] =	stream.indirect.scatter.add.f32 [tilespmem:s2], [sflag:$0x5], $0x80, s15, s31, $0x2000b8;
	[tilespmem:$0x1EB80] =	vst v63  }
0xac: {  	v2 =	vld [tilespmem:$0x16280];
	_ =	sdelay $0x7  }
0xad: {  	[tilespmem:v2+s7+$0x0] =	vst.idx.add.f32.msk $0xffff, v1  }
0xae: {  	v2 =	vld [tilespmem:$0x16290];
	_ =	sdelay $0x7  }
0xaf: {  	[tilespmem:v2+s7+$0x0] =	vst.idx.add.f32.msk $0xffff, v1  }
0xb0: {  	v2 =	vld [tilespmem:$0x162A0];
	_ =	sdelay $0x7  }
0xb1: {  	[tilespmem:v2+s7+$0x0] =	vst.idx.add.f32.msk $0xffff, v1  }
0xb2: {  	v2 =	vld [tilespmem:$0x162B0];
	_ =	sdelay $0x7  }
0xb3: {  	[tilespmem:v2+s7+$0x0] =	vst.idx.add.f32.msk $0xffff, v1  }
0xb4: {  	_ =	swait.ge [sflag:s11], $0x2000  }
0xb5: {  	[sflag:s11] =	ssyncset.done $0x0  }
0xb6: {  	[sflag:s11] =	ssyncadd.s32 $0xFFFFE000  }
0xb7: {  	[tilespmem:s26], [sflag:$0x1] =	stream.indirect.gather [hbm4b:s0+s31], $0x80, s16, s31, $0x2000b8;
	[tilespmem:$0x1EB80] =	vst v63  }
0xb8: {  	_ =	swait.ge [sflag:s12], $0x2000  }
0xb9: {  	[sflag:s12] =	ssyncset.done $0x0  }
0xba: {  	[sflag:s12] =	ssyncadd.s32 $0xFFFFE000  }
0xbb: {  	[spmem:s3] =	stream.indirect.scatter.add.f32 [tilespmem:s9], [sflag:$0x6], $0x80, s17, s31, $0x2000b8;
	[tilespmem:$0x1EB80] =	vst v63  }
0xbc: {  	v2 =	vld [tilespmem:$0x16300];
	_ =	sdelay $0x7  }
0xbd: {  	[tilespmem:v2+s7+$0x0] =	vst.idx.add.f32.msk $0xffff, v1  }
0xbe: {  	v2 =	vld [tilespmem:$0x16310];
	_ =	sdelay $0x7  }
0xbf: {  	[tilespmem:v2+s7+$0x0] =	vst.idx.add.f32.msk $0xffff, v1  }
0xc0: {  	v2 =	vld [tilespmem:$0x16320];
	_ =	sdelay $0x7  }
0xc1: {  	[tilespmem:v2+s7+$0x0] =	vst.idx.add.f32.msk $0xffff, v1  }
0xc2: {  	v2 =	vld [tilespmem:$0x16330];
	_ =	sdelay $0x7  }
0xc3: {  	[tilespmem:v2+s7+$0x0] =	vst.idx.add.f32.msk $0xffff, v1  }
0xc4: {  	_ =	swait.ge [sflag:s13], $0x2000  }
0xc5: {  	[sflag:s13] =	ssyncset.done $0x0  }
0xc6: {  	[sflag:s13] =	ssyncadd.s32 $0xFFFFE000  }
0xc7: {  	_ =	swait.ge [sflag:s6], $0x2000  }
0xc8: {  	[sflag:s6] =	ssyncset.done $0x0  }
0xc9: {  	[sflag:s6] =	ssyncadd.s32 $0xFFFFE000  }
0xca: {  	[spmem:s3] =	stream.indirect.scatter.add.f32 [tilespmem:s26], [sflag:$0x4], $0x80, s18, s31, $0x2000b8;
	[tilespmem:$0x1EB80] =	vst v63  }
0xcb: {  	v2 =	vld [tilespmem:$0x16380];
	_ =	sdelay $0x7  }
0xcc: {  	[tilespmem:v2+s7+$0x0] =	vst.idx.add.f32.msk $0xffff, v1  }
0xcd: {  	v2 =	vld [tilespmem:$0x16390];
	_ =	sdelay $0x7  }
0xce: {  	[tilespmem:v2+s7+$0x0] =	vst.idx.add.f32.msk $0xffff, v1  }
0xcf: {  	v2 =	vld [tilespmem:$0x163A0];
	_ =	sdelay $0x7  }
0xd0: {  	[tilespmem:v2+s7+$0x0] =	vst.idx.add.f32.msk $0xffff, v1  }
0xd1: {  	v2 =	vld [tilespmem:$0x163B0];
	_ =	sdelay $0x7  }
0xd2: {  	[tilespmem:v2+s7+$0x0] =	vst.idx.add.f32.msk $0xffff, v1  }
0xd3: {  	_ =	swait.ge [sflag:s14], $0x2000  }
0xd4: {  	[sflag:s14] =	ssyncset.done $0x0  }
0xd5: {  	[sflag:s14] =	ssyncadd.s32 $0xFFFFE000  }
0xd6: {  	_ =	swait.ge [sflag:s11], $0x2000  }
0xd7: {  	[sflag:s11] =	ssyncset.done $0x0  }
0xd8: {  	[sflag:s11] =	ssyncadd.s32 $0xFFFFE000  }
0xd9: {  	_ =	strace $0x9000004A  }
0xda: {  	_ =	strace $0x8000004B  }
0xdb: {  	s20 =	simm.s32 $0x0;
	s21 =	rddreg [dreg:$0xe]  }
0xdc: {  	[tilespmem:s29], [sflag:$0x7] =	stream.linear.gather [hbm4b:s21+s20], $0x1400, $0x200038;
	[tilespmem:$0x1EB80] =	vst v63  }
0xdd: {  	_ =	swait.ge [sflag:s28], $0x1400  }
0xde: {  	[sflag:s28] =	ssyncset.done $0x0  }
0xdf: {  	s23 =	rddreg [dreg:$0xf];
	[sflag:s28] =	ssyncadd.s32 $0xFFFFEC00  }
0xe0: {  	[tilespmem:s30], [sflag:$0x7] =	stream.linear.gather [hbm4b:s23+s20], $0x1400, $0x200038;
	[tilespmem:$0x1EB80] =	vst v63  }
0xe1: {  	_ =	swait.ge [sflag:s28], $0x1400  }
0xe2: {  	[sflag:s28] =	ssyncset.done $0x0  }
0xe3: {  	[sflag:s28] =	ssyncadd.s32 $0xFFFFEC00  }
0xe4: {  	[tilespmem:s26], [sflag:$0x1] =	stream.indirect.gather [hbm4b:s0+s31], $0x80, s29, s31, $0x2000b8;
	[tilespmem:$0x1EB80] =	vst v63  }
0xe5: {  	_ = 	snop  }
0xe6: {  	[tilespmem:s2], [sflag:$0x2] =	stream.indirect.gather [hbm4b:s0+s31], $0x80, s1, s31, $0x2000b8;
	[tilespmem:$0x1EB80] =	vst v63  }
0xe7: {  	_ =	swait.ge [sflag:s6], $0x2000  }
0xe8: {  	[sflag:s6] =	ssyncset.done $0x0  }
0xe9: {  	[sflag:s6] =	ssyncadd.s32 $0xFFFFE000  }
0xea: {  	[spmem:s3] =	stream.indirect.scatter.add.f32 [tilespmem:s26], [sflag:$0x4], $0x80, s30, s31, $0x2000b8;
	[tilespmem:$0x1EB80] =	vst v63  }
0xeb: {  	v2 =	vld [tilespmem:$0x15000];
	_ =	sdelay $0x7  }
0xec: {  	[tilespmem:v2+s7+$0x0] =	vst.idx.add.f32.msk $0xffff, v1  }
0xed: {  	v2 =	vld [tilespmem:$0x15010];
	_ =	sdelay $0x7  }
0xee: {  	[tilespmem:v2+s7+$0x0] =	vst.idx.add.f32.msk $0xffff, v1  }
0xef: {  	v2 =	vld [tilespmem:$0x15020];
	_ =	sdelay $0x7  }
0xf0: {  	[tilespmem:v2+s7+$0x0] =	vst.idx.add.f32.msk $0xffff, v1  }
0xf1: {  	v2 =	vld [tilespmem:$0x15030];
	_ =	sdelay $0x7  }
0xf2: {  	[tilespmem:v2+s7+$0x0] =	vst.idx.add.f32.msk $0xffff, v1  }
0xf3: {  	[tilespmem:s9], [sflag:$0x3] =	stream.indirect.gather [hbm4b:s0+s31], $0x80, s8, s31, $0x2000b8;
	[tilespmem:$0x1EB80] =	vst v63  }
.LBB2_8:
0xf4: {  	_ =	swait.ge [sflag:s10], $0x2000  }
0xf5: {  	s21 =	sshra.s32 s20, $0x2;
	[sflag:s10] =	ssyncset.done $0x0  }
0xf6: {  	s22 =	sadd.s32 $0x15080, s21;
	[sflag:s10] =	ssyncadd.s32 $0xFFFFE000  }
0xf7: {  	[spmem:s3] =	stream.indirect.scatter.add.f32 [tilespmem:s2], [sflag:$0x5], $0x80, s22, s31, $0x2000b8;
	[tilespmem:$0x1EB80] =	vst v63  }
0xf8: {  	v2 =	vld [tilespmem:s21+$0x15080];
	_ =	sdelay $0x7  }
0xf9: {  	[tilespmem:v2+s7+$0x0] =	vst.idx.add.f32.msk $0xffff, v1  }
0xfa: {  	v2 =	vld [tilespmem:s21+$0x15090];
	_ =	sdelay $0x7  }
0xfb: {  	[tilespmem:v2+s7+$0x0] =	vst.idx.add.f32.msk $0xffff, v1  }
0xfc: {  	v2 =	vld [tilespmem:s21+$0x150A0];
	_ =	sdelay $0x7  }
0xfd: {  	[tilespmem:v2+s7+$0x0] =	vst.idx.add.f32.msk $0xffff, v1  }
0xfe: {  	v2 =	vld [tilespmem:s21+$0x150B0];
	_ =	sdelay $0x7  }
0xff: {  	[tilespmem:v2+s7+$0x0] =	vst.idx.add.f32.msk $0xffff, v1  }
0x100: {  	_ =	swait.ge [sflag:s11], $0x2000  }
0x101: {  	[sflag:s11] =	ssyncset.done $0x0  }
0x102: {  	s23 =	sadd.s32 $0x13D80, s21;
	[sflag:s11] =	ssyncadd.s32 $0xFFFFE000  }
0x103: {  	[tilespmem:s26], [sflag:$0x1] =	stream.indirect.gather [hbm4b:s0+s31], $0x80, s23, s31, $0x2000b8;
	[tilespmem:$0x1EB80] =	vst v63  }
0x104: {  	_ =	swait.ge [sflag:s12], $0x2000  }
0x105: {  	[sflag:s12] =	ssyncset.done $0x0  }
0x106: {  	s23 =	sadd.s32 $0x15100, s21;
	[sflag:s12] =	ssyncadd.s32 $0xFFFFE000  }
0x107: {  	[spmem:s3] =	stream.indirect.scatter.add.f32 [tilespmem:s9], [sflag:$0x6], $0x80, s23, s31, $0x2000b8;
	[tilespmem:$0x1EB80] =	vst v63  }
0x108: {  	v2 =	vld [tilespmem:s21+$0x15100];
	_ =	sdelay $0x7  }
0x109: {  	[tilespmem:v2+s7+$0x0] =	vst.idx.add.f32.msk $0xffff, v1  }
0x10a: {  	v2 =	vld [tilespmem:s21+$0x15110];
	_ =	sdelay $0x7  }
0x10b: {  	[tilespmem:v2+s7+$0x0] =	vst.idx.add.f32.msk $0xffff, v1  }
0x10c: {  	v2 =	vld [tilespmem:s21+$0x15120];
	_ =	sdelay $0x7  }
0x10d: {  	[tilespmem:v2+s7+$0x0] =	vst.idx.add.f32.msk $0xffff, v1  }
0x10e: {  	v2 =	vld [tilespmem:s21+$0x15130];
	_ =	sdelay $0x7  }
0x10f: {  	[tilespmem:v2+s7+$0x0] =	vst.idx.add.f32.msk $0xffff, v1  }
0x110: {  	_ =	swait.ge [sflag:s13], $0x2000  }
0x111: {  	[sflag:s13] =	ssyncset.done $0x0  }
0x112: {  	s23 =	sadd.s32 $0x13E00, s21;
	[sflag:s13] =	ssyncadd.s32 $0xFFFFE000  }
0x113: {  	[tilespmem:s2], [sflag:$0x2] =	stream.indirect.gather [hbm4b:s0+s31], $0x80, s23, s31, $0x2000b8;
	[tilespmem:$0x1EB80] =	vst v63  }
0x114: {  	_ =	swait.ge [sflag:s6], $0x2000  }
0x115: {  	[sflag:s6] =	ssyncset.done $0x0  }
0x116: {  	s23 =	sadd.s32 $0x15180, s21;
	[sflag:s6] =	ssyncadd.s32 $0xFFFFE000  }
0x117: {  	[spmem:s3] =	stream.indirect.scatter.add.f32 [tilespmem:s26], [sflag:$0x4], $0x80, s23, s31, $0x2000b8;
	[tilespmem:$0x1EB80] =	vst v63  }
0x118: {  	v2 =	vld [tilespmem:s21+$0x15180];
	_ =	sdelay $0x7  }
0x119: {  	[tilespmem:v2+s7+$0x0] =	vst.idx.add.f32.msk $0xffff, v1  }
0x11a: {  	v2 =	vld [tilespmem:s21+$0x15190];
	_ =	sdelay $0x7  }
0x11b: {  	[tilespmem:v2+s7+$0x0] =	vst.idx.add.f32.msk $0xffff, v1  }
0x11c: {  	v2 =	vld [tilespmem:s21+$0x151A0];
	_ =	sdelay $0x7  }
0x11d: {  	[tilespmem:v2+s7+$0x0] =	vst.idx.add.f32.msk $0xffff, v1  }
0x11e: {  	v2 =	vld [tilespmem:s21+$0x151B0];
	_ =	sdelay $0x6  }
0x11f: {  	p0 =	sne.s32 s20, $0x4200  }
.Ltmp3:
0x120: {  	[tilespmem:v2+s7+$0x0] =	vst.idx.add.f32.msk $0xffff, v1;
	(pc) =	sbr.rel @p0 .LBB2_8-.Ltmp3, $4  }
0x121: {  	_ =	swait.ge [sflag:s14], $0x2000  }
0x122: {  	[sflag:s14] =	ssyncset.done $0x0  }
0x123: {  	s20 =	sadd.s32 $0x600, s20;
	s21 =	sadd.s32 $0x13E80, s21;
	[sflag:s14] =	ssyncadd.s32 $0xFFFFE000  }
0x124: {  	[tilespmem:s9], [sflag:$0x3] =	stream.indirect.gather [hbm4b:s0+s31], $0x80, s21, s31, $0x2000b8;
	[tilespmem:$0x1EB80] =	vst v63  }
0x125: {  	_ =	swait.ge [sflag:s10], $0x2000  }
0x126: {  	[sflag:s10] =	ssyncset.done $0x0  }
0x127: {  	[sflag:s10] =	ssyncadd.s32 $0xFFFFE000  }
0x128: {  	[spmem:s3] =	stream.indirect.scatter.add.f32 [tilespmem:s2], [sflag:$0x5], $0x80, s15, s31, $0x2000b8;
	[tilespmem:$0x1EB80] =	vst v63  }
0x129: {  	v2 =	vld [tilespmem:$0x16280];
	_ =	sdelay $0x7  }
0x12a: {  	[tilespmem:v2+s7+$0x0] =	vst.idx.add.f32.msk $0xffff, v1  }
0x12b: {  	v2 =	vld [tilespmem:$0x16290];
	_ =	sdelay $0x7  }
0x12c: {  	[tilespmem:v2+s7+$0x0] =	vst.idx.add.f32.msk $0xffff, v1  }
0x12d: {  	v2 =	vld [tilespmem:$0x162A0];
	_ =	sdelay $0x7  }
0x12e: {  	[tilespmem:v2+s7+$0x0] =	vst.idx.add.f32.msk $0xffff, v1  }
0x12f: {  	v2 =	vld [tilespmem:$0x162B0];
	_ =	sdelay $0x7  }
0x130: {  	[tilespmem:v2+s7+$0x0] =	vst.idx.add.f32.msk $0xffff, v1  }
0x131: {  	_ =	swait.ge [sflag:s11], $0x2000  }
0x132: {  	[sflag:s11] =	ssyncset.done $0x0  }
0x133: {  	[sflag:s11] =	ssyncadd.s32 $0xFFFFE000  }
0x134: {  	[tilespmem:s26], [sflag:$0x1] =	stream.indirect.gather [hbm4b:s0+s31], $0x80, s16, s31, $0x2000b8;
	[tilespmem:$0x1EB80] =	vst v63  }
0x135: {  	_ =	swait.ge [sflag:s12], $0x2000  }
0x136: {  	[sflag:s12] =	ssyncset.done $0x0  }
0x137: {  	[sflag:s12] =	ssyncadd.s32 $0xFFFFE000  }
0x138: {  	[spmem:s3] =	stream.indirect.scatter.add.f32 [tilespmem:s9], [sflag:$0x6], $0x80, s17, s31, $0x2000b8;
	[tilespmem:$0x1EB80] =	vst v63  }
0x139: {  	v2 =	vld [tilespmem:$0x16300];
	_ =	sdelay $0x7  }
0x13a: {  	[tilespmem:v2+s7+$0x0] =	vst.idx.add.f32.msk $0xffff, v1  }
0x13b: {  	v2 =	vld [tilespmem:$0x16310];
	_ =	sdelay $0x7  }
0x13c: {  	[tilespmem:v2+s7+$0x0] =	vst.idx.add.f32.msk $0xffff, v1  }
0x13d: {  	v2 =	vld [tilespmem:$0x16320];
	_ =	sdelay $0x7  }
0x13e: {  	[tilespmem:v2+s7+$0x0] =	vst.idx.add.f32.msk $0xffff, v1  }
0x13f: {  	v2 =	vld [tilespmem:$0x16330];
	_ =	sdelay $0x7  }
0x140: {  	[tilespmem:v2+s7+$0x0] =	vst.idx.add.f32.msk $0xffff, v1  }
0x141: {  	_ =	swait.ge [sflag:s13], $0x2000  }
0x142: {  	[sflag:s13] =	ssyncset.done $0x0  }
0x143: {  	[sflag:s13] =	ssyncadd.s32 $0xFFFFE000  }
0x144: {  	_ =	swait.ge [sflag:s6], $0x2000  }
0x145: {  	[sflag:s6] =	ssyncset.done $0x0  }
0x146: {  	[sflag:s6] =	ssyncadd.s32 $0xFFFFE000  }
0x147: {  	[spmem:s3] =	stream.indirect.scatter.add.f32 [tilespmem:s26], [sflag:$0x4], $0x80, s18, s31, $0x2000b8;
	[tilespmem:$0x1EB80] =	vst v63  }
0x148: {  	v2 =	vld [tilespmem:$0x16380];
	_ =	sdelay $0x7  }
0x149: {  	[tilespmem:v2+s7+$0x0] =	vst.idx.add.f32.msk $0xffff, v1  }
0x14a: {  	v2 =	vld [tilespmem:$0x16390];
	_ =	sdelay $0x7  }
0x14b: {  	[tilespmem:v2+s7+$0x0] =	vst.idx.add.f32.msk $0xffff, v1  }
0x14c: {  	v2 =	vld [tilespmem:$0x163A0];
	_ =	sdelay $0x7  }
0x14d: {  	[tilespmem:v2+s7+$0x0] =	vst.idx.add.f32.msk $0xffff, v1  }
0x14e: {  	v2 =	vld [tilespmem:$0x163B0];
	_ =	sdelay $0x7  }
0x14f: {  	[tilespmem:v2+s7+$0x0] =	vst.idx.add.f32.msk $0xffff, v1  }
0x150: {  	_ =	swait.ge [sflag:s14], $0x2000  }
0x151: {  	[sflag:s14] =	ssyncset.done $0x0  }
0x152: {  	[sflag:s14] =	ssyncadd.s32 $0xFFFFE000  }
0x153: {  	_ =	swait.ge [sflag:s11], $0x2000  }
0x154: {  	[sflag:s11] =	ssyncset.done $0x0  }
0x155: {  	[sflag:s11] =	ssyncadd.s32 $0xFFFFE000  }
0x156: {  	_ =	strace $0x9000004B  }
0x157: {  	_ =	strace $0x8000004C  }
0x158: {  	s20 =	simm.s32 $0x0;
	s21 =	rddreg [dreg:$0x10]  }
0x159: {  	[tilespmem:s29], [sflag:$0x7] =	stream.linear.gather [hbm4b:s21+s20], $0x1400, $0x200038;
	[tilespmem:$0x1EB80] =	vst v63  }
0x15a: {  	_ =	swait.ge [sflag:s28], $0x1400  }
0x15b: {  	[sflag:s28] =	ssyncset.done $0x0  }
0x15c: {  	s23 =	rddreg [dreg:$0x11];
	[sflag:s28] =	ssyncadd.s32 $0xFFFFEC00  }
0x15d: {  	[tilespmem:s30], [sflag:$0x7] =	stream.linear.gather [hbm4b:s23+s20], $0x1400, $0x200038;
	[tilespmem:$0x1EB80] =	vst v63  }
0x15e: {  	_ =	swait.ge [sflag:s28], $0x1400  }
0x15f: {  	[sflag:s28] =	ssyncset.done $0x0  }
0x160: {  	[sflag:s28] =	ssyncadd.s32 $0xFFFFEC00  }
0x161: {  	[tilespmem:s26], [sflag:$0x1] =	stream.indirect.gather [hbm4b:s0+s31], $0x80, s29, s31, $0x2000b8;
	[tilespmem:$0x1EB80] =	vst v63  }
0x162: {  	_ = 	snop  }
0x163: {  	[tilespmem:s2], [sflag:$0x2] =	stream.indirect.gather [hbm4b:s0+s31], $0x80, s1, s31, $0x2000b8;
	[tilespmem:$0x1EB80] =	vst v63  }
0x164: {  	_ =	swait.ge [sflag:s6], $0x2000  }
0x165: {  	[sflag:s6] =	ssyncset.done $0x0  }
0x166: {  	[sflag:s6] =	ssyncadd.s32 $0xFFFFE000  }
0x167: {  	[spmem:s3] =	stream.indirect.scatter.add.f32 [tilespmem:s26], [sflag:$0x4], $0x80, s30, s31, $0x2000b8;
	[tilespmem:$0x1EB80] =	vst v63  }
0x168: {  	v2 =	vld [tilespmem:$0x15000];
	_ =	sdelay $0x7  }
0x169: {  	[tilespmem:v2+s7+$0x0] =	vst.idx.add.f32.msk $0xffff, v1  }
0x16a: {  	v2 =	vld [tilespmem:$0x15010];
	_ =	sdelay $0x7  }
0x16b: {  	[tilespmem:v2+s7+$0x0] =	vst.idx.add.f32.msk $0xffff, v1  }
0x16c: {  	v2 =	vld [tilespmem:$0x15020];
	_ =	sdelay $0x7  }
0x16d: {  	[tilespmem:v2+s7+$0x0] =	vst.idx.add.f32.msk $0xffff, v1  }
0x16e: {  	v2 =	vld [tilespmem:$0x15030];
	_ =	sdelay $0x7  }
0x16f: {  	[tilespmem:v2+s7+$0x0] =	vst.idx.add.f32.msk $0xffff, v1  }
0x170: {  	[tilespmem:s9], [sflag:$0x3] =	stream.indirect.gather [hbm4b:s0+s31], $0x80, s8, s31, $0x2000b8;
	[tilespmem:$0x1EB80] =	vst v63  }
.LBB2_10:
0x171: {  	_ =	swait.ge [sflag:s10], $0x2000  }
0x172: {  	s21 =	sshra.s32 s20, $0x2;
	[sflag:s10] =	ssyncset.done $0x0  }
0x173: {  	s22 =	sadd.s32 $0x15080, s21;
	[sflag:s10] =	ssyncadd.s32 $0xFFFFE000  }
0x174: {  	[spmem:s3] =	stream.indirect.scatter.add.f32 [tilespmem:s2], [sflag:$0x5], $0x80, s22, s31, $0x2000b8;
	[tilespmem:$0x1EB80] =	vst v63  }
0x175: {  	v2 =	vld [tilespmem:s21+$0x15080];
	_ =	sdelay $0x7  }
0x176: {  	[tilespmem:v2+s7+$0x0] =	vst.idx.add.f32.msk $0xffff, v1  }
0x177: {  	v2 =	vld [tilespmem:s21+$0x15090];
	_ =	sdelay $0x7  }
0x178: {  	[tilespmem:v2+s7+$0x0] =	vst.idx.add.f32.msk $0xffff, v1  }
0x179: {  	v2 =	vld [tilespmem:s21+$0x150A0];
	_ =	sdelay $0x7  }
0x17a: {  	[tilespmem:v2+s7+$0x0] =	vst.idx.add.f32.msk $0xffff, v1  }
0x17b: {  	v2 =	vld [tilespmem:s21+$0x150B0];
	_ =	sdelay $0x7  }
0x17c: {  	[tilespmem:v2+s7+$0x0] =	vst.idx.add.f32.msk $0xffff, v1  }
0x17d: {  	_ =	swait.ge [sflag:s11], $0x2000  }
0x17e: {  	[sflag:s11] =	ssyncset.done $0x0  }
0x17f: {  	s23 =	sadd.s32 $0x13D80, s21;
	[sflag:s11] =	ssyncadd.s32 $0xFFFFE000  }
0x180: {  	[tilespmem:s26], [sflag:$0x1] =	stream.indirect.gather [hbm4b:s0+s31], $0x80, s23, s31, $0x2000b8;
	[tilespmem:$0x1EB80] =	vst v63  }
0x181: {  	_ =	swait.ge [sflag:s12], $0x2000  }
0x182: {  	[sflag:s12] =	ssyncset.done $0x0  }
0x183: {  	s23 =	sadd.s32 $0x15100, s21;
	[sflag:s12] =	ssyncadd.s32 $0xFFFFE000  }
0x184: {  	[spmem:s3] =	stream.indirect.scatter.add.f32 [tilespmem:s9], [sflag:$0x6], $0x80, s23, s31, $0x2000b8;
	[tilespmem:$0x1EB80] =	vst v63  }
0x185: {  	v2 =	vld [tilespmem:s21+$0x15100];
	_ =	sdelay $0x7  }
0x186: {  	[tilespmem:v2+s7+$0x0] =	vst.idx.add.f32.msk $0xffff, v1  }
0x187: {  	v2 =	vld [tilespmem:s21+$0x15110];
	_ =	sdelay $0x7  }
0x188: {  	[tilespmem:v2+s7+$0x0] =	vst.idx.add.f32.msk $0xffff, v1  }
0x189: {  	v2 =	vld [tilespmem:s21+$0x15120];
	_ =	sdelay $0x7  }
0x18a: {  	[tilespmem:v2+s7+$0x0] =	vst.idx.add.f32.msk $0xffff, v1  }
0x18b: {  	v2 =	vld [tilespmem:s21+$0x15130];
	_ =	sdelay $0x7  }
0x18c: {  	[tilespmem:v2+s7+$0x0] =	vst.idx.add.f32.msk $0xffff, v1  }
0x18d: {  	_ =	swait.ge [sflag:s13], $0x2000  }
0x18e: {  	[sflag:s13] =	ssyncset.done $0x0  }
0x18f: {  	s23 =	sadd.s32 $0x13E00, s21;
	[sflag:s13] =	ssyncadd.s32 $0xFFFFE000  }
0x190: {  	[tilespmem:s2], [sflag:$0x2] =	stream.indirect.gather [hbm4b:s0+s31], $0x80, s23, s31, $0x2000b8;
	[tilespmem:$0x1EB80] =	vst v63  }
0x191: {  	_ =	swait.ge [sflag:s6], $0x2000  }
0x192: {  	[sflag:s6] =	ssyncset.done $0x0  }
0x193: {  	s23 =	sadd.s32 $0x15180, s21;
	[sflag:s6] =	ssyncadd.s32 $0xFFFFE000  }
0x194: {  	[spmem:s3] =	stream.indirect.scatter.add.f32 [tilespmem:s26], [sflag:$0x4], $0x80, s23, s31, $0x2000b8;
	[tilespmem:$0x1EB80] =	vst v63  }
0x195: {  	v2 =	vld [tilespmem:s21+$0x15180];
	_ =	sdelay $0x7  }
0x196: {  	[tilespmem:v2+s7+$0x0] =	vst.idx.add.f32.msk $0xffff, v1  }
0x197: {  	v2 =	vld [tilespmem:s21+$0x15190];
	_ =	sdelay $0x7  }
0x198: {  	[tilespmem:v2+s7+$0x0] =	vst.idx.add.f32.msk $0xffff, v1  }
0x199: {  	v2 =	vld [tilespmem:s21+$0x151A0];
	_ =	sdelay $0x7  }
0x19a: {  	[tilespmem:v2+s7+$0x0] =	vst.idx.add.f32.msk $0xffff, v1  }
0x19b: {  	v2 =	vld [tilespmem:s21+$0x151B0];
	_ =	sdelay $0x6  }
0x19c: {  	p0 =	sne.s32 s20, $0x4200  }
.Ltmp4:
0x19d: {  	[tilespmem:v2+s7+$0x0] =	vst.idx.add.f32.msk $0xffff, v1;
	(pc) =	sbr.rel @p0 .LBB2_10-.Ltmp4, $4  }
0x19e: {  	_ =	swait.ge [sflag:s14], $0x2000  }
0x19f: {  	[sflag:s14] =	ssyncset.done $0x0  }
0x1a0: {  	s20 =	sadd.s32 $0x600, s20;
	s21 =	sadd.s32 $0x13E80, s21;
	[sflag:s14] =	ssyncadd.s32 $0xFFFFE000  }
0x1a1: {  	[tilespmem:s9], [sflag:$0x3] =	stream.indirect.gather [hbm4b:s0+s31], $0x80, s21, s31, $0x2000b8;
	[tilespmem:$0x1EB80] =	vst v63  }
0x1a2: {  	_ =	swait.ge [sflag:s10], $0x2000  }
0x1a3: {  	[sflag:s10] =	ssyncset.done $0x0  }
0x1a4: {  	[sflag:s10] =	ssyncadd.s32 $0xFFFFE000  }
0x1a5: {  	[spmem:s3] =	stream.indirect.scatter.add.f32 [tilespmem:s2], [sflag:$0x5], $0x80, s15, s31, $0x2000b8;
	[tilespmem:$0x1EB80] =	vst v63  }
0x1a6: {  	v2 =	vld [tilespmem:$0x16280];
	_ =	sdelay $0x7  }
0x1a7: {  	[tilespmem:v2+s7+$0x0] =	vst.idx.add.f32.msk $0xffff, v1  }
0x1a8: {  	v2 =	vld [tilespmem:$0x16290];
	_ =	sdelay $0x7  }
0x1a9: {  	[tilespmem:v2+s7+$0x0] =	vst.idx.add.f32.msk $0xffff, v1  }
0x1aa: {  	v2 =	vld [tilespmem:$0x162A0];
	_ =	sdelay $0x7  }
0x1ab: {  	[tilespmem:v2+s7+$0x0] =	vst.idx.add.f32.msk $0xffff, v1  }
0x1ac: {  	v2 =	vld [tilespmem:$0x162B0];
	_ =	sdelay $0x7  }
0x1ad: {  	[tilespmem:v2+s7+$0x0] =	vst.idx.add.f32.msk $0xffff, v1  }
0x1ae: {  	_ =	swait.ge [sflag:s11], $0x2000  }
0x1af: {  	[sflag:s11] =	ssyncset.done $0x0  }
0x1b0: {  	[sflag:s11] =	ssyncadd.s32 $0xFFFFE000  }
0x1b1: {  	[tilespmem:s26], [sflag:$0x1] =	stream.indirect.gather [hbm4b:s0+s31], $0x80, s16, s31, $0x2000b8;
	[tilespmem:$0x1EB80] =	vst v63  }
0x1b2: {  	_ =	swait.ge [sflag:s12], $0x2000  }
0x1b3: {  	[sflag:s12] =	ssyncset.done $0x0  }
0x1b4: {  	[sflag:s12] =	ssyncadd.s32 $0xFFFFE000  }
0x1b5: {  	[spmem:s3] =	stream.indirect.scatter.add.f32 [tilespmem:s9], [sflag:$0x6], $0x80, s17, s31, $0x2000b8;
	[tilespmem:$0x1EB80] =	vst v63  }
0x1b6: {  	v2 =	vld [tilespmem:$0x16300];
	_ =	sdelay $0x7  }
0x1b7: {  	[tilespmem:v2+s7+$0x0] =	vst.idx.add.f32.msk $0xffff, v1  }
0x1b8: {  	v2 =	vld [tilespmem:$0x16310];
	_ =	sdelay $0x7  }
0x1b9: {  	[tilespmem:v2+s7+$0x0] =	vst.idx.add.f32.msk $0xffff, v1  }
0x1ba: {  	v2 =	vld [tilespmem:$0x16320];
	_ =	sdelay $0x7  }
0x1bb: {  	[tilespmem:v2+s7+$0x0] =	vst.idx.add.f32.msk $0xffff, v1  }
0x1bc: {  	v2 =	vld [tilespmem:$0x16330];
	_ =	sdelay $0x7  }
0x1bd: {  	[tilespmem:v2+s7+$0x0] =	vst.idx.add.f32.msk $0xffff, v1  }
0x1be: {  	_ =	swait.ge [sflag:s13], $0x2000  }
0x1bf: {  	[sflag:s13] =	ssyncset.done $0x0  }
0x1c0: {  	[sflag:s13] =	ssyncadd.s32 $0xFFFFE000  }
0x1c1: {  	_ =	swait.ge [sflag:s6], $0x2000  }
0x1c2: {  	[sflag:s6] =	ssyncset.done $0x0  }
0x1c3: {  	[sflag:s6] =	ssyncadd.s32 $0xFFFFE000  }
0x1c4: {  	[spmem:s3] =	stream.indirect.scatter.add.f32 [tilespmem:s26], [sflag:$0x4], $0x80, s18, s31, $0x2000b8;
	[tilespmem:$0x1EB80] =	vst v63  }
0x1c5: {  	v2 =	vld [tilespmem:$0x16380];
	_ =	sdelay $0x7  }
0x1c6: {  	[tilespmem:v2+s7+$0x0] =	vst.idx.add.f32.msk $0xffff, v1  }
0x1c7: {  	v2 =	vld [tilespmem:$0x16390];
	_ =	sdelay $0x7  }
0x1c8: {  	[tilespmem:v2+s7+$0x0] =	vst.idx.add.f32.msk $0xffff, v1  }
0x1c9: {  	v2 =	vld [tilespmem:$0x163A0];
	_ =	sdelay $0x7  }
0x1ca: {  	[tilespmem:v2+s7+$0x0] =	vst.idx.add.f32.msk $0xffff, v1  }
0x1cb: {  	v2 =	vld [tilespmem:$0x163B0];
	_ =	sdelay $0x7  }
0x1cc: {  	[tilespmem:v2+s7+$0x0] =	vst.idx.add.f32.msk $0xffff, v1  }
0x1cd: {  	_ =	swait.ge [sflag:s14], $0x2000  }
0x1ce: {  	[sflag:s14] =	ssyncset.done $0x0  }
0x1cf: {  	[sflag:s14] =	ssyncadd.s32 $0xFFFFE000  }
0x1d0: {  	_ =	swait.ge [sflag:s11], $0x2000  }
0x1d1: {  	[sflag:s11] =	ssyncset.done $0x0  }
0x1d2: {  	[sflag:s11] =	ssyncadd.s32 $0xFFFFE000  }
0x1d3: {  	_ =	strace $0x9000004C  }
0x1d4: {  	_ =	strace $0x8000004D  }
0x1d5: {  	s20 =	simm.s32 $0x0;
	s21 =	rddreg [dreg:$0x12]  }
0x1d6: {  	[tilespmem:s29], [sflag:$0x7] =	stream.linear.gather [hbm4b:s21+s20], $0x1400, $0x200038;
	[tilespmem:$0x1EB80] =	vst v63  }
0x1d7: {  	_ =	swait.ge [sflag:s28], $0x1400  }
0x1d8: {  	[sflag:s28] =	ssyncset.done $0x0  }
0x1d9: {  	s23 =	rddreg [dreg:$0x13];
	[sflag:s28] =	ssyncadd.s32 $0xFFFFEC00  }
0x1da: {  	[tilespmem:s30], [sflag:$0x7] =	stream.linear.gather [hbm4b:s23+s20], $0x1400, $0x200038;
	[tilespmem:$0x1EB80] =	vst v63  }
0x1db: {  	_ =	swait.ge [sflag:s28], $0x1400  }
0x1dc: {  	[sflag:s28] =	ssyncset.done $0x0  }
0x1dd: {  	[sflag:s28] =	ssyncadd.s32 $0xFFFFEC00  }
0x1de: {  	[tilespmem:s26], [sflag:$0x1] =	stream.indirect.gather [hbm4b:s0+s31], $0x80, s29, s31, $0x2000b8;
	[tilespmem:$0x1EB80] =	vst v63  }
0x1df: {  	_ = 	snop  }
0x1e0: {  	[tilespmem:s2], [sflag:$0x2] =	stream.indirect.gather [hbm4b:s0+s31], $0x80, s1, s31, $0x2000b8;
	[tilespmem:$0x1EB80] =	vst v63  }
0x1e1: {  	_ =	swait.ge [sflag:s6], $0x2000  }
0x1e2: {  	[sflag:s6] =	ssyncset.done $0x0  }
0x1e3: {  	[sflag:s6] =	ssyncadd.s32 $0xFFFFE000  }
0x1e4: {  	[spmem:s3] =	stream.indirect.scatter.add.f32 [tilespmem:s26], [sflag:$0x4], $0x80, s30, s31, $0x2000b8;
	[tilespmem:$0x1EB80] =	vst v63  }
0x1e5: {  	v2 =	vld [tilespmem:$0x15000];
	_ =	sdelay $0x7  }
0x1e6: {  	[tilespmem:v2+s7+$0x0] =	vst.idx.add.f32.msk $0xffff, v1  }
0x1e7: {  	v2 =	vld [tilespmem:$0x15010];
	_ =	sdelay $0x7  }
0x1e8: {  	[tilespmem:v2+s7+$0x0] =	vst.idx.add.f32.msk $0xffff, v1  }
0x1e9: {  	v2 =	vld [tilespmem:$0x15020];
	_ =	sdelay $0x7  }
0x1ea: {  	[tilespmem:v2+s7+$0x0] =	vst.idx.add.f32.msk $0xffff, v1  }
0x1eb: {  	v2 =	vld [tilespmem:$0x15030];
	_ =	sdelay $0x7  }
0x1ec: {  	[tilespmem:v2+s7+$0x0] =	vst.idx.add.f32.msk $0xffff, v1  }
0x1ed: {  	[tilespmem:s9], [sflag:$0x3] =	stream.indirect.gather [hbm4b:s0+s31], $0x80, s8, s31, $0x2000b8;
	[tilespmem:$0x1EB80] =	vst v63  }
.LBB2_12:
0x1ee: {  	_ =	swait.ge [sflag:s10], $0x2000  }
0x1ef: {  	s21 =	sshra.s32 s20, $0x2;
	[sflag:s10] =	ssyncset.done $0x0  }
0x1f0: {  	s22 =	sadd.s32 $0x15080, s21;
	[sflag:s10] =	ssyncadd.s32 $0xFFFFE000  }
0x1f1: {  	[spmem:s3] =	stream.indirect.scatter.add.f32 [tilespmem:s2], [sflag:$0x5], $0x80, s22, s31, $0x2000b8;
	[tilespmem:$0x1EB80] =	vst v63  }
0x1f2: {  	v2 =	vld [tilespmem:s21+$0x15080];
	_ =	sdelay $0x7  }
0x1f3: {  	[tilespmem:v2+s7+$0x0] =	vst.idx.add.f32.msk $0xffff, v1  }
0x1f4: {  	v2 =	vld [tilespmem:s21+$0x15090];
	_ =	sdelay $0x7  }
0x1f5: {  	[tilespmem:v2+s7+$0x0] =	vst.idx.add.f32.msk $0xffff, v1  }
0x1f6: {  	v2 =	vld [tilespmem:s21+$0x150A0];
	_ =	sdelay $0x7  }
0x1f7: {  	[tilespmem:v2+s7+$0x0] =	vst.idx.add.f32.msk $0xffff, v1  }
0x1f8: {  	v2 =	vld [tilespmem:s21+$0x150B0];
	_ =	sdelay $0x7  }
0x1f9: {  	[tilespmem:v2+s7+$0x0] =	vst.idx.add.f32.msk $0xffff, v1  }
0x1fa: {  	_ =	swait.ge [sflag:s11], $0x2000  }
0x1fb: {  	[sflag:s11] =	ssyncset.done $0x0  }
0x1fc: {  	s23 =	sadd.s32 $0x13D80, s21;
	[sflag:s11] =	ssyncadd.s32 $0xFFFFE000  }
0x1fd: {  	[tilespmem:s26], [sflag:$0x1] =	stream.indirect.gather [hbm4b:s0+s31], $0x80, s23, s31, $0x2000b8;
	[tilespmem:$0x1EB80] =	vst v63  }
0x1fe: {  	_ =	swait.ge [sflag:s12], $0x2000  }
0x1ff: {  	[sflag:s12] =	ssyncset.done $0x0  }
0x200: {  	s23 =	sadd.s32 $0x15100, s21;
	[sflag:s12] =	ssyncadd.s32 $0xFFFFE000  }
0x201: {  	[spmem:s3] =	stream.indirect.scatter.add.f32 [tilespmem:s9], [sflag:$0x6], $0x80, s23, s31, $0x2000b8;
	[tilespmem:$0x1EB80] =	vst v63  }
0x202: {  	v2 =	vld [tilespmem:s21+$0x15100];
	_ =	sdelay $0x7  }
0x203: {  	[tilespmem:v2+s7+$0x0] =	vst.idx.add.f32.msk $0xffff, v1  }
0x204: {  	v2 =	vld [tilespmem:s21+$0x15110];
	_ =	sdelay $0x7  }
0x205: {  	[tilespmem:v2+s7+$0x0] =	vst.idx.add.f32.msk $0xffff, v1  }
0x206: {  	v2 =	vld [tilespmem:s21+$0x15120];
	_ =	sdelay $0x7  }
0x207: {  	[tilespmem:v2+s7+$0x0] =	vst.idx.add.f32.msk $0xffff, v1  }
0x208: {  	v2 =	vld [tilespmem:s21+$0x15130];
	_ =	sdelay $0x7  }
0x209: {  	[tilespmem:v2+s7+$0x0] =	vst.idx.add.f32.msk $0xffff, v1  }
0x20a: {  	_ =	swait.ge [sflag:s13], $0x2000  }
0x20b: {  	[sflag:s13] =	ssyncset.done $0x0  }
0x20c: {  	s23 =	sadd.s32 $0x13E00, s21;
	[sflag:s13] =	ssyncadd.s32 $0xFFFFE000  }
0x20d: {  	[tilespmem:s2], [sflag:$0x2] =	stream.indirect.gather [hbm4b:s0+s31], $0x80, s23, s31, $0x2000b8;
	[tilespmem:$0x1EB80] =	vst v63  }
0x20e: {  	_ =	swait.ge [sflag:s6], $0x2000  }
0x20f: {  	[sflag:s6] =	ssyncset.done $0x0  }
0x210: {  	s23 =	sadd.s32 $0x15180, s21;
	[sflag:s6] =	ssyncadd.s32 $0xFFFFE000  }
0x211: {  	[spmem:s3] =	stream.indirect.scatter.add.f32 [tilespmem:s26], [sflag:$0x4], $0x80, s23, s31, $0x2000b8;
	[tilespmem:$0x1EB80] =	vst v63  }
0x212: {  	v2 =	vld [tilespmem:s21+$0x15180];
	_ =	sdelay $0x7  }
0x213: {  	[tilespmem:v2+s7+$0x0] =	vst.idx.add.f32.msk $0xffff, v1  }
0x214: {  	v2 =	vld [tilespmem:s21+$0x15190];
	_ =	sdelay $0x7  }
0x215: {  	[tilespmem:v2+s7+$0x0] =	vst.idx.add.f32.msk $0xffff, v1  }
0x216: {  	v2 =	vld [tilespmem:s21+$0x151A0];
	_ =	sdelay $0x7  }
0x217: {  	[tilespmem:v2+s7+$0x0] =	vst.idx.add.f32.msk $0xffff, v1  }
0x218: {  	v2 =	vld [tilespmem:s21+$0x151B0];
	_ =	sdelay $0x6  }
0x219: {  	p0 =	sne.s32 s20, $0x4200  }
.Ltmp5:
0x21a: {  	[tilespmem:v2+s7+$0x0] =	vst.idx.add.f32.msk $0xffff, v1;
	(pc) =	sbr.rel @p0 .LBB2_12-.Ltmp5, $4  }
0x21b: {  	_ =	swait.ge [sflag:s14], $0x2000  }
0x21c: {  	[sflag:s14] =	ssyncset.done $0x0  }
0x21d: {  	s20 =	sadd.s32 $0x600, s20;
	s21 =	sadd.s32 $0x13E80, s21;
	[sflag:s14] =	ssyncadd.s32 $0xFFFFE000  }
0x21e: {  	[tilespmem:s9], [sflag:$0x3] =	stream.indirect.gather [hbm4b:s0+s31], $0x80, s21, s31, $0x2000b8;
	[tilespmem:$0x1EB80] =	vst v63  }
0x21f: {  	_ =	swait.ge [sflag:s10], $0x2000  }
0x220: {  	[sflag:s10] =	ssyncset.done $0x0  }
0x221: {  	[sflag:s10] =	ssyncadd.s32 $0xFFFFE000  }
0x222: {  	[spmem:s3] =	stream.indirect.scatter.add.f32 [tilespmem:s2], [sflag:$0x5], $0x80, s15, s31, $0x2000b8;
	[tilespmem:$0x1EB80] =	vst v63  }
0x223: {  	v2 =	vld [tilespmem:$0x16280];
	_ =	sdelay $0x7  }
0x224: {  	[tilespmem:v2+s7+$0x0] =	vst.idx.add.f32.msk $0xffff, v1  }
0x225: {  	v2 =	vld [tilespmem:$0x16290];
	_ =	sdelay $0x7  }
0x226: {  	[tilespmem:v2+s7+$0x0] =	vst.idx.add.f32.msk $0xffff, v1  }
0x227: {  	v2 =	vld [tilespmem:$0x162A0];
	_ =	sdelay $0x7  }
0x228: {  	[tilespmem:v2+s7+$0x0] =	vst.idx.add.f32.msk $0xffff, v1  }
0x229: {  	v2 =	vld [tilespmem:$0x162B0];
	_ =	sdelay $0x7  }
0x22a: {  	[tilespmem:v2+s7+$0x0] =	vst.idx.add.f32.msk $0xffff, v1  }
0x22b: {  	_ =	swait.ge [sflag:s11], $0x2000  }
0x22c: {  	[sflag:s11] =	ssyncset.done $0x0  }
0x22d: {  	[sflag:s11] =	ssyncadd.s32 $0xFFFFE000  }
0x22e: {  	[tilespmem:s26], [sflag:$0x1] =	stream.indirect.gather [hbm4b:s0+s31], $0x80, s16, s31, $0x2000b8;
	[tilespmem:$0x1EB80] =	vst v63  }
0x22f: {  	_ =	swait.ge [sflag:s12], $0x2000  }
0x230: {  	[sflag:s12] =	ssyncset.done $0x0  }
0x231: {  	[sflag:s12] =	ssyncadd.s32 $0xFFFFE000  }
0x232: {  	[spmem:s3] =	stream.indirect.scatter.add.f32 [tilespmem:s9], [sflag:$0x6], $0x80, s17, s31, $0x2000b8;
	[tilespmem:$0x1EB80] =	vst v63  }
0x233: {  	v2 =	vld [tilespmem:$0x16300];
	_ =	sdelay $0x7  }
0x234: {  	[tilespmem:v2+s7+$0x0] =	vst.idx.add.f32.msk $0xffff, v1  }
0x235: {  	v2 =	vld [tilespmem:$0x16310];
	_ =	sdelay $0x7  }
0x236: {  	[tilespmem:v2+s7+$0x0] =	vst.idx.add.f32.msk $0xffff, v1  }
0x237: {  	v2 =	vld [tilespmem:$0x16320];
	_ =	sdelay $0x7  }
0x238: {  	[tilespmem:v2+s7+$0x0] =	vst.idx.add.f32.msk $0xffff, v1  }
0x239: {  	v2 =	vld [tilespmem:$0x16330];
	_ =	sdelay $0x7  }
0x23a: {  	[tilespmem:v2+s7+$0x0] =	vst.idx.add.f32.msk $0xffff, v1  }
0x23b: {  	_ =	swait.ge [sflag:s13], $0x2000  }
0x23c: {  	[sflag:s13] =	ssyncset.done $0x0  }
0x23d: {  	[sflag:s13] =	ssyncadd.s32 $0xFFFFE000  }
0x23e: {  	_ =	swait.ge [sflag:s6], $0x2000  }
0x23f: {  	[sflag:s6] =	ssyncset.done $0x0  }
0x240: {  	[sflag:s6] =	ssyncadd.s32 $0xFFFFE000  }
0x241: {  	[spmem:s3] =	stream.indirect.scatter.add.f32 [tilespmem:s26], [sflag:$0x4], $0x80, s18, s31, $0x2000b8;
	[tilespmem:$0x1EB80] =	vst v63  }
0x242: {  	v2 =	vld [tilespmem:$0x16380];
	_ =	sdelay $0x7  }
0x243: {  	[tilespmem:v2+s7+$0x0] =	vst.idx.add.f32.msk $0xffff, v1  }
0x244: {  	v2 =	vld [tilespmem:$0x16390];
	_ =	sdelay $0x7  }
0x245: {  	[tilespmem:v2+s7+$0x0] =	vst.idx.add.f32.msk $0xffff, v1  }
0x246: {  	v2 =	vld [tilespmem:$0x163A0];
	_ =	sdelay $0x7  }
0x247: {  	[tilespmem:v2+s7+$0x0] =	vst.idx.add.f32.msk $0xffff, v1  }
0x248: {  	v2 =	vld [tilespmem:$0x163B0];
	_ =	sdelay $0x7  }
0x249: {  	[tilespmem:v2+s7+$0x0] =	vst.idx.add.f32.msk $0xffff, v1  }
0x24a: {  	_ =	swait.ge [sflag:s14], $0x2000  }
0x24b: {  	[sflag:s14] =	ssyncset.done $0x0  }
0x24c: {  	[sflag:s14] =	ssyncadd.s32 $0xFFFFE000  }
0x24d: {  	_ =	swait.ge [sflag:s11], $0x2000  }
0x24e: {  	[sflag:s11] =	ssyncset.done $0x0  }
0x24f: {  	[sflag:s11] =	ssyncadd.s32 $0xFFFFE000  }
0x250: {  	_ =	strace $0x9000004D  }
0x251: {  	_ =	strace $0x8000004E  }
0x252: {  	s20 =	rddreg [dreg:$0x15]  }
0x253: {  	[hbm4b:s20+s4] =	stream.linear.scatter [tilespmem:s7], [sflag:$0x7], $0x2780, $0x200038;
	[tilespmem:$0x1EB80] =	vst v63  }
0x254: {  	_ =	swait.ge [sflag:s28], $0x2780  }
0x255: {  	s23 =	stileid.u32;
	s21 =	sshrl.u32 s5, $0x3;
	[sflag:s28] =	ssyncset.done $0x0  }
0x256: {  	s19 =	sadd.s32 $0x1, s19;
	s20 =	sshll.u32 s23, $0x6;
	[sflag:s28] =	ssyncadd.s32 $0xFFFFD880  }
0x257: {  	p0 =	sne.s32 s19, s25;
	s20 =	sor.u32 $0x1C07, s20;
	[bflag:$0x0] =	sbarrier.arrive $0xFFFF  }
0x258: {  	[hbm:s24], [sflag:s20] =	dma.local [spmem:s21], $0x2780  }
.Ltmp6:
0x259: {  	_ = 	snop;
	(pc) =	sbr.rel @p0 .LBB2_1-.Ltmp6, $4  }
0x25a: {  	_ =	swait.ge [sflag:s28], $0x2780  }
0x25b: {  	[sflag:s28] =	ssyncset.done $0x0  }
0x25c: {  	[sflag:s28] =	ssyncadd.s32 $0xFFFFD880  }
0x25d: {  	_ =	strace $0x9000004E  }
0x25e: {  	_ =	sfence.sel $0x180000  }
0x25f: {  	[bflag:$0x0] =	sbarrier.arrive $0xFFFF  }
0x260: {  	_ =	strace $0x90000047  }
0x261: {  	s0 =	stileid.u32;
	[bflag:$0x2] =	sbarrier.arrive $0xFFFF  }
0x262: {  	p0 =	sne.s32 s0, $0x0;
	s0 =	rddreg [dreg:$0x4]  }
0x263: {  	s0 =	sadd.s32 @!p0 $0x100000, s0  }
0x264: {  	[sflag:s0] =	ssyncadd.tile.s32 @!p0 $0x1;
	_ =	shalt  }
.Lfunc_end2:
_tile_overlayer_lowered:
.L_overlay_start_2:
0x265: {  	(tag) =	ssettag $0x2  }
0x266: {  	s0 =	rddreg [dreg:$0x0];
	s2 =	stileid.u32  }
0x267: {  	s1 =	rddreg [dreg:$0x1];
	p0 =	sne.s32 s2, $0x0  }
0x268: {  	s3 =	rddreg [dreg:$0x2];
	[bflag:$0x3] =	sbarrier.arrive $0xFFFF;
	s2 =	simm.s32 @!p0 $0x1C07  }
0x269: {  	[timem:s3], [sflag:s2] =	dma.local @!p0 [hbm:s0], s1  }
0x26a: {  	s0 =	simm.s32 @!p0 $0x7  }
0x26b: {  	_ =	swait.ge @!p0 [sflag:s0], s1  }
0x26c: {  	s1 =	ssub.s32 @!p0 $0x0, s1;
	[sflag:s0] =	ssyncset.done @!p0 $0x0  }
0x26d: {  	[sflag:s0] =	ssyncadd.s32 @!p0 s1  }
0x26e: {  	[bflag:$0x3] =	sbarrier.arrive $0xFFFF  }
0x26f: {  	_ =	shalt  }

</sc_bundles>
